<compile_context>
chip_gen: v7x
topology: tpu7x:2x2x1
jax: 0.10.2.dev20260603
libtpu: 0.0.44.dev20260713+nightly
codegen_flags: <defaults>
</compile_context>

<pallas_src>
import functools

import jax
import jax.numpy as jnp
from jax import lax
from jax.experimental import pallas as pl
from jax.experimental.pallas import tpu as pltpu
from jax.experimental.pallas import tpu_sc as plsc

T = 2048
D = 1024
E = 8
F = 2048
K = 2
BT = 128
NT = 40
NROWS = NT * BT
NF = 2
FB = F // NF


def _routing_kernel(logits_ref, scale_ref, p0_ref, p1_ref, w0_ref, w1_ref,
                    te_ref):
    logits = logits_ref[...]
    scale = scale_ref[...]
    iota_e = lax.broadcasted_iota(jnp.int32, (T, E), 1)

    m1 = jnp.max(logits, axis=1, keepdims=True)
    id1 = jnp.min(jnp.where(logits == m1, iota_e, E), axis=1, keepdims=True)
    sel1 = iota_e == id1
    masked = jnp.where(sel1, -jnp.inf, logits)
    m2 = jnp.max(masked, axis=1, keepdims=True)
    id2 = jnp.min(jnp.where(masked == m2, iota_e, E), axis=1, keepdims=True)
    sel2 = iota_e == id2

    ex = jnp.exp(logits - m1)
    probs = ex / jnp.sum(ex, axis=1, keepdims=True)
    gate = jnp.where(sel1 | sel2, probs, 0.0)
    renorm = jnp.sum(gate, axis=1, keepdims=True)
    renorm = jnp.where(renorm > 0.0, renorm, 1.0)
    ps = probs * scale
    w0 = jnp.sum(jnp.where(sel1, ps, 0.0), axis=1, keepdims=True) / renorm
    w1 = jnp.sum(jnp.where(sel2, ps, 0.0), axis=1, keepdims=True) / renorm

    oh1 = sel1.astype(jnp.float32)
    oh2 = sel2.astype(jnp.float32)

    def _cumsum0(a):
        s = 1
        while s < T:
            shifted = jnp.concatenate(
                [jnp.zeros((s, E), jnp.float32), a[: T - s, :]], axis=0)
            a = a + shifted
            s *= 2
        return a

    cs1 = _cumsum0(oh1)
    cs2 = _cumsum0(oh2)
    tot1 = cs1[T - 1:T, :]
    n_e = tot1 + cs2[T - 1:T, :]

    r0 = jnp.sum(jnp.where(sel1, cs1, 0.0), axis=1, keepdims=True) - 1.0
    r1 = (jnp.sum(jnp.where(sel2, cs2 + tot1, 0.0), axis=1, keepdims=True)
          - 1.0)

    nt_e = jnp.ceil(n_e / BT)
    strict_lt = (lax.broadcasted_iota(jnp.int32, (E, E), 0)
                 < lax.broadcasted_iota(jnp.int32, (E, E), 1))
    excl = jnp.dot(nt_e, strict_lt.astype(jnp.float32),
                   preferred_element_type=jnp.float32)
    p_start = excl * BT

    pos0 = jnp.sum(jnp.where(sel1, p_start, 0.0), axis=1, keepdims=True) + r0
    pos1 = jnp.sum(jnp.where(sel2, p_start, 0.0), axis=1, keepdims=True) + r1
    p0_ref[...] = pos0.astype(jnp.int32)
    p1_ref[...] = pos1.astype(jnp.int32)
    w0_ref[...] = w0
    w1_ref[...] = w1

    tile_iota = lax.broadcasted_iota(jnp.int32, (NT, E), 0)
    cnt = jnp.sum((tile_iota >= excl.astype(jnp.int32)).astype(jnp.int32),
                  axis=1, keepdims=True) - 1
    te_ref[...] = jnp.clip(cnt, 0, E - 1)


def _routing(router_logits, per_expert_scale, interpret=False):
    out_shapes = (
        jax.ShapeDtypeStruct((T, 1), jnp.int32),
        jax.ShapeDtypeStruct((T, 1), jnp.int32),
        jax.ShapeDtypeStruct((T, 1), jnp.float32),
        jax.ShapeDtypeStruct((T, 1), jnp.float32),
        jax.ShapeDtypeStruct((NT, 1), jnp.int32),
    )
    return pl.pallas_call(
        _routing_kernel,
        out_shape=out_shapes,
        interpret=interpret,
    )(router_logits, per_expert_scale.reshape(1, E))


def _gelu_exact(x):
    return 0.5 * x * (1.0 + lax.erf(x * 0.7071067811865476))


def _ffn_kernel(te_ref, xs_ref, wg_ref, wu_ref, wd_ref, sw_ref, y_ref):
    x = xs_ref[...]
    g = jnp.dot(x, wg_ref[0], preferred_element_type=jnp.float32)
    u = jnp.dot(x, wu_ref[0], preferred_element_type=jnp.float32)
    a = _gelu_exact(g) * u
    y = jnp.dot(a, wd_ref[0], preferred_element_type=jnp.float32)
    y_ref[...] = y * sw_ref[...]


def _ffn(xs, w_gate, w_up, w_down, sorted_w, te, interpret=False):
    y = pl.pallas_call(
        _ffn_kernel,
        grid_spec=pltpu.PrefetchScalarGridSpec(
            num_scalar_prefetch=1,
            grid=(NT,),
            in_specs=[
                pl.BlockSpec((BT, D), lambda t, te: (t, 0)),
                pl.BlockSpec((1, D, F), lambda t, te: (te[t], 0, 0)),
                pl.BlockSpec((1, D, F), lambda t, te: (te[t], 0, 0)),
                pl.BlockSpec((1, F, D), lambda t, te: (te[t], 0, 0)),
                pl.BlockSpec((BT, 1), lambda t, te: (t, 0)),
            ],
            out_specs=pl.BlockSpec((BT, D), lambda t, te: (t, 0)),
        ),
        out_shape=jax.ShapeDtypeStruct((NROWS, D), jnp.float32),
        compiler_params=pltpu.CompilerParams(
            vmem_limit_bytes=120 * 1024 * 1024),
        interpret=interpret,
    )(te, xs, w_gate, w_up, w_down, sorted_w)
    return y


NC = 2
NS = 16
NW = NC * NS
ZCH = NROWS // NS
PCH = (T * K) // NS
RCH = NROWS // NW
GCH = 40
TCH = T // NW
CCH = 32


def _sc_sort_body(pos_hbm, wv_hbm, stok_hbm, sw_hbm,
                  stok_sh, sw_sh, posb, valb, wb, zb_i, zb_f, outb_i, outb_f):
    c = lax.axis_index("c")
    s = lax.axis_index("s")
    wid = s * NC + c

    zero_i = jnp.zeros((16,), jnp.int32)
    zero_f = jnp.zeros((16,), jnp.float32)
    for j in range(ZCH // 16):
        zb_i[pl.ds(j * 16, 16)] = zero_i
        zb_f[pl.ds(j * 16, 16)] = zero_f
    pltpu.sync_copy(zb_i, stok_sh.at[pl.ds(s * ZCH, ZCH)])
    pltpu.sync_copy(zb_f, sw_sh.at[pl.ds(s * ZCH, ZCH)])
    plsc.subcore_barrier()

    iota = lax.iota(jnp.int32, 16)
    for cc in range(PCH // 128):
        gbase = s * PCH + cc * 128
        pltpu.sync_copy(pos_hbm.at[pl.ds(gbase, 128)], posb)
        pltpu.sync_copy(wv_hbm.at[pl.ds(gbase, 128)], wb)
        for j in range(8):
            g = iota + (gbase + j * 16)
            tokv = jnp.where(g >= T, g - T, g)
            valb[pl.ds(j * 16, 16)] = tokv
        pltpu.sync_copy(valb, stok_sh.at[posb], add=True)
        pltpu.sync_copy(wb, sw_sh.at[posb], add=True)
    plsc.subcore_barrier()

    rbase = wid * RCH
    pltpu.sync_copy(stok_sh.at[pl.ds(rbase, RCH)], outb_i)
    pltpu.sync_copy(outb_i, stok_hbm.at[pl.ds(rbase, RCH)])
    pltpu.sync_copy(sw_sh.at[pl.ds(rbase, RCH)], outb_f)
    pltpu.sync_copy(outb_f, sw_hbm.at[pl.ds(rbase, RCH)])


def _sc_sort(pos_all, w_all):
    mesh = plsc.VectorSubcoreMesh(core_axis_name="c", subcore_axis_name="s")
    f = pl.kernel(
        _sc_sort_body,
        out_type=(
            jax.ShapeDtypeStruct((NROWS,), jnp.int32),
            jax.ShapeDtypeStruct((NROWS,), jnp.float32),
        ),
        mesh=mesh,
        scratch_types=[
            pltpu.VMEM_SHARED((NROWS,), jnp.int32),
            pltpu.VMEM_SHARED((NROWS,), jnp.float32),
            pltpu.VMEM((128,), jnp.int32),
            pltpu.VMEM((128,), jnp.int32),
            pltpu.VMEM((128,), jnp.float32),
            pltpu.VMEM((ZCH,), jnp.int32),
            pltpu.VMEM((ZCH,), jnp.float32),
            pltpu.VMEM((RCH,), jnp.int32),
            pltpu.VMEM((RCH,), jnp.float32),
        ],
    )
    return f(pos_all, w_all)


def _sc_gather_body(x_hbm, stok_hbm, xs_hbm, idxb, rows0, rows1, sem0, sem1):
    c = lax.axis_index("c")
    s = lax.axis_index("s")
    wid = s * NC + c
    rbase = wid * RCH
    pltpu.sync_copy(stok_hbm.at[pl.ds(rbase, RCH)], idxb)
    bufs = (rows0, rows1)
    sems = (sem0, sem1)
    nch = RCH // GCH
    cps = [None] * nch
    for cc in range(2):
        cps[cc] = pltpu.async_copy(
            x_hbm.at[idxb.at[pl.ds(cc * GCH, GCH)]], bufs[cc % 2],
            sems[cc % 2])
    for cc in range(nch):
        cps[cc].wait()
        pltpu.sync_copy(bufs[cc % 2], xs_hbm.at[pl.ds(rbase + cc * GCH, GCH)])
        nxt = cc + 2
        if nxt < nch:
            cps[nxt] = pltpu.async_copy(
                x_hbm.at[idxb.at[pl.ds(nxt * GCH, GCH)]], bufs[nxt % 2],
                sems[nxt % 2])


def _sc_gather(x, stok):
    mesh = plsc.VectorSubcoreMesh(core_axis_name="c", subcore_axis_name="s")
    f = pl.kernel(
        _sc_gather_body,
        out_type=jax.ShapeDtypeStruct((NROWS, D), jnp.float32),
        mesh=mesh,
        scratch_types=[
            pltpu.VMEM((RCH,), jnp.int32),
            pltpu.VMEM((GCH, D), jnp.float32),
            pltpu.VMEM((GCH, D), jnp.float32),
            pltpu.SemaphoreType.DMA,
            pltpu.SemaphoreType.DMA,
        ],
    )
    return f(x, stok)


def _sc_dispatch(x, pos_all, w_all):
    stok, sw = _sc_sort(pos_all, w_all)
    xs = _sc_gather(x, stok)
    return xs, sw


def _sc_combine_body(y_hbm, p0_hbm, p1_hbm, out_hbm,
                     i0, i1, y0, y1, sem):
    c = lax.axis_index("c")
    s = lax.axis_index("s")
    wid = s * NC + c
    tb = wid * TCH
    for cc in range(TCH // CCH):
        pltpu.sync_copy(p0_hbm.at[pl.ds(tb + cc * CCH, CCH)], i0)
        pltpu.sync_copy(p1_hbm.at[pl.ds(tb + cc * CCH, CCH)], i1)
        pltpu.async_copy(y_hbm.at[i0], y0, sem).wait()
        pltpu.async_copy(y_hbm.at[i1], y1, sem).wait()

        def body(r, carry):
            for v in range(D // 16):
                sl = pl.ds(v * 16, 16)
                y0[r, sl] = y0[r, sl] + y1[r, sl]
            return carry

        lax.fori_loop(0, CCH, body, 0)
        pltpu.sync_copy(y0, out_hbm.at[pl.ds(tb + cc * CCH, CCH)])


def _sc_combine(y, p0, p1):
    mesh = plsc.VectorSubcoreMesh(core_axis_name="c", subcore_axis_name="s")
    f = pl.kernel(
        _sc_combine_body,
        out_type=jax.ShapeDtypeStruct((T, D), jnp.float32),
        mesh=mesh,
        scratch_types=[
            pltpu.VMEM((CCH,), jnp.int32),
            pltpu.VMEM((CCH,), jnp.int32),
            pltpu.VMEM((CCH, D), jnp.float32),
            pltpu.VMEM((CCH, D), jnp.float32),
            pltpu.SemaphoreType.DMA,
        ],
    )
    return f(y, p0, p1)


def kernel(x, router_logits, per_expert_scale, w_gate, w_up, w_down):
    p0, p1, w0, w1, te = _routing(router_logits, per_expert_scale)
    p0 = p0.reshape(T)
    p1 = p1.reshape(T)
    te = te.reshape(NT)

    pos_all = jnp.concatenate([p0, p1])
    w_all = jnp.concatenate([w0.reshape(T), w1.reshape(T)])

    xs, sorted_w = _sc_dispatch(x, pos_all, w_all)
    y = _ffn(xs, w_gate, w_up, w_down, sorted_w.reshape(NROWS, 1), te)
    out = _sc_combine(y, p0, p1)
    return out

# --- scband reference (transcript-rebuilt; emitter-appended) ---
"""Pipeline reference for scband-gemma4-mo-e-12326556139557 (READ-ONLY COPY).

The authoritative reference and input builder live on the scoring server;
editing this copy changes nothing except your own understanding.
"""

import jax, jax.numpy as jnp
import numpy as np

T = 2048
D = 1024
E = 8
F = 2048
TOPK = 2


def setup_inputs(seed: int = 0) -> dict:
    key = jax.random.key(seed)
    ks = jax.random.split(key, 6)
    x = jax.random.normal(ks[0], (T, D), dtype=jnp.float32)
    router_logits = jax.random.normal(ks[1], (T, E), dtype=jnp.float32)
    per_expert_scale = jnp.ones((E,), dtype=jnp.float32)
    w_gate = jax.random.normal(ks[2], (E, D, F), dtype=jnp.float32) * 0.02
    w_up = jax.random.normal(ks[3], (E, D, F), dtype=jnp.float32) * 0.02
    w_down = jax.random.normal(ks[4], (E, F, D), dtype=jnp.float32) * 0.02
    return {
        "x": x,
        "router_logits": router_logits,
        "per_expert_scale": per_expert_scale,
        "w_gate": w_gate,
        "w_up": w_up,
        "w_down": w_down,
    }


def reference(x, router_logits, per_expert_scale, w_gate, w_up, w_down):
    # --- custom routing function (faithful to Gemma4MoE.routing_function) ---
    _, topk_ids = jax.lax.top_k(router_logits, TOPK)            # [T, K] int32
    router_probabilities = jax.nn.softmax(router_logits, axis=-1)  # [T, E]
    indicator = jax.nn.one_hot(topk_ids, E, dtype=router_probabilities.dtype).sum(axis=-2)  # [T, E]
    gate_weights = indicator * router_probabilities
    renorm_factor = jnp.sum(gate_weights, axis=-1, keepdims=True)
    renorm_factor = jnp.where(renorm_factor > 0.0, renorm_factor, 1.0)
    dispatch_weights = gate_weights / renorm_factor
    topk_weights = jnp.take_along_axis(dispatch_weights, topk_ids, axis=1)  # [T, K]
    expert_scales = per_expert_scale[topk_ids].astype(topk_weights.dtype)   # gather
    topk_weights = (topk_weights * expert_scales).astype(jnp.float32)
    # --- fused MoE expert computation (gated GELU MLP, reduce_results=True) ---
    # dense combine weights [T, E]: zero for unselected experts -> math identical to sparse dispatch
    combine = (jax.nn.one_hot(topk_ids, E, dtype=jnp.float32) * topk_weights[..., None]).sum(axis=-2)
    g = jnp.einsum('td,edf->tef', x, w_gate)
    u = jnp.einsum('td,edf->tef', x, w_up)
    act = jax.nn.gelu(g, approximate=False) * u
    out_e = jnp.einsum('tef,efd->ted', act, w_down)
    out = jnp.einsum('te,ted->td', combine, out_e)
    return out

if __name__ == "__main__":
    import jax
    _d = setup_inputs()
    print(jax.jit(kernel)(*tuple(_d.values())))

</pallas_src>

<mosaic_0001>
#map = affine_map<(d0, d1) -> (0, 0)>
#map1 = affine_map<(d0, d1) -> (0)>
module attributes {stable_mosaic.version = 14 : i64} {
  func.func @_sc_gather_body(%arg0: i32, %arg1: i32, %arg2: memref<2048x1024xf32, #tpu.memory_space<hbm>>, %arg3: memref<5120xi32, #tpu.memory_space<hbm>>, %arg4: memref<5120x1024xf32, #tpu.memory_space<hbm>>, %arg5: memref<160xi32, #tpu.memory_space<vmem>>, %arg6: memref<40x1024xf32, #tpu.memory_space<vmem>>, %arg7: memref<40x1024xf32, #tpu.memory_space<vmem>>, %arg8: memref<!tpu.dma_semaphore, #tpu.memory_space<semaphore_mem>>, %arg9: memref<!tpu.dma_semaphore, #tpu.memory_space<semaphore_mem>>) attributes {dimension_semantics = [#tpu.dimension_semantics<core_parallel>, #tpu.dimension_semantics<subcore_parallel>], iteration_bounds = array<i64: 2, 16>, scalar_prefetch = 0 : i64, scratch_operands = 5 : i64, tpu.core_type = #tpu.core_type<sc_vector_subcore>, window_params = [{transform_indices = #map}, {transform_indices = #map1}, {transform_indices = #map}]} {
    %mul3A = arith.constant 2 : i32
    %mul3A_0 = arith.muli %arg1, %mul3A : i32
    %add3A = arith.addi %mul3A_0, %arg0 : i32
    %mul3A_1 = arith.constant 160 : i32
    %mul3A_2 = arith.muli %add3A, %mul3A_1 : i32
    "tpu.region"() ({
      %run_scoped3A = tpu.sem_alloc : memref<!tpu.dma_semaphore, #tpu.memory_space<semaphore_mem>>
      %dma_start3A_49 = tpu.memref_slice %arg3[%mul3A_2] : memref<5120xi32, #tpu.memory_space<hbm>> -> memref<160xi32, #tpu.memory_space<hbm>>
      %dma_start3A_50 = tpu.memref_slice %arg3[%mul3A_2] : memref<5120xi32, #tpu.memory_space<hbm>> -> memref<160xi32, #tpu.memory_space<hbm>>
      tpu.enqueue_dma source(%dma_start3A_50 : memref<160xi32, #tpu.memory_space<hbm>>) target(%arg5 : memref<160xi32, #tpu.memory_space<vmem>>) target_semaphore(%run_scoped3A : memref<!tpu.dma_semaphore, #tpu.memory_space<semaphore_mem>>)
      %dma_wait3A_51 = tpu.memref_slice %arg3[%mul3A_2] : memref<5120xi32, #tpu.memory_space<hbm>> -> memref<160xi32, #tpu.memory_space<hbm>>
      %dma_wait3A_52 = tpu.memref_slice %arg3[%mul3A_2] : memref<5120xi32, #tpu.memory_space<hbm>> -> memref<160xi32, #tpu.memory_space<hbm>>
      tpu.wait_dma2 semaphore(%run_scoped3A : memref<!tpu.dma_semaphore, #tpu.memory_space<semaphore_mem>>) src(%dma_wait3A_52 : memref<160xi32, #tpu.memory_space<hbm>>) dst(%arg5 : memref<160xi32, #tpu.memory_space<vmem>>)
      tpu.yield
    }) : () -> ()
    %dma_start3A = arith.constant 0 : i32
    %dma_start3A_3 = tpu.memref_slice %arg5[%dma_start3A] : memref<160xi32, #tpu.memory_space<vmem>> -> memref<40xi32, #tpu.memory_space<vmem>>
    %dma_start3A_4 = arith.constant 0 : i32
    %dma_start3A_5 = arith.constant 0 : i32
    %dma_start3A_6 = tpu.memref_slice %arg2[%dma_start3A_4, %dma_start3A_5] : memref<2048x1024xf32, #tpu.memory_space<hbm>> -> memref<2048x1024xf32, #tpu.memory_space<hbm>>
    tpu.enqueue_indirect_dma source(%dma_start3A_6 : memref<2048x1024xf32, #tpu.memory_space<hbm>>) target(%arg6 : memref<40x1024xf32, #tpu.memory_space<vmem>>) offsets(%dma_start3A_3 : memref<40xi32, #tpu.memory_space<vmem>>) semaphore(%arg8 : memref<!tpu.dma_semaphore, #tpu.memory_space<semaphore_mem>>)
    %dma_start3A_7 = arith.constant 40 : i32
    %dma_start3A_8 = tpu.memref_slice %arg5[%dma_start3A_7] : memref<160xi32, #tpu.memory_space<vmem>> -> memref<40xi32, #tpu.memory_space<vmem>>
    %dma_start3A_9 = arith.constant 0 : i32
    %dma_start3A_10 = arith.constant 0 : i32
    %dma_start3A_11 = tpu.memref_slice %arg2[%dma_start3A_9, %dma_start3A_10] : memref<2048x1024xf32, #tpu.memory_space<hbm>> -> memref<2048x1024xf32, #tpu.memory_space<hbm>>
    tpu.enqueue_indirect_dma source(%dma_start3A_11 : memref<2048x1024xf32, #tpu.memory_space<hbm>>) target(%arg7 : memref<40x1024xf32, #tpu.memory_space<vmem>>) offsets(%dma_start3A_8 : memref<40xi32, #tpu.memory_space<vmem>>) semaphore(%arg9 : memref<!tpu.dma_semaphore, #tpu.memory_space<semaphore_mem>>)
    %dma_wait3A = arith.constant 0 : i32
    %dma_wait3A_12 = tpu.memref_slice %arg5[%dma_wait3A] : memref<160xi32, #tpu.memory_space<vmem>> -> memref<40xi32, #tpu.memory_space<vmem>>
    %dma_wait3A_13 = arith.constant 0 : i32
    %dma_wait3A_14 = arith.constant 0 : i32
    %dma_wait3A_15 = tpu.memref_slice %arg2[%dma_wait3A_13, %dma_wait3A_14] : memref<2048x1024xf32, #tpu.memory_space<hbm>> -> memref<2048x1024xf32, #tpu.memory_space<hbm>>
    tpu.wait_indirect_dma semaphore(%arg8 : memref<!tpu.dma_semaphore, #tpu.memory_space<semaphore_mem>>) src(%dma_wait3A_15 : memref<2048x1024xf32, #tpu.memory_space<hbm>>) dst(%arg6 : memref<40x1024xf32, #tpu.memory_space<vmem>>)
    %add3A_16 = arith.constant 0 : i32
    %add3A_17 = arith.addi %mul3A_2, %add3A_16 : i32
    "tpu.region"() ({
      %run_scoped3A = tpu.sem_alloc : memref<!tpu.dma_semaphore, #tpu.memory_space<semaphore_mem>>
      %dma_start3A_49 = arith.constant 0 : i32
      %dma_start3A_50 = tpu.memref_slice %arg4[%add3A_17, %dma_start3A_49] : memref<5120x1024xf32, #tpu.memory_space<hbm>> -> memref<40x1024xf32, #tpu.memory_space<hbm>>
      %dma_start3A_51 = arith.constant 0 : i32
      %dma_start3A_52 = tpu.memref_slice %arg4[%add3A_17, %dma_start3A_51] : memref<5120x1024xf32, #tpu.memory_space<hbm>> -> memref<40x1024xf32, #tpu.memory_space<hbm>>
      tpu.enqueue_dma source(%arg6 : memref<40x1024xf32, #tpu.memory_space<vmem>>) target(%dma_start3A_52 : memref<40x1024xf32, #tpu.memory_space<hbm>>) target_semaphore(%run_scoped3A : memref<!tpu.dma_semaphore, #tpu.memory_space<semaphore_mem>>)
      %dma_wait3A_53 = arith.constant 0 : i32
      %dma_wait3A_54 = tpu.memref_slice %arg4[%add3A_17, %dma_wait3A_53] : memref<5120x1024xf32, #tpu.memory_space<hbm>> -> memref<40x1024xf32, #tpu.memory_space<hbm>>
      %dma_wait3A_55 = arith.constant 0 : i32
      %dma_wait3A_56 = tpu.memref_slice %arg4[%add3A_17, %dma_wait3A_55] : memref<5120x1024xf32, #tpu.memory_space<hbm>> -> memref<40x1024xf32, #tpu.memory_space<hbm>>
      tpu.wait_dma2 semaphore(%run_scoped3A : memref<!tpu.dma_semaphore, #tpu.memory_space<semaphore_mem>>) src(%arg6 : memref<40x1024xf32, #tpu.memory_space<vmem>>) dst(%dma_wait3A_56 : memref<40x1024xf32, #tpu.memory_space<hbm>>)
      tpu.yield
    }) : () -> ()
    %dma_start3A_18 = arith.constant 80 : i32
    %dma_start3A_19 = tpu.memref_slice %arg5[%dma_start3A_18] : memref<160xi32, #tpu.memory_space<vmem>> -> memref<40xi32, #tpu.memory_space<vmem>>
    %dma_start3A_20 = arith.constant 0 : i32
    %dma_start3A_21 = arith.constant 0 : i32
    %dma_start3A_22 = tpu.memref_slice %arg2[%dma_start3A_20, %dma_start3A_21] : memref<2048x1024xf32, #tpu.memory_space<hbm>> -> memref<2048x1024xf32, #tpu.memory_space<hbm>>
    tpu.enqueue_indirect_dma source(%dma_start3A_22 : memref<2048x1024xf32, #tpu.memory_space<hbm>>) target(%arg6 : memref<40x1024xf32, #tpu.memory_space<vmem>>) offsets(%dma_start3A_19 : memref<40xi32, #tpu.memory_space<vmem>>) semaphore(%arg8 : memref<!tpu.dma_semaphore, #tpu.memory_space<semaphore_mem>>)
    %dma_wait3A_23 = arith.constant 40 : i32
    %dma_wait3A_24 = tpu.memref_slice %arg5[%dma_wait3A_23] : memref<160xi32, #tpu.memory_space<vmem>> -> memref<40xi32, #tpu.memory_space<vmem>>
    %dma_wait3A_25 = arith.constant 0 : i32
    %dma_wait3A_26 = arith.constant 0 : i32
    %dma_wait3A_27 = tpu.memref_slice %arg2[%dma_wait3A_25, %dma_wait3A_26] : memref<2048x1024xf32, #tpu.memory_space<hbm>> -> memref<2048x1024xf32, #tpu.memory_space<hbm>>
    tpu.wait_indirect_dma semaphore(%arg9 : memref<!tpu.dma_semaphore, #tpu.memory_space<semaphore_mem>>) src(%dma_wait3A_27 : memref<2048x1024xf32, #tpu.memory_space<hbm>>) dst(%arg7 : memref<40x1024xf32, #tpu.memory_space<vmem>>)
    %add3A_28 = arith.constant 40 : i32
    %add3A_29 = arith.addi %mul3A_2, %add3A_28 : i32
    "tpu.region"() ({
      %run_scoped3A = tpu.sem_alloc : memref<!tpu.dma_semaphore, #tpu.memory_space<semaphore_mem>>
      %dma_start3A_49 = arith.constant 0 : i32
      %dma_start3A_50 = tpu.memref_slice %arg4[%add3A_29, %dma_start3A_49] : memref<5120x1024xf32, #tpu.memory_space<hbm>> -> memref<40x1024xf32, #tpu.memory_space<hbm>>
      %dma_start3A_51 = arith.constant 0 : i32
      %dma_start3A_52 = tpu.memref_slice %arg4[%add3A_29, %dma_start3A_51] : memref<5120x1024xf32, #tpu.memory_space<hbm>> -> memref<40x1024xf32, #tpu.memory_space<hbm>>
      tpu.enqueue_dma source(%arg7 : memref<40x1024xf32, #tpu.memory_space<vmem>>) target(%dma_start3A_52 : memref<40x1024xf32, #tpu.memory_space<hbm>>) target_semaphore(%run_scoped3A : memref<!tpu.dma_semaphore, #tpu.memory_space<semaphore_mem>>)
      %dma_wait3A_53 = arith.constant 0 : i32
      %dma_wait3A_54 = tpu.memref_slice %arg4[%add3A_29, %dma_wait3A_53] : memref<5120x1024xf32, #tpu.memory_space<hbm>> -> memref<40x1024xf32, #tpu.memory_space<hbm>>
      %dma_wait3A_55 = arith.constant 0 : i32
      %dma_wait3A_56 = tpu.memref_slice %arg4[%add3A_29, %dma_wait3A_55] : memref<5120x1024xf32, #tpu.memory_space<hbm>> -> memref<40x1024xf32, #tpu.memory_space<hbm>>
      tpu.wait_dma2 semaphore(%run_scoped3A : memref<!tpu.dma_semaphore, #tpu.memory_space<semaphore_mem>>) src(%arg7 : memref<40x1024xf32, #tpu.memory_space<vmem>>) dst(%dma_wait3A_56 : memref<40x1024xf32, #tpu.memory_space<hbm>>)
      tpu.yield
    }) : () -> ()
    %dma_start3A_30 = arith.constant 120 : i32
    %dma_start3A_31 = tpu.memref_slice %arg5[%dma_start3A_30] : memref<160xi32, #tpu.memory_space<vmem>> -> memref<40xi32, #tpu.memory_space<vmem>>
    %dma_start3A_32 = arith.constant 0 : i32
    %dma_start3A_33 = arith.constant 0 : i32
    %dma_start3A_34 = tpu.memref_slice %arg2[%dma_start3A_32, %dma_start3A_33] : memref<2048x1024xf32, #tpu.memory_space<hbm>> -> memref<2048x1024xf32, #tpu.memory_space<hbm>>
    tpu.enqueue_indirect_dma source(%dma_start3A_34 : memref<2048x1024xf32, #tpu.memory_space<hbm>>) target(%arg7 : memref<40x1024xf32, #tpu.memory_space<vmem>>) offsets(%dma_start3A_31 : memref<40xi32, #tpu.memory_space<vmem>>) semaphore(%arg9 : memref<!tpu.dma_semaphore, #tpu.memory_space<semaphore_mem>>)
    %dma_wait3A_35 = arith.constant 80 : i32
    %dma_wait3A_36 = tpu.memref_slice %arg5[%dma_wait3A_35] : memref<160xi32, #tpu.memory_space<vmem>> -> memref<40xi32, #tpu.memory_space<vmem>>
    %dma_wait3A_37 = arith.constant 0 : i32
    %dma_wait3A_38 = arith.constant 0 : i32
    %dma_wait3A_39 = tpu.memref_slice %arg2[%dma_wait3A_37, %dma_wait3A_38] : memref<2048x1024xf32, #tpu.memory_space<hbm>> -> memref<2048x1024xf32, #tpu.memory_space<hbm>>
    tpu.wait_indirect_dma semaphore(%arg8 : memref<!tpu.dma_semaphore, #tpu.memory_space<semaphore_mem>>) src(%dma_wait3A_39 : memref<2048x1024xf32, #tpu.memory_space<hbm>>) dst(%arg6 : memref<40x1024xf32, #tpu.memory_space<vmem>>)
    %add3A_40 = arith.constant 80 : i32
    %add3A_41 = arith.addi %mul3A_2, %add3A_40 : i32
    "tpu.region"() ({
      %run_scoped3A = tpu.sem_alloc : memref<!tpu.dma_semaphore, #tpu.memory_space<semaphore_mem>>
      %dma_start3A_49 = arith.constant 0 : i32
      %dma_start3A_50 = tpu.memref_slice %arg4[%add3A_41, %dma_start3A_49] : memref<5120x1024xf32, #tpu.memory_space<hbm>> -> memref<40x1024xf32, #tpu.memory_space<hbm>>
      %dma_start3A_51 = arith.constant 0 : i32
      %dma_start3A_52 = tpu.memref_slice %arg4[%add3A_41, %dma_start3A_51] : memref<5120x1024xf32, #tpu.memory_space<hbm>> -> memref<40x1024xf32, #tpu.memory_space<hbm>>
      tpu.enqueue_dma source(%arg6 : memref<40x1024xf32, #tpu.memory_space<vmem>>) target(%dma_start3A_52 : memref<40x1024xf32, #tpu.memory_space<hbm>>) target_semaphore(%run_scoped3A : memref<!tpu.dma_semaphore, #tpu.memory_space<semaphore_mem>>)
      %dma_wait3A_53 = arith.constant 0 : i32
      %dma_wait3A_54 = tpu.memref_slice %arg4[%add3A_41, %dma_wait3A_53] : memref<5120x1024xf32, #tpu.memory_space<hbm>> -> memref<40x1024xf32, #tpu.memory_space<hbm>>
      %dma_wait3A_55 = arith.constant 0 : i32
      %dma_wait3A_56 = tpu.memref_slice %arg4[%add3A_41, %dma_wait3A_55] : memref<5120x1024xf32, #tpu.memory_space<hbm>> -> memref<40x1024xf32, #tpu.memory_space<hbm>>
      tpu.wait_dma2 semaphore(%run_scoped3A : memref<!tpu.dma_semaphore, #tpu.memory_space<semaphore_mem>>) src(%arg6 : memref<40x1024xf32, #tpu.memory_space<vmem>>) dst(%dma_wait3A_56 : memref<40x1024xf32, #tpu.memory_space<hbm>>)
      tpu.yield
    }) : () -> ()
    %dma_wait3A_42 = arith.constant 120 : i32
    %dma_wait3A_43 = tpu.memref_slice %arg5[%dma_wait3A_42] : memref<160xi32, #tpu.memory_space<vmem>> -> memref<40xi32, #tpu.memory_space<vmem>>
    %dma_wait3A_44 = arith.constant 0 : i32
    %dma_wait3A_45 = arith.constant 0 : i32
    %dma_wait3A_46 = tpu.memref_slice %arg2[%dma_wait3A_44, %dma_wait3A_45] : memref<2048x1024xf32, #tpu.memory_space<hbm>> -> memref<2048x1024xf32, #tpu.memory_space<hbm>>
    tpu.wait_indirect_dma semaphore(%arg9 : memref<!tpu.dma_semaphore, #tpu.memory_space<semaphore_mem>>) src(%dma_wait3A_46 : memref<2048x1024xf32, #tpu.memory_space<hbm>>) dst(%arg7 : memref<40x1024xf32, #tpu.memory_space<vmem>>)
    %add3A_47 = arith.constant 120 : i32
    %add3A_48 = arith.addi %mul3A_2, %add3A_47 : i32
    "tpu.region"() ({
      %run_scoped3A = tpu.sem_alloc : memref<!tpu.dma_semaphore, #tpu.memory_space<semaphore_mem>>
      %dma_start3A_49 = arith.constant 0 : i32
      %dma_start3A_50 = tpu.memref_slice %arg4[%add3A_48, %dma_start3A_49] : memref<5120x1024xf32, #tpu.memory_space<hbm>> -> memref<40x1024xf32, #tpu.memory_space<hbm>>
      %dma_start3A_51 = arith.constant 0 : i32
      %dma_start3A_52 = tpu.memref_slice %arg4[%add3A_48, %dma_start3A_51] : memref<5120x1024xf32, #tpu.memory_space<hbm>> -> memref<40x1024xf32, #tpu.memory_space<hbm>>
      tpu.enqueue_dma source(%arg7 : memref<40x1024xf32, #tpu.memory_space<vmem>>) target(%dma_start3A_52 : memref<40x1024xf32, #tpu.memory_space<hbm>>) target_semaphore(%run_scoped3A : memref<!tpu.dma_semaphore, #tpu.memory_space<semaphore_mem>>)
      %dma_wait3A_53 = arith.constant 0 : i32
      %dma_wait3A_54 = tpu.memref_slice %arg4[%add3A_48, %dma_wait3A_53] : memref<5120x1024xf32, #tpu.memory_space<hbm>> -> memref<40x1024xf32, #tpu.memory_space<hbm>>
      %dma_wait3A_55 = arith.constant 0 : i32
      %dma_wait3A_56 = tpu.memref_slice %arg4[%add3A_48, %dma_wait3A_55] : memref<5120x1024xf32, #tpu.memory_space<hbm>> -> memref<40x1024xf32, #tpu.memory_space<hbm>>
      tpu.wait_dma2 semaphore(%run_scoped3A : memref<!tpu.dma_semaphore, #tpu.memory_space<semaphore_mem>>) src(%arg7 : memref<40x1024xf32, #tpu.memory_space<vmem>>) dst(%dma_wait3A_56 : memref<40x1024xf32, #tpu.memory_space<hbm>>)
      tpu.yield
    }) : () -> ()
    return
  }
}

#map = affine_map<(d0, d1) -> (0, 0)>
#map1 = affine_map<(d0, d1) -> (0)>
module attributes {stable_mosaic.version = 14 : i64} {
  func.func @_sc_combine_body(%arg0: i32, %arg1: i32, %arg2: memref<5120x1024xf32, #tpu.memory_space<hbm>>, %arg3: memref<2048xi32, #tpu.memory_space<hbm>>, %arg4: memref<2048xi32, #tpu.memory_space<hbm>>, %arg5: memref<2048x1024xf32, #tpu.memory_space<hbm>>, %arg6: memref<32xi32, #tpu.memory_space<vmem>>, %arg7: memref<32xi32, #tpu.memory_space<vmem>>, %arg8: memref<32x1024xf32, #tpu.memory_space<vmem>>, %arg9: memref<32x1024xf32, #tpu.memory_space<vmem>>, %arg10: memref<!tpu.dma_semaphore, #tpu.memory_space<semaphore_mem>>) attributes {dimension_semantics = [#tpu.dimension_semantics<core_parallel>, #tpu.dimension_semantics<subcore_parallel>], iteration_bounds = array<i64: 2, 16>, scalar_prefetch = 0 : i64, scratch_operands = 5 : i64, tpu.core_type = #tpu.core_type<sc_vector_subcore>, window_params = [{transform_indices = #map}, {transform_indices = #map1}, {transform_indices = #map1}, {transform_indices = #map}]} {
    %mul3A = arith.constant 2 : i32
    %mul3A_0 = arith.muli %arg1, %mul3A : i32
    %add3A = arith.addi %mul3A_0, %arg0 : i32
    %mul3A_1 = arith.constant 64 : i32
    %mul3A_2 = arith.muli %add3A, %mul3A_1 : i32
    %add3A_3 = arith.constant 0 : i32
    %add3A_4 = arith.addi %mul3A_2, %add3A_3 : i32
    "tpu.region"() ({
      %run_scoped3A = tpu.sem_alloc : memref<!tpu.dma_semaphore, #tpu.memory_space<semaphore_mem>>
      %dma_start3A_48 = tpu.memref_slice %arg3[%add3A_4] : memref<2048xi32, #tpu.memory_space<hbm>> -> memref<32xi32, #tpu.memory_space<hbm>>
      %dma_start3A_49 = tpu.memref_slice %arg3[%add3A_4] : memref<2048xi32, #tpu.memory_space<hbm>> -> memref<32xi32, #tpu.memory_space<hbm>>
      tpu.enqueue_dma source(%dma_start3A_49 : memref<32xi32, #tpu.memory_space<hbm>>) target(%arg6 : memref<32xi32, #tpu.memory_space<vmem>>) target_semaphore(%run_scoped3A : memref<!tpu.dma_semaphore, #tpu.memory_space<semaphore_mem>>)
      %dma_wait3A_50 = tpu.memref_slice %arg3[%add3A_4] : memref<2048xi32, #tpu.memory_space<hbm>> -> memref<32xi32, #tpu.memory_space<hbm>>
      %dma_wait3A_51 = tpu.memref_slice %arg3[%add3A_4] : memref<2048xi32, #tpu.memory_space<hbm>> -> memref<32xi32, #tpu.memory_space<hbm>>
      tpu.wait_dma2 semaphore(%run_scoped3A : memref<!tpu.dma_semaphore, #tpu.memory_space<semaphore_mem>>) src(%dma_wait3A_51 : memref<32xi32, #tpu.memory_space<hbm>>) dst(%arg6 : memref<32xi32, #tpu.memory_space<vmem>>)
      tpu.yield
    }) : () -> ()
    %add3A_5 = arith.constant 0 : i32
    %add3A_6 = arith.addi %mul3A_2, %add3A_5 : i32
    "tpu.region"() ({
      %run_scoped3A = tpu.sem_alloc : memref<!tpu.dma_semaphore, #tpu.memory_space<semaphore_mem>>
      %dma_start3A_48 = tpu.memref_slice %arg4[%add3A_6] : memref<2048xi32, #tpu.memory_space<hbm>> -> memref<32xi32, #tpu.memory_space<hbm>>
      %dma_start3A_49 = tpu.memref_slice %arg4[%add3A_6] : memref<2048xi32, #tpu.memory_space<hbm>> -> memref<32xi32, #tpu.memory_space<hbm>>
      tpu.enqueue_dma source(%dma_start3A_49 : memref<32xi32, #tpu.memory_space<hbm>>) target(%arg7 : memref<32xi32, #tpu.memory_space<vmem>>) target_semaphore(%run_scoped3A : memref<!tpu.dma_semaphore, #tpu.memory_space<semaphore_mem>>)
      %dma_wait3A_50 = tpu.memref_slice %arg4[%add3A_6] : memref<2048xi32, #tpu.memory_space<hbm>> -> memref<32xi32, #tpu.memory_space<hbm>>
      %dma_wait3A_51 = tpu.memref_slice %arg4[%add3A_6] : memref<2048xi32, #tpu.memory_space<hbm>> -> memref<32xi32, #tpu.memory_space<hbm>>
      tpu.wait_dma2 semaphore(%run_scoped3A : memref<!tpu.dma_semaphore, #tpu.memory_space<semaphore_mem>>) src(%dma_wait3A_51 : memref<32xi32, #tpu.memory_space<hbm>>) dst(%arg7 : memref<32xi32, #tpu.memory_space<vmem>>)
      tpu.yield
    }) : () -> ()
    %dma_start3A = arith.constant 0 : i32
    %dma_start3A_7 = arith.constant 0 : i32
    %dma_start3A_8 = tpu.memref_slice %arg2[%dma_start3A, %dma_start3A_7] : memref<5120x1024xf32, #tpu.memory_space<hbm>> -> memref<5120x1024xf32, #tpu.memory_space<hbm>>
    tpu.enqueue_indirect_dma source(%dma_start3A_8 : memref<5120x1024xf32, #tpu.memory_space<hbm>>) target(%arg8 : memref<32x1024xf32, #tpu.memory_space<vmem>>) offsets(%arg6 : memref<32xi32, #tpu.memory_space<vmem>>) semaphore(%arg10 : memref<!tpu.dma_semaphore, #tpu.memory_space<semaphore_mem>>)
    %dma_wait3A = arith.constant 0 : i32
    %dma_wait3A_9 = arith.constant 0 : i32
    %dma_wait3A_10 = tpu.memref_slice %arg2[%dma_wait3A, %dma_wait3A_9] : memref<5120x1024xf32, #tpu.memory_space<hbm>> -> memref<5120x1024xf32, #tpu.memory_space<hbm>>
    tpu.wait_indirect_dma semaphore(%arg10 : memref<!tpu.dma_semaphore, #tpu.memory_space<semaphore_mem>>) src(%dma_wait3A_10 : memref<5120x1024xf32, #tpu.memory_space<hbm>>) dst(%arg8 : memref<32x1024xf32, #tpu.memory_space<vmem>>)
    %dma_start3A_11 = arith.constant 0 : i32
    %dma_start3A_12 = arith.constant 0 : i32
    %dma_start3A_13 = tpu.memref_slice %arg2[%dma_start3A_11, %dma_start3A_12] : memref<5120x1024xf32, #tpu.memory_space<hbm>> -> memref<5120x1024xf32, #tpu.memory_space<hbm>>
    tpu.enqueue_indirect_dma source(%dma_start3A_13 : memref<5120x1024xf32, #tpu.memory_space<hbm>>) target(%arg9 : memref<32x1024xf32, #tpu.memory_space<vmem>>) offsets(%arg7 : memref<32xi32, #tpu.memory_space<vmem>>) semaphore(%arg10 : memref<!tpu.dma_semaphore, #tpu.memory_space<semaphore_mem>>)
    %dma_wait3A_14 = arith.constant 0 : i32
    %dma_wait3A_15 = arith.constant 0 : i32
    %dma_wait3A_16 = tpu.memref_slice %arg2[%dma_wait3A_14, %dma_wait3A_15] : memref<5120x1024xf32, #tpu.memory_space<hbm>> -> memref<5120x1024xf32, #tpu.memory_space<hbm>>
    tpu.wait_indirect_dma semaphore(%arg10 : memref<!tpu.dma_semaphore, #tpu.memory_space<semaphore_mem>>) src(%dma_wait3A_16 : memref<5120x1024xf32, #tpu.memory_space<hbm>>) dst(%arg9 : memref<32x1024xf32, #tpu.memory_space<vmem>>)
    %scan3A = arith.constant 0 : i32
    %scan3A_17 = arith.constant 0 : i32
    %scan3A_18 = arith.constant 32 : i32
    %scan3A_19 = arith.addi %scan3A_17, %scan3A_18 : i32
    %scan3A_20 = arith.constant 1 : i32
    scf.for %scan3A_48 = %scan3A_17 to %scan3A_19 step %scan3A_20  : i32 {
      %get3A = arith.index_cast %scan3A_48 : i32 to index
      %get3A_49 = arith.constant 0 : index
      %get3A_50 = tpu.vector_load %arg8[%get3A, %get3A_49] {strides = array<i32>} : memref<32x1024xf32, #tpu.memory_space<vmem>>, vector<1x16xf32>,
      %get3A_51 = vector.shape_cast %get3A_50 : vector<1x16xf32> to vector<16xf32>
      %get3A_52 = arith.index_cast %scan3A_48 : i32 to index
      %get3A_53 = arith.constant 0 : index
      %get3A_54 = tpu.vector_load %arg9[%get3A_52, %get3A_53] {strides = array<i32>} : memref<32x1024xf32, #tpu.memory_space<vmem>>, vector<1x16xf32>,
      %get3A_55 = vector.shape_cast %get3A_54 : vector<1x16xf32> to vector<16xf32>
      %add3A_56 = arith.addf %get3A_51, %get3A_55 : vector<16xf32>
      %swap3A = arith.index_cast %scan3A_48 : i32 to index
      %swap3A_57 = arith.constant 0 : index
      %swap3A_58 = tpu.vector_load %arg8[%swap3A, %swap3A_57] {strides = array<i32>} : memref<32x1024xf32, #tpu.memory_space<vmem>>, vector<1x16xf32>,
      %swap3A_59 = vector.shape_cast %swap3A_58 : vector<1x16xf32> to vector<16xf32>
      %swap3A_60 = vector.shape_cast %add3A_56 : vector<16xf32> to vector<1x16xf32>
      tpu.vector_store %arg8[%swap3A, %swap3A_57], %swap3A_60 {strides = array<i32>} : memref<32x1024xf32, #tpu.memory_space<vmem>>, vector<1x16xf32>,
      %get3A_61 = arith.index_cast %scan3A_48 : i32 to index
      %get3A_62 = arith.constant 16 : index
      %get3A_63 = tpu.vector_load %arg8[%get3A_61, %get3A_62] {strides = array<i32>} : memref<32x1024xf32, #tpu.memory_space<vmem>>, vector<1x16xf32>,
      %get3A_64 = vector.shape_cast %get3A_63 : vector<1x16xf32> to vector<16xf32>
      %get3A_65 = arith.index_cast %scan3A_48 : i32 to index
      %get3A_66 = arith.constant 16 : index
      %get3A_67 = tpu.vector_load %arg9[%get3A_65, %get3A_66] {strides = array<i32>} : memref<32x1024xf32, #tpu.memory_space<vmem>>, vector<1x16xf32>,
      %get3A_68 = vector.shape_cast %get3A_67 : vector<1x16xf32> to vector<16xf32>
      %add3A_69 = arith.addf %get3A_64, %get3A_68 : vector<16xf32>
      %swap3A_70 = arith.index_cast %scan3A_48 : i32 to index
      %swap3A_71 = arith.constant 16 : index
      %swap3A_72 = tpu.vector_load %arg8[%swap3A_70, %swap3A_71] {strides = array<i32>} : memref<32x1024xf32, #tpu.memory_space<vmem>>, vector<1x16xf32>,
      %swap3A_73 = vector.shape_cast %swap3A_72 : vector<1x16xf32> to vector<16xf32>
      %swap3A_74 = vector.shape_cast %add3A_69 : vector<16xf32> to vector<1x16xf32>
      tpu.vector_store %arg8[%swap3A_70, %swap3A_71], %swap3A_74 {strides = array<i32>} : memref<32x1024xf32, #tpu.memory_space<vmem>>, vector<1x16xf32>,
      %get3A_75 = arith.index_cast %scan3A_48 : i32 to index
      %get3A_76 = arith.constant 32 : index
      %get3A_77 = tpu.vector_load %arg8[%get3A_75, %get3A_76] {strides = array<i32>} : memref<32x1024xf32, #tpu.memory_space<vmem>>, vector<1x16xf32>,
      %get3A_78 = vector.shape_cast %get3A_77 : vector<1x16xf32> to vector<16xf32>
      %get3A_79 = arith.index_cast %scan3A_48 : i32 to index
      %get3A_80 = arith.constant 32 : index
      %get3A_81 = tpu.vector_load %arg9[%get3A_79, %get3A_80] {strides = array<i32>} : memref<32x1024xf32, #tpu.memory_space<vmem>>, vector<1x16xf32>,
      %get3A_82 = vector.shape_cast %get3A_81 : vector<1x16xf32> to vector<16xf32>
      %add3A_83 = arith.addf %get3A_78, %get3A_82 : vector<16xf32>
      %swap3A_84 = arith.index_cast %scan3A_48 : i32 to index
      %swap3A_85 = arith.constant 32 : index
      %swap3A_86 = tpu.vector_load %arg8[%swap3A_84, %swap3A_85] {strides = array<i32>} : memref<32x1024xf32, #tpu.memory_space<vmem>>, vector<1x16xf32>,
      %swap3A_87 = vector.shape_cast %swap3A_86 : vector<1x16xf32> to vector<16xf32>
      %swap3A_88 = vector.shape_cast %add3A_83 : vector<16xf32> to vector<1x16xf32>
      tpu.vector_store %arg8[%swap3A_84, %swap3A_85], %swap3A_88 {strides = array<i32>} : memref<32x1024xf32, #tpu.memory_space<vmem>>, vector<1x16xf32>,
      %get3A_89 = arith.index_cast %scan3A_48 : i32 to index
      %get3A_90 = arith.constant 48 : index
      %get3A_91 = tpu.vector_load %arg8[%get3A_89, %get3A_90] {strides = array<i32>} : memref<32x1024xf32, #tpu.memory_space<vmem>>, vector<1x16xf32>,
      %get3A_92 = vector.shape_cast %get3A_91 : vector<1x16xf32> to vector<16xf32>
      %get3A_93 = arith.index_cast %scan3A_48 : i32 to index
      %get3A_94 = arith.constant 48 : index
      %get3A_95 = tpu.vector_load %arg9[%get3A_93, %get3A_94] {strides = array<i32>} : memref<32x1024xf32, #tpu.memory_space<vmem>>, vector<1x16xf32>,
      %get3A_96 = vector.shape_cast %get3A_95 : vector<1x16xf32> to vector<16xf32>
      %add3A_97 = arith.addf %get3A_92, %get3A_96 : vector<16xf32>
      %swap3A_98 = arith.index_cast %scan3A_48 : i32 to index
      %swap3A_99 = arith.constant 48 : index
      %swap3A_100 = tpu.vector_load %arg8[%swap3A_98, %swap3A_99] {strides = array<i32>} : memref<32x1024xf32, #tpu.memory_space<vmem>>, vector<1x16xf32>,
      %swap3A_101 = vector.shape_cast %swap3A_100 : vector<1x16xf32> to vector<16xf32>
      %swap3A_102 = vector.shape_cast %add3A_97 : vector<16xf32> to vector<1x16xf32>
      tpu.vector_store %arg8[%swap3A_98, %swap3A_99], %swap3A_102 {strides = array<i32>} : memref<32x1024xf32, #tpu.memory_space<vmem>>, vector<1x16xf32>,
      %get3A_103 = arith.index_cast %scan3A_48 : i32 to index
      %get3A_104 = arith.constant 64 : index
      %get3A_105 = tpu.vector_load %arg8[%get3A_103, %get3A_104] {strides = array<i32>} : memref<32x1024xf32, #tpu.memory_space<vmem>>, vector<1x16xf32>,
      %get3A_106 = vector.shape_cast %get3A_105 : vector<1x16xf32> to vector<16xf32>
      %get3A_107 = arith.index_cast %scan3A_48 : i32 to index
      %get3A_108 = arith.constant 64 : index
      %get3A_109 = tpu.vector_load %arg9[%get3A_107, %get3A_108] {strides = array<i32>} : memref<32x1024xf32, #tpu.memory_space<vmem>>, vector<1x16xf32>,
      %get3A_110 = vector.shape_cast %get3A_109 : vector<1x16xf32> to vector<16xf32>
      %add3A_111 = arith.addf %get3A_106, %get3A_110 : vector<16xf32>
      %swap3A_112 = arith.index_cast %scan3A_48 : i32 to index
      %swap3A_113 = arith.constant 64 : index
      %swap3A_114 = tpu.vector_load %arg8[%swap3A_112, %swap3A_113] {strides = array<i32>} : memref<32x1024xf32, #tpu.memory_space<vmem>>, vector<1x16xf32>,
      %swap3A_115 = vector.shape_cast %swap3A_114 : vector<1x16xf32> to vector<16xf32>
      %swap3A_116 = vector.shape_cast %add3A_111 : vector<16xf32> to vector<1x16xf32>
      tpu.vector_store %arg8[%swap3A_112, %swap3A_113], %swap3A_116 {strides = array<i32>} : memref<32x1024xf32, #tpu.memory_space<vmem>>, vector<1x16xf32>,
      %get3A_117 = arith.index_cast %scan3A_48 : i32 to index
      %get3A_118 = arith.constant 80 : index
      %get3A_119 = tpu.vector_load %arg8[%get3A_117, %get3A_118] {strides = array<i32>} : memref<32x1024xf32, #tpu.memory_space<vmem>>, vector<1x16xf32>,
      %get3A_120 = vector.shape_cast %get3A_119 : vector<1x16xf32> to vector<16xf32>
      %get3A_121 = arith.index_cast %scan3A_48 : i32 to index
      %get3A_122 = arith.constant 80 : index
      %get3A_123 = tpu.vector_load %arg9[%get3A_121, %get3A_122] {strides = array<i32>} : memref<32x1024xf32, #tpu.memory_space<vmem>>, vector<1x16xf32>,
      %get3A_124 = vector.shape_cast %get3A_123 : vector<1x16xf32> to vector<16xf32>
      %add3A_125 = arith.addf %get3A_120, %get3A_124 : vector<16xf32>
      %swap3A_126 = arith.index_cast %scan3A_48 : i32 to index
      %swap3A_127 = arith.constant 80 : index
      %swap3A_128 = tpu.vector_load %arg8[%swap3A_126, %swap3A_127] {strides = array<i32>} : memref<32x1024xf32, #tpu.memory_space<vmem>>, vector<1x16xf32>,
      %swap3A_129 = vector.shape_cast %swap3A_128 : vector<1x16xf32> to vector<16xf32>
      %swap3A_130 = vector.shape_cast %add3A_125 : vector<16xf32> to vector<1x16xf32>
      tpu.vector_store %arg8[%swap3A_126, %swap3A_127], %swap3A_130 {strides = array<i32>} : memref<32x1024xf32, #tpu.memory_space<vmem>>, vector<1x16xf32>,
      %get3A_131 = arith.index_cast %scan3A_48 : i32 to index
      %get3A_132 = arith.constant 96 : index
      %get3A_133 = tpu.vector_load %arg8[%get3A_131, %get3A_132] {strides = array<i32>} : memref<32x1024xf32, #tpu.memory_space<vmem>>, vector<1x16xf32>,
      %get3A_134 = vector.shape_cast %get3A_133 : vector<1x16xf32> to vector<16xf32>
      %get3A_135 = arith.index_cast %scan3A_48 : i32 to index
      %get3A_136 = arith.constant 96 : index
      %get3A_137 = tpu.vector_load %arg9[%get3A_135, %get3A_136] {strides = array<i32>} : memref<32x1024xf32, #tpu.memory_space<vmem>>, vector<1x16xf32>,
      %get3A_138 = vector.shape_cast %get3A_137 : vector<1x16xf32> to vector<16xf32>
      %add3A_139 = arith.addf %get3A_134, %get3A_138 : vector<16xf32>
      %swap3A_140 = arith.index_cast %scan3A_48 : i32 to index
      %swap3A_141 = arith.constant 96 : index
      %swap3A_142 = tpu.vector_load %arg8[%swap3A_140, %swap3A_141] {strides = array<i32>} : memref<32x1024xf32, #tpu.memory_space<vmem>>, vector<1x16xf32>,
      %swap3A_143 = vector.shape_cast %swap3A_142 : vector<1x16xf32> to vector<16xf32>
      %swap3A_144 = vector.shape_cast %add3A_139 : vector<16xf32> to vector<1x16xf32>
      tpu.vector_store %arg8[%swap3A_140, %swap3A_141], %swap3A_144 {strides = array<i32>} : memref<32x1024xf32, #tpu.memory_space<vmem>>, vector<1x16xf32>,
      %get3A_145 = arith.index_cast %scan3A_48 : i32 to index
      %get3A_146 = arith.constant 112 : index
      %get3A_147 = tpu.vector_load %arg8[%get3A_145, %get3A_146] {strides = array<i32>} : memref<32x1024xf32, #tpu.memory_space<vmem>>, vector<1x16xf32>,
      %get3A_148 = vector.shape_cast %get3A_147 : vector<1x16xf32> to vector<16xf32>
      %get3A_149 = arith.index_cast %scan3A_48 : i32 to index
      %get3A_150 = arith.constant 112 : index
      %get3A_151 = tpu.vector_load %arg9[%get3A_149, %get3A_150] {strides = array<i32>} : memref<32x1024xf32, #tpu.memory_space<vmem>>, vector<1x16xf32>,
      %get3A_152 = vector.shape_cast %get3A_151 : vector<1x16xf32> to vector<16xf32>
      %add3A_153 = arith.addf %get3A_148, %get3A_152 : vector<16xf32>
      %swap3A_154 = arith.index_cast %scan3A_48 : i32 to index
      %swap3A_155 = arith.constant 112 : index
      %swap3A_156 = tpu.vector_load %arg8[%swap3A_154, %swap3A_155] {strides = array<i32>} : memref<32x1024xf32, #tpu.memory_space<vmem>>, vector<1x16xf32>,
      %swap3A_157 = vector.shape_cast %swap3A_156 : vector<1x16xf32> to vector<16xf32>
      %swap3A_158 = vector.shape_cast %add3A_153 : vector<16xf32> to vector<1x16xf32>
      tpu.vector_store %arg8[%swap3A_154, %swap3A_155], %swap3A_158 {strides = array<i32>} : memref<32x1024xf32, #tpu.memory_space<vmem>>, vector<1x16xf32>,
      %get3A_159 = arith.index_cast %scan3A_48 : i32 to index
      %get3A_160 = arith.constant 128 : index
      %get3A_161 = tpu.vector_load %arg8[%get3A_159, %get3A_160] {strides = array<i32>} : memref<32x1024xf32, #tpu.memory_space<vmem>>, vector<1x16xf32>,
      %get3A_162 = vector.shape_cast %get3A_161 : vector<1x16xf32> to vector<16xf32>
      %get3A_163 = arith.index_cast %scan3A_48 : i32 to index
      %get3A_164 = arith.constant 128 : index
      %get3A_165 = tpu.vector_load %arg9[%get3A_163, %get3A_164] {strides = array<i32>} : memref<32x1024xf32, #tpu.memory_space<vmem>>, vector<1x16xf32>,
      %get3A_166 = vector.shape_cast %get3A_165 : vector<1x16xf32> to vector<16xf32>
      %add3A_167 = arith.addf %get3A_162, %get3A_166 : vector<16xf32>
      %swap3A_168 = arith.index_cast %scan3A_48 : i32 to index
      %swap3A_169 = arith.constant 128 : index
      %swap3A_170 = tpu.vector_load %arg8[%swap3A_168, %swap3A_169] {strides = array<i32>} : memref<32x1024xf32, #tpu.memory_space<vmem>>, vector<1x16xf32>,
      %swap3A_171 = vector.shape_cast %swap3A_170 : vector<1x16xf32> to vector<16xf32>
      %swap3A_172 = vector.shape_cast %add3A_167 : vector<16xf32> to vector<1x16xf32>
      tpu.vector_store %arg8[%swap3A_168, %swap3A_169], %swap3A_172 {strides = array<i32>} : memref<32x1024xf32, #tpu.memory_space<vmem>>, vector<1x16xf32>,
      %get3A_173 = arith.index_cast %scan3A_48 : i32 to index
      %get3A_174 = arith.constant 144 : index
      %get3A_175 = tpu.vector_load %arg8[%get3A_173, %get3A_174] {strides = array<i32>} : memref<32x1024xf32, #tpu.memory_space<vmem>>, vector<1x16xf32>,
      %get3A_176 = vector.shape_cast %get3A_175 : vector<1x16xf32> to vector<16xf32>
      %get3A_177 = arith.index_cast %scan3A_48 : i32 to index
      %get3A_178 = arith.constant 144 : index
      %get3A_179 = tpu.vector_load %arg9[%get3A_177, %get3A_178] {strides = array<i32>} : memref<32x1024xf32, #tpu.memory_space<vmem>>, vector<1x16xf32>,
      %get3A_180 = vector.shape_cast %get3A_179 : vector<1x16xf32> to vector<16xf32>
      %add3A_181 = arith.addf %get3A_176, %get3A_180 : vector<16xf32>
      %swap3A_182 = arith.index_cast %scan3A_48 : i32 to index
      %swap3A_183 = arith.constant 144 : index
      %swap3A_184 = tpu.vector_load %arg8[%swap3A_182, %swap3A_183] {strides = array<i32>} : memref<32x1024xf32, #tpu.memory_space<vmem>>, vector<1x16xf32>,
      %swap3A_185 = vector.shape_cast %swap3A_184 : vector<1x16xf32> to vector<16xf32>
      %swap3A_186 = vector.shape_cast %add3A_181 : vector<16xf32> to vector<1x16xf32>
      tpu.vector_store %arg8[%swap3A_182, %swap3A_183], %swap3A_186 {strides = array<i32>} : memref<32x1024xf32, #tpu.memory_space<vmem>>, vector<1x16xf32>,
      %get3A_187 = arith.index_cast %scan3A_48 : i32 to index
      %get3A_188 = arith.constant 160 : index
      %get3A_189 = tpu.vector_load %arg8[%get3A_187, %get3A_188] {strides = array<i32>} : memref<32x1024xf32, #tpu.memory_space<vmem>>, vector<1x16xf32>,
      %get3A_190 = vector.shape_cast %get3A_189 : vector<1x16xf32> to vector<16xf32>
      %get3A_191 = arith.index_cast %scan3A_48 : i32 to index
      %get3A_192 = arith.constant 160 : index
      %get3A_193 = tpu.vector_load %arg9[%get3A_191, %get3A_192] {strides = array<i32>} : memref<32x1024xf32, #tpu.memory_space<vmem>>, vector<1x16xf32>,
      %get3A_194 = vector.shape_cast %get3A_193 : vector<1x16xf32> to vector<16xf32>
      %add3A_195 = arith.addf %get3A_190, %get3A_194 : vector<16xf32>
      %swap3A_196 = arith.index_cast %scan3A_48 : i32 to index
      %swap3A_197 = arith.constant 160 : index
      %swap3A_198 = tpu.vector_load %arg8[%swap3A_196, %swap3A_197] {strides = array<i32>} : memref<32x1024xf32, #tpu.memory_space<vmem>>, vector<1x16xf32>,
      %swap3A_199 = vector.shape_cast %swap3A_198 : vector<1x16xf32> to vector<16xf32>
      %swap3A_200 = vector.shape_cast %add3A_195 : vector<16xf32> to vector<1x16xf32>
      tpu.vector_store %arg8[%swap3A_196, %swap3A_197], %swap3A_200 {strides = array<i32>} : memref<32x1024xf32, #tpu.memory_space<vmem>>, vector<1x16xf32>,
      %get3A_201 = arith.index_cast %scan3A_48 : i32 to index
      %get3A_202 = arith.constant 176 : index
      %get3A_203 = tpu.vector_load %arg8[%get3A_201, %get3A_202] {strides = array<i32>} : memref<32x1024xf32, #tpu.memory_space<vmem>>, vector<1x16xf32>,
      %get3A_204 = vector.shape_cast %get3A_203 : vector<1x16xf32> to vector<16xf32>
      %get3A_205 = arith.index_cast %scan3A_48 : i32 to index
      %get3A_206 = arith.constant 176 : index
      %get3A_207 = tpu.vector_load %arg9[%get3A_205, %get3A_206] {strides = array<i32>} : memref<32x1024xf32, #tpu.memory_space<vmem>>, vector<1x16xf32>,
      %get3A_208 = vector.shape_cast %get3A_207 : vector<1x16xf32> to vector<16xf32>
      %add3A_209 = arith.addf %get3A_204, %get3A_208 : vector<16xf32>
      %swap3A_210 = arith.index_cast %scan3A_48 : i32 to index
      %swap3A_211 = arith.constant 176 : index
      %swap3A_212 = tpu.vector_load %arg8[%swap3A_210, %swap3A_211] {strides = array<i32>} : memref<32x1024xf32, #tpu.memory_space<vmem>>, vector<1x16xf32>,
      %swap3A_213 = vector.shape_cast %swap3A_212 : vector<1x16xf32> to vector<16xf32>
      %swap3A_214 = vector.shape_cast %add3A_209 : vector<16xf32> to vector<1x16xf32>
      tpu.vector_store %arg8[%swap3A_210, %swap3A_211], %swap3A_214 {strides = array<i32>} : memref<32x1024xf32, #tpu.memory_space<vmem>>, vector<1x16xf32>,
      %get3A_215 = arith.index_cast %scan3A_48 : i32 to index
      %get3A_216 = arith.constant 192 : index
      %get3A_217 = tpu.vector_load %arg8[%get3A_215, %get3A_216] {strides = array<i32>} : memref<32x1024xf32, #tpu.memory_space<vmem>>, vector<1x16xf32>,
      %get3A_218 = vector.shape_cast %get3A_217 : vector<1x16xf32> to vector<16xf32>
      %get3A_219 = arith.index_cast %scan3A_48 : i32 to index
      %get3A_220 = arith.constant 192 : index
      %get3A_221 = tpu.vector_load %arg9[%get3A_219, %get3A_220] {strides = array<i32>} : memref<32x1024xf32, #tpu.memory_space<vmem>>, vector<1x16xf32>,
      %get3A_222 = vector.shape_cast %get3A_221 : vector<1x16xf32> to vector<16xf32>
      %add3A_223 = arith.addf %get3A_218, %get3A_222 : vector<16xf32>
      %swap3A_224 = arith.index_cast %scan3A_48 : i32 to index
      %swap3A_225 = arith.constant 192 : index
      %swap3A_226 = tpu.vector_load %arg8[%swap3A_224, %swap3A_225] {strides = array<i32>} : memref<32x1024xf32, #tpu.memory_space<vmem>>, vector<1x16xf32>,
      %swap3A_227 = vector.shape_cast %swap3A_226 : vector<1x16xf32> to vector<16xf32>
      %swap3A_228 = vector.shape_cast %add3A_223 : vector<16xf32> to vector<1x16xf32>
      tpu.vector_store %arg8[%swap3A_224, %swap3A_225], %swap3A_228 {strides = array<i32>} : memref<32x1024xf32, #tpu.memory_space<vmem>>, vector<1x16xf32>,
      %get3A_229 = arith.index_cast %scan3A_48 : i32 to index
      %get3A_230 = arith.constant 208 : index
      %get3A_231 = tpu.vector_load %arg8[%get3A_229, %get3A_230] {strides = array<i32>} : memref<32x1024xf32, #tpu.memory_space<vmem>>, vector<1x16xf32>,
      %get3A_232 = vector.shape_cast %get3A_231 : vector<1x16xf32> to vector<16xf32>
      %get3A_233 = arith.index_cast %scan3A_48 : i32 to index
      %get3A_234 = arith.constant 208 : index
      %get3A_235 = tpu.vector_load %arg9[%get3A_233, %get3A_234] {strides = array<i32>} : memref<32x1024xf32, #tpu.memory_space<vmem>>, vector<1x16xf32>,
      %get3A_236 = vector.shape_cast %get3A_235 : vector<1x16xf32> to vector<16xf32>
      %add3A_237 = arith.addf %get3A_232, %get3A_236 : vector<16xf32>
      %swap3A_238 = arith.index_cast %scan3A_48 : i32 to index
      %swap3A_239 = arith.constant 208 : index
      %swap3A_240 = tpu.vector_load %arg8[%swap3A_238, %swap3A_239] {strides = array<i32>} : memref<32x1024xf32, #tpu.memory_space<vmem>>, vector<1x16xf32>,
      %swap3A_241 = vector.shape_cast %swap3A_240 : vector<1x16xf32> to vector<16xf32>
      %swap3A_242 = vector.shape_cast %add3A_237 : vector<16xf32> to vector<1x16xf32>
      tpu.vector_store %arg8[%swap3A_238, %swap3A_239], %swap3A_242 {strides = array<i32>} : memref<32x1024xf32, #tpu.memory_space<vmem>>, vector<1x16xf32>,
      %get3A_243 = arith.index_cast %scan3A_48 : i32 to index
      %get3A_244 = arith.constant 224 : index
      %get3A_245 = tpu.vector_load %arg8[%get3A_243, %get3A_244] {strides = array<i32>} : memref<32x1024xf32, #tpu.memory_space<vmem>>, vector<1x16xf32>,
      %get3A_246 = vector.shape_cast %get3A_245 : vector<1x16xf32> to vector<16xf32>
      %get3A_247 = arith.index_cast %scan3A_48 : i32 to index
      %get3A_248 = arith.constant 224 : index
      %get3A_249 = tpu.vector_load %arg9[%get3A_247, %get3A_248] {strides = array<i32>} : memref<32x1024xf32, #tpu.memory_space<vmem>>, vector<1x16xf32>,
      %get3A_250 = vector.shape_cast %get3A_249 : vector<1x16xf32> to vector<16xf32>
      %add3A_251 = arith.addf %get3A_246, %get3A_250 : vector<16xf32>
      %swap3A_252 = arith.index_cast %scan3A_48 : i32 to index
      %swap3A_253 = arith.constant 224 : index
      %swap3A_254 = tpu.vector_load %arg8[%swap3A_252, %swap3A_253] {strides = array<i32>} : memref<32x1024xf32, #tpu.memory_space<vmem>>, vector<1x16xf32>,
      %swap3A_255 = vector.shape_cast %swap3A_254 : vector<1x16xf32> to vector<16xf32>
      %swap3A_256 = vector.shape_cast %add3A_251 : vector<16xf32> to vector<1x16xf32>
      tpu.vector_store %arg8[%swap3A_252, %swap3A_253], %swap3A_256 {strides = array<i32>} : memref<32x1024xf32, #tpu.memory_space<vmem>>, vector<1x16xf32>,
      %get3A_257 = arith.index_cast %scan3A_48 : i32 to index
      %get3A_258 = arith.constant 240 : index
      %get3A_259 = tpu.vector_load %arg8[%get3A_257, %get3A_258] {strides = array<i32>} : memref<32x1024xf32, #tpu.memory_space<vmem>>, vector<1x16xf32>,
      %get3A_260 = vector.shape_cast %get3A_259 : vector<1x16xf32> to vector<16xf32>
      %get3A_261 = arith.index_cast %scan3A_48 : i32 to index
      %get3A_262 = arith.constant 240 : index
      %get3A_263 = tpu.vector_load %arg9[%get3A_261, %get3A_262] {strides = array<i32>} : memref<32x1024xf32, #tpu.memory_space<vmem>>, vector<1x16xf32>,
      %get3A_264 = vector.shape_cast %get3A_263 : vector<1x16xf32> to vector<16xf32>
      %add3A_265 = arith.addf %get3A_260, %get3A_264 : vector<16xf32>
      %swap3A_266 = arith.index_cast %scan3A_48 : i32 to index
      %swap3A_267 = arith.constant 240 : index
      %swap3A_268 = tpu.vector_load %arg8[%swap3A_266, %swap3A_267] {strides = array<i32>} : memref<32x1024xf32, #tpu.memory_space<vmem>>, vector<1x16xf32>,
      %swap3A_269 = vector.shape_cast %swap3A_268 : vector<1x16xf32> to vector<16xf32>
      %swap3A_270 = vector.shape_cast %add3A_265 : vector<16xf32> to vector<1x16xf32>
      tpu.vector_store %arg8[%swap3A_266, %swap3A_267], %swap3A_270 {strides = array<i32>} : memref<32x1024xf32, #tpu.memory_space<vmem>>, vector<1x16xf32>,
      %get3A_271 = arith.index_cast %scan3A_48 : i32 to index
      %get3A_272 = arith.constant 256 : index
      %get3A_273 = tpu.vector_load %arg8[%get3A_271, %get3A_272] {strides = array<i32>} : memref<32x1024xf32, #tpu.memory_space<vmem>>, vector<1x16xf32>,
      %get3A_274 = vector.shape_cast %get3A_273 : vector<1x16xf32> to vector<16xf32>
      %get3A_275 = arith.index_cast %scan3A_48 : i32 to index
      %get3A_276 = arith.constant 256 : index
      %get3A_277 = tpu.vector_load %arg9[%get3A_275, %get3A_276] {strides = array<i32>} : memref<32x1024xf32, #tpu.memory_space<vmem>>, vector<1x16xf32>,
      %get3A_278 = vector.shape_cast %get3A_277 : vector<1x16xf32> to vector<16xf32>
      %add3A_279 = arith.addf %get3A_274, %get3A_278 : vector<16xf32>
      %swap3A_280 = arith.index_cast %scan3A_48 : i32 to index
      %swap3A_281 = arith.constant 256 : index
      %swap3A_282 = tpu.vector_load %arg8[%swap3A_280, %swap3A_281] {strides = array<i32>} : memref<32x1024xf32, #tpu.memory_space<vmem>>, vector<1x16xf32>,
      %swap3A_283 = vector.shape_cast %swap3A_282 : vector<1x16xf32> to vector<16xf32>
      %swap3A_284 = vector.shape_cast %add3A_279 : vector<16xf32> to vector<1x16xf32>
      tpu.vector_store %arg8[%swap3A_280, %swap3A_281], %swap3A_284 {strides = array<i32>} : memref<32x1024xf32, #tpu.memory_space<vmem>>, vector<1x16xf32>,
      %get3A_285 = arith.index_cast %scan3A_48 : i32 to index
      %get3A_286 = arith.constant 272 : index
      %get3A_287 = tpu.vector_load %arg8[%get3A_285, %get3A_286] {strides = array<i32>} : memref<32x1024xf32, #tpu.memory_space<vmem>>, vector<1x16xf32>,
      %get3A_288 = vector.shape_cast %get3A_287 : vector<1x16xf32> to vector<16xf32>
      %get3A_289 = arith.index_cast %scan3A_48 : i32 to index
      %get3A_290 = arith.constant 272 : index
      %get3A_291 = tpu.vector_load %arg9[%get3A_289, %get3A_290] {strides = array<i32>} : memref<32x1024xf32, #tpu.memory_space<vmem>>, vector<1x16xf32>,
      %get3A_292 = vector.shape_cast %get3A_291 : vector<1x16xf32> to vector<16xf32>
      %add3A_293 = arith.addf %get3A_288, %get3A_292 : vector<16xf32>
      %swap3A_294 = arith.index_cast %scan3A_48 : i32 to index
      %swap3A_295 = arith.constant 272 : index
      %swap3A_296 = tpu.vector_load %arg8[%swap3A_294, %swap3A_295] {strides = array<i32>} : memref<32x1024xf32, #tpu.memory_space<vmem>>, vector<1x16xf32>,
      %swap3A_297 = vector.shape_cast %swap3A_296 : vector<1x16xf32> to vector<16xf32>
      %swap3A_298 = vector.shape_cast %add3A_293 : vector<16xf32> to vector<1x16xf32>
      tpu.vector_store %arg8[%swap3A_294, %swap3A_295], %swap3A_298 {strides = array<i32>} : memref<32x1024xf32, #tpu.memory_space<vmem>>, vector<1x16xf32>,
      %get3A_299 = arith.index_cast %scan3A_48 : i32 to index
      %get3A_300 = arith.constant 288 : index
      %get3A_301 = tpu.vector_load %arg8[%get3A_299, %get3A_300] {strides = array<i32>} : memref<32x1024xf32, #tpu.memory_space<vmem>>, vector<1x16xf32>,
      %get3A_302 = vector.shape_cast %get3A_301 : vector<1x16xf32> to vector<16xf32>
      %get3A_303 = arith.index_cast %scan3A_48 : i32 to index
      %get3A_304 = arith.constant 288 : index
      %get3A_305 = tpu.vector_load %arg9[%get3A_303, %get3A_304] {strides = array<i32>} : memref<32x1024xf32, #tpu.memory_space<vmem>>, vector<1x16xf32>,
      %get3A_306 = vector.shape_cast %get3A_305 : vector<1x16xf32> to vector<16xf32>
      %add3A_307 = arith.addf %get3A_302, %get3A_306 : vector<16xf32>
      %swap3A_308 = arith.index_cast %scan3A_48 : i32 to index
      %swap3A_309 = arith.constant 288 : index
      %swap3A_310 = tpu.vector_load %arg8[%swap3A_308, %swap3A_309] {strides = array<i32>} : memref<32x1024xf32, #tpu.memory_space<vmem>>, vector<1x16xf32>,
      %swap3A_311 = vector.shape_cast %swap3A_310 : vector<1x16xf32> to vector<16xf32>
      %swap3A_312 = vector.shape_cast %add3A_307 : vector<16xf32> to vector<1x16xf32>
      tpu.vector_store %arg8[%swap3A_308, %swap3A_309], %swap3A_312 {strides = array<i32>} : memref<32x1024xf32, #tpu.memory_space<vmem>>, vector<1x16xf32>,
      %get3A_313 = arith.index_cast %scan3A_48 : i32 to index
      %get3A_314 = arith.constant 304 : index
      %get3A_315 = tpu.vector_load %arg8[%get3A_313, %get3A_314] {strides = array<i32>} : memref<32x1024xf32, #tpu.memory_space<vmem>>, vector<1x16xf32>,
      %get3A_316 = vector.shape_cast %get3A_315 : vector<1x16xf32> to vector<16xf32>
      %get3A_317 = arith.index_cast %scan3A_48 : i32 to index
      %get3A_318 = arith.constant 304 : index
      %get3A_319 = tpu.vector_load %arg9[%get3A_317, %get3A_318] {strides = array<i32>} : memref<32x1024xf32, #tpu.memory_space<vmem>>, vector<1x16xf32>,
      %get3A_320 = vector.shape_cast %get3A_319 : vector<1x16xf32> to vector<16xf32>
      %add3A_321 = arith.addf %get3A_316, %get3A_320 : vector<16xf32>
      %swap3A_322 = arith.index_cast %scan3A_48 : i32 to index
      %swap3A_323 = arith.constant 304 : index
      %swap3A_324 = tpu.vector_load %arg8[%swap3A_322, %swap3A_323] {strides = array<i32>} : memref<32x1024xf32, #tpu.memory_space<vmem>>, vector<1x16xf32>,
      %swap3A_325 = vector.shape_cast %swap3A_324 : vector<1x16xf32> to vector<16xf32>
      %swap3A_326 = vector.shape_cast %add3A_321 : vector<16xf32> to vector<1x16xf32>
      tpu.vector_store %arg8[%swap3A_322, %swap3A_323], %swap3A_326 {strides = array<i32>} : memref<32x1024xf32, #tpu.memory_space<vmem>>, vector<1x16xf32>,
      %get3A_327 = arith.index_cast %scan3A_48 : i32 to index
      %get3A_328 = arith.constant 320 : index
      %get3A_329 = tpu.vector_load %arg8[%get3A_327, %get3A_328] {strides = array<i32>} : memref<32x1024xf32, #tpu.memory_space<vmem>>, vector<1x16xf32>,
      %get3A_330 = vector.shape_cast %get3A_329 : vector<1x16xf32> to vector<16xf32>
      %get3A_331 = arith.index_cast %scan3A_48 : i32 to index
      %get3A_332 = arith.constant 320 : index
      %get3A_333 = tpu.vector_load %arg9[%get3A_331, %get3A_332] {strides = array<i32>} : memref<32x1024xf32, #tpu.memory_space<vmem>>, vector<1x16xf32>,
      %get3A_334 = vector.shape_cast %get3A_333 : vector<1x16xf32> to vector<16xf32>
      %add3A_335 = arith.addf %get3A_330, %get3A_334 : vector<16xf32>
      %swap3A_336 = arith.index_cast %scan3A_48 : i32 to index
      %swap3A_337 = arith.constant 320 : index
      %swap3A_338 = tpu.vector_load %arg8[%swap3A_336, %swap3A_337] {strides = array<i32>} : memref<32x1024xf32, #tpu.memory_space<vmem>>, vector<1x16xf32>,
      %swap3A_339 = vector.shape_cast %swap3A_338 : vector<1x16xf32> to vector<16xf32>
      %swap3A_340 = vector.shape_cast %add3A_335 : vector<16xf32> to vector<1x16xf32>
      tpu.vector_store %arg8[%swap3A_336, %swap3A_337], %swap3A_340 {strides = array<i32>} : memref<32x1024xf32, #tpu.memory_space<vmem>>, vector<1x16xf32>,
      %get3A_341 = arith.index_cast %scan3A_48 : i32 to index
      %get3A_342 = arith.constant 336 : index
      %get3A_343 = tpu.vector_load %arg8[%get3A_341, %get3A_342] {strides = array<i32>} : memref<32x1024xf32, #tpu.memory_space<vmem>>, vector<1x16xf32>,
      %get3A_344 = vector.shape_cast %get3A_343 : vector<1x16xf32> to vector<16xf32>
      %get3A_345 = arith.index_cast %scan3A_48 : i32 to index
      %get3A_346 = arith.constant 336 : index
      %get3A_347 = tpu.vector_load %arg9[%get3A_345, %get3A_346] {strides = array<i32>} : memref<32x1024xf32, #tpu.memory_space<vmem>>, vector<1x16xf32>,
      %get3A_348 = vector.shape_cast %get3A_347 : vector<1x16xf32> to vector<16xf32>
      %add3A_349 = arith.addf %get3A_344, %get3A_348 : vector<16xf32>
      %swap3A_350 = arith.index_cast %scan3A_48 : i32 to index
      %swap3A_351 = arith.constant 336 : index
      %swap3A_352 = tpu.vector_load %arg8[%swap3A_350, %swap3A_351] {strides = array<i32>} : memref<32x1024xf32, #tpu.memory_space<vmem>>, vector<1x16xf32>,
      %swap3A_353 = vector.shape_cast %swap3A_352 : vector<1x16xf32> to vector<16xf32>
      %swap3A_354 = vector.shape_cast %add3A_349 : vector<16xf32> to vector<1x16xf32>
      tpu.vector_store %arg8[%swap3A_350, %swap3A_351], %swap3A_354 {strides = array<i32>} : memref<32x1024xf32, #tpu.memory_space<vmem>>, vector<1x16xf32>,
      %get3A_355 = arith.index_cast %scan3A_48 : i32 to index
      %get3A_356 = arith.constant 352 : index
      %get3A_357 = tpu.vector_load %arg8[%get3A_355, %get3A_356] {strides = array<i32>} : memref<32x1024xf32, #tpu.memory_space<vmem>>, vector<1x16xf32>,
      %get3A_358 = vector.shape_cast %get3A_357 : vector<1x16xf32> to vector<16xf32>
      %get3A_359 = arith.index_cast %scan3A_48 : i32 to index
      %get3A_360 = arith.constant 352 : index
      %get3A_361 = tpu.vector_load %arg9[%get3A_359, %get3A_360] {strides = array<i32>} : memref<32x1024xf32, #tpu.memory_space<vmem>>, vector<1x16xf32>,
      %get3A_362 = vector.shape_cast %get3A_361 : vector<1x16xf32> to vector<16xf32>
      %add3A_363 = arith.addf %get3A_358, %get3A_362 : vector<16xf32>
      %swap3A_364 = arith.index_cast %scan3A_48 : i32 to index
      %swap3A_365 = arith.constant 352 : index
      %swap3A_366 = tpu.vector_load %arg8[%swap3A_364, %swap3A_365] {strides = array<i32>} : memref<32x1024xf32, #tpu.memory_space<vmem>>, vector<1x16xf32>,
      %swap3A_367 = vector.shape_cast %swap3A_366 : vector<1x16xf32> to vector<16xf32>
      %swap3A_368 = vector.shape_cast %add3A_363 : vector<16xf32> to vector<1x16xf32>
      tpu.vector_store %arg8[%swap3A_364, %swap3A_365], %swap3A_368 {strides = array<i32>} : memref<32x1024xf32, #tpu.memory_space<vmem>>, vector<1x16xf32>,
      %get3A_369 = arith.index_cast %scan3A_48 : i32 to index
      %get3A_370 = arith.constant 368 : index
      %get3A_371 = tpu.vector_load %arg8[%get3A_369, %get3A_370] {strides = array<i32>} : memref<32x1024xf32, #tpu.memory_space<vmem>>, vector<1x16xf32>,
      %get3A_372 = vector.shape_cast %get3A_371 : vector<1x16xf32> to vector<16xf32>
      %get3A_373 = arith.index_cast %scan3A_48 : i32 to index
      %get3A_374 = arith.constant 368 : index
      %get3A_375 = tpu.vector_load %arg9[%get3A_373, %get3A_374] {strides = array<i32>} : memref<32x1024xf32, #tpu.memory_space<vmem>>, vector<1x16xf32>,
      %get3A_376 = vector.shape_cast %get3A_375 : vector<1x16xf32> to vector<16xf32>
      %add3A_377 = arith.addf %get3A_372, %get3A_376 : vector<16xf32>
      %swap3A_378 = arith.index_cast %scan3A_48 : i32 to index
      %swap3A_379 = arith.constant 368 : index
      %swap3A_380 = tpu.vector_load %arg8[%swap3A_378, %swap3A_379] {strides = array<i32>} : memref<32x1024xf32, #tpu.memory_space<vmem>>, vector<1x16xf32>,
      %swap3A_381 = vector.shape_cast %swap3A_380 : vector<1x16xf32> to vector<16xf32>
      %swap3A_382 = vector.shape_cast %add3A_377 : vector<16xf32> to vector<1x16xf32>
      tpu.vector_store %arg8[%swap3A_378, %swap3A_379], %swap3A_382 {strides = array<i32>} : memref<32x1024xf32, #tpu.memory_space<vmem>>, vector<1x16xf32>,
      %get3A_383 = arith.index_cast %scan3A_48 : i32 to index
      %get3A_384 = arith.constant 384 : index
      %get3A_385 = tpu.vector_load %arg8[%get3A_383, %get3A_384] {strides = array<i32>} : memref<32x1024xf32, #tpu.memory_space<vmem>>, vector<1x16xf32>,
      %get3A_386 = vector.shape_cast %get3A_385 : vector<1x16xf32> to vector<16xf32>
      %get3A_387 = arith.index_cast %scan3A_48 : i32 to index
      %get3A_388 = arith.constant 384 : index
      %get3A_389 = tpu.vector_load %arg9[%get3A_387, %get3A_388] {strides = array<i32>} : memref<32x1024xf32, #tpu.memory_space<vmem>>, vector<1x16xf32>,
      %get3A_390 = vector.shape_cast %get3A_389 : vector<1x16xf32> to vector<16xf32>
      %add3A_391 = arith.addf %get3A_386, %get3A_390 : vector<16xf32>
      %swap3A_392 = arith.index_cast %scan3A_48 : i32 to index
      %swap3A_393 = arith.constant 384 : index
      %swap3A_394 = tpu.vector_load %arg8[%swap3A_392, %swap3A_393] {strides = array<i32>} : memref<32x1024xf32, #tpu.memory_space<vmem>>, vector<1x16xf32>,
      %swap3A_395 = vector.shape_cast %swap3A_394 : vector<1x16xf32> to vector<16xf32>
      %swap3A_396 = vector.shape_cast %add3A_391 : vector<16xf32> to vector<1x16xf32>
      tpu.vector_store %arg8[%swap3A_392, %swap3A_393], %swap3A_396 {strides = array<i32>} : memref<32x1024xf32, #tpu.memory_space<vmem>>, vector<1x16xf32>,
      %get3A_397 = arith.index_cast %scan3A_48 : i32 to index
      %get3A_398 = arith.constant 400 : index
      %get3A_399 = tpu.vector_load %arg8[%get3A_397, %get3A_398] {strides = array<i32>} : memref<32x1024xf32, #tpu.memory_space<vmem>>, vector<1x16xf32>,
      %get3A_400 = vector.shape_cast %get3A_399 : vector<1x16xf32> to vector<16xf32>
      %get3A_401 = arith.index_cast %scan3A_48 : i32 to index
      %get3A_402 = arith.constant 400 : index
      %get3A_403 = tpu.vector_load %arg9[%get3A_401, %get3A_402] {strides = array<i32>} : memref<32x1024xf32, #tpu.memory_space<vmem>>, vector<1x16xf32>,
      %get3A_404 = vector.shape_cast %get3A_403 : vector<1x16xf32> to vector<16xf32>
      %add3A_405 = arith.addf %get3A_400, %get3A_404 : vector<16xf32>
      %swap3A_406 = arith.index_cast %scan3A_48 : i32 to index
      %swap3A_407 = arith.constant 400 : index
      %swap3A_408 = tpu.vector_load %arg8[%swap3A_406, %swap3A_407] {strides = array<i32>} : memref<32x1024xf32, #tpu.memory_space<vmem>>, vector<1x16xf32>,
      %swap3A_409 = vector.shape_cast %swap3A_408 : vector<1x16xf32> to vector<16xf32>
      %swap3A_410 = vector.shape_cast %add3A_405 : vector<16xf32> to vector<1x16xf32>
      tpu.vector_store %arg8[%swap3A_406, %swap3A_407], %swap3A_410 {strides = array<i32>} : memref<32x1024xf32, #tpu.memory_space<vmem>>, vector<1x16xf32>,
      %get3A_411 = arith.index_cast %scan3A_48 : i32 to index
      %get3A_412 = arith.constant 416 : index
      %get3A_413 = tpu.vector_load %arg8[%get3A_411, %get3A_412] {strides = array<i32>} : memref<32x1024xf32, #tpu.memory_space<vmem>>, vector<1x16xf32>,
      %get3A_414 = vector.shape_cast %get3A_413 : vector<1x16xf32> to vector<16xf32>
      %get3A_415 = arith.index_cast %scan3A_48 : i32 to index
      %get3A_416 = arith.constant 416 : index
      %get3A_417 = tpu.vector_load %arg9[%get3A_415, %get3A_416] {strides = array<i32>} : memref<32x1024xf32, #tpu.memory_space<vmem>>, vector<1x16xf32>,
      %get3A_418 = vector.shape_cast %get3A_417 : vector<1x16xf32> to vector<16xf32>
      %add3A_419 = arith.addf %get3A_414, %get3A_418 : vector<16xf32>
      %swap3A_420 = arith.index_cast %scan3A_48 : i32 to index
      %swap3A_421 = arith.constant 416 : index
      %swap3A_422 = tpu.vector_load %arg8[%swap3A_420, %swap3A_421] {strides = array<i32>} : memref<32x1024xf32, #tpu.memory_space<vmem>>, vector<1x16xf32>,
      %swap3A_423 = vector.shape_cast %swap3A_422 : vector<1x16xf32> to vector<16xf32>
      %swap3A_424 = vector.shape_cast %add3A_419 : vector<16xf32> to vector<1x16xf32>
      tpu.vector_store %arg8[%swap3A_420, %swap3A_421], %swap3A_424 {strides = array<i32>} : memref<32x1024xf32, #tpu.memory_space<vmem>>, vector<1x16xf32>,
      %get3A_425 = arith.index_cast %scan3A_48 : i32 to index
      %get3A_426 = arith.constant 432 : index
      %get3A_427 = tpu.vector_load %arg8[%get3A_425, %get3A_426] {strides = array<i32>} : memref<32x1024xf32, #tpu.memory_space<vmem>>, vector<1x16xf32>,
      %get3A_428 = vector.shape_cast %get3A_427 : vector<1x16xf32> to vector<16xf32>
      %get3A_429 = arith.index_cast %scan3A_48 : i32 to index
      %get3A_430 = arith.constant 432 : index
      %get3A_431 = tpu.vector_load %arg9[%get3A_429, %get3A_430] {strides = array<i32>} : memref<32x1024xf32, #tpu.memory_space<vmem>>, vector<1x16xf32>,
      %get3A_432 = vector.shape_cast %get3A_431 : vector<1x16xf32> to vector<16xf32>
      %add3A_433 = arith.addf %get3A_428, %get3A_432 : vector<16xf32>
      %swap3A_434 = arith.index_cast %scan3A_48 : i32 to index
      %swap3A_435 = arith.constant 432 : index
      %swap3A_436 = tpu.vector_load %arg8[%swap3A_434, %swap3A_435] {strides = array<i32>} : memref<32x1024xf32, #tpu.memory_space<vmem>>, vector<1x16xf32>,
      %swap3A_437 = vector.shape_cast %swap3A_436 : vector<1x16xf32> to vector<16xf32>
      %swap3A_438 = vector.shape_cast %add3A_433 : vector<16xf32> to vector<1x16xf32>
      tpu.vector_store %arg8[%swap3A_434, %swap3A_435], %swap3A_438 {strides = array<i32>} : memref<32x1024xf32, #tpu.memory_space<vmem>>, vector<1x16xf32>,
      %get3A_439 = arith.index_cast %scan3A_48 : i32 to index
      %get3A_440 = arith.constant 448 : index
      %get3A_441 = tpu.vector_load %arg8[%get3A_439, %get3A_440] {strides = array<i32>} : memref<32x1024xf32, #tpu.memory_space<vmem>>, vector<1x16xf32>,
      %get3A_442 = vector.shape_cast %get3A_441 : vector<1x16xf32> to vector<16xf32>
      %get3A_443 = arith.index_cast %scan3A_48 : i32 to index
      %get3A_444 = arith.constant 448 : index
      %get3A_445 = tpu.vector_load %arg9[%get3A_443, %get3A_444] {strides = array<i32>} : memref<32x1024xf32, #tpu.memory_space<vmem>>, vector<1x16xf32>,
      %get3A_446 = vector.shape_cast %get3A_445 : vector<1x16xf32> to vector<16xf32>
      %add3A_447 = arith.addf %get3A_442, %get3A_446 : vector<16xf32>
      %swap3A_448 = arith.index_cast %scan3A_48 : i32 to index
      %swap3A_449 = arith.constant 448 : index
      %swap3A_450 = tpu.vector_load %arg8[%swap3A_448, %swap3A_449] {strides = array<i32>} : memref<32x1024xf32, #tpu.memory_space<vmem>>, vector<1x16xf32>,
      %swap3A_451 = vector.shape_cast %swap3A_450 : vector<1x16xf32> to vector<16xf32>
      %swap3A_452 = vector.shape_cast %add3A_447 : vector<16xf32> to vector<1x16xf32>
      tpu.vector_store %arg8[%swap3A_448, %swap3A_449], %swap3A_452 {strides = array<i32>} : memref<32x1024xf32, #tpu.memory_space<vmem>>, vector<1x16xf32>,
      %get3A_453 = arith.index_cast %scan3A_48 : i32 to index
      %get3A_454 = arith.constant 464 : index
      %get3A_455 = tpu.vector_load %arg8[%get3A_453, %get3A_454] {strides = array<i32>} : memref<32x1024xf32, #tpu.memory_space<vmem>>, vector<1x16xf32>,
      %get3A_456 = vector.shape_cast %get3A_455 : vector<1x16xf32> to vector<16xf32>
      %get3A_457 = arith.index_cast %scan3A_48 : i32 to index
      %get3A_458 = arith.constant 464 : index
      %get3A_459 = tpu.vector_load %arg9[%get3A_457, %get3A_458] {strides = array<i32>} : memref<32x1024xf32, #tpu.memory_space<vmem>>, vector<1x16xf32>,
      %get3A_460 = vector.shape_cast %get3A_459 : vector<1x16xf32> to vector<16xf32>
      %add3A_461 = arith.addf %get3A_456, %get3A_460 : vector<16xf32>
      %swap3A_462 = arith.index_cast %scan3A_48 : i32 to index
      %swap3A_463 = arith.constant 464 : index
      %swap3A_464 = tpu.vector_load %arg8[%swap3A_462, %swap3A_463] {strides = array<i32>} : memref<32x1024xf32, #tpu.memory_space<vmem>>, vector<1x16xf32>,
      %swap3A_465 = vector.shape_cast %swap3A_464 : vector<1x16xf32> to vector<16xf32>
      %swap3A_466 = vector.shape_cast %add3A_461 : vector<16xf32> to vector<1x16xf32>
      tpu.vector_store %arg8[%swap3A_462, %swap3A_463], %swap3A_466 {strides = array<i32>} : memref<32x1024xf32, #tpu.memory_space<vmem>>, vector<1x16xf32>,
      %get3A_467 = arith.index_cast %scan3A_48 : i32 to index
      %get3A_468 = arith.constant 480 : index
      %get3A_469 = tpu.vector_load %arg8[%get3A_467, %get3A_468] {strides = array<i32>} : memref<32x1024xf32, #tpu.memory_space<vmem>>, vector<1x16xf32>,
      %get3A_470 = vector.shape_cast %get3A_469 : vector<1x16xf32> to vector<16xf32>
      %get3A_471 = arith.index_cast %scan3A_48 : i32 to index
      %get3A_472 = arith.constant 480 : index
      %get3A_473 = tpu.vector_load %arg9[%get3A_471, %get3A_472] {strides = array<i32>} : memref<32x1024xf32, #tpu.memory_space<vmem>>, vector<1x16xf32>,
      %get3A_474 = vector.shape_cast %get3A_473 : vector<1x16xf32> to vector<16xf32>
      %add3A_475 = arith.addf %get3A_470, %get3A_474 : vector<16xf32>
      %swap3A_476 = arith.index_cast %scan3A_48 : i32 to index
      %swap3A_477 = arith.constant 480 : index
      %swap3A_478 = tpu.vector_load %arg8[%swap3A_476, %swap3A_477] {strides = array<i32>} : memref<32x1024xf32, #tpu.memory_space<vmem>>, vector<1x16xf32>,
      %swap3A_479 = vector.shape_cast %swap3A_478 : vector<1x16xf32> to vector<16xf32>
      %swap3A_480 = vector.shape_cast %add3A_475 : vector<16xf32> to vector<1x16xf32>
      tpu.vector_store %arg8[%swap3A_476, %swap3A_477], %swap3A_480 {strides = array<i32>} : memref<32x1024xf32, #tpu.memory_space<vmem>>, vector<1x16xf32>,
      %get3A_481 = arith.index_cast %scan3A_48 : i32 to index
      %get3A_482 = arith.constant 496 : index
      %get3A_483 = tpu.vector_load %arg8[%get3A_481, %get3A_482] {strides = array<i32>} : memref<32x1024xf32, #tpu.memory_space<vmem>>, vector<1x16xf32>,
      %get3A_484 = vector.shape_cast %get3A_483 : vector<1x16xf32> to vector<16xf32>
      %get3A_485 = arith.index_cast %scan3A_48 : i32 to index
      %get3A_486 = arith.constant 496 : index
      %get3A_487 = tpu.vector_load %arg9[%get3A_485, %get3A_486] {strides = array<i32>} : memref<32x1024xf32, #tpu.memory_space<vmem>>, vector<1x16xf32>,
      %get3A_488 = vector.shape_cast %get3A_487 : vector<1x16xf32> to vector<16xf32>
      %add3A_489 = arith.addf %get3A_484, %get3A_488 : vector<16xf32>
      %swap3A_490 = arith.index_cast %scan3A_48 : i32 to index
      %swap3A_491 = arith.constant 496 : index
      %swap3A_492 = tpu.vector_load %arg8[%swap3A_490, %swap3A_491] {strides = array<i32>} : memref<32x1024xf32, #tpu.memory_space<vmem>>, vector<1x16xf32>,
      %swap3A_493 = vector.shape_cast %swap3A_492 : vector<1x16xf32> to vector<16xf32>
      %swap3A_494 = vector.shape_cast %add3A_489 : vector<16xf32> to vector<1x16xf32>
      tpu.vector_store %arg8[%swap3A_490, %swap3A_491], %swap3A_494 {strides = array<i32>} : memref<32x1024xf32, #tpu.memory_space<vmem>>, vector<1x16xf32>,
      %get3A_495 = arith.index_cast %scan3A_48 : i32 to index
      %get3A_496 = arith.constant 512 : index
      %get3A_497 = tpu.vector_load %arg8[%get3A_495, %get3A_496] {strides = array<i32>} : memref<32x1024xf32, #tpu.memory_space<vmem>>, vector<1x16xf32>,
      %get3A_498 = vector.shape_cast %get3A_497 : vector<1x16xf32> to vector<16xf32>
      %get3A_499 = arith.index_cast %scan3A_48 : i32 to index
      %get3A_500 = arith.constant 512 : index
      %get3A_501 = tpu.vector_load %arg9[%get3A_499, %get3A_500] {strides = array<i32>} : memref<32x1024xf32, #tpu.memory_space<vmem>>, vector<1x16xf32>,
      %get3A_502 = vector.shape_cast %get3A_501 : vector<1x16xf32> to vector<16xf32>
      %add3A_503 = arith.addf %get3A_498, %get3A_502 : vector<16xf32>
      %swap3A_504 = arith.index_cast %scan3A_48 : i32 to index
      %swap3A_505 = arith.constant 512 : index
      %swap3A_506 = tpu.vector_load %arg8[%swap3A_504, %swap3A_505] {strides = array<i32>} : memref<32x1024xf32, #tpu.memory_space<vmem>>, vector<1x16xf32>,
      %swap3A_507 = vector.shape_cast %swap3A_506 : vector<1x16xf32> to vector<16xf32>
      %swap3A_508 = vector.shape_cast %add3A_503 : vector<16xf32> to vector<1x16xf32>
      tpu.vector_store %arg8[%swap3A_504, %swap3A_505], %swap3A_508 {strides = array<i32>} : memref<32x1024xf32, #tpu.memory_space<vmem>>, vector<1x16xf32>,
      %get3A_509 = arith.index_cast %scan3A_48 : i32 to index
      %get3A_510 = arith.constant 528 : index
      %get3A_511 = tpu.vector_load %arg8[%get3A_509, %get3A_510] {strides = array<i32>} : memref<32x1024xf32, #tpu.memory_space<vmem>>, vector<1x16xf32>,
      %get3A_512 = vector.shape_cast %get3A_511 : vector<1x16xf32> to vector<16xf32>
      %get3A_513 = arith.index_cast %scan3A_48 : i32 to index
      %get3A_514 = arith.constant 528 : index
      %get3A_515 = tpu.vector_load %arg9[%get3A_513, %get3A_514] {strides = array<i32>} : memref<32x1024xf32, #tpu.memory_space<vmem>>, vector<1x16xf32>,
      %get3A_516 = vector.shape_cast %get3A_515 : vector<1x16xf32> to vector<16xf32>
      %add3A_517 = arith.addf %get3A_512, %get3A_516 : vector<16xf32>
      %swap3A_518 = arith.index_cast %scan3A_48 : i32 to index
      %swap3A_519 = arith.constant 528 : index
      %swap3A_520 = tpu.vector_load %arg8[%swap3A_518, %swap3A_519] {strides = array<i32>} : memref<32x1024xf32, #tpu.memory_space<vmem>>, vector<1x16xf32>,
      %swap3A_521 = vector.shape_cast %swap3A_520 : vector<1x16xf32> to vector<16xf32>
      %swap3A_522 = vector.shape_cast %add3A_517 : vector<16xf32> to vector<1x16xf32>
      tpu.vector_store %arg8[%swap3A_518, %swap3A_519], %swap3A_522 {strides = array<i32>} : memref<32x1024xf32, #tpu.memory_space<vmem>>, vector<1x16xf32>,
      %get3A_523 = arith.index_cast %scan3A_48 : i32 to index
      %get3A_524 = arith.constant 544 : index
      %get3A_525 = tpu.vector_load %arg8[%get3A_523, %get3A_524] {strides = array<i32>} : memref<32x1024xf32, #tpu.memory_space<vmem>>, vector<1x16xf32>,
      %get3A_526 = vector.shape_cast %get3A_525 : vector<1x16xf32> to vector<16xf32>
      %get3A_527 = arith.index_cast %scan3A_48 : i32 to index
      %get3A_528 = arith.constant 544 : index
      %get3A_529 = tpu.vector_load %arg9[%get3A_527, %get3A_528] {strides = array<i32>} : memref<32x1024xf32, #tpu.memory_space<vmem>>, vector<1x16xf32>,
      %get3A_530 = vector.shape_cast %get3A_529 : vector<1x16xf32> to vector<16xf32>
      %add3A_531 = arith.addf %get3A_526, %get3A_530 : vector<16xf32>
      %swap3A_532 = arith.index_cast %scan3A_48 : i32 to index
      %swap3A_533 = arith.constant 544 : index
      %swap3A_534 = tpu.vector_load %arg8[%swap3A_532, %swap3A_533] {strides = array<i32>} : memref<32x1024xf32, #tpu.memory_space<vmem>>, vector<1x16xf32>,
      %swap3A_535 = vector.shape_cast %swap3A_534 : vector<1x16xf32> to vector<16xf32>
      %swap3A_536 = vector.shape_cast %add3A_531 : vector<16xf32> to vector<1x16xf32>
      tpu.vector_store %arg8[%swap3A_532, %swap3A_533], %swap3A_536 {strides = array<i32>} : memref<32x1024xf32, #tpu.memory_space<vmem>>, vector<1x16xf32>,
      %get3A_537 = arith.index_cast %scan3A_48 : i32 to index
      %get3A_538 = arith.constant 560 : index
      %get3A_539 = tpu.vector_load %arg8[%get3A_537, %get3A_538] {strides = array<i32>} : memref<32x1024xf32, #tpu.memory_space<vmem>>, vector<1x16xf32>,
      %get3A_540 = vector.shape_cast %get3A_539 : vector<1x16xf32> to vector<16xf32>
      %get3A_541 = arith.index_cast %scan3A_48 : i32 to index
      %get3A_542 = arith.constant 560 : index
      %get3A_543 = tpu.vector_load %arg9[%get3A_541, %get3A_542] {strides = array<i32>} : memref<32x1024xf32, #tpu.memory_space<vmem>>, vector<1x16xf32>,
      %get3A_544 = vector.shape_cast %get3A_543 : vector<1x16xf32> to vector<16xf32>
      %add3A_545 = arith.addf %get3A_540, %get3A_544 : vector<16xf32>
      %swap3A_546 = arith.index_cast %scan3A_48 : i32 to index
      %swap3A_547 = arith.constant 560 : index
      %swap3A_548 = tpu.vector_load %arg8[%swap3A_546, %swap3A_547] {strides = array<i32>} : memref<32x1024xf32, #tpu.memory_space<vmem>>, vector<1x16xf32>,
      %swap3A_549 = vector.shape_cast %swap3A_548 : vector<1x16xf32> to vector<16xf32>
      %swap3A_550 = vector.shape_cast %add3A_545 : vector<16xf32> to vector<1x16xf32>
      tpu.vector_store %arg8[%swap3A_546, %swap3A_547], %swap3A_550 {strides = array<i32>} : memref<32x1024xf32, #tpu.memory_space<vmem>>, vector<1x16xf32>,
      %get3A_551 = arith.index_cast %scan3A_48 : i32 to index
      %get3A_552 = arith.constant 576 : index
      %get3A_553 = tpu.vector_load %arg8[%get3A_551, %get3A_552] {strides = array<i32>} : memref<32x1024xf32, #tpu.memory_space<vmem>>, vector<1x16xf32>,
      %get3A_554 = vector.shape_cast %get3A_553 : vector<1x16xf32> to vector<16xf32>
      %get3A_555 = arith.index_cast %scan3A_48 : i32 to index
      %get3A_556 = arith.constant 576 : index
      %get3A_557 = tpu.vector_load %arg9[%get3A_555, %get3A_556] {strides = array<i32>} : memref<32x1024xf32, #tpu.memory_space<vmem>>, vector<1x16xf32>,
      %get3A_558 = vector.shape_cast %get3A_557 : vector<1x16xf32> to vector<16xf32>
      %add3A_559 = arith.addf %get3A_554, %get3A_558 : vector<16xf32>
      %swap3A_560 = arith.index_cast %scan3A_48 : i32 to index
      %swap3A_561 = arith.constant 576 : index
      %swap3A_562 = tpu.vector_load %arg8[%swap3A_560, %swap3A_561] {strides = array<i32>} : memref<32x1024xf32, #tpu.memory_space<vmem>>, vector<1x16xf32>,
      %swap3A_563 = vector.shape_cast %swap3A_562 : vector<1x16xf32> to vector<16xf32>
      %swap3A_564 = vector.shape_cast %add3A_559 : vector<16xf32> to vector<1x16xf32>
      tpu.vector_store %arg8[%swap3A_560, %swap3A_561], %swap3A_564 {strides = array<i32>} : memref<32x1024xf32, #tpu.memory_space<vmem>>, vector<1x16xf32>,
      %get3A_565 = arith.index_cast %scan3A_48 : i32 to index
      %get3A_566 = arith.constant 592 : index
      %get3A_567 = tpu.vector_load %arg8[%get3A_565, %get3A_566] {strides = array<i32>} : memref<32x1024xf32, #tpu.memory_space<vmem>>, vector<1x16xf32>,
      %get3A_568 = vector.shape_cast %get3A_567 : vector<1x16xf32> to vector<16xf32>
      %get3A_569 = arith.index_cast %scan3A_48 : i32 to index
      %get3A_570 = arith.constant 592 : index
      %get3A_571 = tpu.vector_load %arg9[%get3A_569, %get3A_570] {strides = array<i32>} : memref<32x1024xf32, #tpu.memory_space<vmem>>, vector<1x16xf32>,
      %get3A_572 = vector.shape_cast %get3A_571 : vector<1x16xf32> to vector<16xf32>
      %add3A_573 = arith.addf %get3A_568, %get3A_572 : vector<16xf32>
      %swap3A_574 = arith.index_cast %scan3A_48 : i32 to index
      %swap3A_575 = arith.constant 592 : index
      %swap3A_576 = tpu.vector_load %arg8[%swap3A_574, %swap3A_575] {strides = array<i32>} : memref<32x1024xf32, #tpu.memory_space<vmem>>, vector<1x16xf32>,
      %swap3A_577 = vector.shape_cast %swap3A_576 : vector<1x16xf32> to vector<16xf32>
      %swap3A_578 = vector.shape_cast %add3A_573 : vector<16xf32> to vector<1x16xf32>
      tpu.vector_store %arg8[%swap3A_574, %swap3A_575], %swap3A_578 {strides = array<i32>} : memref<32x1024xf32, #tpu.memory_space<vmem>>, vector<1x16xf32>,
      %get3A_579 = arith.index_cast %scan3A_48 : i32 to index
      %get3A_580 = arith.constant 608 : index
      %get3A_581 = tpu.vector_load %arg8[%get3A_579, %get3A_580] {strides = array<i32>} : memref<32x1024xf32, #tpu.memory_space<vmem>>, vector<1x16xf32>,
      %get3A_582 = vector.shape_cast %get3A_581 : vector<1x16xf32> to vector<16xf32>
      %get3A_583 = arith.index_cast %scan3A_48 : i32 to index
      %get3A_584 = arith.constant 608 : index
      %get3A_585 = tpu.vector_load %arg9[%get3A_583, %get3A_584] {strides = array<i32>} : memref<32x1024xf32, #tpu.memory_space<vmem>>, vector<1x16xf32>,
      %get3A_586 = vector.shape_cast %get3A_585 : vector<1x16xf32> to vector<16xf32>
      %add3A_587 = arith.addf %get3A_582, %get3A_586 : vector<16xf32>
      %swap3A_588 = arith.index_cast %scan3A_48 : i32 to index
      %swap3A_589 = arith.constant 608 : index
      %swap3A_590 = tpu.vector_load %arg8[%swap3A_588, %swap3A_589] {strides = array<i32>} : memref<32x1024xf32, #tpu.memory_space<vmem>>, vector<1x16xf32>,
      %swap3A_591 = vector.shape_cast %swap3A_590 : vector<1x16xf32> to vector<16xf32>
      %swap3A_592 = vector.shape_cast %add3A_587 : vector<16xf32> to vector<1x16xf32>
      tpu.vector_store %arg8[%swap3A_588, %swap3A_589], %swap3A_592 {strides = array<i32>} : memref<32x1024xf32, #tpu.memory_space<vmem>>, vector<1x16xf32>,
      %get3A_593 = arith.index_cast %scan3A_48 : i32 to index
      %get3A_594 = arith.constant 624 : index
      %get3A_595 = tpu.vector_load %arg8[%get3A_593, %get3A_594] {strides = array<i32>} : memref<32x1024xf32, #tpu.memory_space<vmem>>, vector<1x16xf32>,
      %get3A_596 = vector.shape_cast %get3A_595 : vector<1x16xf32> to vector<16xf32>
      %get3A_597 = arith.index_cast %scan3A_48 : i32 to index
      %get3A_598 = arith.constant 624 : index
      %get3A_599 = tpu.vector_load %arg9[%get3A_597, %get3A_598] {strides = array<i32>} : memref<32x1024xf32, #tpu.memory_space<vmem>>, vector<1x16xf32>,
      %get3A_600 = vector.shape_cast %get3A_599 : vector<1x16xf32> to vector<16xf32>
      %add3A_601 = arith.addf %get3A_596, %get3A_600 : vector<16xf32>
      %swap3A_602 = arith.index_cast %scan3A_48 : i32 to index
      %swap3A_603 = arith.constant 624 : index
      %swap3A_604 = tpu.vector_load %arg8[%swap3A_602, %swap3A_603] {strides = array<i32>} : memref<32x1024xf32, #tpu.memory_space<vmem>>, vector<1x16xf32>,
      %swap3A_605 = vector.shape_cast %swap3A_604 : vector<1x16xf32> to vector<16xf32>
      %swap3A_606 = vector.shape_cast %add3A_601 : vector<16xf32> to vector<1x16xf32>
      tpu.vector_store %arg8[%swap3A_602, %swap3A_603], %swap3A_606 {strides = array<i32>} : memref<32x1024xf32, #tpu.memory_space<vmem>>, vector<1x16xf32>,
      %get3A_607 = arith.index_cast %scan3A_48 : i32 to index
      %get3A_608 = arith.constant 640 : index
      %get3A_609 = tpu.vector_load %arg8[%get3A_607, %get3A_608] {strides = array<i32>} : memref<32x1024xf32, #tpu.memory_space<vmem>>, vector<1x16xf32>,
      %get3A_610 = vector.shape_cast %get3A_609 : vector<1x16xf32> to vector<16xf32>
      %get3A_611 = arith.index_cast %scan3A_48 : i32 to index
      %get3A_612 = arith.constant 640 : index
      %get3A_613 = tpu.vector_load %arg9[%get3A_611, %get3A_612] {strides = array<i32>} : memref<32x1024xf32, #tpu.memory_space<vmem>>, vector<1x16xf32>,
      %get3A_614 = vector.shape_cast %get3A_613 : vector<1x16xf32> to vector<16xf32>
      %add3A_615 = arith.addf %get3A_610, %get3A_614 : vector<16xf32>
      %swap3A_616 = arith.index_cast %scan3A_48 : i32 to index
      %swap3A_617 = arith.constant 640 : index
      %swap3A_618 = tpu.vector_load %arg8[%swap3A_616, %swap3A_617] {strides = array<i32>} : memref<32x1024xf32, #tpu.memory_space<vmem>>, vector<1x16xf32>,
      %swap3A_619 = vector.shape_cast %swap3A_618 : vector<1x16xf32> to vector<16xf32>
      %swap3A_620 = vector.shape_cast %add3A_615 : vector<16xf32> to vector<1x16xf32>
      tpu.vector_store %arg8[%swap3A_616, %swap3A_617], %swap3A_620 {strides = array<i32>} : memref<32x1024xf32, #tpu.memory_space<vmem>>, vector<1x16xf32>,
      %get3A_621 = arith.index_cast %scan3A_48 : i32 to index
      %get3A_622 = arith.constant 656 : index
      %get3A_623 = tpu.vector_load %arg8[%get3A_621, %get3A_622] {strides = array<i32>} : memref<32x1024xf32, #tpu.memory_space<vmem>>, vector<1x16xf32>,
      %get3A_624 = vector.shape_cast %get3A_623 : vector<1x16xf32> to vector<16xf32>
      %get3A_625 = arith.index_cast %scan3A_48 : i32 to index
      %get3A_626 = arith.constant 656 : index
      %get3A_627 = tpu.vector_load %arg9[%get3A_625, %get3A_626] {strides = array<i32>} : memref<32x1024xf32, #tpu.memory_space<vmem>>, vector<1x16xf32>,
      %get3A_628 = vector.shape_cast %get3A_627 : vector<1x16xf32> to vector<16xf32>
      %add3A_629 = arith.addf %get3A_624, %get3A_628 : vector<16xf32>
      %swap3A_630 = arith.index_cast %scan3A_48 : i32 to index
      %swap3A_631 = arith.constant 656 : index
      %swap3A_632 = tpu.vector_load %arg8[%swap3A_630, %swap3A_631] {strides = array<i32>} : memref<32x1024xf32, #tpu.memory_space<vmem>>, vector<1x16xf32>,
      %swap3A_633 = vector.shape_cast %swap3A_632 : vector<1x16xf32> to vector<16xf32>
      %swap3A_634 = vector.shape_cast %add3A_629 : vector<16xf32> to vector<1x16xf32>
      tpu.vector_store %arg8[%swap3A_630, %swap3A_631], %swap3A_634 {strides = array<i32>} : memref<32x1024xf32, #tpu.memory_space<vmem>>, vector<1x16xf32>,
      %get3A_635 = arith.index_cast %scan3A_48 : i32 to index
      %get3A_636 = arith.constant 672 : index
      %get3A_637 = tpu.vector_load %arg8[%get3A_635, %get3A_636] {strides = array<i32>} : memref<32x1024xf32, #tpu.memory_space<vmem>>, vector<1x16xf32>,
      %get3A_638 = vector.shape_cast %get3A_637 : vector<1x16xf32> to vector<16xf32>
      %get3A_639 = arith.index_cast %scan3A_48 : i32 to index
      %get3A_640 = arith.constant 672 : index
      %get3A_641 = tpu.vector_load %arg9[%get3A_639, %get3A_640] {strides = array<i32>} : memref<32x1024xf32, #tpu.memory_space<vmem>>, vector<1x16xf32>,
      %get3A_642 = vector.shape_cast %get3A_641 : vector<1x16xf32> to vector<16xf32>
      %add3A_643 = arith.addf %get3A_638, %get3A_642 : vector<16xf32>
      %swap3A_644 = arith.index_cast %scan3A_48 : i32 to index
      %swap3A_645 = arith.constant 672 : index
      %swap3A_646 = tpu.vector_load %arg8[%swap3A_644, %swap3A_645] {strides = array<i32>} : memref<32x1024xf32, #tpu.memory_space<vmem>>, vector<1x16xf32>,
      %swap3A_647 = vector.shape_cast %swap3A_646 : vector<1x16xf32> to vector<16xf32>
      %swap3A_648 = vector.shape_cast %add3A_643 : vector<16xf32> to vector<1x16xf32>
      tpu.vector_store %arg8[%swap3A_644, %swap3A_645], %swap3A_648 {strides = array<i32>} : memref<32x1024xf32, #tpu.memory_space<vmem>>, vector<1x16xf32>,
      %get3A_649 = arith.index_cast %scan3A_48 : i32 to index
      %get3A_650 = arith.constant 688 : index
      %get3A_651 = tpu.vector_load %arg8[%get3A_649, %get3A_650] {strides = array<i32>} : memref<32x1024xf32, #tpu.memory_space<vmem>>, vector<1x16xf32>,
      %get3A_652 = vector.shape_cast %get3A_651 : vector<1x16xf32> to vector<16xf32>
      %get3A_653 = arith.index_cast %scan3A_48 : i32 to index
      %get3A_654 = arith.constant 688 : index
      %get3A_655 = tpu.vector_load %arg9[%get3A_653, %get3A_654] {strides = array<i32>} : memref<32x1024xf32, #tpu.memory_space<vmem>>, vector<1x16xf32>,
      %get3A_656 = vector.shape_cast %get3A_655 : vector<1x16xf32> to vector<16xf32>
      %add3A_657 = arith.addf %get3A_652, %get3A_656 : vector<16xf32>
      %swap3A_658 = arith.index_cast %scan3A_48 : i32 to index
      %swap3A_659 = arith.constant 688 : index
      %swap3A_660 = tpu.vector_load %arg8[%swap3A_658, %swap3A_659] {strides = array<i32>} : memref<32x1024xf32, #tpu.memory_space<vmem>>, vector<1x16xf32>,
      %swap3A_661 = vector.shape_cast %swap3A_660 : vector<1x16xf32> to vector<16xf32>
      %swap3A_662 = vector.shape_cast %add3A_657 : vector<16xf32> to vector<1x16xf32>
      tpu.vector_store %arg8[%swap3A_658, %swap3A_659], %swap3A_662 {strides = array<i32>} : memref<32x1024xf32, #tpu.memory_space<vmem>>, vector<1x16xf32>,
      %get3A_663 = arith.index_cast %scan3A_48 : i32 to index
      %get3A_664 = arith.constant 704 : index
      %get3A_665 = tpu.vector_load %arg8[%get3A_663, %get3A_664] {strides = array<i32>} : memref<32x1024xf32, #tpu.memory_space<vmem>>, vector<1x16xf32>,
      %get3A_666 = vector.shape_cast %get3A_665 : vector<1x16xf32> to vector<16xf32>
      %get3A_667 = arith.index_cast %scan3A_48 : i32 to index
      %get3A_668 = arith.constant 704 : index
      %get3A_669 = tpu.vector_load %arg9[%get3A_667, %get3A_668] {strides = array<i32>} : memref<32x1024xf32, #tpu.memory_space<vmem>>, vector<1x16xf32>,
      %get3A_670 = vector.shape_cast %get3A_669 : vector<1x16xf32> to vector<16xf32>
      %add3A_671 = arith.addf %get3A_666, %get3A_670 : vector<16xf32>
      %swap3A_672 = arith.index_cast %scan3A_48 : i32 to index
      %swap3A_673 = arith.constant 704 : index
      %swap3A_674 = tpu.vector_load %arg8[%swap3A_672, %swap3A_673] {strides = array<i32>} : memref<32x1024xf32, #tpu.memory_space<vmem>>, vector<1x16xf32>,
      %swap3A_675 = vector.shape_cast %swap3A_674 : vector<1x16xf32> to vector<16xf32>
      %swap3A_676 = vector.shape_cast %add3A_671 : vector<16xf32> to vector<1x16xf32>
      tpu.vector_store %arg8[%swap3A_672, %swap3A_673], %swap3A_676 {strides = array<i32>} : memref<32x1024xf32, #tpu.memory_space<vmem>>, vector<1x16xf32>,
      %get3A_677 = arith.index_cast %scan3A_48 : i32 to index
      %get3A_678 = arith.constant 720 : index
      %get3A_679 = tpu.vector_load %arg8[%get3A_677, %get3A_678] {strides = array<i32>} : memref<32x1024xf32, #tpu.memory_space<vmem>>, vector<1x16xf32>,
      %get3A_680 = vector.shape_cast %get3A_679 : vector<1x16xf32> to vector<16xf32>
      %get3A_681 = arith.index_cast %scan3A_48 : i32 to index
      %get3A_682 = arith.constant 720 : index
      %get3A_683 = tpu.vector_load %arg9[%get3A_681, %get3A_682] {strides = array<i32>} : memref<32x1024xf32, #tpu.memory_space<vmem>>, vector<1x16xf32>,
      %get3A_684 = vector.shape_cast %get3A_683 : vector<1x16xf32> to vector<16xf32>
      %add3A_685 = arith.addf %get3A_680, %get3A_684 : vector<16xf32>
      %swap3A_686 = arith.index_cast %scan3A_48 : i32 to index
      %swap3A_687 = arith.constant 720 : index
      %swap3A_688 = tpu.vector_load %arg8[%swap3A_686, %swap3A_687] {strides = array<i32>} : memref<32x1024xf32, #tpu.memory_space<vmem>>, vector<1x16xf32>,
      %swap3A_689 = vector.shape_cast %swap3A_688 : vector<1x16xf32> to vector<16xf32>
      %swap3A_690 = vector.shape_cast %add3A_685 : vector<16xf32> to vector<1x16xf32>
      tpu.vector_store %arg8[%swap3A_686, %swap3A_687], %swap3A_690 {strides = array<i32>} : memref<32x1024xf32, #tpu.memory_space<vmem>>, vector<1x16xf32>,
      %get3A_691 = arith.index_cast %scan3A_48 : i32 to index
      %get3A_692 = arith.constant 736 : index
      %get3A_693 = tpu.vector_load %arg8[%get3A_691, %get3A_692] {strides = array<i32>} : memref<32x1024xf32, #tpu.memory_space<vmem>>, vector<1x16xf32>,
      %get3A_694 = vector.shape_cast %get3A_693 : vector<1x16xf32> to vector<16xf32>
      %get3A_695 = arith.index_cast %scan3A_48 : i32 to index
      %get3A_696 = arith.constant 736 : index
      %get3A_697 = tpu.vector_load %arg9[%get3A_695, %get3A_696] {strides = array<i32>} : memref<32x1024xf32, #tpu.memory_space<vmem>>, vector<1x16xf32>,
      %get3A_698 = vector.shape_cast %get3A_697 : vector<1x16xf32> to vector<16xf32>
      %add3A_699 = arith.addf %get3A_694, %get3A_698 : vector<16xf32>
      %swap3A_700 = arith.index_cast %scan3A_48 : i32 to index
      %swap3A_701 = arith.constant 736 : index
      %swap3A_702 = tpu.vector_load %arg8[%swap3A_700, %swap3A_701] {strides = array<i32>} : memref<32x1024xf32, #tpu.memory_space<vmem>>, vector<1x16xf32>,
      %swap3A_703 = vector.shape_cast %swap3A_702 : vector<1x16xf32> to vector<16xf32>
      %swap3A_704 = vector.shape_cast %add3A_699 : vector<16xf32> to vector<1x16xf32>
      tpu.vector_store %arg8[%swap3A_700, %swap3A_701], %swap3A_704 {strides = array<i32>} : memref<32x1024xf32, #tpu.memory_space<vmem>>, vector<1x16xf32>,
      %get3A_705 = arith.index_cast %scan3A_48 : i32 to index
      %get3A_706 = arith.constant 752 : index
      %get3A_707 = tpu.vector_load %arg8[%get3A_705, %get3A_706] {strides = array<i32>} : memref<32x1024xf32, #tpu.memory_space<vmem>>, vector<1x16xf32>,
      %get3A_708 = vector.shape_cast %get3A_707 : vector<1x16xf32> to vector<16xf32>
      %get3A_709 = arith.index_cast %scan3A_48 : i32 to index
      %get3A_710 = arith.constant 752 : index
      %get3A_711 = tpu.vector_load %arg9[%get3A_709, %get3A_710] {strides = array<i32>} : memref<32x1024xf32, #tpu.memory_space<vmem>>, vector<1x16xf32>,
      %get3A_712 = vector.shape_cast %get3A_711 : vector<1x16xf32> to vector<16xf32>
      %add3A_713 = arith.addf %get3A_708, %get3A_712 : vector<16xf32>
      %swap3A_714 = arith.index_cast %scan3A_48 : i32 to index
      %swap3A_715 = arith.constant 752 : index
      %swap3A_716 = tpu.vector_load %arg8[%swap3A_714, %swap3A_715] {strides = array<i32>} : memref<32x1024xf32, #tpu.memory_space<vmem>>, vector<1x16xf32>,
      %swap3A_717 = vector.shape_cast %swap3A_716 : vector<1x16xf32> to vector<16xf32>
      %swap3A_718 = vector.shape_cast %add3A_713 : vector<16xf32> to vector<1x16xf32>
      tpu.vector_store %arg8[%swap3A_714, %swap3A_715], %swap3A_718 {strides = array<i32>} : memref<32x1024xf32, #tpu.memory_space<vmem>>, vector<1x16xf32>,
      %get3A_719 = arith.index_cast %scan3A_48 : i32 to index
      %get3A_720 = arith.constant 768 : index
      %get3A_721 = tpu.vector_load %arg8[%get3A_719, %get3A_720] {strides = array<i32>} : memref<32x1024xf32, #tpu.memory_space<vmem>>, vector<1x16xf32>,
      %get3A_722 = vector.shape_cast %get3A_721 : vector<1x16xf32> to vector<16xf32>
      %get3A_723 = arith.index_cast %scan3A_48 : i32 to index
      %get3A_724 = arith.constant 768 : index
      %get3A_725 = tpu.vector_load %arg9[%get3A_723, %get3A_724] {strides = array<i32>} : memref<32x1024xf32, #tpu.memory_space<vmem>>, vector<1x16xf32>,
      %get3A_726 = vector.shape_cast %get3A_725 : vector<1x16xf32> to vector<16xf32>
      %add3A_727 = arith.addf %get3A_722, %get3A_726 : vector<16xf32>
      %swap3A_728 = arith.index_cast %scan3A_48 : i32 to index
      %swap3A_729 = arith.constant 768 : index
      %swap3A_730 = tpu.vector_load %arg8[%swap3A_728, %swap3A_729] {strides = array<i32>} : memref<32x1024xf32, #tpu.memory_space<vmem>>, vector<1x16xf32>,
      %swap3A_731 = vector.shape_cast %swap3A_730 : vector<1x16xf32> to vector<16xf32>
      %swap3A_732 = vector.shape_cast %add3A_727 : vector<16xf32> to vector<1x16xf32>
      tpu.vector_store %arg8[%swap3A_728, %swap3A_729], %swap3A_732 {strides = array<i32>} : memref<32x1024xf32, #tpu.memory_space<vmem>>, vector<1x16xf32>,
      %get3A_733 = arith.index_cast %scan3A_48 : i32 to index
      %get3A_734 = arith.constant 784 : index
      %get3A_735 = tpu.vector_load %arg8[%get3A_733, %get3A_734] {strides = array<i32>} : memref<32x1024xf32, #tpu.memory_space<vmem>>, vector<1x16xf32>,
      %get3A_736 = vector.shape_cast %get3A_735 : vector<1x16xf32> to vector<16xf32>
      %get3A_737 = arith.index_cast %scan3A_48 : i32 to index
      %get3A_738 = arith.constant 784 : index
      %get3A_739 = tpu.vector_load %arg9[%get3A_737, %get3A_738] {strides = array<i32>} : memref<32x1024xf32, #tpu.memory_space<vmem>>, vector<1x16xf32>,
      %get3A_740 = vector.shape_cast %get3A_739 : vector<1x16xf32> to vector<16xf32>
      %add3A_741 = arith.addf %get3A_736, %get3A_740 : vector<16xf32>
      %swap3A_742 = arith.index_cast %scan3A_48 : i32 to index
      %swap3A_743 = arith.constant 784 : index
      %swap3A_744 = tpu.vector_load %arg8[%swap3A_742, %swap3A_743] {strides = array<i32>} : memref<32x1024xf32, #tpu.memory_space<vmem>>, vector<1x16xf32>,
      %swap3A_745 = vector.shape_cast %swap3A_744 : vector<1x16xf32> to vector<16xf32>
      %swap3A_746 = vector.shape_cast %add3A_741 : vector<16xf32> to vector<1x16xf32>
      tpu.vector_store %arg8[%swap3A_742, %swap3A_743], %swap3A_746 {strides = array<i32>} : memref<32x1024xf32, #tpu.memory_space<vmem>>, vector<1x16xf32>,
      %get3A_747 = arith.index_cast %scan3A_48 : i32 to index
      %get3A_748 = arith.constant 800 : index
      %get3A_749 = tpu.vector_load %arg8[%get3A_747, %get3A_748] {strides = array<i32>} : memref<32x1024xf32, #tpu.memory_space<vmem>>, vector<1x16xf32>,
      %get3A_750 = vector.shape_cast %get3A_749 : vector<1x16xf32> to vector<16xf32>
      %get3A_751 = arith.index_cast %scan3A_48 : i32 to index
      %get3A_752 = arith.constant 800 : index
      %get3A_753 = tpu.vector_load %arg9[%get3A_751, %get3A_752] {strides = array<i32>} : memref<32x1024xf32, #tpu.memory_space<vmem>>, vector<1x16xf32>,
      %get3A_754 = vector.shape_cast %get3A_753 : vector<1x16xf32> to vector<16xf32>
      %add3A_755 = arith.addf %get3A_750, %get3A_754 : vector<16xf32>
      %swap3A_756 = arith.index_cast %scan3A_48 : i32 to index
      %swap3A_757 = arith.constant 800 : index
      %swap3A_758 = tpu.vector_load %arg8[%swap3A_756, %swap3A_757] {strides = array<i32>} : memref<32x1024xf32, #tpu.memory_space<vmem>>, vector<1x16xf32>,
      %swap3A_759 = vector.shape_cast %swap3A_758 : vector<1x16xf32> to vector<16xf32>
      %swap3A_760 = vector.shape_cast %add3A_755 : vector<16xf32> to vector<1x16xf32>
      tpu.vector_store %arg8[%swap3A_756, %swap3A_757], %swap3A_760 {strides = array<i32>} : memref<32x1024xf32, #tpu.memory_space<vmem>>, vector<1x16xf32>,
      %get3A_761 = arith.index_cast %scan3A_48 : i32 to index
      %get3A_762 = arith.constant 816 : index
      %get3A_763 = tpu.vector_load %arg8[%get3A_761, %get3A_762] {strides = array<i32>} : memref<32x1024xf32, #tpu.memory_space<vmem>>, vector<1x16xf32>,
      %get3A_764 = vector.shape_cast %get3A_763 : vector<1x16xf32> to vector<16xf32>
      %get3A_765 = arith.index_cast %scan3A_48 : i32 to index
      %get3A_766 = arith.constant 816 : index
      %get3A_767 = tpu.vector_load %arg9[%get3A_765, %get3A_766] {strides = array<i32>} : memref<32x1024xf32, #tpu.memory_space<vmem>>, vector<1x16xf32>,
      %get3A_768 = vector.shape_cast %get3A_767 : vector<1x16xf32> to vector<16xf32>
      %add3A_769 = arith.addf %get3A_764, %get3A_768 : vector<16xf32>
      %swap3A_770 = arith.index_cast %scan3A_48 : i32 to index
      %swap3A_771 = arith.constant 816 : index
      %swap3A_772 = tpu.vector_load %arg8[%swap3A_770, %swap3A_771] {strides = array<i32>} : memref<32x1024xf32, #tpu.memory_space<vmem>>, vector<1x16xf32>,
      %swap3A_773 = vector.shape_cast %swap3A_772 : vector<1x16xf32> to vector<16xf32>
      %swap3A_774 = vector.shape_cast %add3A_769 : vector<16xf32> to vector<1x16xf32>
      tpu.vector_store %arg8[%swap3A_770, %swap3A_771], %swap3A_774 {strides = array<i32>} : memref<32x1024xf32, #tpu.memory_space<vmem>>, vector<1x16xf32>,
      %get3A_775 = arith.index_cast %scan3A_48 : i32 to index
      %get3A_776 = arith.constant 832 : index
      %get3A_777 = tpu.vector_load %arg8[%get3A_775, %get3A_776] {strides = array<i32>} : memref<32x1024xf32, #tpu.memory_space<vmem>>, vector<1x16xf32>,
      %get3A_778 = vector.shape_cast %get3A_777 : vector<1x16xf32> to vector<16xf32>
      %get3A_779 = arith.index_cast %scan3A_48 : i32 to index
      %get3A_780 = arith.constant 832 : index
      %get3A_781 = tpu.vector_load %arg9[%get3A_779, %get3A_780] {strides = array<i32>} : memref<32x1024xf32, #tpu.memory_space<vmem>>, vector<1x16xf32>,
      %get3A_782 = vector.shape_cast %get3A_781 : vector<1x16xf32> to vector<16xf32>
      %add3A_783 = arith.addf %get3A_778, %get3A_782 : vector<16xf32>
      %swap3A_784 = arith.index_cast %scan3A_48 : i32 to index
      %swap3A_785 = arith.constant 832 : index
      %swap3A_786 = tpu.vector_load %arg8[%swap3A_784, %swap3A_785] {strides = array<i32>} : memref<32x1024xf32, #tpu.memory_space<vmem>>, vector<1x16xf32>,
      %swap3A_787 = vector.shape_cast %swap3A_786 : vector<1x16xf32> to vector<16xf32>
      %swap3A_788 = vector.shape_cast %add3A_783 : vector<16xf32> to vector<1x16xf32>
      tpu.vector_store %arg8[%swap3A_784, %swap3A_785], %swap3A_788 {strides = array<i32>} : memref<32x1024xf32, #tpu.memory_space<vmem>>, vector<1x16xf32>,
      %get3A_789 = arith.index_cast %scan3A_48 : i32 to index
      %get3A_790 = arith.constant 848 : index
      %get3A_791 = tpu.vector_load %arg8[%get3A_789, %get3A_790] {strides = array<i32>} : memref<32x1024xf32, #tpu.memory_space<vmem>>, vector<1x16xf32>,
      %get3A_792 = vector.shape_cast %get3A_791 : vector<1x16xf32> to vector<16xf32>
      %get3A_793 = arith.index_cast %scan3A_48 : i32 to index
      %get3A_794 = arith.constant 848 : index
      %get3A_795 = tpu.vector_load %arg9[%get3A_793, %get3A_794] {strides = array<i32>} : memref<32x1024xf32, #tpu.memory_space<vmem>>, vector<1x16xf32>,
      %get3A_796 = vector.shape_cast %get3A_795 : vector<1x16xf32> to vector<16xf32>
      %add3A_797 = arith.addf %get3A_792, %get3A_796 : vector<16xf32>
      %swap3A_798 = arith.index_cast %scan3A_48 : i32 to index
      %swap3A_799 = arith.constant 848 : index
      %swap3A_800 = tpu.vector_load %arg8[%swap3A_798, %swap3A_799] {strides = array<i32>} : memref<32x1024xf32, #tpu.memory_space<vmem>>, vector<1x16xf32>,
      %swap3A_801 = vector.shape_cast %swap3A_800 : vector<1x16xf32> to vector<16xf32>
      %swap3A_802 = vector.shape_cast %add3A_797 : vector<16xf32> to vector<1x16xf32>
      tpu.vector_store %arg8[%swap3A_798, %swap3A_799], %swap3A_802 {strides = array<i32>} : memref<32x1024xf32, #tpu.memory_space<vmem>>, vector<1x16xf32>,
      %get3A_803 = arith.index_cast %scan3A_48 : i32 to index
      %get3A_804 = arith.constant 864 : index
      %get3A_805 = tpu.vector_load %arg8[%get3A_803, %get3A_804] {strides = array<i32>} : memref<32x1024xf32, #tpu.memory_space<vmem>>, vector<1x16xf32>,
      %get3A_806 = vector.shape_cast %get3A_805 : vector<1x16xf32> to vector<16xf32>
      %get3A_807 = arith.index_cast %scan3A_48 : i32 to index
      %get3A_808 = arith.constant 864 : index
      %get3A_809 = tpu.vector_load %arg9[%get3A_807, %get3A_808] {strides = array<i32>} : memref<32x1024xf32, #tpu.memory_space<vmem>>, vector<1x16xf32>,
      %get3A_810 = vector.shape_cast %get3A_809 : vector<1x16xf32> to vector<16xf32>
      %add3A_811 = arith.addf %get3A_806, %get3A_810 : vector<16xf32>
      %swap3A_812 = arith.index_cast %scan3A_48 : i32 to index
      %swap3A_813 = arith.constant 864 : index
      %swap3A_814 = tpu.vector_load %arg8[%swap3A_812, %swap3A_813] {strides = array<i32>} : memref<32x1024xf32, #tpu.memory_space<vmem>>, vector<1x16xf32>,
      %swap3A_815 = vector.shape_cast %swap3A_814 : vector<1x16xf32> to vector<16xf32>
      %swap3A_816 = vector.shape_cast %add3A_811 : vector<16xf32> to vector<1x16xf32>
      tpu.vector_store %arg8[%swap3A_812, %swap3A_813], %swap3A_816 {strides = array<i32>} : memref<32x1024xf32, #tpu.memory_space<vmem>>, vector<1x16xf32>,
      %get3A_817 = arith.index_cast %scan3A_48 : i32 to index
      %get3A_818 = arith.constant 880 : index
      %get3A_819 = tpu.vector_load %arg8[%get3A_817, %get3A_818] {strides = array<i32>} : memref<32x1024xf32, #tpu.memory_space<vmem>>, vector<1x16xf32>,
      %get3A_820 = vector.shape_cast %get3A_819 : vector<1x16xf32> to vector<16xf32>
      %get3A_821 = arith.index_cast %scan3A_48 : i32 to index
      %get3A_822 = arith.constant 880 : index
      %get3A_823 = tpu.vector_load %arg9[%get3A_821, %get3A_822] {strides = array<i32>} : memref<32x1024xf32, #tpu.memory_space<vmem>>, vector<1x16xf32>,
      %get3A_824 = vector.shape_cast %get3A_823 : vector<1x16xf32> to vector<16xf32>
      %add3A_825 = arith.addf %get3A_820, %get3A_824 : vector<16xf32>
      %swap3A_826 = arith.index_cast %scan3A_48 : i32 to index
      %swap3A_827 = arith.constant 880 : index
      %swap3A_828 = tpu.vector_load %arg8[%swap3A_826, %swap3A_827] {strides = array<i32>} : memref<32x1024xf32, #tpu.memory_space<vmem>>, vector<1x16xf32>,
      %swap3A_829 = vector.shape_cast %swap3A_828 : vector<1x16xf32> to vector<16xf32>
      %swap3A_830 = vector.shape_cast %add3A_825 : vector<16xf32> to vector<1x16xf32>
      tpu.vector_store %arg8[%swap3A_826, %swap3A_827], %swap3A_830 {strides = array<i32>} : memref<32x1024xf32, #tpu.memory_space<vmem>>, vector<1x16xf32>,
      %get3A_831 = arith.index_cast %scan3A_48 : i32 to index
      %get3A_832 = arith.constant 896 : index
      %get3A_833 = tpu.vector_load %arg8[%get3A_831, %get3A_832] {strides = array<i32>} : memref<32x1024xf32, #tpu.memory_space<vmem>>, vector<1x16xf32>,
      %get3A_834 = vector.shape_cast %get3A_833 : vector<1x16xf32> to vector<16xf32>
      %get3A_835 = arith.index_cast %scan3A_48 : i32 to index
      %get3A_836 = arith.constant 896 : index
      %get3A_837 = tpu.vector_load %arg9[%get3A_835, %get3A_836] {strides = array<i32>} : memref<32x1024xf32, #tpu.memory_space<vmem>>, vector<1x16xf32>,
      %get3A_838 = vector.shape_cast %get3A_837 : vector<1x16xf32> to vector<16xf32>
      %add3A_839 = arith.addf %get3A_834, %get3A_838 : vector<16xf32>
      %swap3A_840 = arith.index_cast %scan3A_48 : i32 to index
      %swap3A_841 = arith.constant 896 : index
      %swap3A_842 = tpu.vector_load %arg8[%swap3A_840, %swap3A_841] {strides = array<i32>} : memref<32x1024xf32, #tpu.memory_space<vmem>>, vector<1x16xf32>,
      %swap3A_843 = vector.shape_cast %swap3A_842 : vector<1x16xf32> to vector<16xf32>
      %swap3A_844 = vector.shape_cast %add3A_839 : vector<16xf32> to vector<1x16xf32>
      tpu.vector_store %arg8[%swap3A_840, %swap3A_841], %swap3A_844 {strides = array<i32>} : memref<32x1024xf32, #tpu.memory_space<vmem>>, vector<1x16xf32>,
      %get3A_845 = arith.index_cast %scan3A_48 : i32 to index
      %get3A_846 = arith.constant 912 : index
      %get3A_847 = tpu.vector_load %arg8[%get3A_845, %get3A_846] {strides = array<i32>} : memref<32x1024xf32, #tpu.memory_space<vmem>>, vector<1x16xf32>,
      %get3A_848 = vector.shape_cast %get3A_847 : vector<1x16xf32> to vector<16xf32>
      %get3A_849 = arith.index_cast %scan3A_48 : i32 to index
      %get3A_850 = arith.constant 912 : index
      %get3A_851 = tpu.vector_load %arg9[%get3A_849, %get3A_850] {strides = array<i32>} : memref<32x1024xf32, #tpu.memory_space<vmem>>, vector<1x16xf32>,
      %get3A_852 = vector.shape_cast %get3A_851 : vector<1x16xf32> to vector<16xf32>
      %add3A_853 = arith.addf %get3A_848, %get3A_852 : vector<16xf32>
      %swap3A_854 = arith.index_cast %scan3A_48 : i32 to index
      %swap3A_855 = arith.constant 912 : index
      %swap3A_856 = tpu.vector_load %arg8[%swap3A_854, %swap3A_855] {strides = array<i32>} : memref<32x1024xf32, #tpu.memory_space<vmem>>, vector<1x16xf32>,
      %swap3A_857 = vector.shape_cast %swap3A_856 : vector<1x16xf32> to vector<16xf32>
      %swap3A_858 = vector.shape_cast %add3A_853 : vector<16xf32> to vector<1x16xf32>
      tpu.vector_store %arg8[%swap3A_854, %swap3A_855], %swap3A_858 {strides = array<i32>} : memref<32x1024xf32, #tpu.memory_space<vmem>>, vector<1x16xf32>,
      %get3A_859 = arith.index_cast %scan3A_48 : i32 to index
      %get3A_860 = arith.constant 928 : index
      %get3A_861 = tpu.vector_load %arg8[%get3A_859, %get3A_860] {strides = array<i32>} : memref<32x1024xf32, #tpu.memory_space<vmem>>, vector<1x16xf32>,
      %get3A_862 = vector.shape_cast %get3A_861 : vector<1x16xf32> to vector<16xf32>
      %get3A_863 = arith.index_cast %scan3A_48 : i32 to index
      %get3A_864 = arith.constant 928 : index
      %get3A_865 = tpu.vector_load %arg9[%get3A_863, %get3A_864] {strides = array<i32>} : memref<32x1024xf32, #tpu.memory_space<vmem>>, vector<1x16xf32>,
      %get3A_866 = vector.shape_cast %get3A_865 : vector<1x16xf32> to vector<16xf32>
      %add3A_867 = arith.addf %get3A_862, %get3A_866 : vector<16xf32>
      %swap3A_868 = arith.index_cast %scan3A_48 : i32 to index
      %swap3A_869 = arith.constant 928 : index
      %swap3A_870 = tpu.vector_load %arg8[%swap3A_868, %swap3A_869] {strides = array<i32>} : memref<32x1024xf32, #tpu.memory_space<vmem>>, vector<1x16xf32>,
      %swap3A_871 = vector.shape_cast %swap3A_870 : vector<1x16xf32> to vector<16xf32>
      %swap3A_872 = vector.shape_cast %add3A_867 : vector<16xf32> to vector<1x16xf32>
      tpu.vector_store %arg8[%swap3A_868, %swap3A_869], %swap3A_872 {strides = array<i32>} : memref<32x1024xf32, #tpu.memory_space<vmem>>, vector<1x16xf32>,
      %get3A_873 = arith.index_cast %scan3A_48 : i32 to index
      %get3A_874 = arith.constant 944 : index
      %get3A_875 = tpu.vector_load %arg8[%get3A_873, %get3A_874] {strides = array<i32>} : memref<32x1024xf32, #tpu.memory_space<vmem>>, vector<1x16xf32>,
      %get3A_876 = vector.shape_cast %get3A_875 : vector<1x16xf32> to vector<16xf32>
      %get3A_877 = arith.index_cast %scan3A_48 : i32 to index
      %get3A_878 = arith.constant 944 : index
      %get3A_879 = tpu.vector_load %arg9[%get3A_877, %get3A_878] {strides = array<i32>} : memref<32x1024xf32, #tpu.memory_space<vmem>>, vector<1x16xf32>,
      %get3A_880 = vector.shape_cast %get3A_879 : vector<1x16xf32> to vector<16xf32>
      %add3A_881 = arith.addf %get3A_876, %get3A_880 : vector<16xf32>
      %swap3A_882 = arith.index_cast %scan3A_48 : i32 to index
      %swap3A_883 = arith.constant 944 : index
      %swap3A_884 = tpu.vector_load %arg8[%swap3A_882, %swap3A_883] {strides = array<i32>} : memref<32x1024xf32, #tpu.memory_space<vmem>>, vector<1x16xf32>,
      %swap3A_885 = vector.shape_cast %swap3A_884 : vector<1x16xf32> to vector<16xf32>
      %swap3A_886 = vector.shape_cast %add3A_881 : vector<16xf32> to vector<1x16xf32>
      tpu.vector_store %arg8[%swap3A_882, %swap3A_883], %swap3A_886 {strides = array<i32>} : memref<32x1024xf32, #tpu.memory_space<vmem>>, vector<1x16xf32>,
      %get3A_887 = arith.index_cast %scan3A_48 : i32 to index
      %get3A_888 = arith.constant 960 : index
      %get3A_889 = tpu.vector_load %arg8[%get3A_887, %get3A_888] {strides = array<i32>} : memref<32x1024xf32, #tpu.memory_space<vmem>>, vector<1x16xf32>,
      %get3A_890 = vector.shape_cast %get3A_889 : vector<1x16xf32> to vector<16xf32>
      %get3A_891 = arith.index_cast %scan3A_48 : i32 to index
      %get3A_892 = arith.constant 960 : index
      %get3A_893 = tpu.vector_load %arg9[%get3A_891, %get3A_892] {strides = array<i32>} : memref<32x1024xf32, #tpu.memory_space<vmem>>, vector<1x16xf32>,
      %get3A_894 = vector.shape_cast %get3A_893 : vector<1x16xf32> to vector<16xf32>
      %add3A_895 = arith.addf %get3A_890, %get3A_894 : vector<16xf32>
      %swap3A_896 = arith.index_cast %scan3A_48 : i32 to index
      %swap3A_897 = arith.constant 960 : index
      %swap3A_898 = tpu.vector_load %arg8[%swap3A_896, %swap3A_897] {strides = array<i32>} : memref<32x1024xf32, #tpu.memory_space<vmem>>, vector<1x16xf32>,
      %swap3A_899 = vector.shape_cast %swap3A_898 : vector<1x16xf32> to vector<16xf32>
      %swap3A_900 = vector.shape_cast %add3A_895 : vector<16xf32> to vector<1x16xf32>
      tpu.vector_store %arg8[%swap3A_896, %swap3A_897], %swap3A_900 {strides = array<i32>} : memref<32x1024xf32, #tpu.memory_space<vmem>>, vector<1x16xf32>,
      %get3A_901 = arith.index_cast %scan3A_48 : i32 to index
      %get3A_902 = arith.constant 976 : index
      %get3A_903 = tpu.vector_load %arg8[%get3A_901, %get3A_902] {strides = array<i32>} : memref<32x1024xf32, #tpu.memory_space<vmem>>, vector<1x16xf32>,
      %get3A_904 = vector.shape_cast %get3A_903 : vector<1x16xf32> to vector<16xf32>
      %get3A_905 = arith.index_cast %scan3A_48 : i32 to index
      %get3A_906 = arith.constant 976 : index
      %get3A_907 = tpu.vector_load %arg9[%get3A_905, %get3A_906] {strides = array<i32>} : memref<32x1024xf32, #tpu.memory_space<vmem>>, vector<1x16xf32>,
      %get3A_908 = vector.shape_cast %get3A_907 : vector<1x16xf32> to vector<16xf32>
      %add3A_909 = arith.addf %get3A_904, %get3A_908 : vector<16xf32>
      %swap3A_910 = arith.index_cast %scan3A_48 : i32 to index
      %swap3A_911 = arith.constant 976 : index
      %swap3A_912 = tpu.vector_load %arg8[%swap3A_910, %swap3A_911] {strides = array<i32>} : memref<32x1024xf32, #tpu.memory_space<vmem>>, vector<1x16xf32>,
      %swap3A_913 = vector.shape_cast %swap3A_912 : vector<1x16xf32> to vector<16xf32>
      %swap3A_914 = vector.shape_cast %add3A_909 : vector<16xf32> to vector<1x16xf32>
      tpu.vector_store %arg8[%swap3A_910, %swap3A_911], %swap3A_914 {strides = array<i32>} : memref<32x1024xf32, #tpu.memory_space<vmem>>, vector<1x16xf32>,
      %get3A_915 = arith.index_cast %scan3A_48 : i32 to index
      %get3A_916 = arith.constant 992 : index
      %get3A_917 = tpu.vector_load %arg8[%get3A_915, %get3A_916] {strides = array<i32>} : memref<32x1024xf32, #tpu.memory_space<vmem>>, vector<1x16xf32>,
      %get3A_918 = vector.shape_cast %get3A_917 : vector<1x16xf32> to vector<16xf32>
      %get3A_919 = arith.index_cast %scan3A_48 : i32 to index
      %get3A_920 = arith.constant 992 : index
      %get3A_921 = tpu.vector_load %arg9[%get3A_919, %get3A_920] {strides = array<i32>} : memref<32x1024xf32, #tpu.memory_space<vmem>>, vector<1x16xf32>,
      %get3A_922 = vector.shape_cast %get3A_921 : vector<1x16xf32> to vector<16xf32>
      %add3A_923 = arith.addf %get3A_918, %get3A_922 : vector<16xf32>
      %swap3A_924 = arith.index_cast %scan3A_48 : i32 to index
      %swap3A_925 = arith.constant 992 : index
      %swap3A_926 = tpu.vector_load %arg8[%swap3A_924, %swap3A_925] {strides = array<i32>} : memref<32x1024xf32, #tpu.memory_space<vmem>>, vector<1x16xf32>,
      %swap3A_927 = vector.shape_cast %swap3A_926 : vector<1x16xf32> to vector<16xf32>
      %swap3A_928 = vector.shape_cast %add3A_923 : vector<16xf32> to vector<1x16xf32>
      tpu.vector_store %arg8[%swap3A_924, %swap3A_925], %swap3A_928 {strides = array<i32>} : memref<32x1024xf32, #tpu.memory_space<vmem>>, vector<1x16xf32>,
      %get3A_929 = arith.index_cast %scan3A_48 : i32 to index
      %get3A_930 = arith.constant 1008 : index
      %get3A_931 = tpu.vector_load %arg8[%get3A_929, %get3A_930] {strides = array<i32>} : memref<32x1024xf32, #tpu.memory_space<vmem>>, vector<1x16xf32>,
      %get3A_932 = vector.shape_cast %get3A_931 : vector<1x16xf32> to vector<16xf32>
      %get3A_933 = arith.index_cast %scan3A_48 : i32 to index
      %get3A_934 = arith.constant 1008 : index
      %get3A_935 = tpu.vector_load %arg9[%get3A_933, %get3A_934] {strides = array<i32>} : memref<32x1024xf32, #tpu.memory_space<vmem>>, vector<1x16xf32>,
      %get3A_936 = vector.shape_cast %get3A_935 : vector<1x16xf32> to vector<16xf32>
      %add3A_937 = arith.addf %get3A_932, %get3A_936 : vector<16xf32>
      %swap3A_938 = arith.index_cast %scan3A_48 : i32 to index
      %swap3A_939 = arith.constant 1008 : index
      %swap3A_940 = tpu.vector_load %arg8[%swap3A_938, %swap3A_939] {strides = array<i32>} : memref<32x1024xf32, #tpu.memory_space<vmem>>, vector<1x16xf32>,
      %swap3A_941 = vector.shape_cast %swap3A_940 : vector<1x16xf32> to vector<16xf32>
      %swap3A_942 = vector.shape_cast %add3A_937 : vector<16xf32> to vector<1x16xf32>
      tpu.vector_store %arg8[%swap3A_938, %swap3A_939], %swap3A_942 {strides = array<i32>} : memref<32x1024xf32, #tpu.memory_space<vmem>>, vector<1x16xf32>,
    }
    %scan3A_21 = arith.constant 32 : i32
    %add3A_22 = arith.constant 0 : i32
    %add3A_23 = arith.addi %mul3A_2, %add3A_22 : i32
    "tpu.region"() ({
      %run_scoped3A = tpu.sem_alloc : memref<!tpu.dma_semaphore, #tpu.memory_space<semaphore_mem>>
      %dma_start3A_48 = arith.constant 0 : i32
      %dma_start3A_49 = tpu.memref_slice %arg5[%add3A_23, %dma_start3A_48] : memref<2048x1024xf32, #tpu.memory_space<hbm>> -> memref<32x1024xf32, #tpu.memory_space<hbm>>
      %dma_start3A_50 = arith.constant 0 : i32
      %dma_start3A_51 = tpu.memref_slice %arg5[%add3A_23, %dma_start3A_50] : memref<2048x1024xf32, #tpu.memory_space<hbm>> -> memref<32x1024xf32, #tpu.memory_space<hbm>>
      tpu.enqueue_dma source(%arg8 : memref<32x1024xf32, #tpu.memory_space<vmem>>) target(%dma_start3A_51 : memref<32x1024xf32, #tpu.memory_space<hbm>>) target_semaphore(%run_scoped3A : memref<!tpu.dma_semaphore, #tpu.memory_space<semaphore_mem>>)
      %dma_wait3A_52 = arith.constant 0 : i32
      %dma_wait3A_53 = tpu.memref_slice %arg5[%add3A_23, %dma_wait3A_52] : memref<2048x1024xf32, #tpu.memory_space<hbm>> -> memref<32x1024xf32, #tpu.memory_space<hbm>>
      %dma_wait3A_54 = arith.constant 0 : i32
      %dma_wait3A_55 = tpu.memref_slice %arg5[%add3A_23, %dma_wait3A_54] : memref<2048x1024xf32, #tpu.memory_space<hbm>> -> memref<32x1024xf32, #tpu.memory_space<hbm>>
      tpu.wait_dma2 semaphore(%run_scoped3A : memref<!tpu.dma_semaphore, #tpu.memory_space<semaphore_mem>>) src(%arg8 : memref<32x1024xf32, #tpu.memory_space<vmem>>) dst(%dma_wait3A_55 : memref<32x1024xf32, #tpu.memory_space<hbm>>)
      tpu.yield
    }) : () -> ()
    %add3A_24 = arith.constant 32 : i32
    %add3A_25 = arith.addi %mul3A_2, %add3A_24 : i32
    "tpu.region"() ({
      %run_scoped3A = tpu.sem_alloc : memref<!tpu.dma_semaphore, #tpu.memory_space<semaphore_mem>>
      %dma_start3A_48 = tpu.memref_slice %arg3[%add3A_25] : memref<2048xi32, #tpu.memory_space<hbm>> -> memref<32xi32, #tpu.memory_space<hbm>>
      %dma_start3A_49 = tpu.memref_slice %arg3[%add3A_25] : memref<2048xi32, #tpu.memory_space<hbm>> -> memref<32xi32, #tpu.memory_space<hbm>>
      tpu.enqueue_dma source(%dma_start3A_49 : memref<32xi32, #tpu.memory_space<hbm>>) target(%arg6 : memref<32xi32, #tpu.memory_space<vmem>>) target_semaphore(%run_scoped3A : memref<!tpu.dma_semaphore, #tpu.memory_space<semaphore_mem>>)
      %dma_wait3A_50 = tpu.memref_slice %arg3[%add3A_25] : memref<2048xi32, #tpu.memory_space<hbm>> -> memref<32xi32, #tpu.memory_space<hbm>>
      %dma_wait3A_51 = tpu.memref_slice %arg3[%add3A_25] : memref<2048xi32, #tpu.memory_space<hbm>> -> memref<32xi32, #tpu.memory_space<hbm>>
      tpu.wait_dma2 semaphore(%run_scoped3A : memref<!tpu.dma_semaphore, #tpu.memory_space<semaphore_mem>>) src(%dma_wait3A_51 : memref<32xi32, #tpu.memory_space<hbm>>) dst(%arg6 : memref<32xi32, #tpu.memory_space<vmem>>)
      tpu.yield
    }) : () -> ()
    %add3A_26 = arith.constant 32 : i32
    %add3A_27 = arith.addi %mul3A_2, %add3A_26 : i32
    "tpu.region"() ({
      %run_scoped3A = tpu.sem_alloc : memref<!tpu.dma_semaphore, #tpu.memory_space<semaphore_mem>>
      %dma_start3A_48 = tpu.memref_slice %arg4[%add3A_27] : memref<2048xi32, #tpu.memory_space<hbm>> -> memref<32xi32, #tpu.memory_space<hbm>>
      %dma_start3A_49 = tpu.memref_slice %arg4[%add3A_27] : memref<2048xi32, #tpu.memory_space<hbm>> -> memref<32xi32, #tpu.memory_space<hbm>>
      tpu.enqueue_dma source(%dma_start3A_49 : memref<32xi32, #tpu.memory_space<hbm>>) target(%arg7 : memref<32xi32, #tpu.memory_space<vmem>>) target_semaphore(%run_scoped3A : memref<!tpu.dma_semaphore, #tpu.memory_space<semaphore_mem>>)
      %dma_wait3A_50 = tpu.memref_slice %arg4[%add3A_27] : memref<2048xi32, #tpu.memory_space<hbm>> -> memref<32xi32, #tpu.memory_space<hbm>>
      %dma_wait3A_51 = tpu.memref_slice %arg4[%add3A_27] : memref<2048xi32, #tpu.memory_space<hbm>> -> memref<32xi32, #tpu.memory_space<hbm>>
      tpu.wait_dma2 semaphore(%run_scoped3A : memref<!tpu.dma_semaphore, #tpu.memory_space<semaphore_mem>>) src(%dma_wait3A_51 : memref<32xi32, #tpu.memory_space<hbm>>) dst(%arg7 : memref<32xi32, #tpu.memory_space<vmem>>)
      tpu.yield
    }) : () -> ()
    %dma_start3A_28 = arith.constant 0 : i32
    %dma_start3A_29 = arith.constant 0 : i32
    %dma_start3A_30 = tpu.memref_slice %arg2[%dma_start3A_28, %dma_start3A_29] : memref<5120x1024xf32, #tpu.memory_space<hbm>> -> memref<5120x1024xf32, #tpu.memory_space<hbm>>
    tpu.enqueue_indirect_dma source(%dma_start3A_30 : memref<5120x1024xf32, #tpu.memory_space<hbm>>) target(%arg8 : memref<32x1024xf32, #tpu.memory_space<vmem>>) offsets(%arg6 : memref<32xi32, #tpu.memory_space<vmem>>) semaphore(%arg10 : memref<!tpu.dma_semaphore, #tpu.memory_space<semaphore_mem>>)
    %dma_wait3A_31 = arith.constant 0 : i32
    %dma_wait3A_32 = arith.constant 0 : i32
    %dma_wait3A_33 = tpu.memref_slice %arg2[%dma_wait3A_31, %dma_wait3A_32] : memref<5120x1024xf32, #tpu.memory_space<hbm>> -> memref<5120x1024xf32, #tpu.memory_space<hbm>>
    tpu.wait_indirect_dma semaphore(%arg10 : memref<!tpu.dma_semaphore, #tpu.memory_space<semaphore_mem>>) src(%dma_wait3A_33 : memref<5120x1024xf32, #tpu.memory_space<hbm>>) dst(%arg8 : memref<32x1024xf32, #tpu.memory_space<vmem>>)
    %dma_start3A_34 = arith.constant 0 : i32
    %dma_start3A_35 = arith.constant 0 : i32
    %dma_start3A_36 = tpu.memref_slice %arg2[%dma_start3A_34, %dma_start3A_35] : memref<5120x1024xf32, #tpu.memory_space<hbm>> -> memref<5120x1024xf32, #tpu.memory_space<hbm>>
    tpu.enqueue_indirect_dma source(%dma_start3A_36 : memref<5120x1024xf32, #tpu.memory_space<hbm>>) target(%arg9 : memref<32x1024xf32, #tpu.memory_space<vmem>>) offsets(%arg7 : memref<32xi32, #tpu.memory_space<vmem>>) semaphore(%arg10 : memref<!tpu.dma_semaphore, #tpu.memory_space<semaphore_mem>>)
    %dma_wait3A_37 = arith.constant 0 : i32
    %dma_wait3A_38 = arith.constant 0 : i32
    %dma_wait3A_39 = tpu.memref_slice %arg2[%dma_wait3A_37, %dma_wait3A_38] : memref<5120x1024xf32, #tpu.memory_space<hbm>> -> memref<5120x1024xf32, #tpu.memory_space<hbm>>
    tpu.wait_indirect_dma semaphore(%arg10 : memref<!tpu.dma_semaphore, #tpu.memory_space<semaphore_mem>>) src(%dma_wait3A_39 : memref<5120x1024xf32, #tpu.memory_space<hbm>>) dst(%arg9 : memref<32x1024xf32, #tpu.memory_space<vmem>>)
    %scan3A_40 = arith.constant 0 : i32
    %scan3A_41 = arith.constant 0 : i32
    %scan3A_42 = arith.constant 32 : i32
    %scan3A_43 = arith.addi %scan3A_41, %scan3A_42 : i32
    %scan3A_44 = arith.constant 1 : i32
    scf.for %scan3A_48 = %scan3A_41 to %scan3A_43 step %scan3A_44  : i32 {
      %get3A = arith.index_cast %scan3A_48 : i32 to index
      %get3A_49 = arith.constant 0 : index
      %get3A_50 = tpu.vector_load %arg8[%get3A, %get3A_49] {strides = array<i32>} : memref<32x1024xf32, #tpu.memory_space<vmem>>, vector<1x16xf32>,
      %get3A_51 = vector.shape_cast %get3A_50 : vector<1x16xf32> to vector<16xf32>
      %get3A_52 = arith.index_cast %scan3A_48 : i32 to index
      %get3A_53 = arith.constant 0 : index
      %get3A_54 = tpu.vector_load %arg9[%get3A_52, %get3A_53] {strides = array<i32>} : memref<32x1024xf32, #tpu.memory_space<vmem>>, vector<1x16xf32>,
      %get3A_55 = vector.shape_cast %get3A_54 : vector<1x16xf32> to vector<16xf32>
      %add3A_56 = arith.addf %get3A_51, %get3A_55 : vector<16xf32>
      %swap3A = arith.index_cast %scan3A_48 : i32 to index
      %swap3A_57 = arith.constant 0 : index
      %swap3A_58 = tpu.vector_load %arg8[%swap3A, %swap3A_57] {strides = array<i32>} : memref<32x1024xf32, #tpu.memory_space<vmem>>, vector<1x16xf32>,
      %swap3A_59 = vector.shape_cast %swap3A_58 : vector<1x16xf32> to vector<16xf32>
      %swap3A_60 = vector.shape_cast %add3A_56 : vector<16xf32> to vector<1x16xf32>
      tpu.vector_store %arg8[%swap3A, %swap3A_57], %swap3A_60 {strides = array<i32>} : memref<32x1024xf32, #tpu.memory_space<vmem>>, vector<1x16xf32>,
      %get3A_61 = arith.index_cast %scan3A_48 : i32 to index
      %get3A_62 = arith.constant 16 : index
      %get3A_63 = tpu.vector_load %arg8[%get3A_61, %get3A_62] {strides = array<i32>} : memref<32x1024xf32, #tpu.memory_space<vmem>>, vector<1x16xf32>,
      %get3A_64 = vector.shape_cast %get3A_63 : vector<1x16xf32> to vector<16xf32>
      %get3A_65 = arith.index_cast %scan3A_48 : i32 to index
      %get3A_66 = arith.constant 16 : index
      %get3A_67 = tpu.vector_load %arg9[%get3A_65, %get3A_66] {strides = array<i32>} : memref<32x1024xf32, #tpu.memory_space<vmem>>, vector<1x16xf32>,
      %get3A_68 = vector.shape_cast %get3A_67 : vector<1x16xf32> to vector<16xf32>
      %add3A_69 = arith.addf %get3A_64, %get3A_68 : vector<16xf32>
      %swap3A_70 = arith.index_cast %scan3A_48 : i32 to index
      %swap3A_71 = arith.constant 16 : index
      %swap3A_72 = tpu.vector_load %arg8[%swap3A_70, %swap3A_71] {strides = array<i32>} : memref<32x1024xf32, #tpu.memory_space<vmem>>, vector<1x16xf32>,
      %swap3A_73 = vector.shape_cast %swap3A_72 : vector<1x16xf32> to vector<16xf32>
      %swap3A_74 = vector.shape_cast %add3A_69 : vector<16xf32> to vector<1x16xf32>
      tpu.vector_store %arg8[%swap3A_70, %swap3A_71], %swap3A_74 {strides = array<i32>} : memref<32x1024xf32, #tpu.memory_space<vmem>>, vector<1x16xf32>,
      %get3A_75 = arith.index_cast %scan3A_48 : i32 to index
      %get3A_76 = arith.constant 32 : index
      %get3A_77 = tpu.vector_load %arg8[%get3A_75, %get3A_76] {strides = array<i32>} : memref<32x1024xf32, #tpu.memory_space<vmem>>, vector<1x16xf32>,
      %get3A_78 = vector.shape_cast %get3A_77 : vector<1x16xf32> to vector<16xf32>
      %get3A_79 = arith.index_cast %scan3A_48 : i32 to index
      %get3A_80 = arith.constant 32 : index
      %get3A_81 = tpu.vector_load %arg9[%get3A_79, %get3A_80] {strides = array<i32>} : memref<32x1024xf32, #tpu.memory_space<vmem>>, vector<1x16xf32>,
      %get3A_82 = vector.shape_cast %get3A_81 : vector<1x16xf32> to vector<16xf32>
      %add3A_83 = arith.addf %get3A_78, %get3A_82 : vector<16xf32>
      %swap3A_84 = arith.index_cast %scan3A_48 : i32 to index
      %swap3A_85 = arith.constant 32 : index
      %swap3A_86 = tpu.vector_load %arg8[%swap3A_84, %swap3A_85] {strides = array<i32>} : memref<32x1024xf32, #tpu.memory_space<vmem>>, vector<1x16xf32>,
      %swap3A_87 = vector.shape_cast %swap3A_86 : vector<1x16xf32> to vector<16xf32>
      %swap3A_88 = vector.shape_cast %add3A_83 : vector<16xf32> to vector<1x16xf32>
      tpu.vector_store %arg8[%swap3A_84, %swap3A_85], %swap3A_88 {strides = array<i32>} : memref<32x1024xf32, #tpu.memory_space<vmem>>, vector<1x16xf32>,
      %get3A_89 = arith.index_cast %scan3A_48 : i32 to index
      %get3A_90 = arith.constant 48 : index
      %get3A_91 = tpu.vector_load %arg8[%get3A_89, %get3A_90] {strides = array<i32>} : memref<32x1024xf32, #tpu.memory_space<vmem>>, vector<1x16xf32>,
      %get3A_92 = vector.shape_cast %get3A_91 : vector<1x16xf32> to vector<16xf32>
      %get3A_93 = arith.index_cast %scan3A_48 : i32 to index
      %get3A_94 = arith.constant 48 : index
      %get3A_95 = tpu.vector_load %arg9[%get3A_93, %get3A_94] {strides = array<i32>} : memref<32x1024xf32, #tpu.memory_space<vmem>>, vector<1x16xf32>,
      %get3A_96 = vector.shape_cast %get3A_95 : vector<1x16xf32> to vector<16xf32>
      %add3A_97 = arith.addf %get3A_92, %get3A_96 : vector<16xf32>
      %swap3A_98 = arith.index_cast %scan3A_48 : i32 to index
      %swap3A_99 = arith.constant 48 : index
      %swap3A_100 = tpu.vector_load %arg8[%swap3A_98, %swap3A_99] {strides = array<i32>} : memref<32x1024xf32, #tpu.memory_space<vmem>>, vector<1x16xf32>,
      %swap3A_101 = vector.shape_cast %swap3A_100 : vector<1x16xf32> to vector<16xf32>
      %swap3A_102 = vector.shape_cast %add3A_97 : vector<16xf32> to vector<1x16xf32>
      tpu.vector_store %arg8[%swap3A_98, %swap3A_99], %swap3A_102 {strides = array<i32>} : memref<32x1024xf32, #tpu.memory_space<vmem>>, vector<1x16xf32>,
      %get3A_103 = arith.index_cast %scan3A_48 : i32 to index
      %get3A_104 = arith.constant 64 : index
      %get3A_105 = tpu.vector_load %arg8[%get3A_103, %get3A_104] {strides = array<i32>} : memref<32x1024xf32, #tpu.memory_space<vmem>>, vector<1x16xf32>,
      %get3A_106 = vector.shape_cast %get3A_105 : vector<1x16xf32> to vector<16xf32>
      %get3A_107 = arith.index_cast %scan3A_48 : i32 to index
      %get3A_108 = arith.constant 64 : index
      %get3A_109 = tpu.vector_load %arg9[%get3A_107, %get3A_108] {strides = array<i32>} : memref<32x1024xf32, #tpu.memory_space<vmem>>, vector<1x16xf32>,
      %get3A_110 = vector.shape_cast %get3A_109 : vector<1x16xf32> to vector<16xf32>
      %add3A_111 = arith.addf %get3A_106, %get3A_110 : vector<16xf32>
      %swap3A_112 = arith.index_cast %scan3A_48 : i32 to index
      %swap3A_113 = arith.constant 64 : index
      %swap3A_114 = tpu.vector_load %arg8[%swap3A_112, %swap3A_113] {strides = array<i32>} : memref<32x1024xf32, #tpu.memory_space<vmem>>, vector<1x16xf32>,
      %swap3A_115 = vector.shape_cast %swap3A_114 : vector<1x16xf32> to vector<16xf32>
      %swap3A_116 = vector.shape_cast %add3A_111 : vector<16xf32> to vector<1x16xf32>
      tpu.vector_store %arg8[%swap3A_112, %swap3A_113], %swap3A_116 {strides = array<i32>} : memref<32x1024xf32, #tpu.memory_space<vmem>>, vector<1x16xf32>,
      %get3A_117 = arith.index_cast %scan3A_48 : i32 to index
      %get3A_118 = arith.constant 80 : index
      %get3A_119 = tpu.vector_load %arg8[%get3A_117, %get3A_118] {strides = array<i32>} : memref<32x1024xf32, #tpu.memory_space<vmem>>, vector<1x16xf32>,
      %get3A_120 = vector.shape_cast %get3A_119 : vector<1x16xf32> to vector<16xf32>
      %get3A_121 = arith.index_cast %scan3A_48 : i32 to index
      %get3A_122 = arith.constant 80 : index
      %get3A_123 = tpu.vector_load %arg9[%get3A_121, %get3A_122] {strides = array<i32>} : memref<32x1024xf32, #tpu.memory_space<vmem>>, vector<1x16xf32>,
      %get3A_124 = vector.shape_cast %get3A_123 : vector<1x16xf32> to vector<16xf32>
      %add3A_125 = arith.addf %get3A_120, %get3A_124 : vector<16xf32>
      %swap3A_126 = arith.index_cast %scan3A_48 : i32 to index
      %swap3A_127 = arith.constant 80 : index
      %swap3A_128 = tpu.vector_load %arg8[%swap3A_126, %swap3A_127] {strides = array<i32>} : memref<32x1024xf32, #tpu.memory_space<vmem>>, vector<1x16xf32>,
      %swap3A_129 = vector.shape_cast %swap3A_128 : vector<1x16xf32> to vector<16xf32>
      %swap3A_130 = vector.shape_cast %add3A_125 : vector<16xf32> to vector<1x16xf32>
      tpu.vector_store %arg8[%swap3A_126, %swap3A_127], %swap3A_130 {strides = array<i32>} : memref<32x1024xf32, #tpu.memory_space<vmem>>, vector<1x16xf32>,
      %get3A_131 = arith.index_cast %scan3A_48 : i32 to index
      %get3A_132 = arith.constant 96 : index
      %get3A_133 = tpu.vector_load %arg8[%get3A_131, %get3A_132] {strides = array<i32>} : memref<32x1024xf32, #tpu.memory_space<vmem>>, vector<1x16xf32>,
      %get3A_134 = vector.shape_cast %get3A_133 : vector<1x16xf32> to vector<16xf32>
      %get3A_135 = arith.index_cast %scan3A_48 : i32 to index
      %get3A_136 = arith.constant 96 : index
      %get3A_137 = tpu.vector_load %arg9[%get3A_135, %get3A_136] {strides = array<i32>} : memref<32x1024xf32, #tpu.memory_space<vmem>>, vector<1x16xf32>,
      %get3A_138 = vector.shape_cast %get3A_137 : vector<1x16xf32> to vector<16xf32>
      %add3A_139 = arith.addf %get3A_134, %get3A_138 : vector<16xf32>
      %swap3A_140 = arith.index_cast %scan3A_48 : i32 to index
      %swap3A_141 = arith.constant 96 : index
      %swap3A_142 = tpu.vector_load %arg8[%swap3A_140, %swap3A_141] {strides = array<i32>} : memref<32x1024xf32, #tpu.memory_space<vmem>>, vector<1x16xf32>,
      %swap3A_143 = vector.shape_cast %swap3A_142 : vector<1x16xf32> to vector<16xf32>
      %swap3A_144 = vector.shape_cast %add3A_139 : vector<16xf32> to vector<1x16xf32>
      tpu.vector_store %arg8[%swap3A_140, %swap3A_141], %swap3A_144 {strides = array<i32>} : memref<32x1024xf32, #tpu.memory_space<vmem>>, vector<1x16xf32>,
      %get3A_145 = arith.index_cast %scan3A_48 : i32 to index
      %get3A_146 = arith.constant 112 : index
      %get3A_147 = tpu.vector_load %arg8[%get3A_145, %get3A_146] {strides = array<i32>} : memref<32x1024xf32, #tpu.memory_space<vmem>>, vector<1x16xf32>,
      %get3A_148 = vector.shape_cast %get3A_147 : vector<1x16xf32> to vector<16xf32>
      %get3A_149 = arith.index_cast %scan3A_48 : i32 to index
      %get3A_150 = arith.constant 112 : index
      %get3A_151 = tpu.vector_load %arg9[%get3A_149, %get3A_150] {strides = array<i32>} : memref<32x1024xf32, #tpu.memory_space<vmem>>, vector<1x16xf32>,
      %get3A_152 = vector.shape_cast %get3A_151 : vector<1x16xf32> to vector<16xf32>
      %add3A_153 = arith.addf %get3A_148, %get3A_152 : vector<16xf32>
      %swap3A_154 = arith.index_cast %scan3A_48 : i32 to index
      %swap3A_155 = arith.constant 112 : index
      %swap3A_156 = tpu.vector_load %arg8[%swap3A_154, %swap3A_155] {strides = array<i32>} : memref<32x1024xf32, #tpu.memory_space<vmem>>, vector<1x16xf32>,
      %swap3A_157 = vector.shape_cast %swap3A_156 : vector<1x16xf32> to vector<16xf32>
      %swap3A_158 = vector.shape_cast %add3A_153 : vector<16xf32> to vector<1x16xf32>
      tpu.vector_store %arg8[%swap3A_154, %swap3A_155], %swap3A_158 {strides = array<i32>} : memref<32x1024xf32, #tpu.memory_space<vmem>>, vector<1x16xf32>,
      %get3A_159 = arith.index_cast %scan3A_48 : i32 to index
      %get3A_160 = arith.constant 128 : index
      %get3A_161 = tpu.vector_load %arg8[%get3A_159, %get3A_160] {strides = array<i32>} : memref<32x1024xf32, #tpu.memory_space<vmem>>, vector<1x16xf32>,
      %get3A_162 = vector.shape_cast %get3A_161 : vector<1x16xf32> to vector<16xf32>
      %get3A_163 = arith.index_cast %scan3A_48 : i32 to index
      %get3A_164 = arith.constant 128 : index
      %get3A_165 = tpu.vector_load %arg9[%get3A_163, %get3A_164] {strides = array<i32>} : memref<32x1024xf32, #tpu.memory_space<vmem>>, vector<1x16xf32>,
      %get3A_166 = vector.shape_cast %get3A_165 : vector<1x16xf32> to vector<16xf32>
      %add3A_167 = arith.addf %get3A_162, %get3A_166 : vector<16xf32>
      %swap3A_168 = arith.index_cast %scan3A_48 : i32 to index
      %swap3A_169 = arith.constant 128 : index
      %swap3A_170 = tpu.vector_load %arg8[%swap3A_168, %swap3A_169] {strides = array<i32>} : memref<32x1024xf32, #tpu.memory_space<vmem>>, vector<1x16xf32>,
      %swap3A_171 = vector.shape_cast %swap3A_170 : vector<1x16xf32> to vector<16xf32>
      %swap3A_172 = vector.shape_cast %add3A_167 : vector<16xf32> to vector<1x16xf32>
      tpu.vector_store %arg8[%swap3A_168, %swap3A_169], %swap3A_172 {strides = array<i32>} : memref<32x1024xf32, #tpu.memory_space<vmem>>, vector<1x16xf32>,
      %get3A_173 = arith.index_cast %scan3A_48 : i32 to index
      %get3A_174 = arith.constant 144 : index
      %get3A_175 = tpu.vector_load %arg8[%get3A_173, %get3A_174] {strides = array<i32>} : memref<32x1024xf32, #tpu.memory_space<vmem>>, vector<1x16xf32>,
      %get3A_176 = vector.shape_cast %get3A_175 : vector<1x16xf32> to vector<16xf32>
      %get3A_177 = arith.index_cast %scan3A_48 : i32 to index
      %get3A_178 = arith.constant 144 : index
      %get3A_179 = tpu.vector_load %arg9[%get3A_177, %get3A_178] {strides = array<i32>} : memref<32x1024xf32, #tpu.memory_space<vmem>>, vector<1x16xf32>,
      %get3A_180 = vector.shape_cast %get3A_179 : vector<1x16xf32> to vector<16xf32>
      %add3A_181 = arith.addf %get3A_176, %get3A_180 : vector<16xf32>
      %swap3A_182 = arith.index_cast %scan3A_48 : i32 to index
      %swap3A_183 = arith.constant 144 : index
      %swap3A_184 = tpu.vector_load %arg8[%swap3A_182, %swap3A_183] {strides = array<i32>} : memref<32x1024xf32, #tpu.memory_space<vmem>>, vector<1x16xf32>,
      %swap3A_185 = vector.shape_cast %swap3A_184 : vector<1x16xf32> to vector<16xf32>
      %swap3A_186 = vector.shape_cast %add3A_181 : vector<16xf32> to vector<1x16xf32>
      tpu.vector_store %arg8[%swap3A_182, %swap3A_183], %swap3A_186 {strides = array<i32>} : memref<32x1024xf32, #tpu.memory_space<vmem>>, vector<1x16xf32>,
      %get3A_187 = arith.index_cast %scan3A_48 : i32 to index
      %get3A_188 = arith.constant 160 : index
      %get3A_189 = tpu.vector_load %arg8[%get3A_187, %get3A_188] {strides = array<i32>} : memref<32x1024xf32, #tpu.memory_space<vmem>>, vector<1x16xf32>,
      %get3A_190 = vector.shape_cast %get3A_189 : vector<1x16xf32> to vector<16xf32>
      %get3A_191 = arith.index_cast %scan3A_48 : i32 to index
      %get3A_192 = arith.constant 160 : index
      %get3A_193 = tpu.vector_load %arg9[%get3A_191, %get3A_192] {strides = array<i32>} : memref<32x1024xf32, #tpu.memory_space<vmem>>, vector<1x16xf32>,
      %get3A_194 = vector.shape_cast %get3A_193 : vector<1x16xf32> to vector<16xf32>
      %add3A_195 = arith.addf %get3A_190, %get3A_194 : vector<16xf32>
      %swap3A_196 = arith.index_cast %scan3A_48 : i32 to index
      %swap3A_197 = arith.constant 160 : index
      %swap3A_198 = tpu.vector_load %arg8[%swap3A_196, %swap3A_197] {strides = array<i32>} : memref<32x1024xf32, #tpu.memory_space<vmem>>, vector<1x16xf32>,
      %swap3A_199 = vector.shape_cast %swap3A_198 : vector<1x16xf32> to vector<16xf32>
      %swap3A_200 = vector.shape_cast %add3A_195 : vector<16xf32> to vector<1x16xf32>
      tpu.vector_store %arg8[%swap3A_196, %swap3A_197], %swap3A_200 {strides = array<i32>} : memref<32x1024xf32, #tpu.memory_space<vmem>>, vector<1x16xf32>,
      %get3A_201 = arith.index_cast %scan3A_48 : i32 to index
      %get3A_202 = arith.constant 176 : index
      %get3A_203 = tpu.vector_load %arg8[%get3A_201, %get3A_202] {strides = array<i32>} : memref<32x1024xf32, #tpu.memory_space<vmem>>, vector<1x16xf32>,
      %get3A_204 = vector.shape_cast %get3A_203 : vector<1x16xf32> to vector<16xf32>
      %get3A_205 = arith.index_cast %scan3A_48 : i32 to index
      %get3A_206 = arith.constant 176 : index
      %get3A_207 = tpu.vector_load %arg9[%get3A_205, %get3A_206] {strides = array<i32>} : memref<32x1024xf32, #tpu.memory_space<vmem>>, vector<1x16xf32>,
      %get3A_208 = vector.shape_cast %get3A_207 : vector<1x16xf32> to vector<16xf32>
      %add3A_209 = arith.addf %get3A_204, %get3A_208 : vector<16xf32>
      %swap3A_210 = arith.index_cast %scan3A_48 : i32 to index
      %swap3A_211 = arith.constant 176 : index
      %swap3A_212 = tpu.vector_load %arg8[%swap3A_210, %swap3A_211] {strides = array<i32>} : memref<32x1024xf32, #tpu.memory_space<vmem>>, vector<1x16xf32>,
      %swap3A_213 = vector.shape_cast %swap3A_212 : vector<1x16xf32> to vector<16xf32>
      %swap3A_214 = vector.shape_cast %add3A_209 : vector<16xf32> to vector<1x16xf32>
      tpu.vector_store %arg8[%swap3A_210, %swap3A_211], %swap3A_214 {strides = array<i32>} : memref<32x1024xf32, #tpu.memory_space<vmem>>, vector<1x16xf32>,
      %get3A_215 = arith.index_cast %scan3A_48 : i32 to index
      %get3A_216 = arith.constant 192 : index
      %get3A_217 = tpu.vector_load %arg8[%get3A_215, %get3A_216] {strides = array<i32>} : memref<32x1024xf32, #tpu.memory_space<vmem>>, vector<1x16xf32>,
      %get3A_218 = vector.shape_cast %get3A_217 : vector<1x16xf32> to vector<16xf32>
      %get3A_219 = arith.index_cast %scan3A_48 : i32 to index
      %get3A_220 = arith.constant 192 : index
      %get3A_221 = tpu.vector_load %arg9[%get3A_219, %get3A_220] {strides = array<i32>} : memref<32x1024xf32, #tpu.memory_space<vmem>>, vector<1x16xf32>,
      %get3A_222 = vector.shape_cast %get3A_221 : vector<1x16xf32> to vector<16xf32>
      %add3A_223 = arith.addf %get3A_218, %get3A_222 : vector<16xf32>
      %swap3A_224 = arith.index_cast %scan3A_48 : i32 to index
      %swap3A_225 = arith.constant 192 : index
      %swap3A_226 = tpu.vector_load %arg8[%swap3A_224, %swap3A_225] {strides = array<i32>} : memref<32x1024xf32, #tpu.memory_space<vmem>>, vector<1x16xf32>,
      %swap3A_227 = vector.shape_cast %swap3A_226 : vector<1x16xf32> to vector<16xf32>
      %swap3A_228 = vector.shape_cast %add3A_223 : vector<16xf32> to vector<1x16xf32>
      tpu.vector_store %arg8[%swap3A_224, %swap3A_225], %swap3A_228 {strides = array<i32>} : memref<32x1024xf32, #tpu.memory_space<vmem>>, vector<1x16xf32>,
      %get3A_229 = arith.index_cast %scan3A_48 : i32 to index
      %get3A_230 = arith.constant 208 : index
      %get3A_231 = tpu.vector_load %arg8[%get3A_229, %get3A_230] {strides = array<i32>} : memref<32x1024xf32, #tpu.memory_space<vmem>>, vector<1x16xf32>,
      %get3A_232 = vector.shape_cast %get3A_231 : vector<1x16xf32> to vector<16xf32>
      %get3A_233 = arith.index_cast %scan3A_48 : i32 to index
      %get3A_234 = arith.constant 208 : index
      %get3A_235 = tpu.vector_load %arg9[%get3A_233, %get3A_234] {strides = array<i32>} : memref<32x1024xf32, #tpu.memory_space<vmem>>, vector<1x16xf32>,
      %get3A_236 = vector.shape_cast %get3A_235 : vector<1x16xf32> to vector<16xf32>
      %add3A_237 = arith.addf %get3A_232, %get3A_236 : vector<16xf32>
      %swap3A_238 = arith.index_cast %scan3A_48 : i32 to index
      %swap3A_239 = arith.constant 208 : index
      %swap3A_240 = tpu.vector_load %arg8[%swap3A_238, %swap3A_239] {strides = array<i32>} : memref<32x1024xf32, #tpu.memory_space<vmem>>, vector<1x16xf32>,
      %swap3A_241 = vector.shape_cast %swap3A_240 : vector<1x16xf32> to vector<16xf32>
      %swap3A_242 = vector.shape_cast %add3A_237 : vector<16xf32> to vector<1x16xf32>
      tpu.vector_store %arg8[%swap3A_238, %swap3A_239], %swap3A_242 {strides = array<i32>} : memref<32x1024xf32, #tpu.memory_space<vmem>>, vector<1x16xf32>,
      %get3A_243 = arith.index_cast %scan3A_48 : i32 to index
      %get3A_244 = arith.constant 224 : index
      %get3A_245 = tpu.vector_load %arg8[%get3A_243, %get3A_244] {strides = array<i32>} : memref<32x1024xf32, #tpu.memory_space<vmem>>, vector<1x16xf32>,
      %get3A_246 = vector.shape_cast %get3A_245 : vector<1x16xf32> to vector<16xf32>
      %get3A_247 = arith.index_cast %scan3A_48 : i32 to index
      %get3A_248 = arith.constant 224 : index
      %get3A_249 = tpu.vector_load %arg9[%get3A_247, %get3A_248] {strides = array<i32>} : memref<32x1024xf32, #tpu.memory_space<vmem>>, vector<1x16xf32>,
      %get3A_250 = vector.shape_cast %get3A_249 : vector<1x16xf32> to vector<16xf32>
      %add3A_251 = arith.addf %get3A_246, %get3A_250 : vector<16xf32>
      %swap3A_252 = arith.index_cast %scan3A_48 : i32 to index
      %swap3A_253 = arith.constant 224 : index
      %swap3A_254 = tpu.vector_load %arg8[%swap3A_252, %swap3A_253] {strides = array<i32>} : memref<32x1024xf32, #tpu.memory_space<vmem>>, vector<1x16xf32>,
      %swap3A_255 = vector.shape_cast %swap3A_254 : vector<1x16xf32> to vector<16xf32>
      %swap3A_256 = vector.shape_cast %add3A_251 : vector<16xf32> to vector<1x16xf32>
      tpu.vector_store %arg8[%swap3A_252, %swap3A_253], %swap3A_256 {strides = array<i32>} : memref<32x1024xf32, #tpu.memory_space<vmem>>, vector<1x16xf32>,
      %get3A_257 = arith.index_cast %scan3A_48 : i32 to index
      %get3A_258 = arith.constant 240 : index
      %get3A_259 = tpu.vector_load %arg8[%get3A_257, %get3A_258] {strides = array<i32>} : memref<32x1024xf32, #tpu.memory_space<vmem>>, vector<1x16xf32>,
      %get3A_260 = vector.shape_cast %get3A_259 : vector<1x16xf32> to vector<16xf32>
      %get3A_261 = arith.index_cast %scan3A_48 : i32 to index
      %get3A_262 = arith.constant 240 : index
      %get3A_263 = tpu.vector_load %arg9[%get3A_261, %get3A_262] {strides = array<i32>} : memref<32x1024xf32, #tpu.memory_space<vmem>>, vector<1x16xf32>,
      %get3A_264 = vector.shape_cast %get3A_263 : vector<1x16xf32> to vector<16xf32>
      %add3A_265 = arith.addf %get3A_260, %get3A_264 : vector<16xf32>
      %swap3A_266 = arith.index_cast %scan3A_48 : i32 to index
      %swap3A_267 = arith.constant 240 : index
      %swap3A_268 = tpu.vector_load %arg8[%swap3A_266, %swap3A_267] {strides = array<i32>} : memref<32x1024xf32, #tpu.memory_space<vmem>>, vector<1x16xf32>,
      %swap3A_269 = vector.shape_cast %swap3A_268 : vector<1x16xf32> to vector<16xf32>
      %swap3A_270 = vector.shape_cast %add3A_265 : vector<16xf32> to vector<1x16xf32>
      tpu.vector_store %arg8[%swap3A_266, %swap3A_267], %swap3A_270 {strides = array<i32>} : memref<32x1024xf32, #tpu.memory_space<vmem>>, vector<1x16xf32>,
      %get3A_271 = arith.index_cast %scan3A_48 : i32 to index
      %get3A_272 = arith.constant 256 : index
      %get3A_273 = tpu.vector_load %arg8[%get3A_271, %get3A_272] {strides = array<i32>} : memref<32x1024xf32, #tpu.memory_space<vmem>>, vector<1x16xf32>,
      %get3A_274 = vector.shape_cast %get3A_273 : vector<1x16xf32> to vector<16xf32>
      %get3A_275 = arith.index_cast %scan3A_48 : i32 to index
      %get3A_276 = arith.constant 256 : index
      %get3A_277 = tpu.vector_load %arg9[%get3A_275, %get3A_276] {strides = array<i32>} : memref<32x1024xf32, #tpu.memory_space<vmem>>, vector<1x16xf32>,
      %get3A_278 = vector.shape_cast %get3A_277 : vector<1x16xf32> to vector<16xf32>
      %add3A_279 = arith.addf %get3A_274, %get3A_278 : vector<16xf32>
      %swap3A_280 = arith.index_cast %scan3A_48 : i32 to index
      %swap3A_281 = arith.constant 256 : index
      %swap3A_282 = tpu.vector_load %arg8[%swap3A_280, %swap3A_281] {strides = array<i32>} : memref<32x1024xf32, #tpu.memory_space<vmem>>, vector<1x16xf32>,
      %swap3A_283 = vector.shape_cast %swap3A_282 : vector<1x16xf32> to vector<16xf32>
      %swap3A_284 = vector.shape_cast %add3A_279 : vector<16xf32> to vector<1x16xf32>
      tpu.vector_store %arg8[%swap3A_280, %swap3A_281], %swap3A_284 {strides = array<i32>} : memref<32x1024xf32, #tpu.memory_space<vmem>>, vector<1x16xf32>,
      %get3A_285 = arith.index_cast %scan3A_48 : i32 to index
      %get3A_286 = arith.constant 272 : index
      %get3A_287 = tpu.vector_load %arg8[%get3A_285, %get3A_286] {strides = array<i32>} : memref<32x1024xf32, #tpu.memory_space<vmem>>, vector<1x16xf32>,
      %get3A_288 = vector.shape_cast %get3A_287 : vector<1x16xf32> to vector<16xf32>
      %get3A_289 = arith.index_cast %scan3A_48 : i32 to index
      %get3A_290 = arith.constant 272 : index
      %get3A_291 = tpu.vector_load %arg9[%get3A_289, %get3A_290] {strides = array<i32>} : memref<32x1024xf32, #tpu.memory_space<vmem>>, vector<1x16xf32>,
      %get3A_292 = vector.shape_cast %get3A_291 : vector<1x16xf32> to vector<16xf32>
      %add3A_293 = arith.addf %get3A_288, %get3A_292 : vector<16xf32>
      %swap3A_294 = arith.index_cast %scan3A_48 : i32 to index
      %swap3A_295 = arith.constant 272 : index
      %swap3A_296 = tpu.vector_load %arg8[%swap3A_294, %swap3A_295] {strides = array<i32>} : memref<32x1024xf32, #tpu.memory_space<vmem>>, vector<1x16xf32>,
      %swap3A_297 = vector.shape_cast %swap3A_296 : vector<1x16xf32> to vector<16xf32>
      %swap3A_298 = vector.shape_cast %add3A_293 : vector<16xf32> to vector<1x16xf32>
      tpu.vector_store %arg8[%swap3A_294, %swap3A_295], %swap3A_298 {strides = array<i32>} : memref<32x1024xf32, #tpu.memory_space<vmem>>, vector<1x16xf32>,
      %get3A_299 = arith.index_cast %scan3A_48 : i32 to index
      %get3A_300 = arith.constant 288 : index
      %get3A_301 = tpu.vector_load %arg8[%get3A_299, %get3A_300] {strides = array<i32>} : memref<32x1024xf32, #tpu.memory_space<vmem>>, vector<1x16xf32>,
      %get3A_302 = vector.shape_cast %get3A_301 : vector<1x16xf32> to vector<16xf32>
      %get3A_303 = arith.index_cast %scan3A_48 : i32 to index
      %get3A_304 = arith.constant 288 : index
      %get3A_305 = tpu.vector_load %arg9[%get3A_303, %get3A_304] {strides = array<i32>} : memref<32x1024xf32, #tpu.memory_space<vmem>>, vector<1x16xf32>,
      %get3A_306 = vector.shape_cast %get3A_305 : vector<1x16xf32> to vector<16xf32>
      %add3A_307 = arith.addf %get3A_302, %get3A_306 : vector<16xf32>
      %swap3A_308 = arith.index_cast %scan3A_48 : i32 to index
      %swap3A_309 = arith.constant 288 : index
      %swap3A_310 = tpu.vector_load %arg8[%swap3A_308, %swap3A_309] {strides = array<i32>} : memref<32x1024xf32, #tpu.memory_space<vmem>>, vector<1x16xf32>,
      %swap3A_311 = vector.shape_cast %swap3A_310 : vector<1x16xf32> to vector<16xf32>
      %swap3A_312 = vector.shape_cast %add3A_307 : vector<16xf32> to vector<1x16xf32>
      tpu.vector_store %arg8[%swap3A_308, %swap3A_309], %swap3A_312 {strides = array<i32>} : memref<32x1024xf32, #tpu.memory_space<vmem>>, vector<1x16xf32>,
      %get3A_313 = arith.index_cast %scan3A_48 : i32 to index
      %get3A_314 = arith.constant 304 : index
      %get3A_315 = tpu.vector_load %arg8[%get3A_313, %get3A_314] {strides = array<i32>} : memref<32x1024xf32, #tpu.memory_space<vmem>>, vector<1x16xf32>,
      %get3A_316 = vector.shape_cast %get3A_315 : vector<1x16xf32> to vector<16xf32>
      %get3A_317 = arith.index_cast %scan3A_48 : i32 to index
      %get3A_318 = arith.constant 304 : index
      %get3A_319 = tpu.vector_load %arg9[%get3A_317, %get3A_318] {strides = array<i32>} : memref<32x1024xf32, #tpu.memory_space<vmem>>, vector<1x16xf32>,
      %get3A_320 = vector.shape_cast %get3A_319 : vector<1x16xf32> to vector<16xf32>
      %add3A_321 = arith.addf %get3A_316, %get3A_320 : vector<16xf32>
      %swap3A_322 = arith.index_cast %scan3A_48 : i32 to index
      %swap3A_323 = arith.constant 304 : index
      %swap3A_324 = tpu.vector_load %arg8[%swap3A_322, %swap3A_323] {strides = array<i32>} : memref<32x1024xf32, #tpu.memory_space<vmem>>, vector<1x16xf32>,
      %swap3A_325 = vector.shape_cast %swap3A_324 : vector<1x16xf32> to vector<16xf32>
      %swap3A_326 = vector.shape_cast %add3A_321 : vector<16xf32> to vector<1x16xf32>
      tpu.vector_store %arg8[%swap3A_322, %swap3A_323], %swap3A_326 {strides = array<i32>} : memref<32x1024xf32, #tpu.memory_space<vmem>>, vector<1x16xf32>,
      %get3A_327 = arith.index_cast %scan3A_48 : i32 to index
      %get3A_328 = arith.constant 320 : index
      %get3A_329 = tpu.vector_load %arg8[%get3A_327, %get3A_328] {strides = array<i32>} : memref<32x1024xf32, #tpu.memory_space<vmem>>, vector<1x16xf32>,
      %get3A_330 = vector.shape_cast %get3A_329 : vector<1x16xf32> to vector<16xf32>
      %get3A_331 = arith.index_cast %scan3A_48 : i32 to index
      %get3A_332 = arith.constant 320 : index
      %get3A_333 = tpu.vector_load %arg9[%get3A_331, %get3A_332] {strides = array<i32>} : memref<32x1024xf32, #tpu.memory_space<vmem>>, vector<1x16xf32>,
      %get3A_334 = vector.shape_cast %get3A_333 : vector<1x16xf32> to vector<16xf32>
      %add3A_335 = arith.addf %get3A_330, %get3A_334 : vector<16xf32>
      %swap3A_336 = arith.index_cast %scan3A_48 : i32 to index
      %swap3A_337 = arith.constant 320 : index
      %swap3A_338 = tpu.vector_load %arg8[%swap3A_336, %swap3A_337] {strides = array<i32>} : memref<32x1024xf32, #tpu.memory_space<vmem>>, vector<1x16xf32>,
      %swap3A_339 = vector.shape_cast %swap3A_338 : vector<1x16xf32> to vector<16xf32>
      %swap3A_340 = vector.shape_cast %add3A_335 : vector<16xf32> to vector<1x16xf32>
      tpu.vector_store %arg8[%swap3A_336, %swap3A_337], %swap3A_340 {strides = array<i32>} : memref<32x1024xf32, #tpu.memory_space<vmem>>, vector<1x16xf32>,
      %get3A_341 = arith.index_cast %scan3A_48 : i32 to index
      %get3A_342 = arith.constant 336 : index
      %get3A_343 = tpu.vector_load %arg8[%get3A_341, %get3A_342] {strides = array<i32>} : memref<32x1024xf32, #tpu.memory_space<vmem>>, vector<1x16xf32>,
      %get3A_344 = vector.shape_cast %get3A_343 : vector<1x16xf32> to vector<16xf32>
      %get3A_345 = arith.index_cast %scan3A_48 : i32 to index
      %get3A_346 = arith.constant 336 : index
      %get3A_347 = tpu.vector_load %arg9[%get3A_345, %get3A_346] {strides = array<i32>} : memref<32x1024xf32, #tpu.memory_space<vmem>>, vector<1x16xf32>,
      %get3A_348 = vector.shape_cast %get3A_347 : vector<1x16xf32> to vector<16xf32>
      %add3A_349 = arith.addf %get3A_344, %get3A_348 : vector<16xf32>
      %swap3A_350 = arith.index_cast %scan3A_48 : i32 to index
      %swap3A_351 = arith.constant 336 : index
      %swap3A_352 = tpu.vector_load %arg8[%swap3A_350, %swap3A_351] {strides = array<i32>} : memref<32x1024xf32, #tpu.memory_space<vmem>>, vector<1x16xf32>,
      %swap3A_353 = vector.shape_cast %swap3A_352 : vector<1x16xf32> to vector<16xf32>
      %swap3A_354 = vector.shape_cast %add3A_349 : vector<16xf32> to vector<1x16xf32>
      tpu.vector_store %arg8[%swap3A_350, %swap3A_351], %swap3A_354 {strides = array<i32>} : memref<32x1024xf32, #tpu.memory_space<vmem>>, vector<1x16xf32>,
      %get3A_355 = arith.index_cast %scan3A_48 : i32 to index
      %get3A_356 = arith.constant 352 : index
      %get3A_357 = tpu.vector_load %arg8[%get3A_355, %get3A_356] {strides = array<i32>} : memref<32x1024xf32, #tpu.memory_space<vmem>>, vector<1x16xf32>,
      %get3A_358 = vector.shape_cast %get3A_357 : vector<1x16xf32> to vector<16xf32>
      %get3A_359 = arith.index_cast %scan3A_48 : i32 to index
      %get3A_360 = arith.constant 352 : index
      %get3A_361 = tpu.vector_load %arg9[%get3A_359, %get3A_360] {strides = array<i32>} : memref<32x1024xf32, #tpu.memory_space<vmem>>, vector<1x16xf32>,
      %get3A_362 = vector.shape_cast %get3A_361 : vector<1x16xf32> to vector<16xf32>
      %add3A_363 = arith.addf %get3A_358, %get3A_362 : vector<16xf32>
      %swap3A_364 = arith.index_cast %scan3A_48 : i32 to index
      %swap3A_365 = arith.constant 352 : index
      %swap3A_366 = tpu.vector_load %arg8[%swap3A_364, %swap3A_365] {strides = array<i32>} : memref<32x1024xf32, #tpu.memory_space<vmem>>, vector<1x16xf32>,
      %swap3A_367 = vector.shape_cast %swap3A_366 : vector<1x16xf32> to vector<16xf32>
      %swap3A_368 = vector.shape_cast %add3A_363 : vector<16xf32> to vector<1x16xf32>
      tpu.vector_store %arg8[%swap3A_364, %swap3A_365], %swap3A_368 {strides = array<i32>} : memref<32x1024xf32, #tpu.memory_space<vmem>>, vector<1x16xf32>,
      %get3A_369 = arith.index_cast %scan3A_48 : i32 to index
      %get3A_370 = arith.constant 368 : index
      %get3A_371 = tpu.vector_load %arg8[%get3A_369, %get3A_370] {strides = array<i32>} : memref<32x1024xf32, #tpu.memory_space<vmem>>, vector<1x16xf32>,
      %get3A_372 = vector.shape_cast %get3A_371 : vector<1x16xf32> to vector<16xf32>
      %get3A_373 = arith.index_cast %scan3A_48 : i32 to index
      %get3A_374 = arith.constant 368 : index
      %get3A_375 = tpu.vector_load %arg9[%get3A_373, %get3A_374] {strides = array<i32>} : memref<32x1024xf32, #tpu.memory_space<vmem>>, vector<1x16xf32>,
      %get3A_376 = vector.shape_cast %get3A_375 : vector<1x16xf32> to vector<16xf32>
      %add3A_377 = arith.addf %get3A_372, %get3A_376 : vector<16xf32>
      %swap3A_378 = arith.index_cast %scan3A_48 : i32 to index
      %swap3A_379 = arith.constant 368 : index
      %swap3A_380 = tpu.vector_load %arg8[%swap3A_378, %swap3A_379] {strides = array<i32>} : memref<32x1024xf32, #tpu.memory_space<vmem>>, vector<1x16xf32>,
      %swap3A_381 = vector.shape_cast %swap3A_380 : vector<1x16xf32> to vector<16xf32>
      %swap3A_382 = vector.shape_cast %add3A_377 : vector<16xf32> to vector<1x16xf32>
      tpu.vector_store %arg8[%swap3A_378, %swap3A_379], %swap3A_382 {strides = array<i32>} : memref<32x1024xf32, #tpu.memory_space<vmem>>, vector<1x16xf32>,
      %get3A_383 = arith.index_cast %scan3A_48 : i32 to index
      %get3A_384 = arith.constant 384 : index
      %get3A_385 = tpu.vector_load %arg8[%get3A_383, %get3A_384] {strides = array<i32>} : memref<32x1024xf32, #tpu.memory_space<vmem>>, vector<1x16xf32>,
      %get3A_386 = vector.shape_cast %get3A_385 : vector<1x16xf32> to vector<16xf32>
      %get3A_387 = arith.index_cast %scan3A_48 : i32 to index
      %get3A_388 = arith.constant 384 : index
      %get3A_389 = tpu.vector_load %arg9[%get3A_387, %get3A_388] {strides = array<i32>} : memref<32x1024xf32, #tpu.memory_space<vmem>>, vector<1x16xf32>,
      %get3A_390 = vector.shape_cast %get3A_389 : vector<1x16xf32> to vector<16xf32>
      %add3A_391 = arith.addf %get3A_386, %get3A_390 : vector<16xf32>
      %swap3A_392 = arith.index_cast %scan3A_48 : i32 to index
      %swap3A_393 = arith.constant 384 : index
      %swap3A_394 = tpu.vector_load %arg8[%swap3A_392, %swap3A_393] {strides = array<i32>} : memref<32x1024xf32, #tpu.memory_space<vmem>>, vector<1x16xf32>,
      %swap3A_395 = vector.shape_cast %swap3A_394 : vector<1x16xf32> to vector<16xf32>
      %swap3A_396 = vector.shape_cast %add3A_391 : vector<16xf32> to vector<1x16xf32>
      tpu.vector_store %arg8[%swap3A_392, %swap3A_393], %swap3A_396 {strides = array<i32>} : memref<32x1024xf32, #tpu.memory_space<vmem>>, vector<1x16xf32>,
      %get3A_397 = arith.index_cast %scan3A_48 : i32 to index
      %get3A_398 = arith.constant 400 : index
      %get3A_399 = tpu.vector_load %arg8[%get3A_397, %get3A_398] {strides = array<i32>} : memref<32x1024xf32, #tpu.memory_space<vmem>>, vector<1x16xf32>,
      %get3A_400 = vector.shape_cast %get3A_399 : vector<1x16xf32> to vector<16xf32>
      %get3A_401 = arith.index_cast %scan3A_48 : i32 to index
      %get3A_402 = arith.constant 400 : index
      %get3A_403 = tpu.vector_load %arg9[%get3A_401, %get3A_402] {strides = array<i32>} : memref<32x1024xf32, #tpu.memory_space<vmem>>, vector<1x16xf32>,
      %get3A_404 = vector.shape_cast %get3A_403 : vector<1x16xf32> to vector<16xf32>
      %add3A_405 = arith.addf %get3A_400, %get3A_404 : vector<16xf32>
      %swap3A_406 = arith.index_cast %scan3A_48 : i32 to index
      %swap3A_407 = arith.constant 400 : index
      %swap3A_408 = tpu.vector_load %arg8[%swap3A_406, %swap3A_407] {strides = array<i32>} : memref<32x1024xf32, #tpu.memory_space<vmem>>, vector<1x16xf32>,
      %swap3A_409 = vector.shape_cast %swap3A_408 : vector<1x16xf32> to vector<16xf32>
      %swap3A_410 = vector.shape_cast %add3A_405 : vector<16xf32> to vector<1x16xf32>
      tpu.vector_store %arg8[%swap3A_406, %swap3A_407], %swap3A_410 {strides = array<i32>} : memref<32x1024xf32, #tpu.memory_space<vmem>>, vector<1x16xf32>,
      %get3A_411 = arith.index_cast %scan3A_48 : i32 to index
      %get3A_412 = arith.constant 416 : index
      %get3A_413 = tpu.vector_load %arg8[%get3A_411, %get3A_412] {strides = array<i32>} : memref<32x1024xf32, #tpu.memory_space<vmem>>, vector<1x16xf32>,
      %get3A_414 = vector.shape_cast %get3A_413 : vector<1x16xf32> to vector<16xf32>
      %get3A_415 = arith.index_cast %scan3A_48 : i32 to index
      %get3A_416 = arith.constant 416 : index
      %get3A_417 = tpu.vector_load %arg9[%get3A_415, %get3A_416] {strides = array<i32>} : memref<32x1024xf32, #tpu.memory_space<vmem>>, vector<1x16xf32>,
      %get3A_418 = vector.shape_cast %get3A_417 : vector<1x16xf32> to vector<16xf32>
      %add3A_419 = arith.addf %get3A_414, %get3A_418 : vector<16xf32>
      %swap3A_420 = arith.index_cast %scan3A_48 : i32 to index
      %swap3A_421 = arith.constant 416 : index
      %swap3A_422 = tpu.vector_load %arg8[%swap3A_420, %swap3A_421] {strides = array<i32>} : memref<32x1024xf32, #tpu.memory_space<vmem>>, vector<1x16xf32>,
      %swap3A_423 = vector.shape_cast %swap3A_422 : vector<1x16xf32> to vector<16xf32>
      %swap3A_424 = vector.shape_cast %add3A_419 : vector<16xf32> to vector<1x16xf32>
      tpu.vector_store %arg8[%swap3A_420, %swap3A_421], %swap3A_424 {strides = array<i32>} : memref<32x1024xf32, #tpu.memory_space<vmem>>, vector<1x16xf32>,
      %get3A_425 = arith.index_cast %scan3A_48 : i32 to index
      %get3A_426 = arith.constant 432 : index
      %get3A_427 = tpu.vector_load %arg8[%get3A_425, %get3A_426] {strides = array<i32>} : memref<32x1024xf32, #tpu.memory_space<vmem>>, vector<1x16xf32>,
      %get3A_428 = vector.shape_cast %get3A_427 : vector<1x16xf32> to vector<16xf32>
      %get3A_429 = arith.index_cast %scan3A_48 : i32 to index
      %get3A_430 = arith.constant 432 : index
      %get3A_431 = tpu.vector_load %arg9[%get3A_429, %get3A_430] {strides = array<i32>} : memref<32x1024xf32, #tpu.memory_space<vmem>>, vector<1x16xf32>,
      %get3A_432 = vector.shape_cast %get3A_431 : vector<1x16xf32> to vector<16xf32>
      %add3A_433 = arith.addf %get3A_428, %get3A_432 : vector<16xf32>
      %swap3A_434 = arith.index_cast %scan3A_48 : i32 to index
      %swap3A_435 = arith.constant 432 : index
      %swap3A_436 = tpu.vector_load %arg8[%swap3A_434, %swap3A_435] {strides = array<i32>} : memref<32x1024xf32, #tpu.memory_space<vmem>>, vector<1x16xf32>,
      %swap3A_437 = vector.shape_cast %swap3A_436 : vector<1x16xf32> to vector<16xf32>
      %swap3A_438 = vector.shape_cast %add3A_433 : vector<16xf32> to vector<1x16xf32>
      tpu.vector_store %arg8[%swap3A_434, %swap3A_435], %swap3A_438 {strides = array<i32>} : memref<32x1024xf32, #tpu.memory_space<vmem>>, vector<1x16xf32>,
      %get3A_439 = arith.index_cast %scan3A_48 : i32 to index
      %get3A_440 = arith.constant 448 : index
      %get3A_441 = tpu.vector_load %arg8[%get3A_439, %get3A_440] {strides = array<i32>} : memref<32x1024xf32, #tpu.memory_space<vmem>>, vector<1x16xf32>,
      %get3A_442 = vector.shape_cast %get3A_441 : vector<1x16xf32> to vector<16xf32>
      %get3A_443 = arith.index_cast %scan3A_48 : i32 to index
      %get3A_444 = arith.constant 448 : index
      %get3A_445 = tpu.vector_load %arg9[%get3A_443, %get3A_444] {strides = array<i32>} : memref<32x1024xf32, #tpu.memory_space<vmem>>, vector<1x16xf32>,
      %get3A_446 = vector.shape_cast %get3A_445 : vector<1x16xf32> to vector<16xf32>
      %add3A_447 = arith.addf %get3A_442, %get3A_446 : vector<16xf32>
      %swap3A_448 = arith.index_cast %scan3A_48 : i32 to index
      %swap3A_449 = arith.constant 448 : index
      %swap3A_450 = tpu.vector_load %arg8[%swap3A_448, %swap3A_449] {strides = array<i32>} : memref<32x1024xf32, #tpu.memory_space<vmem>>, vector<1x16xf32>,
      %swap3A_451 = vector.shape_cast %swap3A_450 : vector<1x16xf32> to vector<16xf32>
      %swap3A_452 = vector.shape_cast %add3A_447 : vector<16xf32> to vector<1x16xf32>
      tpu.vector_store %arg8[%swap3A_448, %swap3A_449], %swap3A_452 {strides = array<i32>} : memref<32x1024xf32, #tpu.memory_space<vmem>>, vector<1x16xf32>,
      %get3A_453 = arith.index_cast %scan3A_48 : i32 to index
      %get3A_454 = arith.constant 464 : index
      %get3A_455 = tpu.vector_load %arg8[%get3A_453, %get3A_454] {strides = array<i32>} : memref<32x1024xf32, #tpu.memory_space<vmem>>, vector<1x16xf32>,
      %get3A_456 = vector.shape_cast %get3A_455 : vector<1x16xf32> to vector<16xf32>
      %get3A_457 = arith.index_cast %scan3A_48 : i32 to index
      %get3A_458 = arith.constant 464 : index
      %get3A_459 = tpu.vector_load %arg9[%get3A_457, %get3A_458] {strides = array<i32>} : memref<32x1024xf32, #tpu.memory_space<vmem>>, vector<1x16xf32>,
      %get3A_460 = vector.shape_cast %get3A_459 : vector<1x16xf32> to vector<16xf32>
      %add3A_461 = arith.addf %get3A_456, %get3A_460 : vector<16xf32>
      %swap3A_462 = arith.index_cast %scan3A_48 : i32 to index
      %swap3A_463 = arith.constant 464 : index
      %swap3A_464 = tpu.vector_load %arg8[%swap3A_462, %swap3A_463] {strides = array<i32>} : memref<32x1024xf32, #tpu.memory_space<vmem>>, vector<1x16xf32>,
      %swap3A_465 = vector.shape_cast %swap3A_464 : vector<1x16xf32> to vector<16xf32>
      %swap3A_466 = vector.shape_cast %add3A_461 : vector<16xf32> to vector<1x16xf32>
      tpu.vector_store %arg8[%swap3A_462, %swap3A_463], %swap3A_466 {strides = array<i32>} : memref<32x1024xf32, #tpu.memory_space<vmem>>, vector<1x16xf32>,
      %get3A_467 = arith.index_cast %scan3A_48 : i32 to index
      %get3A_468 = arith.constant 480 : index
      %get3A_469 = tpu.vector_load %arg8[%get3A_467, %get3A_468] {strides = array<i32>} : memref<32x1024xf32, #tpu.memory_space<vmem>>, vector<1x16xf32>,
      %get3A_470 = vector.shape_cast %get3A_469 : vector<1x16xf32> to vector<16xf32>
      %get3A_471 = arith.index_cast %scan3A_48 : i32 to index
      %get3A_472 = arith.constant 480 : index
      %get3A_473 = tpu.vector_load %arg9[%get3A_471, %get3A_472] {strides = array<i32>} : memref<32x1024xf32, #tpu.memory_space<vmem>>, vector<1x16xf32>,
      %get3A_474 = vector.shape_cast %get3A_473 : vector<1x16xf32> to vector<16xf32>
      %add3A_475 = arith.addf %get3A_470, %get3A_474 : vector<16xf32>
      %swap3A_476 = arith.index_cast %scan3A_48 : i32 to index
      %swap3A_477 = arith.constant 480 : index
      %swap3A_478 = tpu.vector_load %arg8[%swap3A_476, %swap3A_477] {strides = array<i32>} : memref<32x1024xf32, #tpu.memory_space<vmem>>, vector<1x16xf32>,
      %swap3A_479 = vector.shape_cast %swap3A_478 : vector<1x16xf32> to vector<16xf32>
      %swap3A_480 = vector.shape_cast %add3A_475 : vector<16xf32> to vector<1x16xf32>
      tpu.vector_store %arg8[%swap3A_476, %swap3A_477], %swap3A_480 {strides = array<i32>} : memref<32x1024xf32, #tpu.memory_space<vmem>>, vector<1x16xf32>,
      %get3A_481 = arith.index_cast %scan3A_48 : i32 to index
      %get3A_482 = arith.constant 496 : index
      %get3A_483 = tpu.vector_load %arg8[%get3A_481, %get3A_482] {strides = array<i32>} : memref<32x1024xf32, #tpu.memory_space<vmem>>, vector<1x16xf32>,
      %get3A_484 = vector.shape_cast %get3A_483 : vector<1x16xf32> to vector<16xf32>
      %get3A_485 = arith.index_cast %scan3A_48 : i32 to index
      %get3A_486 = arith.constant 496 : index
      %get3A_487 = tpu.vector_load %arg9[%get3A_485, %get3A_486] {strides = array<i32>} : memref<32x1024xf32, #tpu.memory_space<vmem>>, vector<1x16xf32>,
      %get3A_488 = vector.shape_cast %get3A_487 : vector<1x16xf32> to vector<16xf32>
      %add3A_489 = arith.addf %get3A_484, %get3A_488 : vector<16xf32>
      %swap3A_490 = arith.index_cast %scan3A_48 : i32 to index
      %swap3A_491 = arith.constant 496 : index
      %swap3A_492 = tpu.vector_load %arg8[%swap3A_490, %swap3A_491] {strides = array<i32>} : memref<32x1024xf32, #tpu.memory_space<vmem>>, vector<1x16xf32>,
      %swap3A_493 = vector.shape_cast %swap3A_492 : vector<1x16xf32> to vector<16xf32>
      %swap3A_494 = vector.shape_cast %add3A_489 : vector<16xf32> to vector<1x16xf32>
      tpu.vector_store %arg8[%swap3A_490, %swap3A_491], %swap3A_494 {strides = array<i32>} : memref<32x1024xf32, #tpu.memory_space<vmem>>, vector<1x16xf32>,
      %get3A_495 = arith.index_cast %scan3A_48 : i32 to index
      %get3A_496 = arith.constant 512 : index
      %get3A_497 = tpu.vector_load %arg8[%get3A_495, %get3A_496] {strides = array<i32>} : memref<32x1024xf32, #tpu.memory_space<vmem>>, vector<1x16xf32>,
      %get3A_498 = vector.shape_cast %get3A_497 : vector<1x16xf32> to vector<16xf32>
      %get3A_499 = arith.index_cast %scan3A_48 : i32 to index
      %get3A_500 = arith.constant 512 : index
      %get3A_501 = tpu.vector_load %arg9[%get3A_499, %get3A_500] {strides = array<i32>} : memref<32x1024xf32, #tpu.memory_space<vmem>>, vector<1x16xf32>,
      %get3A_502 = vector.shape_cast %get3A_501 : vector<1x16xf32> to vector<16xf32>
      %add3A_503 = arith.addf %get3A_498, %get3A_502 : vector<16xf32>
      %swap3A_504 = arith.index_cast %scan3A_48 : i32 to index
      %swap3A_505 = arith.constant 512 : index
      %swap3A_506 = tpu.vector_load %arg8[%swap3A_504, %swap3A_505] {strides = array<i32>} : memref<32x1024xf32, #tpu.memory_space<vmem>>, vector<1x16xf32>,
      %swap3A_507 = vector.shape_cast %swap3A_506 : vector<1x16xf32> to vector<16xf32>
      %swap3A_508 = vector.shape_cast %add3A_503 : vector<16xf32> to vector<1x16xf32>
      tpu.vector_store %arg8[%swap3A_504, %swap3A_505], %swap3A_508 {strides = array<i32>} : memref<32x1024xf32, #tpu.memory_space<vmem>>, vector<1x16xf32>,
      %get3A_509 = arith.index_cast %scan3A_48 : i32 to index
      %get3A_510 = arith.constant 528 : index
      %get3A_511 = tpu.vector_load %arg8[%get3A_509, %get3A_510] {strides = array<i32>} : memref<32x1024xf32, #tpu.memory_space<vmem>>, vector<1x16xf32>,
      %get3A_512 = vector.shape_cast %get3A_511 : vector<1x16xf32> to vector<16xf32>
      %get3A_513 = arith.index_cast %scan3A_48 : i32 to index
      %get3A_514 = arith.constant 528 : index
      %get3A_515 = tpu.vector_load %arg9[%get3A_513, %get3A_514] {strides = array<i32>} : memref<32x1024xf32, #tpu.memory_space<vmem>>, vector<1x16xf32>,
      %get3A_516 = vector.shape_cast %get3A_515 : vector<1x16xf32> to vector<16xf32>
      %add3A_517 = arith.addf %get3A_512, %get3A_516 : vector<16xf32>
      %swap3A_518 = arith.index_cast %scan3A_48 : i32 to index
      %swap3A_519 = arith.constant 528 : index
      %swap3A_520 = tpu.vector_load %arg8[%swap3A_518, %swap3A_519] {strides = array<i32>} : memref<32x1024xf32, #tpu.memory_space<vmem>>, vector<1x16xf32>,
      %swap3A_521 = vector.shape_cast %swap3A_520 : vector<1x16xf32> to vector<16xf32>
      %swap3A_522 = vector.shape_cast %add3A_517 : vector<16xf32> to vector<1x16xf32>
      tpu.vector_store %arg8[%swap3A_518, %swap3A_519], %swap3A_522 {strides = array<i32>} : memref<32x1024xf32, #tpu.memory_space<vmem>>, vector<1x16xf32>,
      %get3A_523 = arith.index_cast %scan3A_48 : i32 to index
      %get3A_524 = arith.constant 544 : index
      %get3A_525 = tpu.vector_load %arg8[%get3A_523, %get3A_524] {strides = array<i32>} : memref<32x1024xf32, #tpu.memory_space<vmem>>, vector<1x16xf32>,
      %get3A_526 = vector.shape_cast %get3A_525 : vector<1x16xf32> to vector<16xf32>
      %get3A_527 = arith.index_cast %scan3A_48 : i32 to index
      %get3A_528 = arith.constant 544 : index
      %get3A_529 = tpu.vector_load %arg9[%get3A_527, %get3A_528] {strides = array<i32>} : memref<32x1024xf32, #tpu.memory_space<vmem>>, vector<1x16xf32>,
      %get3A_530 = vector.shape_cast %get3A_529 : vector<1x16xf32> to vector<16xf32>
      %add3A_531 = arith.addf %get3A_526, %get3A_530 : vector<16xf32>
      %swap3A_532 = arith.index_cast %scan3A_48 : i32 to index
      %swap3A_533 = arith.constant 544 : index
      %swap3A_534 = tpu.vector_load %arg8[%swap3A_532, %swap3A_533] {strides = array<i32>} : memref<32x1024xf32, #tpu.memory_space<vmem>>, vector<1x16xf32>,
      %swap3A_535 = vector.shape_cast %swap3A_534 : vector<1x16xf32> to vector<16xf32>
      %swap3A_536 = vector.shape_cast %add3A_531 : vector<16xf32> to vector<1x16xf32>
      tpu.vector_store %arg8[%swap3A_532, %swap3A_533], %swap3A_536 {strides = array<i32>} : memref<32x1024xf32, #tpu.memory_space<vmem>>, vector<1x16xf32>,
      %get3A_537 = arith.index_cast %scan3A_48 : i32 to index
      %get3A_538 = arith.constant 560 : index
      %get3A_539 = tpu.vector_load %arg8[%get3A_537, %get3A_538] {strides = array<i32>} : memref<32x1024xf32, #tpu.memory_space<vmem>>, vector<1x16xf32>,
      %get3A_540 = vector.shape_cast %get3A_539 : vector<1x16xf32> to vector<16xf32>
      %get3A_541 = arith.index_cast %scan3A_48 : i32 to index
      %get3A_542 = arith.constant 560 : index
      %get3A_543 = tpu.vector_load %arg9[%get3A_541, %get3A_542] {strides = array<i32>} : memref<32x1024xf32, #tpu.memory_space<vmem>>, vector<1x16xf32>,
      %get3A_544 = vector.shape_cast %get3A_543 : vector<1x16xf32> to vector<16xf32>
      %add3A_545 = arith.addf %get3A_540, %get3A_544 : vector<16xf32>
      %swap3A_546 = arith.index_cast %scan3A_48 : i32 to index
      %swap3A_547 = arith.constant 560 : index
      %swap3A_548 = tpu.vector_load %arg8[%swap3A_546, %swap3A_547] {strides = array<i32>} : memref<32x1024xf32, #tpu.memory_space<vmem>>, vector<1x16xf32>,
      %swap3A_549 = vector.shape_cast %swap3A_548 : vector<1x16xf32> to vector<16xf32>
      %swap3A_550 = vector.shape_cast %add3A_545 : vector<16xf32> to vector<1x16xf32>
      tpu.vector_store %arg8[%swap3A_546, %swap3A_547], %swap3A_550 {strides = array<i32>} : memref<32x1024xf32, #tpu.memory_space<vmem>>, vector<1x16xf32>,
      %get3A_551 = arith.index_cast %scan3A_48 : i32 to index
      %get3A_552 = arith.constant 576 : index
      %get3A_553 = tpu.vector_load %arg8[%get3A_551, %get3A_552] {strides = array<i32>} : memref<32x1024xf32, #tpu.memory_space<vmem>>, vector<1x16xf32>,
      %get3A_554 = vector.shape_cast %get3A_553 : vector<1x16xf32> to vector<16xf32>
      %get3A_555 = arith.index_cast %scan3A_48 : i32 to index
      %get3A_556 = arith.constant 576 : index
      %get3A_557 = tpu.vector_load %arg9[%get3A_555, %get3A_556] {strides = array<i32>} : memref<32x1024xf32, #tpu.memory_space<vmem>>, vector<1x16xf32>,
      %get3A_558 = vector.shape_cast %get3A_557 : vector<1x16xf32> to vector<16xf32>
      %add3A_559 = arith.addf %get3A_554, %get3A_558 : vector<16xf32>
      %swap3A_560 = arith.index_cast %scan3A_48 : i32 to index
      %swap3A_561 = arith.constant 576 : index
      %swap3A_562 = tpu.vector_load %arg8[%swap3A_560, %swap3A_561] {strides = array<i32>} : memref<32x1024xf32, #tpu.memory_space<vmem>>, vector<1x16xf32>,
      %swap3A_563 = vector.shape_cast %swap3A_562 : vector<1x16xf32> to vector<16xf32>
      %swap3A_564 = vector.shape_cast %add3A_559 : vector<16xf32> to vector<1x16xf32>
      tpu.vector_store %arg8[%swap3A_560, %swap3A_561], %swap3A_564 {strides = array<i32>} : memref<32x1024xf32, #tpu.memory_space<vmem>>, vector<1x16xf32>,
      %get3A_565 = arith.index_cast %scan3A_48 : i32 to index
      %get3A_566 = arith.constant 592 : index
      %get3A_567 = tpu.vector_load %arg8[%get3A_565, %get3A_566] {strides = array<i32>} : memref<32x1024xf32, #tpu.memory_space<vmem>>, vector<1x16xf32>,
      %get3A_568 = vector.shape_cast %get3A_567 : vector<1x16xf32> to vector<16xf32>
      %get3A_569 = arith.index_cast %scan3A_48 : i32 to index
      %get3A_570 = arith.constant 592 : index
      %get3A_571 = tpu.vector_load %arg9[%get3A_569, %get3A_570] {strides = array<i32>} : memref<32x1024xf32, #tpu.memory_space<vmem>>, vector<1x16xf32>,
      %get3A_572 = vector.shape_cast %get3A_571 : vector<1x16xf32> to vector<16xf32>
      %add3A_573 = arith.addf %get3A_568, %get3A_572 : vector<16xf32>
      %swap3A_574 = arith.index_cast %scan3A_48 : i32 to index
      %swap3A_575 = arith.constant 592 : index
      %swap3A_576 = tpu.vector_load %arg8[%swap3A_574, %swap3A_575] {strides = array<i32>} : memref<32x1024xf32, #tpu.memory_space<vmem>>, vector<1x16xf32>,
      %swap3A_577 = vector.shape_cast %swap3A_576 : vector<1x16xf32> to vector<16xf32>
      %swap3A_578 = vector.shape_cast %add3A_573 : vector<16xf32> to vector<1x16xf32>
      tpu.vector_store %arg8[%swap3A_574, %swap3A_575], %swap3A_578 {strides = array<i32>} : memref<32x1024xf32, #tpu.memory_space<vmem>>, vector<1x16xf32>,
      %get3A_579 = arith.index_cast %scan3A_48 : i32 to index
      %get3A_580 = arith.constant 608 : index
      %get3A_581 = tpu.vector_load %arg8[%get3A_579, %get3A_580] {strides = array<i32>} : memref<32x1024xf32, #tpu.memory_space<vmem>>, vector<1x16xf32>,
      %get3A_582 = vector.shape_cast %get3A_581 : vector<1x16xf32> to vector<16xf32>
      %get3A_583 = arith.index_cast %scan3A_48 : i32 to index
      %get3A_584 = arith.constant 608 : index
      %get3A_585 = tpu.vector_load %arg9[%get3A_583, %get3A_584] {strides = array<i32>} : memref<32x1024xf32, #tpu.memory_space<vmem>>, vector<1x16xf32>,
      %get3A_586 = vector.shape_cast %get3A_585 : vector<1x16xf32> to vector<16xf32>
      %add3A_587 = arith.addf %get3A_582, %get3A_586 : vector<16xf32>
      %swap3A_588 = arith.index_cast %scan3A_48 : i32 to index
      %swap3A_589 = arith.constant 608 : index
      %swap3A_590 = tpu.vector_load %arg8[%swap3A_588, %swap3A_589] {strides = array<i32>} : memref<32x1024xf32, #tpu.memory_space<vmem>>, vector<1x16xf32>,
      %swap3A_591 = vector.shape_cast %swap3A_590 : vector<1x16xf32> to vector<16xf32>
      %swap3A_592 = vector.shape_cast %add3A_587 : vector<16xf32> to vector<1x16xf32>
      tpu.vector_store %arg8[%swap3A_588, %swap3A_589], %swap3A_592 {strides = array<i32>} : memref<32x1024xf32, #tpu.memory_space<vmem>>, vector<1x16xf32>,
      %get3A_593 = arith.index_cast %scan3A_48 : i32 to index
      %get3A_594 = arith.constant 624 : index
      %get3A_595 = tpu.vector_load %arg8[%get3A_593, %get3A_594] {strides = array<i32>} : memref<32x1024xf32, #tpu.memory_space<vmem>>, vector<1x16xf32>,
      %get3A_596 = vector.shape_cast %get3A_595 : vector<1x16xf32> to vector<16xf32>
      %get3A_597 = arith.index_cast %scan3A_48 : i32 to index
      %get3A_598 = arith.constant 624 : index
      %get3A_599 = tpu.vector_load %arg9[%get3A_597, %get3A_598] {strides = array<i32>} : memref<32x1024xf32, #tpu.memory_space<vmem>>, vector<1x16xf32>,
      %get3A_600 = vector.shape_cast %get3A_599 : vector<1x16xf32> to vector<16xf32>
      %add3A_601 = arith.addf %get3A_596, %get3A_600 : vector<16xf32>
      %swap3A_602 = arith.index_cast %scan3A_48 : i32 to index
      %swap3A_603 = arith.constant 624 : index
      %swap3A_604 = tpu.vector_load %arg8[%swap3A_602, %swap3A_603] {strides = array<i32>} : memref<32x1024xf32, #tpu.memory_space<vmem>>, vector<1x16xf32>,
      %swap3A_605 = vector.shape_cast %swap3A_604 : vector<1x16xf32> to vector<16xf32>
      %swap3A_606 = vector.shape_cast %add3A_601 : vector<16xf32> to vector<1x16xf32>
      tpu.vector_store %arg8[%swap3A_602, %swap3A_603], %swap3A_606 {strides = array<i32>} : memref<32x1024xf32, #tpu.memory_space<vmem>>, vector<1x16xf32>,
      %get3A_607 = arith.index_cast %scan3A_48 : i32 to index
      %get3A_608 = arith.constant 640 : index
      %get3A_609 = tpu.vector_load %arg8[%get3A_607, %get3A_608] {strides = array<i32>} : memref<32x1024xf32, #tpu.memory_space<vmem>>, vector<1x16xf32>,
      %get3A_610 = vector.shape_cast %get3A_609 : vector<1x16xf32> to vector<16xf32>
      %get3A_611 = arith.index_cast %scan3A_48 : i32 to index
      %get3A_612 = arith.constant 640 : index
      %get3A_613 = tpu.vector_load %arg9[%get3A_611, %get3A_612] {strides = array<i32>} : memref<32x1024xf32, #tpu.memory_space<vmem>>, vector<1x16xf32>,
      %get3A_614 = vector.shape_cast %get3A_613 : vector<1x16xf32> to vector<16xf32>
      %add3A_615 = arith.addf %get3A_610, %get3A_614 : vector<16xf32>
      %swap3A_616 = arith.index_cast %scan3A_48 : i32 to index
      %swap3A_617 = arith.constant 640 : index
      %swap3A_618 = tpu.vector_load %arg8[%swap3A_616, %swap3A_617] {strides = array<i32>} : memref<32x1024xf32, #tpu.memory_space<vmem>>, vector<1x16xf32>,
      %swap3A_619 = vector.shape_cast %swap3A_618 : vector<1x16xf32> to vector<16xf32>
      %swap3A_620 = vector.shape_cast %add3A_615 : vector<16xf32> to vector<1x16xf32>
      tpu.vector_store %arg8[%swap3A_616, %swap3A_617], %swap3A_620 {strides = array<i32>} : memref<32x1024xf32, #tpu.memory_space<vmem>>, vector<1x16xf32>,
      %get3A_621 = arith.index_cast %scan3A_48 : i32 to index
      %get3A_622 = arith.constant 656 : index
      %get3A_623 = tpu.vector_load %arg8[%get3A_621, %get3A_622] {strides = array<i32>} : memref<32x1024xf32, #tpu.memory_space<vmem>>, vector<1x16xf32>,
      %get3A_624 = vector.shape_cast %get3A_623 : vector<1x16xf32> to vector<16xf32>
      %get3A_625 = arith.index_cast %scan3A_48 : i32 to index
      %get3A_626 = arith.constant 656 : index
      %get3A_627 = tpu.vector_load %arg9[%get3A_625, %get3A_626] {strides = array<i32>} : memref<32x1024xf32, #tpu.memory_space<vmem>>, vector<1x16xf32>,
      %get3A_628 = vector.shape_cast %get3A_627 : vector<1x16xf32> to vector<16xf32>
      %add3A_629 = arith.addf %get3A_624, %get3A_628 : vector<16xf32>
      %swap3A_630 = arith.index_cast %scan3A_48 : i32 to index
      %swap3A_631 = arith.constant 656 : index
      %swap3A_632 = tpu.vector_load %arg8[%swap3A_630, %swap3A_631] {strides = array<i32>} : memref<32x1024xf32, #tpu.memory_space<vmem>>, vector<1x16xf32>,
      %swap3A_633 = vector.shape_cast %swap3A_632 : vector<1x16xf32> to vector<16xf32>
      %swap3A_634 = vector.shape_cast %add3A_629 : vector<16xf32> to vector<1x16xf32>
      tpu.vector_store %arg8[%swap3A_630, %swap3A_631], %swap3A_634 {strides = array<i32>} : memref<32x1024xf32, #tpu.memory_space<vmem>>, vector<1x16xf32>,
      %get3A_635 = arith.index_cast %scan3A_48 : i32 to index
      %get3A_636 = arith.constant 672 : index
      %get3A_637 = tpu.vector_load %arg8[%get3A_635, %get3A_636] {strides = array<i32>} : memref<32x1024xf32, #tpu.memory_space<vmem>>, vector<1x16xf32>,
      %get3A_638 = vector.shape_cast %get3A_637 : vector<1x16xf32> to vector<16xf32>
      %get3A_639 = arith.index_cast %scan3A_48 : i32 to index
      %get3A_640 = arith.constant 672 : index
      %get3A_641 = tpu.vector_load %arg9[%get3A_639, %get3A_640] {strides = array<i32>} : memref<32x1024xf32, #tpu.memory_space<vmem>>, vector<1x16xf32>,
      %get3A_642 = vector.shape_cast %get3A_641 : vector<1x16xf32> to vector<16xf32>
      %add3A_643 = arith.addf %get3A_638, %get3A_642 : vector<16xf32>
      %swap3A_644 = arith.index_cast %scan3A_48 : i32 to index
      %swap3A_645 = arith.constant 672 : index
      %swap3A_646 = tpu.vector_load %arg8[%swap3A_644, %swap3A_645] {strides = array<i32>} : memref<32x1024xf32, #tpu.memory_space<vmem>>, vector<1x16xf32>,
      %swap3A_647 = vector.shape_cast %swap3A_646 : vector<1x16xf32> to vector<16xf32>
      %swap3A_648 = vector.shape_cast %add3A_643 : vector<16xf32> to vector<1x16xf32>
      tpu.vector_store %arg8[%swap3A_644, %swap3A_645], %swap3A_648 {strides = array<i32>} : memref<32x1024xf32, #tpu.memory_space<vmem>>, vector<1x16xf32>,
      %get3A_649 = arith.index_cast %scan3A_48 : i32 to index
      %get3A_650 = arith.constant 688 : index
      %get3A_651 = tpu.vector_load %arg8[%get3A_649, %get3A_650] {strides = array<i32>} : memref<32x1024xf32, #tpu.memory_space<vmem>>, vector<1x16xf32>,
      %get3A_652 = vector.shape_cast %get3A_651 : vector<1x16xf32> to vector<16xf32>
      %get3A_653 = arith.index_cast %scan3A_48 : i32 to index
      %get3A_654 = arith.constant 688 : index
      %get3A_655 = tpu.vector_load %arg9[%get3A_653, %get3A_654] {strides = array<i32>} : memref<32x1024xf32, #tpu.memory_space<vmem>>, vector<1x16xf32>,
      %get3A_656 = vector.shape_cast %get3A_655 : vector<1x16xf32> to vector<16xf32>
      %add3A_657 = arith.addf %get3A_652, %get3A_656 : vector<16xf32>
      %swap3A_658 = arith.index_cast %scan3A_48 : i32 to index
      %swap3A_659 = arith.constant 688 : index
      %swap3A_660 = tpu.vector_load %arg8[%swap3A_658, %swap3A_659] {strides = array<i32>} : memref<32x1024xf32, #tpu.memory_space<vmem>>, vector<1x16xf32>,
      %swap3A_661 = vector.shape_cast %swap3A_660 : vector<1x16xf32> to vector<16xf32>
      %swap3A_662 = vector.shape_cast %add3A_657 : vector<16xf32> to vector<1x16xf32>
      tpu.vector_store %arg8[%swap3A_658, %swap3A_659], %swap3A_662 {strides = array<i32>} : memref<32x1024xf32, #tpu.memory_space<vmem>>, vector<1x16xf32>,
      %get3A_663 = arith.index_cast %scan3A_48 : i32 to index
      %get3A_664 = arith.constant 704 : index
      %get3A_665 = tpu.vector_load %arg8[%get3A_663, %get3A_664] {strides = array<i32>} : memref<32x1024xf32, #tpu.memory_space<vmem>>, vector<1x16xf32>,
      %get3A_666 = vector.shape_cast %get3A_665 : vector<1x16xf32> to vector<16xf32>
      %get3A_667 = arith.index_cast %scan3A_48 : i32 to index
      %get3A_668 = arith.constant 704 : index
      %get3A_669 = tpu.vector_load %arg9[%get3A_667, %get3A_668] {strides = array<i32>} : memref<32x1024xf32, #tpu.memory_space<vmem>>, vector<1x16xf32>,
      %get3A_670 = vector.shape_cast %get3A_669 : vector<1x16xf32> to vector<16xf32>
      %add3A_671 = arith.addf %get3A_666, %get3A_670 : vector<16xf32>
      %swap3A_672 = arith.index_cast %scan3A_48 : i32 to index
      %swap3A_673 = arith.constant 704 : index
      %swap3A_674 = tpu.vector_load %arg8[%swap3A_672, %swap3A_673] {strides = array<i32>} : memref<32x1024xf32, #tpu.memory_space<vmem>>, vector<1x16xf32>,
      %swap3A_675 = vector.shape_cast %swap3A_674 : vector<1x16xf32> to vector<16xf32>
      %swap3A_676 = vector.shape_cast %add3A_671 : vector<16xf32> to vector<1x16xf32>
      tpu.vector_store %arg8[%swap3A_672, %swap3A_673], %swap3A_676 {strides = array<i32>} : memref<32x1024xf32, #tpu.memory_space<vmem>>, vector<1x16xf32>,
      %get3A_677 = arith.index_cast %scan3A_48 : i32 to index
      %get3A_678 = arith.constant 720 : index
      %get3A_679 = tpu.vector_load %arg8[%get3A_677, %get3A_678] {strides = array<i32>} : memref<32x1024xf32, #tpu.memory_space<vmem>>, vector<1x16xf32>,
      %get3A_680 = vector.shape_cast %get3A_679 : vector<1x16xf32> to vector<16xf32>
      %get3A_681 = arith.index_cast %scan3A_48 : i32 to index
      %get3A_682 = arith.constant 720 : index
      %get3A_683 = tpu.vector_load %arg9[%get3A_681, %get3A_682] {strides = array<i32>} : memref<32x1024xf32, #tpu.memory_space<vmem>>, vector<1x16xf32>,
      %get3A_684 = vector.shape_cast %get3A_683 : vector<1x16xf32> to vector<16xf32>
      %add3A_685 = arith.addf %get3A_680, %get3A_684 : vector<16xf32>
      %swap3A_686 = arith.index_cast %scan3A_48 : i32 to index
      %swap3A_687 = arith.constant 720 : index
      %swap3A_688 = tpu.vector_load %arg8[%swap3A_686, %swap3A_687] {strides = array<i32>} : memref<32x1024xf32, #tpu.memory_space<vmem>>, vector<1x16xf32>,
      %swap3A_689 = vector.shape_cast %swap3A_688 : vector<1x16xf32> to vector<16xf32>
      %swap3A_690 = vector.shape_cast %add3A_685 : vector<16xf32> to vector<1x16xf32>
      tpu.vector_store %arg8[%swap3A_686, %swap3A_687], %swap3A_690 {strides = array<i32>} : memref<32x1024xf32, #tpu.memory_space<vmem>>, vector<1x16xf32>,
      %get3A_691 = arith.index_cast %scan3A_48 : i32 to index
      %get3A_692 = arith.constant 736 : index
      %get3A_693 = tpu.vector_load %arg8[%get3A_691, %get3A_692] {strides = array<i32>} : memref<32x1024xf32, #tpu.memory_space<vmem>>, vector<1x16xf32>,
      %get3A_694 = vector.shape_cast %get3A_693 : vector<1x16xf32> to vector<16xf32>
      %get3A_695 = arith.index_cast %scan3A_48 : i32 to index
      %get3A_696 = arith.constant 736 : index
      %get3A_697 = tpu.vector_load %arg9[%get3A_695, %get3A_696] {strides = array<i32>} : memref<32x1024xf32, #tpu.memory_space<vmem>>, vector<1x16xf32>,
      %get3A_698 = vector.shape_cast %get3A_697 : vector<1x16xf32> to vector<16xf32>
      %add3A_699 = arith.addf %get3A_694, %get3A_698 : vector<16xf32>
      %swap3A_700 = arith.index_cast %scan3A_48 : i32 to index
      %swap3A_701 = arith.constant 736 : index
      %swap3A_702 = tpu.vector_load %arg8[%swap3A_700, %swap3A_701] {strides = array<i32>} : memref<32x1024xf32, #tpu.memory_space<vmem>>, vector<1x16xf32>,
      %swap3A_703 = vector.shape_cast %swap3A_702 : vector<1x16xf32> to vector<16xf32>
      %swap3A_704 = vector.shape_cast %add3A_699 : vector<16xf32> to vector<1x16xf32>
      tpu.vector_store %arg8[%swap3A_700, %swap3A_701], %swap3A_704 {strides = array<i32>} : memref<32x1024xf32, #tpu.memory_space<vmem>>, vector<1x16xf32>,
      %get3A_705 = arith.index_cast %scan3A_48 : i32 to index
      %get3A_706 = arith.constant 752 : index
      %get3A_707 = tpu.vector_load %arg8[%get3A_705, %get3A_706] {strides = array<i32>} : memref<32x1024xf32, #tpu.memory_space<vmem>>, vector<1x16xf32>,
      %get3A_708 = vector.shape_cast %get3A_707 : vector<1x16xf32> to vector<16xf32>
      %get3A_709 = arith.index_cast %scan3A_48 : i32 to index
      %get3A_710 = arith.constant 752 : index
      %get3A_711 = tpu.vector_load %arg9[%get3A_709, %get3A_710] {strides = array<i32>} : memref<32x1024xf32, #tpu.memory_space<vmem>>, vector<1x16xf32>,
      %get3A_712 = vector.shape_cast %get3A_711 : vector<1x16xf32> to vector<16xf32>
      %add3A_713 = arith.addf %get3A_708, %get3A_712 : vector<16xf32>
      %swap3A_714 = arith.index_cast %scan3A_48 : i32 to index
      %swap3A_715 = arith.constant 752 : index
      %swap3A_716 = tpu.vector_load %arg8[%swap3A_714, %swap3A_715] {strides = array<i32>} : memref<32x1024xf32, #tpu.memory_space<vmem>>, vector<1x16xf32>,
      %swap3A_717 = vector.shape_cast %swap3A_716 : vector<1x16xf32> to vector<16xf32>
      %swap3A_718 = vector.shape_cast %add3A_713 : vector<16xf32> to vector<1x16xf32>
      tpu.vector_store %arg8[%swap3A_714, %swap3A_715], %swap3A_718 {strides = array<i32>} : memref<32x1024xf32, #tpu.memory_space<vmem>>, vector<1x16xf32>,
      %get3A_719 = arith.index_cast %scan3A_48 : i32 to index
      %get3A_720 = arith.constant 768 : index
      %get3A_721 = tpu.vector_load %arg8[%get3A_719, %get3A_720] {strides = array<i32>} : memref<32x1024xf32, #tpu.memory_space<vmem>>, vector<1x16xf32>,
      %get3A_722 = vector.shape_cast %get3A_721 : vector<1x16xf32> to vector<16xf32>
      %get3A_723 = arith.index_cast %scan3A_48 : i32 to index
      %get3A_724 = arith.constant 768 : index
      %get3A_725 = tpu.vector_load %arg9[%get3A_723, %get3A_724] {strides = array<i32>} : memref<32x1024xf32, #tpu.memory_space<vmem>>, vector<1x16xf32>,
      %get3A_726 = vector.shape_cast %get3A_725 : vector<1x16xf32> to vector<16xf32>
      %add3A_727 = arith.addf %get3A_722, %get3A_726 : vector<16xf32>
      %swap3A_728 = arith.index_cast %scan3A_48 : i32 to index
      %swap3A_729 = arith.constant 768 : index
      %swap3A_730 = tpu.vector_load %arg8[%swap3A_728, %swap3A_729] {strides = array<i32>} : memref<32x1024xf32, #tpu.memory_space<vmem>>, vector<1x16xf32>,
      %swap3A_731 = vector.shape_cast %swap3A_730 : vector<1x16xf32> to vector<16xf32>
      %swap3A_732 = vector.shape_cast %add3A_727 : vector<16xf32> to vector<1x16xf32>
      tpu.vector_store %arg8[%swap3A_728, %swap3A_729], %swap3A_732 {strides = array<i32>} : memref<32x1024xf32, #tpu.memory_space<vmem>>, vector<1x16xf32>,
      %get3A_733 = arith.index_cast %scan3A_48 : i32 to index
      %get3A_734 = arith.constant 784 : index
      %get3A_735 = tpu.vector_load %arg8[%get3A_733, %get3A_734] {strides = array<i32>} : memref<32x1024xf32, #tpu.memory_space<vmem>>, vector<1x16xf32>,
      %get3A_736 = vector.shape_cast %get3A_735 : vector<1x16xf32> to vector<16xf32>
      %get3A_737 = arith.index_cast %scan3A_48 : i32 to index
      %get3A_738 = arith.constant 784 : index
      %get3A_739 = tpu.vector_load %arg9[%get3A_737, %get3A_738] {strides = array<i32>} : memref<32x1024xf32, #tpu.memory_space<vmem>>, vector<1x16xf32>,
      %get3A_740 = vector.shape_cast %get3A_739 : vector<1x16xf32> to vector<16xf32>
      %add3A_741 = arith.addf %get3A_736, %get3A_740 : vector<16xf32>
      %swap3A_742 = arith.index_cast %scan3A_48 : i32 to index
      %swap3A_743 = arith.constant 784 : index
      %swap3A_744 = tpu.vector_load %arg8[%swap3A_742, %swap3A_743] {strides = array<i32>} : memref<32x1024xf32, #tpu.memory_space<vmem>>, vector<1x16xf32>,
      %swap3A_745 = vector.shape_cast %swap3A_744 : vector<1x16xf32> to vector<16xf32>
      %swap3A_746 = vector.shape_cast %add3A_741 : vector<16xf32> to vector<1x16xf32>
      tpu.vector_store %arg8[%swap3A_742, %swap3A_743], %swap3A_746 {strides = array<i32>} : memref<32x1024xf32, #tpu.memory_space<vmem>>, vector<1x16xf32>,
      %get3A_747 = arith.index_cast %scan3A_48 : i32 to index
      %get3A_748 = arith.constant 800 : index
      %get3A_749 = tpu.vector_load %arg8[%get3A_747, %get3A_748] {strides = array<i32>} : memref<32x1024xf32, #tpu.memory_space<vmem>>, vector<1x16xf32>,
      %get3A_750 = vector.shape_cast %get3A_749 : vector<1x16xf32> to vector<16xf32>
      %get3A_751 = arith.index_cast %scan3A_48 : i32 to index
      %get3A_752 = arith.constant 800 : index
      %get3A_753 = tpu.vector_load %arg9[%get3A_751, %get3A_752] {strides = array<i32>} : memref<32x1024xf32, #tpu.memory_space<vmem>>, vector<1x16xf32>,
      %get3A_754 = vector.shape_cast %get3A_753 : vector<1x16xf32> to vector<16xf32>
      %add3A_755 = arith.addf %get3A_750, %get3A_754 : vector<16xf32>
      %swap3A_756 = arith.index_cast %scan3A_48 : i32 to index
      %swap3A_757 = arith.constant 800 : index
      %swap3A_758 = tpu.vector_load %arg8[%swap3A_756, %swap3A_757] {strides = array<i32>} : memref<32x1024xf32, #tpu.memory_space<vmem>>, vector<1x16xf32>,
      %swap3A_759 = vector.shape_cast %swap3A_758 : vector<1x16xf32> to vector<16xf32>
      %swap3A_760 = vector.shape_cast %add3A_755 : vector<16xf32> to vector<1x16xf32>
      tpu.vector_store %arg8[%swap3A_756, %swap3A_757], %swap3A_760 {strides = array<i32>} : memref<32x1024xf32, #tpu.memory_space<vmem>>, vector<1x16xf32>,
      %get3A_761 = arith.index_cast %scan3A_48 : i32 to index
      %get3A_762 = arith.constant 816 : index
      %get3A_763 = tpu.vector_load %arg8[%get3A_761, %get3A_762] {strides = array<i32>} : memref<32x1024xf32, #tpu.memory_space<vmem>>, vector<1x16xf32>,
      %get3A_764 = vector.shape_cast %get3A_763 : vector<1x16xf32> to vector<16xf32>
      %get3A_765 = arith.index_cast %scan3A_48 : i32 to index
      %get3A_766 = arith.constant 816 : index
      %get3A_767 = tpu.vector_load %arg9[%get3A_765, %get3A_766] {strides = array<i32>} : memref<32x1024xf32, #tpu.memory_space<vmem>>, vector<1x16xf32>,
      %get3A_768 = vector.shape_cast %get3A_767 : vector<1x16xf32> to vector<16xf32>
      %add3A_769 = arith.addf %get3A_764, %get3A_768 : vector<16xf32>
      %swap3A_770 = arith.index_cast %scan3A_48 : i32 to index
      %swap3A_771 = arith.constant 816 : index
      %swap3A_772 = tpu.vector_load %arg8[%swap3A_770, %swap3A_771] {strides = array<i32>} : memref<32x1024xf32, #tpu.memory_space<vmem>>, vector<1x16xf32>,
      %swap3A_773 = vector.shape_cast %swap3A_772 : vector<1x16xf32> to vector<16xf32>
      %swap3A_774 = vector.shape_cast %add3A_769 : vector<16xf32> to vector<1x16xf32>
      tpu.vector_store %arg8[%swap3A_770, %swap3A_771], %swap3A_774 {strides = array<i32>} : memref<32x1024xf32, #tpu.memory_space<vmem>>, vector<1x16xf32>,
      %get3A_775 = arith.index_cast %scan3A_48 : i32 to index
      %get3A_776 = arith.constant 832 : index
      %get3A_777 = tpu.vector_load %arg8[%get3A_775, %get3A_776] {strides = array<i32>} : memref<32x1024xf32, #tpu.memory_space<vmem>>, vector<1x16xf32>,
      %get3A_778 = vector.shape_cast %get3A_777 : vector<1x16xf32> to vector<16xf32>
      %get3A_779 = arith.index_cast %scan3A_48 : i32 to index
      %get3A_780 = arith.constant 832 : index
      %get3A_781 = tpu.vector_load %arg9[%get3A_779, %get3A_780] {strides = array<i32>} : memref<32x1024xf32, #tpu.memory_space<vmem>>, vector<1x16xf32>,
      %get3A_782 = vector.shape_cast %get3A_781 : vector<1x16xf32> to vector<16xf32>
      %add3A_783 = arith.addf %get3A_778, %get3A_782 : vector<16xf32>
      %swap3A_784 = arith.index_cast %scan3A_48 : i32 to index
      %swap3A_785 = arith.constant 832 : index
      %swap3A_786 = tpu.vector_load %arg8[%swap3A_784, %swap3A_785] {strides = array<i32>} : memref<32x1024xf32, #tpu.memory_space<vmem>>, vector<1x16xf32>,
      %swap3A_787 = vector.shape_cast %swap3A_786 : vector<1x16xf32> to vector<16xf32>
      %swap3A_788 = vector.shape_cast %add3A_783 : vector<16xf32> to vector<1x16xf32>
      tpu.vector_store %arg8[%swap3A_784, %swap3A_785], %swap3A_788 {strides = array<i32>} : memref<32x1024xf32, #tpu.memory_space<vmem>>, vector<1x16xf32>,
      %get3A_789 = arith.index_cast %scan3A_48 : i32 to index
      %get3A_790 = arith.constant 848 : index
      %get3A_791 = tpu.vector_load %arg8[%get3A_789, %get3A_790] {strides = array<i32>} : memref<32x1024xf32, #tpu.memory_space<vmem>>, vector<1x16xf32>,
      %get3A_792 = vector.shape_cast %get3A_791 : vector<1x16xf32> to vector<16xf32>
      %get3A_793 = arith.index_cast %scan3A_48 : i32 to index
      %get3A_794 = arith.constant 848 : index
      %get3A_795 = tpu.vector_load %arg9[%get3A_793, %get3A_794] {strides = array<i32>} : memref<32x1024xf32, #tpu.memory_space<vmem>>, vector<1x16xf32>,
      %get3A_796 = vector.shape_cast %get3A_795 : vector<1x16xf32> to vector<16xf32>
      %add3A_797 = arith.addf %get3A_792, %get3A_796 : vector<16xf32>
      %swap3A_798 = arith.index_cast %scan3A_48 : i32 to index
      %swap3A_799 = arith.constant 848 : index
      %swap3A_800 = tpu.vector_load %arg8[%swap3A_798, %swap3A_799] {strides = array<i32>} : memref<32x1024xf32, #tpu.memory_space<vmem>>, vector<1x16xf32>,
      %swap3A_801 = vector.shape_cast %swap3A_800 : vector<1x16xf32> to vector<16xf32>
      %swap3A_802 = vector.shape_cast %add3A_797 : vector<16xf32> to vector<1x16xf32>
      tpu.vector_store %arg8[%swap3A_798, %swap3A_799], %swap3A_802 {strides = array<i32>} : memref<32x1024xf32, #tpu.memory_space<vmem>>, vector<1x16xf32>,
      %get3A_803 = arith.index_cast %scan3A_48 : i32 to index
      %get3A_804 = arith.constant 864 : index
      %get3A_805 = tpu.vector_load %arg8[%get3A_803, %get3A_804] {strides = array<i32>} : memref<32x1024xf32, #tpu.memory_space<vmem>>, vector<1x16xf32>,
      %get3A_806 = vector.shape_cast %get3A_805 : vector<1x16xf32> to vector<16xf32>
      %get3A_807 = arith.index_cast %scan3A_48 : i32 to index
      %get3A_808 = arith.constant 864 : index
      %get3A_809 = tpu.vector_load %arg9[%get3A_807, %get3A_808] {strides = array<i32>} : memref<32x1024xf32, #tpu.memory_space<vmem>>, vector<1x16xf32>,
      %get3A_810 = vector.shape_cast %get3A_809 : vector<1x16xf32> to vector<16xf32>
      %add3A_811 = arith.addf %get3A_806, %get3A_810 : vector<16xf32>
      %swap3A_812 = arith.index_cast %scan3A_48 : i32 to index
      %swap3A_813 = arith.constant 864 : index
      %swap3A_814 = tpu.vector_load %arg8[%swap3A_812, %swap3A_813] {strides = array<i32>} : memref<32x1024xf32, #tpu.memory_space<vmem>>, vector<1x16xf32>,
      %swap3A_815 = vector.shape_cast %swap3A_814 : vector<1x16xf32> to vector<16xf32>
      %swap3A_816 = vector.shape_cast %add3A_811 : vector<16xf32> to vector<1x16xf32>
      tpu.vector_store %arg8[%swap3A_812, %swap3A_813], %swap3A_816 {strides = array<i32>} : memref<32x1024xf32, #tpu.memory_space<vmem>>, vector<1x16xf32>,
      %get3A_817 = arith.index_cast %scan3A_48 : i32 to index
      %get3A_818 = arith.constant 880 : index
      %get3A_819 = tpu.vector_load %arg8[%get3A_817, %get3A_818] {strides = array<i32>} : memref<32x1024xf32, #tpu.memory_space<vmem>>, vector<1x16xf32>,
      %get3A_820 = vector.shape_cast %get3A_819 : vector<1x16xf32> to vector<16xf32>
      %get3A_821 = arith.index_cast %scan3A_48 : i32 to index
      %get3A_822 = arith.constant 880 : index
      %get3A_823 = tpu.vector_load %arg9[%get3A_821, %get3A_822] {strides = array<i32>} : memref<32x1024xf32, #tpu.memory_space<vmem>>, vector<1x16xf32>,
      %get3A_824 = vector.shape_cast %get3A_823 : vector<1x16xf32> to vector<16xf32>
      %add3A_825 = arith.addf %get3A_820, %get3A_824 : vector<16xf32>
      %swap3A_826 = arith.index_cast %scan3A_48 : i32 to index
      %swap3A_827 = arith.constant 880 : index
      %swap3A_828 = tpu.vector_load %arg8[%swap3A_826, %swap3A_827] {strides = array<i32>} : memref<32x1024xf32, #tpu.memory_space<vmem>>, vector<1x16xf32>,
      %swap3A_829 = vector.shape_cast %swap3A_828 : vector<1x16xf32> to vector<16xf32>
      %swap3A_830 = vector.shape_cast %add3A_825 : vector<16xf32> to vector<1x16xf32>
      tpu.vector_store %arg8[%swap3A_826, %swap3A_827], %swap3A_830 {strides = array<i32>} : memref<32x1024xf32, #tpu.memory_space<vmem>>, vector<1x16xf32>,
      %get3A_831 = arith.index_cast %scan3A_48 : i32 to index
      %get3A_832 = arith.constant 896 : index
      %get3A_833 = tpu.vector_load %arg8[%get3A_831, %get3A_832] {strides = array<i32>} : memref<32x1024xf32, #tpu.memory_space<vmem>>, vector<1x16xf32>,
      %get3A_834 = vector.shape_cast %get3A_833 : vector<1x16xf32> to vector<16xf32>
      %get3A_835 = arith.index_cast %scan3A_48 : i32 to index
      %get3A_836 = arith.constant 896 : index
      %get3A_837 = tpu.vector_load %arg9[%get3A_835, %get3A_836] {strides = array<i32>} : memref<32x1024xf32, #tpu.memory_space<vmem>>, vector<1x16xf32>,
      %get3A_838 = vector.shape_cast %get3A_837 : vector<1x16xf32> to vector<16xf32>
      %add3A_839 = arith.addf %get3A_834, %get3A_838 : vector<16xf32>
      %swap3A_840 = arith.index_cast %scan3A_48 : i32 to index
      %swap3A_841 = arith.constant 896 : index
      %swap3A_842 = tpu.vector_load %arg8[%swap3A_840, %swap3A_841] {strides = array<i32>} : memref<32x1024xf32, #tpu.memory_space<vmem>>, vector<1x16xf32>,
      %swap3A_843 = vector.shape_cast %swap3A_842 : vector<1x16xf32> to vector<16xf32>
      %swap3A_844 = vector.shape_cast %add3A_839 : vector<16xf32> to vector<1x16xf32>
      tpu.vector_store %arg8[%swap3A_840, %swap3A_841], %swap3A_844 {strides = array<i32>} : memref<32x1024xf32, #tpu.memory_space<vmem>>, vector<1x16xf32>,
      %get3A_845 = arith.index_cast %scan3A_48 : i32 to index
      %get3A_846 = arith.constant 912 : index
      %get3A_847 = tpu.vector_load %arg8[%get3A_845, %get3A_846] {strides = array<i32>} : memref<32x1024xf32, #tpu.memory_space<vmem>>, vector<1x16xf32>,
      %get3A_848 = vector.shape_cast %get3A_847 : vector<1x16xf32> to vector<16xf32>
      %get3A_849 = arith.index_cast %scan3A_48 : i32 to index
      %get3A_850 = arith.constant 912 : index
      %get3A_851 = tpu.vector_load %arg9[%get3A_849, %get3A_850] {strides = array<i32>} : memref<32x1024xf32, #tpu.memory_space<vmem>>, vector<1x16xf32>,
      %get3A_852 = vector.shape_cast %get3A_851 : vector<1x16xf32> to vector<16xf32>
      %add3A_853 = arith.addf %get3A_848, %get3A_852 : vector<16xf32>
      %swap3A_854 = arith.index_cast %scan3A_48 : i32 to index
      %swap3A_855 = arith.constant 912 : index
      %swap3A_856 = tpu.vector_load %arg8[%swap3A_854, %swap3A_855] {strides = array<i32>} : memref<32x1024xf32, #tpu.memory_space<vmem>>, vector<1x16xf32>,
      %swap3A_857 = vector.shape_cast %swap3A_856 : vector<1x16xf32> to vector<16xf32>
      %swap3A_858 = vector.shape_cast %add3A_853 : vector<16xf32> to vector<1x16xf32>
      tpu.vector_store %arg8[%swap3A_854, %swap3A_855], %swap3A_858 {strides = array<i32>} : memref<32x1024xf32, #tpu.memory_space<vmem>>, vector<1x16xf32>,
      %get3A_859 = arith.index_cast %scan3A_48 : i32 to index
      %get3A_860 = arith.constant 928 : index
      %get3A_861 = tpu.vector_load %arg8[%get3A_859, %get3A_860] {strides = array<i32>} : memref<32x1024xf32, #tpu.memory_space<vmem>>, vector<1x16xf32>,
      %get3A_862 = vector.shape_cast %get3A_861 : vector<1x16xf32> to vector<16xf32>
      %get3A_863 = arith.index_cast %scan3A_48 : i32 to index
      %get3A_864 = arith.constant 928 : index
      %get3A_865 = tpu.vector_load %arg9[%get3A_863, %get3A_864] {strides = array<i32>} : memref<32x1024xf32, #tpu.memory_space<vmem>>, vector<1x16xf32>,
      %get3A_866 = vector.shape_cast %get3A_865 : vector<1x16xf32> to vector<16xf32>
      %add3A_867 = arith.addf %get3A_862, %get3A_866 : vector<16xf32>
      %swap3A_868 = arith.index_cast %scan3A_48 : i32 to index
      %swap3A_869 = arith.constant 928 : index
      %swap3A_870 = tpu.vector_load %arg8[%swap3A_868, %swap3A_869] {strides = array<i32>} : memref<32x1024xf32, #tpu.memory_space<vmem>>, vector<1x16xf32>,
      %swap3A_871 = vector.shape_cast %swap3A_870 : vector<1x16xf32> to vector<16xf32>
      %swap3A_872 = vector.shape_cast %add3A_867 : vector<16xf32> to vector<1x16xf32>
      tpu.vector_store %arg8[%swap3A_868, %swap3A_869], %swap3A_872 {strides = array<i32>} : memref<32x1024xf32, #tpu.memory_space<vmem>>, vector<1x16xf32>,
      %get3A_873 = arith.index_cast %scan3A_48 : i32 to index
      %get3A_874 = arith.constant 944 : index
      %get3A_875 = tpu.vector_load %arg8[%get3A_873, %get3A_874] {strides = array<i32>} : memref<32x1024xf32, #tpu.memory_space<vmem>>, vector<1x16xf32>,
      %get3A_876 = vector.shape_cast %get3A_875 : vector<1x16xf32> to vector<16xf32>
      %get3A_877 = arith.index_cast %scan3A_48 : i32 to index
      %get3A_878 = arith.constant 944 : index
      %get3A_879 = tpu.vector_load %arg9[%get3A_877, %get3A_878] {strides = array<i32>} : memref<32x1024xf32, #tpu.memory_space<vmem>>, vector<1x16xf32>,
      %get3A_880 = vector.shape_cast %get3A_879 : vector<1x16xf32> to vector<16xf32>
      %add3A_881 = arith.addf %get3A_876, %get3A_880 : vector<16xf32>
      %swap3A_882 = arith.index_cast %scan3A_48 : i32 to index
      %swap3A_883 = arith.constant 944 : index
      %swap3A_884 = tpu.vector_load %arg8[%swap3A_882, %swap3A_883] {strides = array<i32>} : memref<32x1024xf32, #tpu.memory_space<vmem>>, vector<1x16xf32>,
      %swap3A_885 = vector.shape_cast %swap3A_884 : vector<1x16xf32> to vector<16xf32>
      %swap3A_886 = vector.shape_cast %add3A_881 : vector<16xf32> to vector<1x16xf32>
      tpu.vector_store %arg8[%swap3A_882, %swap3A_883], %swap3A_886 {strides = array<i32>} : memref<32x1024xf32, #tpu.memory_space<vmem>>, vector<1x16xf32>,
      %get3A_887 = arith.index_cast %scan3A_48 : i32 to index
      %get3A_888 = arith.constant 960 : index
      %get3A_889 = tpu.vector_load %arg8[%get3A_887, %get3A_888] {strides = array<i32>} : memref<32x1024xf32, #tpu.memory_space<vmem>>, vector<1x16xf32>,
      %get3A_890 = vector.shape_cast %get3A_889 : vector<1x16xf32> to vector<16xf32>
      %get3A_891 = arith.index_cast %scan3A_48 : i32 to index
      %get3A_892 = arith.constant 960 : index
      %get3A_893 = tpu.vector_load %arg9[%get3A_891, %get3A_892] {strides = array<i32>} : memref<32x1024xf32, #tpu.memory_space<vmem>>, vector<1x16xf32>,
      %get3A_894 = vector.shape_cast %get3A_893 : vector<1x16xf32> to vector<16xf32>
      %add3A_895 = arith.addf %get3A_890, %get3A_894 : vector<16xf32>
      %swap3A_896 = arith.index_cast %scan3A_48 : i32 to index
      %swap3A_897 = arith.constant 960 : index
      %swap3A_898 = tpu.vector_load %arg8[%swap3A_896, %swap3A_897] {strides = array<i32>} : memref<32x1024xf32, #tpu.memory_space<vmem>>, vector<1x16xf32>,
      %swap3A_899 = vector.shape_cast %swap3A_898 : vector<1x16xf32> to vector<16xf32>
      %swap3A_900 = vector.shape_cast %add3A_895 : vector<16xf32> to vector<1x16xf32>
      tpu.vector_store %arg8[%swap3A_896, %swap3A_897], %swap3A_900 {strides = array<i32>} : memref<32x1024xf32, #tpu.memory_space<vmem>>, vector<1x16xf32>,
      %get3A_901 = arith.index_cast %scan3A_48 : i32 to index
      %get3A_902 = arith.constant 976 : index
      %get3A_903 = tpu.vector_load %arg8[%get3A_901, %get3A_902] {strides = array<i32>} : memref<32x1024xf32, #tpu.memory_space<vmem>>, vector<1x16xf32>,
      %get3A_904 = vector.shape_cast %get3A_903 : vector<1x16xf32> to vector<16xf32>
      %get3A_905 = arith.index_cast %scan3A_48 : i32 to index
      %get3A_906 = arith.constant 976 : index
      %get3A_907 = tpu.vector_load %arg9[%get3A_905, %get3A_906] {strides = array<i32>} : memref<32x1024xf32, #tpu.memory_space<vmem>>, vector<1x16xf32>,
      %get3A_908 = vector.shape_cast %get3A_907 : vector<1x16xf32> to vector<16xf32>
      %add3A_909 = arith.addf %get3A_904, %get3A_908 : vector<16xf32>
      %swap3A_910 = arith.index_cast %scan3A_48 : i32 to index
      %swap3A_911 = arith.constant 976 : index
      %swap3A_912 = tpu.vector_load %arg8[%swap3A_910, %swap3A_911] {strides = array<i32>} : memref<32x1024xf32, #tpu.memory_space<vmem>>, vector<1x16xf32>,
      %swap3A_913 = vector.shape_cast %swap3A_912 : vector<1x16xf32> to vector<16xf32>
      %swap3A_914 = vector.shape_cast %add3A_909 : vector<16xf32> to vector<1x16xf32>
      tpu.vector_store %arg8[%swap3A_910, %swap3A_911], %swap3A_914 {strides = array<i32>} : memref<32x1024xf32, #tpu.memory_space<vmem>>, vector<1x16xf32>,
      %get3A_915 = arith.index_cast %scan3A_48 : i32 to index
      %get3A_916 = arith.constant 992 : index
      %get3A_917 = tpu.vector_load %arg8[%get3A_915, %get3A_916] {strides = array<i32>} : memref<32x1024xf32, #tpu.memory_space<vmem>>, vector<1x16xf32>,
      %get3A_918 = vector.shape_cast %get3A_917 : vector<1x16xf32> to vector<16xf32>
      %get3A_919 = arith.index_cast %scan3A_48 : i32 to index
      %get3A_920 = arith.constant 992 : index
      %get3A_921 = tpu.vector_load %arg9[%get3A_919, %get3A_920] {strides = array<i32>} : memref<32x1024xf32, #tpu.memory_space<vmem>>, vector<1x16xf32>,
      %get3A_922 = vector.shape_cast %get3A_921 : vector<1x16xf32> to vector<16xf32>
      %add3A_923 = arith.addf %get3A_918, %get3A_922 : vector<16xf32>
      %swap3A_924 = arith.index_cast %scan3A_48 : i32 to index
      %swap3A_925 = arith.constant 992 : index
      %swap3A_926 = tpu.vector_load %arg8[%swap3A_924, %swap3A_925] {strides = array<i32>} : memref<32x1024xf32, #tpu.memory_space<vmem>>, vector<1x16xf32>,
      %swap3A_927 = vector.shape_cast %swap3A_926 : vector<1x16xf32> to vector<16xf32>
      %swap3A_928 = vector.shape_cast %add3A_923 : vector<16xf32> to vector<1x16xf32>
      tpu.vector_store %arg8[%swap3A_924, %swap3A_925], %swap3A_928 {strides = array<i32>} : memref<32x1024xf32, #tpu.memory_space<vmem>>, vector<1x16xf32>,
      %get3A_929 = arith.index_cast %scan3A_48 : i32 to index
      %get3A_930 = arith.constant 1008 : index
      %get3A_931 = tpu.vector_load %arg8[%get3A_929, %get3A_930] {strides = array<i32>} : memref<32x1024xf32, #tpu.memory_space<vmem>>, vector<1x16xf32>,
      %get3A_932 = vector.shape_cast %get3A_931 : vector<1x16xf32> to vector<16xf32>
      %get3A_933 = arith.index_cast %scan3A_48 : i32 to index
      %get3A_934 = arith.constant 1008 : index
      %get3A_935 = tpu.vector_load %arg9[%get3A_933, %get3A_934] {strides = array<i32>} : memref<32x1024xf32, #tpu.memory_space<vmem>>, vector<1x16xf32>,
      %get3A_936 = vector.shape_cast %get3A_935 : vector<1x16xf32> to vector<16xf32>
      %add3A_937 = arith.addf %get3A_932, %get3A_936 : vector<16xf32>
      %swap3A_938 = arith.index_cast %scan3A_48 : i32 to index
      %swap3A_939 = arith.constant 1008 : index
      %swap3A_940 = tpu.vector_load %arg8[%swap3A_938, %swap3A_939] {strides = array<i32>} : memref<32x1024xf32, #tpu.memory_space<vmem>>, vector<1x16xf32>,
      %swap3A_941 = vector.shape_cast %swap3A_940 : vector<1x16xf32> to vector<16xf32>
      %swap3A_942 = vector.shape_cast %add3A_937 : vector<16xf32> to vector<1x16xf32>
      tpu.vector_store %arg8[%swap3A_938, %swap3A_939], %swap3A_942 {strides = array<i32>} : memref<32x1024xf32, #tpu.memory_space<vmem>>, vector<1x16xf32>,
    }
    %scan3A_45 = arith.constant 32 : i32
    %add3A_46 = arith.constant 32 : i32
    %add3A_47 = arith.addi %mul3A_2, %add3A_46 : i32
    "tpu.region"() ({
      %run_scoped3A = tpu.sem_alloc : memref<!tpu.dma_semaphore, #tpu.memory_space<semaphore_mem>>
      %dma_start3A_48 = arith.constant 0 : i32
      %dma_start3A_49 = tpu.memref_slice %arg5[%add3A_47, %dma_start3A_48] : memref<2048x1024xf32, #tpu.memory_space<hbm>> -> memref<32x1024xf32, #tpu.memory_space<hbm>>
      %dma_start3A_50 = arith.constant 0 : i32
      %dma_start3A_51 = tpu.memref_slice %arg5[%add3A_47, %dma_start3A_50] : memref<2048x1024xf32, #tpu.memory_space<hbm>> -> memref<32x1024xf32, #tpu.memory_space<hbm>>
      tpu.enqueue_dma source(%arg8 : memref<32x1024xf32, #tpu.memory_space<vmem>>) target(%dma_start3A_51 : memref<32x1024xf32, #tpu.memory_space<hbm>>) target_semaphore(%run_scoped3A : memref<!tpu.dma_semaphore, #tpu.memory_space<semaphore_mem>>)
      %dma_wait3A_52 = arith.constant 0 : i32
      %dma_wait3A_53 = tpu.memref_slice %arg5[%add3A_47, %dma_wait3A_52] : memref<2048x1024xf32, #tpu.memory_space<hbm>> -> memref<32x1024xf32, #tpu.memory_space<hbm>>
      %dma_wait3A_54 = arith.constant 0 : i32
      %dma_wait3A_55 = tpu.memref_slice %arg5[%add3A_47, %dma_wait3A_54] : memref<2048x1024xf32, #tpu.memory_space<hbm>> -> memref<32x1024xf32, #tpu.memory_space<hbm>>
      tpu.wait_dma2 semaphore(%run_scoped3A : memref<!tpu.dma_semaphore, #tpu.memory_space<semaphore_mem>>) src(%arg8 : memref<32x1024xf32, #tpu.memory_space<vmem>>) dst(%dma_wait3A_55 : memref<32x1024xf32, #tpu.memory_space<hbm>>)
      tpu.yield
    }) : () -> ()
    return
  }
}

#map = affine_map<(d0, d1) -> (0)>
module attributes {stable_mosaic.version = 14 : i64} {
  func.func @_sc_sort_body(%arg0: i32, %arg1: i32, %arg2: memref<4096xi32, #tpu.memory_space<hbm>>, %arg3: memref<4096xf32, #tpu.memory_space<hbm>>, %arg4: memref<5120xi32, #tpu.memory_space<hbm>>, %arg5: memref<5120xf32, #tpu.memory_space<hbm>>, %arg6: memref<5120xi32, #tpu.memory_space<vmem_shared>>, %arg7: memref<5120xf32, #tpu.memory_space<vmem_shared>>, %arg8: memref<128xi32, #tpu.memory_space<vmem>>, %arg9: memref<128xi32, #tpu.memory_space<vmem>>, %arg10: memref<128xf32, #tpu.memory_space<vmem>>, %arg11: memref<320xi32, #tpu.memory_space<vmem>>, %arg12: memref<320xf32, #tpu.memory_space<vmem>>, %arg13: memref<160xi32, #tpu.memory_space<vmem>>, %arg14: memref<160xf32, #tpu.memory_space<vmem>>) attributes {dimension_semantics = [#tpu.dimension_semantics<core_parallel>, #tpu.dimension_semantics<subcore_parallel>], iteration_bounds = array<i64: 2, 16>, scalar_prefetch = 0 : i64, scratch_operands = 9 : i64, tpu.core_type = #tpu.core_type<sc_vector_subcore>, window_params = [{transform_indices = #map}, {transform_indices = #map}, {transform_indices = #map}, {transform_indices = #map}]} {
    %mul3A = arith.constant 2 : i32
    %mul3A_0 = arith.muli %arg1, %mul3A : i32
    %add3A = arith.addi %mul3A_0, %arg0 : i32
    %broadcast_in_dim3A = arith.constant 0 : i32
    %broadcast_in_dim3A_1 = vector.broadcast %broadcast_in_dim3A : i32 to vector<16xi32>
    %broadcast_in_dim3A_2 = arith.constant 0.000000e+00 : f32
    %broadcast_in_dim3A_3 = vector.broadcast %broadcast_in_dim3A_2 : f32 to vector<16xf32>
    %swap3A = arith.constant 0 : index
    %swap3A_4 = tpu.vector_load %arg11[%swap3A] {strides = array<i32>} : memref<320xi32, #tpu.memory_space<vmem>>, vector<16xi32>,
    %swap3A_5 = vector.shape_cast %swap3A_4 : vector<16xi32> to vector<16xi32>
    %swap3A_6 = vector.shape_cast %broadcast_in_dim3A_1 : vector<16xi32> to vector<16xi32>
    tpu.vector_store %arg11[%swap3A], %swap3A_6 {strides = array<i32>} : memref<320xi32, #tpu.memory_space<vmem>>, vector<16xi32>,
    %swap3A_7 = arith.constant 0 : index
    %swap3A_8 = tpu.vector_load %arg12[%swap3A_7] {strides = array<i32>} : memref<320xf32, #tpu.memory_space<vmem>>, vector<16xf32>,
    %swap3A_9 = vector.shape_cast %swap3A_8 : vector<16xf32> to vector<16xf32>
    %swap3A_10 = vector.shape_cast %broadcast_in_dim3A_3 : vector<16xf32> to vector<16xf32>
    tpu.vector_store %arg12[%swap3A_7], %swap3A_10 {strides = array<i32>} : memref<320xf32, #tpu.memory_space<vmem>>, vector<16xf32>,
    %swap3A_11 = arith.constant 16 : index
    %swap3A_12 = tpu.vector_load %arg11[%swap3A_11] {strides = array<i32>} : memref<320xi32, #tpu.memory_space<vmem>>, vector<16xi32>,
    %swap3A_13 = vector.shape_cast %swap3A_12 : vector<16xi32> to vector<16xi32>
    %swap3A_14 = vector.shape_cast %broadcast_in_dim3A_1 : vector<16xi32> to vector<16xi32>
    tpu.vector_store %arg11[%swap3A_11], %swap3A_14 {strides = array<i32>} : memref<320xi32, #tpu.memory_space<vmem>>, vector<16xi32>,
    %swap3A_15 = arith.constant 16 : index
    %swap3A_16 = tpu.vector_load %arg12[%swap3A_15] {strides = array<i32>} : memref<320xf32, #tpu.memory_space<vmem>>, vector<16xf32>,
    %swap3A_17 = vector.shape_cast %swap3A_16 : vector<16xf32> to vector<16xf32>
    %swap3A_18 = vector.shape_cast %broadcast_in_dim3A_3 : vector<16xf32> to vector<16xf32>
    tpu.vector_store %arg12[%swap3A_15], %swap3A_18 {strides = array<i32>} : memref<320xf32, #tpu.memory_space<vmem>>, vector<16xf32>,
    %swap3A_19 = arith.constant 32 : index
    %swap3A_20 = tpu.vector_load %arg11[%swap3A_19] {strides = array<i32>} : memref<320xi32, #tpu.memory_space<vmem>>, vector<16xi32>,
    %swap3A_21 = vector.shape_cast %swap3A_20 : vector<16xi32> to vector<16xi32>
    %swap3A_22 = vector.shape_cast %broadcast_in_dim3A_1 : vector<16xi32> to vector<16xi32>
    tpu.vector_store %arg11[%swap3A_19], %swap3A_22 {strides = array<i32>} : memref<320xi32, #tpu.memory_space<vmem>>, vector<16xi32>,
    %swap3A_23 = arith.constant 32 : index
    %swap3A_24 = tpu.vector_load %arg12[%swap3A_23] {strides = array<i32>} : memref<320xf32, #tpu.memory_space<vmem>>, vector<16xf32>,
    %swap3A_25 = vector.shape_cast %swap3A_24 : vector<16xf32> to vector<16xf32>
    %swap3A_26 = vector.shape_cast %broadcast_in_dim3A_3 : vector<16xf32> to vector<16xf32>
    tpu.vector_store %arg12[%swap3A_23], %swap3A_26 {strides = array<i32>} : memref<320xf32, #tpu.memory_space<vmem>>, vector<16xf32>,
    %swap3A_27 = arith.constant 48 : index
    %swap3A_28 = tpu.vector_load %arg11[%swap3A_27] {strides = array<i32>} : memref<320xi32, #tpu.memory_space<vmem>>, vector<16xi32>,
    %swap3A_29 = vector.shape_cast %swap3A_28 : vector<16xi32> to vector<16xi32>
    %swap3A_30 = vector.shape_cast %broadcast_in_dim3A_1 : vector<16xi32> to vector<16xi32>
    tpu.vector_store %arg11[%swap3A_27], %swap3A_30 {strides = array<i32>} : memref<320xi32, #tpu.memory_space<vmem>>, vector<16xi32>,
    %swap3A_31 = arith.constant 48 : index
    %swap3A_32 = tpu.vector_load %arg12[%swap3A_31] {strides = array<i32>} : memref<320xf32, #tpu.memory_space<vmem>>, vector<16xf32>,
    %swap3A_33 = vector.shape_cast %swap3A_32 : vector<16xf32> to vector<16xf32>
    %swap3A_34 = vector.shape_cast %broadcast_in_dim3A_3 : vector<16xf32> to vector<16xf32>
    tpu.vector_store %arg12[%swap3A_31], %swap3A_34 {strides = array<i32>} : memref<320xf32, #tpu.memory_space<vmem>>, vector<16xf32>,
    %swap3A_35 = arith.constant 64 : index
    %swap3A_36 = tpu.vector_load %arg11[%swap3A_35] {strides = array<i32>} : memref<320xi32, #tpu.memory_space<vmem>>, vector<16xi32>,
    %swap3A_37 = vector.shape_cast %swap3A_36 : vector<16xi32> to vector<16xi32>
    %swap3A_38 = vector.shape_cast %broadcast_in_dim3A_1 : vector<16xi32> to vector<16xi32>
    tpu.vector_store %arg11[%swap3A_35], %swap3A_38 {strides = array<i32>} : memref<320xi32, #tpu.memory_space<vmem>>, vector<16xi32>,
    %swap3A_39 = arith.constant 64 : index
    %swap3A_40 = tpu.vector_load %arg12[%swap3A_39] {strides = array<i32>} : memref<320xf32, #tpu.memory_space<vmem>>, vector<16xf32>,
    %swap3A_41 = vector.shape_cast %swap3A_40 : vector<16xf32> to vector<16xf32>
    %swap3A_42 = vector.shape_cast %broadcast_in_dim3A_3 : vector<16xf32> to vector<16xf32>
    tpu.vector_store %arg12[%swap3A_39], %swap3A_42 {strides = array<i32>} : memref<320xf32, #tpu.memory_space<vmem>>, vector<16xf32>,
    %swap3A_43 = arith.constant 80 : index
    %swap3A_44 = tpu.vector_load %arg11[%swap3A_43] {strides = array<i32>} : memref<320xi32, #tpu.memory_space<vmem>>, vector<16xi32>,
    %swap3A_45 = vector.shape_cast %swap3A_44 : vector<16xi32> to vector<16xi32>
    %swap3A_46 = vector.shape_cast %broadcast_in_dim3A_1 : vector<16xi32> to vector<16xi32>
    tpu.vector_store %arg11[%swap3A_43], %swap3A_46 {strides = array<i32>} : memref<320xi32, #tpu.memory_space<vmem>>, vector<16xi32>,
    %swap3A_47 = arith.constant 80 : index
    %swap3A_48 = tpu.vector_load %arg12[%swap3A_47] {strides = array<i32>} : memref<320xf32, #tpu.memory_space<vmem>>, vector<16xf32>,
    %swap3A_49 = vector.shape_cast %swap3A_48 : vector<16xf32> to vector<16xf32>
    %swap3A_50 = vector.shape_cast %broadcast_in_dim3A_3 : vector<16xf32> to vector<16xf32>
    tpu.vector_store %arg12[%swap3A_47], %swap3A_50 {strides = array<i32>} : memref<320xf32, #tpu.memory_space<vmem>>, vector<16xf32>,
    %swap3A_51 = arith.constant 96 : index
    %swap3A_52 = tpu.vector_load %arg11[%swap3A_51] {strides = array<i32>} : memref<320xi32, #tpu.memory_space<vmem>>, vector<16xi32>,
    %swap3A_53 = vector.shape_cast %swap3A_52 : vector<16xi32> to vector<16xi32>
    %swap3A_54 = vector.shape_cast %broadcast_in_dim3A_1 : vector<16xi32> to vector<16xi32>
    tpu.vector_store %arg11[%swap3A_51], %swap3A_54 {strides = array<i32>} : memref<320xi32, #tpu.memory_space<vmem>>, vector<16xi32>,
    %swap3A_55 = arith.constant 96 : index
    %swap3A_56 = tpu.vector_load %arg12[%swap3A_55] {strides = array<i32>} : memref<320xf32, #tpu.memory_space<vmem>>, vector<16xf32>,
    %swap3A_57 = vector.shape_cast %swap3A_56 : vector<16xf32> to vector<16xf32>
    %swap3A_58 = vector.shape_cast %broadcast_in_dim3A_3 : vector<16xf32> to vector<16xf32>
    tpu.vector_store %arg12[%swap3A_55], %swap3A_58 {strides = array<i32>} : memref<320xf32, #tpu.memory_space<vmem>>, vector<16xf32>,
    %swap3A_59 = arith.constant 112 : index
    %swap3A_60 = tpu.vector_load %arg11[%swap3A_59] {strides = array<i32>} : memref<320xi32, #tpu.memory_space<vmem>>, vector<16xi32>,
    %swap3A_61 = vector.shape_cast %swap3A_60 : vector<16xi32> to vector<16xi32>
    %swap3A_62 = vector.shape_cast %broadcast_in_dim3A_1 : vector<16xi32> to vector<16xi32>
    tpu.vector_store %arg11[%swap3A_59], %swap3A_62 {strides = array<i32>} : memref<320xi32, #tpu.memory_space<vmem>>, vector<16xi32>,
    %swap3A_63 = arith.constant 112 : index
    %swap3A_64 = tpu.vector_load %arg12[%swap3A_63] {strides = array<i32>} : memref<320xf32, #tpu.memory_space<vmem>>, vector<16xf32>,
    %swap3A_65 = vector.shape_cast %swap3A_64 : vector<16xf32> to vector<16xf32>
    %swap3A_66 = vector.shape_cast %broadcast_in_dim3A_3 : vector<16xf32> to vector<16xf32>
    tpu.vector_store %arg12[%swap3A_63], %swap3A_66 {strides = array<i32>} : memref<320xf32, #tpu.memory_space<vmem>>, vector<16xf32>,
    %swap3A_67 = arith.constant 128 : index
    %swap3A_68 = tpu.vector_load %arg11[%swap3A_67] {strides = array<i32>} : memref<320xi32, #tpu.memory_space<vmem>>, vector<16xi32>,
    %swap3A_69 = vector.shape_cast %swap3A_68 : vector<16xi32> to vector<16xi32>
    %swap3A_70 = vector.shape_cast %broadcast_in_dim3A_1 : vector<16xi32> to vector<16xi32>
    tpu.vector_store %arg11[%swap3A_67], %swap3A_70 {strides = array<i32>} : memref<320xi32, #tpu.memory_space<vmem>>, vector<16xi32>,
    %swap3A_71 = arith.constant 128 : index
    %swap3A_72 = tpu.vector_load %arg12[%swap3A_71] {strides = array<i32>} : memref<320xf32, #tpu.memory_space<vmem>>, vector<16xf32>,
    %swap3A_73 = vector.shape_cast %swap3A_72 : vector<16xf32> to vector<16xf32>
    %swap3A_74 = vector.shape_cast %broadcast_in_dim3A_3 : vector<16xf32> to vector<16xf32>
    tpu.vector_store %arg12[%swap3A_71], %swap3A_74 {strides = array<i32>} : memref<320xf32, #tpu.memory_space<vmem>>, vector<16xf32>,
    %swap3A_75 = arith.constant 144 : index
    %swap3A_76 = tpu.vector_load %arg11[%swap3A_75] {strides = array<i32>} : memref<320xi32, #tpu.memory_space<vmem>>, vector<16xi32>,
    %swap3A_77 = vector.shape_cast %swap3A_76 : vector<16xi32> to vector<16xi32>
    %swap3A_78 = vector.shape_cast %broadcast_in_dim3A_1 : vector<16xi32> to vector<16xi32>
    tpu.vector_store %arg11[%swap3A_75], %swap3A_78 {strides = array<i32>} : memref<320xi32, #tpu.memory_space<vmem>>, vector<16xi32>,
    %swap3A_79 = arith.constant 144 : index
    %swap3A_80 = tpu.vector_load %arg12[%swap3A_79] {strides = array<i32>} : memref<320xf32, #tpu.memory_space<vmem>>, vector<16xf32>,
    %swap3A_81 = vector.shape_cast %swap3A_80 : vector<16xf32> to vector<16xf32>
    %swap3A_82 = vector.shape_cast %broadcast_in_dim3A_3 : vector<16xf32> to vector<16xf32>
    tpu.vector_store %arg12[%swap3A_79], %swap3A_82 {strides = array<i32>} : memref<320xf32, #tpu.memory_space<vmem>>, vector<16xf32>,
    %swap3A_83 = arith.constant 160 : index
    %swap3A_84 = tpu.vector_load %arg11[%swap3A_83] {strides = array<i32>} : memref<320xi32, #tpu.memory_space<vmem>>, vector<16xi32>,
    %swap3A_85 = vector.shape_cast %swap3A_84 : vector<16xi32> to vector<16xi32>
    %swap3A_86 = vector.shape_cast %broadcast_in_dim3A_1 : vector<16xi32> to vector<16xi32>
    tpu.vector_store %arg11[%swap3A_83], %swap3A_86 {strides = array<i32>} : memref<320xi32, #tpu.memory_space<vmem>>, vector<16xi32>,
    %swap3A_87 = arith.constant 160 : index
    %swap3A_88 = tpu.vector_load %arg12[%swap3A_87] {strides = array<i32>} : memref<320xf32, #tpu.memory_space<vmem>>, vector<16xf32>,
    %swap3A_89 = vector.shape_cast %swap3A_88 : vector<16xf32> to vector<16xf32>
    %swap3A_90 = vector.shape_cast %broadcast_in_dim3A_3 : vector<16xf32> to vector<16xf32>
    tpu.vector_store %arg12[%swap3A_87], %swap3A_90 {strides = array<i32>} : memref<320xf32, #tpu.memory_space<vmem>>, vector<16xf32>,
    %swap3A_91 = arith.constant 176 : index
    %swap3A_92 = tpu.vector_load %arg11[%swap3A_91] {strides = array<i32>} : memref<320xi32, #tpu.memory_space<vmem>>, vector<16xi32>,
    %swap3A_93 = vector.shape_cast %swap3A_92 : vector<16xi32> to vector<16xi32>
    %swap3A_94 = vector.shape_cast %broadcast_in_dim3A_1 : vector<16xi32> to vector<16xi32>
    tpu.vector_store %arg11[%swap3A_91], %swap3A_94 {strides = array<i32>} : memref<320xi32, #tpu.memory_space<vmem>>, vector<16xi32>,
    %swap3A_95 = arith.constant 176 : index
    %swap3A_96 = tpu.vector_load %arg12[%swap3A_95] {strides = array<i32>} : memref<320xf32, #tpu.memory_space<vmem>>, vector<16xf32>,
    %swap3A_97 = vector.shape_cast %swap3A_96 : vector<16xf32> to vector<16xf32>
    %swap3A_98 = vector.shape_cast %broadcast_in_dim3A_3 : vector<16xf32> to vector<16xf32>
    tpu.vector_store %arg12[%swap3A_95], %swap3A_98 {strides = array<i32>} : memref<320xf32, #tpu.memory_space<vmem>>, vector<16xf32>,
    %swap3A_99 = arith.constant 192 : index
    %swap3A_100 = tpu.vector_load %arg11[%swap3A_99] {strides = array<i32>} : memref<320xi32, #tpu.memory_space<vmem>>, vector<16xi32>,
    %swap3A_101 = vector.shape_cast %swap3A_100 : vector<16xi32> to vector<16xi32>
    %swap3A_102 = vector.shape_cast %broadcast_in_dim3A_1 : vector<16xi32> to vector<16xi32>
    tpu.vector_store %arg11[%swap3A_99], %swap3A_102 {strides = array<i32>} : memref<320xi32, #tpu.memory_space<vmem>>, vector<16xi32>,
    %swap3A_103 = arith.constant 192 : index
    %swap3A_104 = tpu.vector_load %arg12[%swap3A_103] {strides = array<i32>} : memref<320xf32, #tpu.memory_space<vmem>>, vector<16xf32>,
    %swap3A_105 = vector.shape_cast %swap3A_104 : vector<16xf32> to vector<16xf32>
    %swap3A_106 = vector.shape_cast %broadcast_in_dim3A_3 : vector<16xf32> to vector<16xf32>
    tpu.vector_store %arg12[%swap3A_103], %swap3A_106 {strides = array<i32>} : memref<320xf32, #tpu.memory_space<vmem>>, vector<16xf32>,
    %swap3A_107 = arith.constant 208 : index
    %swap3A_108 = tpu.vector_load %arg11[%swap3A_107] {strides = array<i32>} : memref<320xi32, #tpu.memory_space<vmem>>, vector<16xi32>,
    %swap3A_109 = vector.shape_cast %swap3A_108 : vector<16xi32> to vector<16xi32>
    %swap3A_110 = vector.shape_cast %broadcast_in_dim3A_1 : vector<16xi32> to vector<16xi32>
    tpu.vector_store %arg11[%swap3A_107], %swap3A_110 {strides = array<i32>} : memref<320xi32, #tpu.memory_space<vmem>>, vector<16xi32>,
    %swap3A_111 = arith.constant 208 : index
    %swap3A_112 = tpu.vector_load %arg12[%swap3A_111] {strides = array<i32>} : memref<320xf32, #tpu.memory_space<vmem>>, vector<16xf32>,
    %swap3A_113 = vector.shape_cast %swap3A_112 : vector<16xf32> to vector<16xf32>
    %swap3A_114 = vector.shape_cast %broadcast_in_dim3A_3 : vector<16xf32> to vector<16xf32>
    tpu.vector_store %arg12[%swap3A_111], %swap3A_114 {strides = array<i32>} : memref<320xf32, #tpu.memory_space<vmem>>, vector<16xf32>,
    %swap3A_115 = arith.constant 224 : index
    %swap3A_116 = tpu.vector_load %arg11[%swap3A_115] {strides = array<i32>} : memref<320xi32, #tpu.memory_space<vmem>>, vector<16xi32>,
    %swap3A_117 = vector.shape_cast %swap3A_116 : vector<16xi32> to vector<16xi32>
    %swap3A_118 = vector.shape_cast %broadcast_in_dim3A_1 : vector<16xi32> to vector<16xi32>
    tpu.vector_store %arg11[%swap3A_115], %swap3A_118 {strides = array<i32>} : memref<320xi32, #tpu.memory_space<vmem>>, vector<16xi32>,
    %swap3A_119 = arith.constant 224 : index
    %swap3A_120 = tpu.vector_load %arg12[%swap3A_119] {strides = array<i32>} : memref<320xf32, #tpu.memory_space<vmem>>, vector<16xf32>,
    %swap3A_121 = vector.shape_cast %swap3A_120 : vector<16xf32> to vector<16xf32>
    %swap3A_122 = vector.shape_cast %broadcast_in_dim3A_3 : vector<16xf32> to vector<16xf32>
    tpu.vector_store %arg12[%swap3A_119], %swap3A_122 {strides = array<i32>} : memref<320xf32, #tpu.memory_space<vmem>>, vector<16xf32>,
    %swap3A_123 = arith.constant 240 : index
    %swap3A_124 = tpu.vector_load %arg11[%swap3A_123] {strides = array<i32>} : memref<320xi32, #tpu.memory_space<vmem>>, vector<16xi32>,
    %swap3A_125 = vector.shape_cast %swap3A_124 : vector<16xi32> to vector<16xi32>
    %swap3A_126 = vector.shape_cast %broadcast_in_dim3A_1 : vector<16xi32> to vector<16xi32>
    tpu.vector_store %arg11[%swap3A_123], %swap3A_126 {strides = array<i32>} : memref<320xi32, #tpu.memory_space<vmem>>, vector<16xi32>,
    %swap3A_127 = arith.constant 240 : index
    %swap3A_128 = tpu.vector_load %arg12[%swap3A_127] {strides = array<i32>} : memref<320xf32, #tpu.memory_space<vmem>>, vector<16xf32>,
    %swap3A_129 = vector.shape_cast %swap3A_128 : vector<16xf32> to vector<16xf32>
    %swap3A_130 = vector.shape_cast %broadcast_in_dim3A_3 : vector<16xf32> to vector<16xf32>
    tpu.vector_store %arg12[%swap3A_127], %swap3A_130 {strides = array<i32>} : memref<320xf32, #tpu.memory_space<vmem>>, vector<16xf32>,
    %swap3A_131 = arith.constant 256 : index
    %swap3A_132 = tpu.vector_load %arg11[%swap3A_131] {strides = array<i32>} : memref<320xi32, #tpu.memory_space<vmem>>, vector<16xi32>,
    %swap3A_133 = vector.shape_cast %swap3A_132 : vector<16xi32> to vector<16xi32>
    %swap3A_134 = vector.shape_cast %broadcast_in_dim3A_1 : vector<16xi32> to vector<16xi32>
    tpu.vector_store %arg11[%swap3A_131], %swap3A_134 {strides = array<i32>} : memref<320xi32, #tpu.memory_space<vmem>>, vector<16xi32>,
    %swap3A_135 = arith.constant 256 : index
    %swap3A_136 = tpu.vector_load %arg12[%swap3A_135] {strides = array<i32>} : memref<320xf32, #tpu.memory_space<vmem>>, vector<16xf32>,
    %swap3A_137 = vector.shape_cast %swap3A_136 : vector<16xf32> to vector<16xf32>
    %swap3A_138 = vector.shape_cast %broadcast_in_dim3A_3 : vector<16xf32> to vector<16xf32>
    tpu.vector_store %arg12[%swap3A_135], %swap3A_138 {strides = array<i32>} : memref<320xf32, #tpu.memory_space<vmem>>, vector<16xf32>,
    %swap3A_139 = arith.constant 272 : index
    %swap3A_140 = tpu.vector_load %arg11[%swap3A_139] {strides = array<i32>} : memref<320xi32, #tpu.memory_space<vmem>>, vector<16xi32>,
    %swap3A_141 = vector.shape_cast %swap3A_140 : vector<16xi32> to vector<16xi32>
    %swap3A_142 = vector.shape_cast %broadcast_in_dim3A_1 : vector<16xi32> to vector<16xi32>
    tpu.vector_store %arg11[%swap3A_139], %swap3A_142 {strides = array<i32>} : memref<320xi32, #tpu.memory_space<vmem>>, vector<16xi32>,
    %swap3A_143 = arith.constant 272 : index
    %swap3A_144 = tpu.vector_load %arg12[%swap3A_143] {strides = array<i32>} : memref<320xf32, #tpu.memory_space<vmem>>, vector<16xf32>,
    %swap3A_145 = vector.shape_cast %swap3A_144 : vector<16xf32> to vector<16xf32>
    %swap3A_146 = vector.shape_cast %broadcast_in_dim3A_3 : vector<16xf32> to vector<16xf32>
    tpu.vector_store %arg12[%swap3A_143], %swap3A_146 {strides = array<i32>} : memref<320xf32, #tpu.memory_space<vmem>>, vector<16xf32>,
    %swap3A_147 = arith.constant 288 : index
    %swap3A_148 = tpu.vector_load %arg11[%swap3A_147] {strides = array<i32>} : memref<320xi32, #tpu.memory_space<vmem>>, vector<16xi32>,
    %swap3A_149 = vector.shape_cast %swap3A_148 : vector<16xi32> to vector<16xi32>
    %swap3A_150 = vector.shape_cast %broadcast_in_dim3A_1 : vector<16xi32> to vector<16xi32>
    tpu.vector_store %arg11[%swap3A_147], %swap3A_150 {strides = array<i32>} : memref<320xi32, #tpu.memory_space<vmem>>, vector<16xi32>,
    %swap3A_151 = arith.constant 288 : index
    %swap3A_152 = tpu.vector_load %arg12[%swap3A_151] {strides = array<i32>} : memref<320xf32, #tpu.memory_space<vmem>>, vector<16xf32>,
    %swap3A_153 = vector.shape_cast %swap3A_152 : vector<16xf32> to vector<16xf32>
    %swap3A_154 = vector.shape_cast %broadcast_in_dim3A_3 : vector<16xf32> to vector<16xf32>
    tpu.vector_store %arg12[%swap3A_151], %swap3A_154 {strides = array<i32>} : memref<320xf32, #tpu.memory_space<vmem>>, vector<16xf32>,
    %swap3A_155 = arith.constant 304 : index
    %swap3A_156 = tpu.vector_load %arg11[%swap3A_155] {strides = array<i32>} : memref<320xi32, #tpu.memory_space<vmem>>, vector<16xi32>,
    %swap3A_157 = vector.shape_cast %swap3A_156 : vector<16xi32> to vector<16xi32>
    %swap3A_158 = vector.shape_cast %broadcast_in_dim3A_1 : vector<16xi32> to vector<16xi32>
    tpu.vector_store %arg11[%swap3A_155], %swap3A_158 {strides = array<i32>} : memref<320xi32, #tpu.memory_space<vmem>>, vector<16xi32>,
    %swap3A_159 = arith.constant 304 : index
    %swap3A_160 = tpu.vector_load %arg12[%swap3A_159] {strides = array<i32>} : memref<320xf32, #tpu.memory_space<vmem>>, vector<16xf32>,
    %swap3A_161 = vector.shape_cast %swap3A_160 : vector<16xf32> to vector<16xf32>
    %swap3A_162 = vector.shape_cast %broadcast_in_dim3A_3 : vector<16xf32> to vector<16xf32>
    tpu.vector_store %arg12[%swap3A_159], %swap3A_162 {strides = array<i32>} : memref<320xf32, #tpu.memory_space<vmem>>, vector<16xf32>,
    %mul3A_163 = arith.constant 320 : i32
    %mul3A_164 = arith.muli %arg1, %mul3A_163 : i32
    "tpu.region"() ({
      %run_scoped3A = tpu.sem_alloc : memref<!tpu.dma_semaphore, #tpu.memory_space<semaphore_mem>>
      %dma_start3A = tpu.memref_slice %arg6[%mul3A_164] : memref<5120xi32, #tpu.memory_space<vmem_shared>> -> memref<320xi32, #tpu.memory_space<vmem_shared>>
      %dma_start3A_415 = tpu.memref_slice %arg6[%mul3A_164] : memref<5120xi32, #tpu.memory_space<vmem_shared>> -> memref<320xi32, #tpu.memory_space<vmem_shared>>
      tpu.enqueue_dma source(%arg11 : memref<320xi32, #tpu.memory_space<vmem>>) target(%dma_start3A_415 : memref<320xi32, #tpu.memory_space<vmem_shared>>) target_semaphore(%run_scoped3A : memref<!tpu.dma_semaphore, #tpu.memory_space<semaphore_mem>>)
      %dma_wait3A = tpu.memref_slice %arg6[%mul3A_164] : memref<5120xi32, #tpu.memory_space<vmem_shared>> -> memref<320xi32, #tpu.memory_space<vmem_shared>>
      %dma_wait3A_416 = tpu.memref_slice %arg6[%mul3A_164] : memref<5120xi32, #tpu.memory_space<vmem_shared>> -> memref<320xi32, #tpu.memory_space<vmem_shared>>
      tpu.wait_dma2 semaphore(%run_scoped3A : memref<!tpu.dma_semaphore, #tpu.memory_space<semaphore_mem>>) src(%arg11 : memref<320xi32, #tpu.memory_space<vmem>>) dst(%dma_wait3A_416 : memref<320xi32, #tpu.memory_space<vmem_shared>>)
      tpu.yield
    }) : () -> ()
    %mul3A_165 = arith.constant 320 : i32
    %mul3A_166 = arith.muli %arg1, %mul3A_165 : i32
    "tpu.region"() ({
      %run_scoped3A = tpu.sem_alloc : memref<!tpu.dma_semaphore, #tpu.memory_space<semaphore_mem>>
      %dma_start3A = tpu.memref_slice %arg7[%mul3A_166] : memref<5120xf32, #tpu.memory_space<vmem_shared>> -> memref<320xf32, #tpu.memory_space<vmem_shared>>
      %dma_start3A_415 = tpu.memref_slice %arg7[%mul3A_166] : memref<5120xf32, #tpu.memory_space<vmem_shared>> -> memref<320xf32, #tpu.memory_space<vmem_shared>>
      tpu.enqueue_dma source(%arg12 : memref<320xf32, #tpu.memory_space<vmem>>) target(%dma_start3A_415 : memref<320xf32, #tpu.memory_space<vmem_shared>>) target_semaphore(%run_scoped3A : memref<!tpu.dma_semaphore, #tpu.memory_space<semaphore_mem>>)
      %dma_wait3A = tpu.memref_slice %arg7[%mul3A_166] : memref<5120xf32, #tpu.memory_space<vmem_shared>> -> memref<320xf32, #tpu.memory_space<vmem_shared>>
      %dma_wait3A_416 = tpu.memref_slice %arg7[%mul3A_166] : memref<5120xf32, #tpu.memory_space<vmem_shared>> -> memref<320xf32, #tpu.memory_space<vmem_shared>>
      tpu.wait_dma2 semaphore(%run_scoped3A : memref<!tpu.dma_semaphore, #tpu.memory_space<semaphore_mem>>) src(%arg12 : memref<320xf32, #tpu.memory_space<vmem>>) dst(%dma_wait3A_416 : memref<320xf32, #tpu.memory_space<vmem_shared>>)
      tpu.yield
    }) : () -> ()
    %barrier3A = arith.constant 0 : index
    tpu.barrier barrier_id(%barrier3A)
    %iota3A = tpu.iota {dimensions = array<i32: 0>} : vector<16xi32>
    %mul3A_167 = arith.constant 256 : i32
    %mul3A_168 = arith.muli %arg1, %mul3A_167 : i32
    %add3A_169 = arith.constant 0 : i32
    %add3A_170 = arith.addi %mul3A_168, %add3A_169 : i32
    "tpu.region"() ({
      %run_scoped3A = tpu.sem_alloc : memref<!tpu.dma_semaphore, #tpu.memory_space<semaphore_mem>>
      %dma_start3A = tpu.memref_slice %arg2[%add3A_170] : memref<4096xi32, #tpu.memory_space<hbm>> -> memref<128xi32, #tpu.memory_space<hbm>>
      %dma_start3A_415 = tpu.memref_slice %arg2[%add3A_170] : memref<4096xi32, #tpu.memory_space<hbm>> -> memref<128xi32, #tpu.memory_space<hbm>>
      tpu.enqueue_dma source(%dma_start3A_415 : memref<128xi32, #tpu.memory_space<hbm>>) target(%arg8 : memref<128xi32, #tpu.memory_space<vmem>>) target_semaphore(%run_scoped3A : memref<!tpu.dma_semaphore, #tpu.memory_space<semaphore_mem>>)
      %dma_wait3A = tpu.memref_slice %arg2[%add3A_170] : memref<4096xi32, #tpu.memory_space<hbm>> -> memref<128xi32, #tpu.memory_space<hbm>>
      %dma_wait3A_416 = tpu.memref_slice %arg2[%add3A_170] : memref<4096xi32, #tpu.memory_space<hbm>> -> memref<128xi32, #tpu.memory_space<hbm>>
      tpu.wait_dma2 semaphore(%run_scoped3A : memref<!tpu.dma_semaphore, #tpu.memory_space<semaphore_mem>>) src(%dma_wait3A_416 : memref<128xi32, #tpu.memory_space<hbm>>) dst(%arg8 : memref<128xi32, #tpu.memory_space<vmem>>)
      tpu.yield
    }) : () -> ()
    "tpu.region"() ({
      %run_scoped3A = tpu.sem_alloc : memref<!tpu.dma_semaphore, #tpu.memory_space<semaphore_mem>>
      %dma_start3A = tpu.memref_slice %arg3[%add3A_170] : memref<4096xf32, #tpu.memory_space<hbm>> -> memref<128xf32, #tpu.memory_space<hbm>>
      %dma_start3A_415 = tpu.memref_slice %arg3[%add3A_170] : memref<4096xf32, #tpu.memory_space<hbm>> -> memref<128xf32, #tpu.memory_space<hbm>>
      tpu.enqueue_dma source(%dma_start3A_415 : memref<128xf32, #tpu.memory_space<hbm>>) target(%arg10 : memref<128xf32, #tpu.memory_space<vmem>>) target_semaphore(%run_scoped3A : memref<!tpu.dma_semaphore, #tpu.memory_space<semaphore_mem>>)
      %dma_wait3A = tpu.memref_slice %arg3[%add3A_170] : memref<4096xf32, #tpu.memory_space<hbm>> -> memref<128xf32, #tpu.memory_space<hbm>>
      %dma_wait3A_416 = tpu.memref_slice %arg3[%add3A_170] : memref<4096xf32, #tpu.memory_space<hbm>> -> memref<128xf32, #tpu.memory_space<hbm>>
      tpu.wait_dma2 semaphore(%run_scoped3A : memref<!tpu.dma_semaphore, #tpu.memory_space<semaphore_mem>>) src(%dma_wait3A_416 : memref<128xf32, #tpu.memory_space<hbm>>) dst(%arg10 : memref<128xf32, #tpu.memory_space<vmem>>)
      tpu.yield
    }) : () -> ()
    %add3A_171 = arith.constant 0 : i32
    %add3A_172 = arith.addi %add3A_170, %add3A_171 : i32
    %add3A_173 = vector.broadcast %add3A_172 : i32 to vector<16xi32>
    %add3A_174 = arith.addi %iota3A, %add3A_173 : vector<16xi32>
    %ge3A = arith.constant 2048 : i32
    %ge3A_175 = vector.broadcast %ge3A : i32 to vector<16xi32>
    %ge3A_176 = arith.cmpi sge, %add3A_174, %ge3A_175 : vector<16xi32>
    %sub3A = arith.constant 2048 : i32
    %sub3A_177 = vector.broadcast %sub3A : i32 to vector<16xi32>
    %sub3A_178 = arith.subi %add3A_174, %sub3A_177 : vector<16xi32>
    %select_n3A = arith.select %ge3A_176, %sub3A_178, %add3A_174 : vector<16xi1>, vector<16xi32>
    %swap3A_179 = arith.constant 0 : index
    %swap3A_180 = tpu.vector_load %arg9[%swap3A_179] {strides = array<i32>} : memref<128xi32, #tpu.memory_space<vmem>>, vector<16xi32>,
    %swap3A_181 = vector.shape_cast %swap3A_180 : vector<16xi32> to vector<16xi32>
    %swap3A_182 = vector.shape_cast %select_n3A : vector<16xi32> to vector<16xi32>
    tpu.vector_store %arg9[%swap3A_179], %swap3A_182 {strides = array<i32>} : memref<128xi32, #tpu.memory_space<vmem>>, vector<16xi32>,
    %add3A_183 = arith.constant 16 : i32
    %add3A_184 = arith.addi %add3A_170, %add3A_183 : i32
    %add3A_185 = vector.broadcast %add3A_184 : i32 to vector<16xi32>
    %add3A_186 = arith.addi %iota3A, %add3A_185 : vector<16xi32>
    %ge3A_187 = arith.constant 2048 : i32
    %ge3A_188 = vector.broadcast %ge3A_187 : i32 to vector<16xi32>
    %ge3A_189 = arith.cmpi sge, %add3A_186, %ge3A_188 : vector<16xi32>
    %sub3A_190 = arith.constant 2048 : i32
    %sub3A_191 = vector.broadcast %sub3A_190 : i32 to vector<16xi32>
    %sub3A_192 = arith.subi %add3A_186, %sub3A_191 : vector<16xi32>
    %select_n3A_193 = arith.select %ge3A_189, %sub3A_192, %add3A_186 : vector<16xi1>, vector<16xi32>
    %swap3A_194 = arith.constant 16 : index
    %swap3A_195 = tpu.vector_load %arg9[%swap3A_194] {strides = array<i32>} : memref<128xi32, #tpu.memory_space<vmem>>, vector<16xi32>,
    %swap3A_196 = vector.shape_cast %swap3A_195 : vector<16xi32> to vector<16xi32>
    %swap3A_197 = vector.shape_cast %select_n3A_193 : vector<16xi32> to vector<16xi32>
    tpu.vector_store %arg9[%swap3A_194], %swap3A_197 {strides = array<i32>} : memref<128xi32, #tpu.memory_space<vmem>>, vector<16xi32>,
    %add3A_198 = arith.constant 32 : i32
    %add3A_199 = arith.addi %add3A_170, %add3A_198 : i32
    %add3A_200 = vector.broadcast %add3A_199 : i32 to vector<16xi32>
    %add3A_201 = arith.addi %iota3A, %add3A_200 : vector<16xi32>
    %ge3A_202 = arith.constant 2048 : i32
    %ge3A_203 = vector.broadcast %ge3A_202 : i32 to vector<16xi32>
    %ge3A_204 = arith.cmpi sge, %add3A_201, %ge3A_203 : vector<16xi32>
    %sub3A_205 = arith.constant 2048 : i32
    %sub3A_206 = vector.broadcast %sub3A_205 : i32 to vector<16xi32>
    %sub3A_207 = arith.subi %add3A_201, %sub3A_206 : vector<16xi32>
    %select_n3A_208 = arith.select %ge3A_204, %sub3A_207, %add3A_201 : vector<16xi1>, vector<16xi32>
    %swap3A_209 = arith.constant 32 : index
    %swap3A_210 = tpu.vector_load %arg9[%swap3A_209] {strides = array<i32>} : memref<128xi32, #tpu.memory_space<vmem>>, vector<16xi32>,
    %swap3A_211 = vector.shape_cast %swap3A_210 : vector<16xi32> to vector<16xi32>
    %swap3A_212 = vector.shape_cast %select_n3A_208 : vector<16xi32> to vector<16xi32>
    tpu.vector_store %arg9[%swap3A_209], %swap3A_212 {strides = array<i32>} : memref<128xi32, #tpu.memory_space<vmem>>, vector<16xi32>,
    %add3A_213 = arith.constant 48 : i32
    %add3A_214 = arith.addi %add3A_170, %add3A_213 : i32
    %add3A_215 = vector.broadcast %add3A_214 : i32 to vector<16xi32>
    %add3A_216 = arith.addi %iota3A, %add3A_215 : vector<16xi32>
    %ge3A_217 = arith.constant 2048 : i32
    %ge3A_218 = vector.broadcast %ge3A_217 : i32 to vector<16xi32>
    %ge3A_219 = arith.cmpi sge, %add3A_216, %ge3A_218 : vector<16xi32>
    %sub3A_220 = arith.constant 2048 : i32
    %sub3A_221 = vector.broadcast %sub3A_220 : i32 to vector<16xi32>
    %sub3A_222 = arith.subi %add3A_216, %sub3A_221 : vector<16xi32>
    %select_n3A_223 = arith.select %ge3A_219, %sub3A_222, %add3A_216 : vector<16xi1>, vector<16xi32>
    %swap3A_224 = arith.constant 48 : index
    %swap3A_225 = tpu.vector_load %arg9[%swap3A_224] {strides = array<i32>} : memref<128xi32, #tpu.memory_space<vmem>>, vector<16xi32>,
    %swap3A_226 = vector.shape_cast %swap3A_225 : vector<16xi32> to vector<16xi32>
    %swap3A_227 = vector.shape_cast %select_n3A_223 : vector<16xi32> to vector<16xi32>
    tpu.vector_store %arg9[%swap3A_224], %swap3A_227 {strides = array<i32>} : memref<128xi32, #tpu.memory_space<vmem>>, vector<16xi32>,
    %add3A_228 = arith.constant 64 : i32
    %add3A_229 = arith.addi %add3A_170, %add3A_228 : i32
    %add3A_230 = vector.broadcast %add3A_229 : i32 to vector<16xi32>
    %add3A_231 = arith.addi %iota3A, %add3A_230 : vector<16xi32>
    %ge3A_232 = arith.constant 2048 : i32
    %ge3A_233 = vector.broadcast %ge3A_232 : i32 to vector<16xi32>
    %ge3A_234 = arith.cmpi sge, %add3A_231, %ge3A_233 : vector<16xi32>
    %sub3A_235 = arith.constant 2048 : i32
    %sub3A_236 = vector.broadcast %sub3A_235 : i32 to vector<16xi32>
    %sub3A_237 = arith.subi %add3A_231, %sub3A_236 : vector<16xi32>
    %select_n3A_238 = arith.select %ge3A_234, %sub3A_237, %add3A_231 : vector<16xi1>, vector<16xi32>
    %swap3A_239 = arith.constant 64 : index
    %swap3A_240 = tpu.vector_load %arg9[%swap3A_239] {strides = array<i32>} : memref<128xi32, #tpu.memory_space<vmem>>, vector<16xi32>,
    %swap3A_241 = vector.shape_cast %swap3A_240 : vector<16xi32> to vector<16xi32>
    %swap3A_242 = vector.shape_cast %select_n3A_238 : vector<16xi32> to vector<16xi32>
    tpu.vector_store %arg9[%swap3A_239], %swap3A_242 {strides = array<i32>} : memref<128xi32, #tpu.memory_space<vmem>>, vector<16xi32>,
    %add3A_243 = arith.constant 80 : i32
    %add3A_244 = arith.addi %add3A_170, %add3A_243 : i32
    %add3A_245 = vector.broadcast %add3A_244 : i32 to vector<16xi32>
    %add3A_246 = arith.addi %iota3A, %add3A_245 : vector<16xi32>
    %ge3A_247 = arith.constant 2048 : i32
    %ge3A_248 = vector.broadcast %ge3A_247 : i32 to vector<16xi32>
    %ge3A_249 = arith.cmpi sge, %add3A_246, %ge3A_248 : vector<16xi32>
    %sub3A_250 = arith.constant 2048 : i32
    %sub3A_251 = vector.broadcast %sub3A_250 : i32 to vector<16xi32>
    %sub3A_252 = arith.subi %add3A_246, %sub3A_251 : vector<16xi32>
    %select_n3A_253 = arith.select %ge3A_249, %sub3A_252, %add3A_246 : vector<16xi1>, vector<16xi32>
    %swap3A_254 = arith.constant 80 : index
    %swap3A_255 = tpu.vector_load %arg9[%swap3A_254] {strides = array<i32>} : memref<128xi32, #tpu.memory_space<vmem>>, vector<16xi32>,
    %swap3A_256 = vector.shape_cast %swap3A_255 : vector<16xi32> to vector<16xi32>
    %swap3A_257 = vector.shape_cast %select_n3A_253 : vector<16xi32> to vector<16xi32>
    tpu.vector_store %arg9[%swap3A_254], %swap3A_257 {strides = array<i32>} : memref<128xi32, #tpu.memory_space<vmem>>, vector<16xi32>,
    %add3A_258 = arith.constant 96 : i32
    %add3A_259 = arith.addi %add3A_170, %add3A_258 : i32
    %add3A_260 = vector.broadcast %add3A_259 : i32 to vector<16xi32>
    %add3A_261 = arith.addi %iota3A, %add3A_260 : vector<16xi32>
    %ge3A_262 = arith.constant 2048 : i32
    %ge3A_263 = vector.broadcast %ge3A_262 : i32 to vector<16xi32>
    %ge3A_264 = arith.cmpi sge, %add3A_261, %ge3A_263 : vector<16xi32>
    %sub3A_265 = arith.constant 2048 : i32
    %sub3A_266 = vector.broadcast %sub3A_265 : i32 to vector<16xi32>
    %sub3A_267 = arith.subi %add3A_261, %sub3A_266 : vector<16xi32>
    %select_n3A_268 = arith.select %ge3A_264, %sub3A_267, %add3A_261 : vector<16xi1>, vector<16xi32>
    %swap3A_269 = arith.constant 96 : index
    %swap3A_270 = tpu.vector_load %arg9[%swap3A_269] {strides = array<i32>} : memref<128xi32, #tpu.memory_space<vmem>>, vector<16xi32>,
    %swap3A_271 = vector.shape_cast %swap3A_270 : vector<16xi32> to vector<16xi32>
    %swap3A_272 = vector.shape_cast %select_n3A_268 : vector<16xi32> to vector<16xi32>
    tpu.vector_store %arg9[%swap3A_269], %swap3A_272 {strides = array<i32>} : memref<128xi32, #tpu.memory_space<vmem>>, vector<16xi32>,
    %add3A_273 = arith.constant 112 : i32
    %add3A_274 = arith.addi %add3A_170, %add3A_273 : i32
    %add3A_275 = vector.broadcast %add3A_274 : i32 to vector<16xi32>
    %add3A_276 = arith.addi %iota3A, %add3A_275 : vector<16xi32>
    %ge3A_277 = arith.constant 2048 : i32
    %ge3A_278 = vector.broadcast %ge3A_277 : i32 to vector<16xi32>
    %ge3A_279 = arith.cmpi sge, %add3A_276, %ge3A_278 : vector<16xi32>
    %sub3A_280 = arith.constant 2048 : i32
    %sub3A_281 = vector.broadcast %sub3A_280 : i32 to vector<16xi32>
    %sub3A_282 = arith.subi %add3A_276, %sub3A_281 : vector<16xi32>
    %select_n3A_283 = arith.select %ge3A_279, %sub3A_282, %add3A_276 : vector<16xi1>, vector<16xi32>
    %swap3A_284 = arith.constant 112 : index
    %swap3A_285 = tpu.vector_load %arg9[%swap3A_284] {strides = array<i32>} : memref<128xi32, #tpu.memory_space<vmem>>, vector<16xi32>,
    %swap3A_286 = vector.shape_cast %swap3A_285 : vector<16xi32> to vector<16xi32>
    %swap3A_287 = vector.shape_cast %select_n3A_283 : vector<16xi32> to vector<16xi32>
    tpu.vector_store %arg9[%swap3A_284], %swap3A_287 {strides = array<i32>} : memref<128xi32, #tpu.memory_space<vmem>>, vector<16xi32>,
    "tpu.region"() ({
      %run_scoped3A = tpu.sem_alloc : memref<!tpu.dma_semaphore, #tpu.memory_space<semaphore_mem>>
      %dma_start3A = arith.constant 0 : i32
      %dma_start3A_415 = tpu.memref_slice %arg6[%dma_start3A] : memref<5120xi32, #tpu.memory_space<vmem_shared>> -> memref<5120xi32, #tpu.memory_space<vmem_shared>>
      tpu.enqueue_indirect_dma source(%arg9 : memref<128xi32, #tpu.memory_space<vmem>>) target(%dma_start3A_415 : memref<5120xi32, #tpu.memory_space<vmem_shared>>) offsets(%arg8 : memref<128xi32, #tpu.memory_space<vmem>>) semaphore(%run_scoped3A : memref<!tpu.dma_semaphore, #tpu.memory_space<semaphore_mem>>) {add = true}
      %dma_wait3A = arith.constant 0 : i32
      %dma_wait3A_416 = tpu.memref_slice %arg6[%dma_wait3A] : memref<5120xi32, #tpu.memory_space<vmem_shared>> -> memref<5120xi32, #tpu.memory_space<vmem_shared>>
      tpu.wait_indirect_dma semaphore(%run_scoped3A : memref<!tpu.dma_semaphore, #tpu.memory_space<semaphore_mem>>) src(%arg9 : memref<128xi32, #tpu.memory_space<vmem>>) dst(%dma_wait3A_416 : memref<5120xi32, #tpu.memory_space<vmem_shared>>)
      tpu.yield
    }) : () -> ()
    "tpu.region"() ({
      %run_scoped3A = tpu.sem_alloc : memref<!tpu.dma_semaphore, #tpu.memory_space<semaphore_mem>>
      %dma_start3A = arith.constant 0 : i32
      %dma_start3A_415 = tpu.memref_slice %arg7[%dma_start3A] : memref<5120xf32, #tpu.memory_space<vmem_shared>> -> memref<5120xf32, #tpu.memory_space<vmem_shared>>
      tpu.enqueue_indirect_dma source(%arg10 : memref<128xf32, #tpu.memory_space<vmem>>) target(%dma_start3A_415 : memref<5120xf32, #tpu.memory_space<vmem_shared>>) offsets(%arg8 : memref<128xi32, #tpu.memory_space<vmem>>) semaphore(%run_scoped3A : memref<!tpu.dma_semaphore, #tpu.memory_space<semaphore_mem>>) {add = true}
      %dma_wait3A = arith.constant 0 : i32
      %dma_wait3A_416 = tpu.memref_slice %arg7[%dma_wait3A] : memref<5120xf32, #tpu.memory_space<vmem_shared>> -> memref<5120xf32, #tpu.memory_space<vmem_shared>>
      tpu.wait_indirect_dma semaphore(%run_scoped3A : memref<!tpu.dma_semaphore, #tpu.memory_space<semaphore_mem>>) src(%arg10 : memref<128xf32, #tpu.memory_space<vmem>>) dst(%dma_wait3A_416 : memref<5120xf32, #tpu.memory_space<vmem_shared>>)
      tpu.yield
    }) : () -> ()
    %mul3A_288 = arith.constant 256 : i32
    %mul3A_289 = arith.muli %arg1, %mul3A_288 : i32
    %add3A_290 = arith.constant 128 : i32
    %add3A_291 = arith.addi %mul3A_289, %add3A_290 : i32
    "tpu.region"() ({
      %run_scoped3A = tpu.sem_alloc : memref<!tpu.dma_semaphore, #tpu.memory_space<semaphore_mem>>
      %dma_start3A = tpu.memref_slice %arg2[%add3A_291] : memref<4096xi32, #tpu.memory_space<hbm>> -> memref<128xi32, #tpu.memory_space<hbm>>
      %dma_start3A_415 = tpu.memref_slice %arg2[%add3A_291] : memref<4096xi32, #tpu.memory_space<hbm>> -> memref<128xi32, #tpu.memory_space<hbm>>
      tpu.enqueue_dma source(%dma_start3A_415 : memref<128xi32, #tpu.memory_space<hbm>>) target(%arg8 : memref<128xi32, #tpu.memory_space<vmem>>) target_semaphore(%run_scoped3A : memref<!tpu.dma_semaphore, #tpu.memory_space<semaphore_mem>>)
      %dma_wait3A = tpu.memref_slice %arg2[%add3A_291] : memref<4096xi32, #tpu.memory_space<hbm>> -> memref<128xi32, #tpu.memory_space<hbm>>
      %dma_wait3A_416 = tpu.memref_slice %arg2[%add3A_291] : memref<4096xi32, #tpu.memory_space<hbm>> -> memref<128xi32, #tpu.memory_space<hbm>>
      tpu.wait_dma2 semaphore(%run_scoped3A : memref<!tpu.dma_semaphore, #tpu.memory_space<semaphore_mem>>) src(%dma_wait3A_416 : memref<128xi32, #tpu.memory_space<hbm>>) dst(%arg8 : memref<128xi32, #tpu.memory_space<vmem>>)
      tpu.yield
    }) : () -> ()
    "tpu.region"() ({
      %run_scoped3A = tpu.sem_alloc : memref<!tpu.dma_semaphore, #tpu.memory_space<semaphore_mem>>
      %dma_start3A = tpu.memref_slice %arg3[%add3A_291] : memref<4096xf32, #tpu.memory_space<hbm>> -> memref<128xf32, #tpu.memory_space<hbm>>
      %dma_start3A_415 = tpu.memref_slice %arg3[%add3A_291] : memref<4096xf32, #tpu.memory_space<hbm>> -> memref<128xf32, #tpu.memory_space<hbm>>
      tpu.enqueue_dma source(%dma_start3A_415 : memref<128xf32, #tpu.memory_space<hbm>>) target(%arg10 : memref<128xf32, #tpu.memory_space<vmem>>) target_semaphore(%run_scoped3A : memref<!tpu.dma_semaphore, #tpu.memory_space<semaphore_mem>>)
      %dma_wait3A = tpu.memref_slice %arg3[%add3A_291] : memref<4096xf32, #tpu.memory_space<hbm>> -> memref<128xf32, #tpu.memory_space<hbm>>
      %dma_wait3A_416 = tpu.memref_slice %arg3[%add3A_291] : memref<4096xf32, #tpu.memory_space<hbm>> -> memref<128xf32, #tpu.memory_space<hbm>>
      tpu.wait_dma2 semaphore(%run_scoped3A : memref<!tpu.dma_semaphore, #tpu.memory_space<semaphore_mem>>) src(%dma_wait3A_416 : memref<128xf32, #tpu.memory_space<hbm>>) dst(%arg10 : memref<128xf32, #tpu.memory_space<vmem>>)
      tpu.yield
    }) : () -> ()
    %add3A_292 = arith.constant 0 : i32
    %add3A_293 = arith.addi %add3A_291, %add3A_292 : i32
    %add3A_294 = vector.broadcast %add3A_293 : i32 to vector<16xi32>
    %add3A_295 = arith.addi %iota3A, %add3A_294 : vector<16xi32>
    %ge3A_296 = arith.constant 2048 : i32
    %ge3A_297 = vector.broadcast %ge3A_296 : i32 to vector<16xi32>
    %ge3A_298 = arith.cmpi sge, %add3A_295, %ge3A_297 : vector<16xi32>
    %sub3A_299 = arith.constant 2048 : i32
    %sub3A_300 = vector.broadcast %sub3A_299 : i32 to vector<16xi32>
    %sub3A_301 = arith.subi %add3A_295, %sub3A_300 : vector<16xi32>
    %select_n3A_302 = arith.select %ge3A_298, %sub3A_301, %add3A_295 : vector<16xi1>, vector<16xi32>
    %swap3A_303 = arith.constant 0 : index
    %swap3A_304 = tpu.vector_load %arg9[%swap3A_303] {strides = array<i32>} : memref<128xi32, #tpu.memory_space<vmem>>, vector<16xi32>,
    %swap3A_305 = vector.shape_cast %swap3A_304 : vector<16xi32> to vector<16xi32>
    %swap3A_306 = vector.shape_cast %select_n3A_302 : vector<16xi32> to vector<16xi32>
    tpu.vector_store %arg9[%swap3A_303], %swap3A_306 {strides = array<i32>} : memref<128xi32, #tpu.memory_space<vmem>>, vector<16xi32>,
    %add3A_307 = arith.constant 16 : i32
    %add3A_308 = arith.addi %add3A_291, %add3A_307 : i32
    %add3A_309 = vector.broadcast %add3A_308 : i32 to vector<16xi32>
    %add3A_310 = arith.addi %iota3A, %add3A_309 : vector<16xi32>
    %ge3A_311 = arith.constant 2048 : i32
    %ge3A_312 = vector.broadcast %ge3A_311 : i32 to vector<16xi32>
    %ge3A_313 = arith.cmpi sge, %add3A_310, %ge3A_312 : vector<16xi32>
    %sub3A_314 = arith.constant 2048 : i32
    %sub3A_315 = vector.broadcast %sub3A_314 : i32 to vector<16xi32>
    %sub3A_316 = arith.subi %add3A_310, %sub3A_315 : vector<16xi32>
    %select_n3A_317 = arith.select %ge3A_313, %sub3A_316, %add3A_310 : vector<16xi1>, vector<16xi32>
    %swap3A_318 = arith.constant 16 : index
    %swap3A_319 = tpu.vector_load %arg9[%swap3A_318] {strides = array<i32>} : memref<128xi32, #tpu.memory_space<vmem>>, vector<16xi32>,
    %swap3A_320 = vector.shape_cast %swap3A_319 : vector<16xi32> to vector<16xi32>
    %swap3A_321 = vector.shape_cast %select_n3A_317 : vector<16xi32> to vector<16xi32>
    tpu.vector_store %arg9[%swap3A_318], %swap3A_321 {strides = array<i32>} : memref<128xi32, #tpu.memory_space<vmem>>, vector<16xi32>,
    %add3A_322 = arith.constant 32 : i32
    %add3A_323 = arith.addi %add3A_291, %add3A_322 : i32
    %add3A_324 = vector.broadcast %add3A_323 : i32 to vector<16xi32>
    %add3A_325 = arith.addi %iota3A, %add3A_324 : vector<16xi32>
    %ge3A_326 = arith.constant 2048 : i32
    %ge3A_327 = vector.broadcast %ge3A_326 : i32 to vector<16xi32>
    %ge3A_328 = arith.cmpi sge, %add3A_325, %ge3A_327 : vector<16xi32>
    %sub3A_329 = arith.constant 2048 : i32
    %sub3A_330 = vector.broadcast %sub3A_329 : i32 to vector<16xi32>
    %sub3A_331 = arith.subi %add3A_325, %sub3A_330 : vector<16xi32>
    %select_n3A_332 = arith.select %ge3A_328, %sub3A_331, %add3A_325 : vector<16xi1>, vector<16xi32>
    %swap3A_333 = arith.constant 32 : index
    %swap3A_334 = tpu.vector_load %arg9[%swap3A_333] {strides = array<i32>} : memref<128xi32, #tpu.memory_space<vmem>>, vector<16xi32>,
    %swap3A_335 = vector.shape_cast %swap3A_334 : vector<16xi32> to vector<16xi32>
    %swap3A_336 = vector.shape_cast %select_n3A_332 : vector<16xi32> to vector<16xi32>
    tpu.vector_store %arg9[%swap3A_333], %swap3A_336 {strides = array<i32>} : memref<128xi32, #tpu.memory_space<vmem>>, vector<16xi32>,
    %add3A_337 = arith.constant 48 : i32
    %add3A_338 = arith.addi %add3A_291, %add3A_337 : i32
    %add3A_339 = vector.broadcast %add3A_338 : i32 to vector<16xi32>
    %add3A_340 = arith.addi %iota3A, %add3A_339 : vector<16xi32>
    %ge3A_341 = arith.constant 2048 : i32
    %ge3A_342 = vector.broadcast %ge3A_341 : i32 to vector<16xi32>
    %ge3A_343 = arith.cmpi sge, %add3A_340, %ge3A_342 : vector<16xi32>
    %sub3A_344 = arith.constant 2048 : i32
    %sub3A_345 = vector.broadcast %sub3A_344 : i32 to vector<16xi32>
    %sub3A_346 = arith.subi %add3A_340, %sub3A_345 : vector<16xi32>
    %select_n3A_347 = arith.select %ge3A_343, %sub3A_346, %add3A_340 : vector<16xi1>, vector<16xi32>
    %swap3A_348 = arith.constant 48 : index
    %swap3A_349 = tpu.vector_load %arg9[%swap3A_348] {strides = array<i32>} : memref<128xi32, #tpu.memory_space<vmem>>, vector<16xi32>,
    %swap3A_350 = vector.shape_cast %swap3A_349 : vector<16xi32> to vector<16xi32>
    %swap3A_351 = vector.shape_cast %select_n3A_347 : vector<16xi32> to vector<16xi32>
    tpu.vector_store %arg9[%swap3A_348], %swap3A_351 {strides = array<i32>} : memref<128xi32, #tpu.memory_space<vmem>>, vector<16xi32>,
    %add3A_352 = arith.constant 64 : i32
    %add3A_353 = arith.addi %add3A_291, %add3A_352 : i32
    %add3A_354 = vector.broadcast %add3A_353 : i32 to vector<16xi32>
    %add3A_355 = arith.addi %iota3A, %add3A_354 : vector<16xi32>
    %ge3A_356 = arith.constant 2048 : i32
    %ge3A_357 = vector.broadcast %ge3A_356 : i32 to vector<16xi32>
    %ge3A_358 = arith.cmpi sge, %add3A_355, %ge3A_357 : vector<16xi32>
    %sub3A_359 = arith.constant 2048 : i32
    %sub3A_360 = vector.broadcast %sub3A_359 : i32 to vector<16xi32>
    %sub3A_361 = arith.subi %add3A_355, %sub3A_360 : vector<16xi32>
    %select_n3A_362 = arith.select %ge3A_358, %sub3A_361, %add3A_355 : vector<16xi1>, vector<16xi32>
    %swap3A_363 = arith.constant 64 : index
    %swap3A_364 = tpu.vector_load %arg9[%swap3A_363] {strides = array<i32>} : memref<128xi32, #tpu.memory_space<vmem>>, vector<16xi32>,
    %swap3A_365 = vector.shape_cast %swap3A_364 : vector<16xi32> to vector<16xi32>
    %swap3A_366 = vector.shape_cast %select_n3A_362 : vector<16xi32> to vector<16xi32>
    tpu.vector_store %arg9[%swap3A_363], %swap3A_366 {strides = array<i32>} : memref<128xi32, #tpu.memory_space<vmem>>, vector<16xi32>,
    %add3A_367 = arith.constant 80 : i32
    %add3A_368 = arith.addi %add3A_291, %add3A_367 : i32
    %add3A_369 = vector.broadcast %add3A_368 : i32 to vector<16xi32>
    %add3A_370 = arith.addi %iota3A, %add3A_369 : vector<16xi32>
    %ge3A_371 = arith.constant 2048 : i32
    %ge3A_372 = vector.broadcast %ge3A_371 : i32 to vector<16xi32>
    %ge3A_373 = arith.cmpi sge, %add3A_370, %ge3A_372 : vector<16xi32>
    %sub3A_374 = arith.constant 2048 : i32
    %sub3A_375 = vector.broadcast %sub3A_374 : i32 to vector<16xi32>
    %sub3A_376 = arith.subi %add3A_370, %sub3A_375 : vector<16xi32>
    %select_n3A_377 = arith.select %ge3A_373, %sub3A_376, %add3A_370 : vector<16xi1>, vector<16xi32>
    %swap3A_378 = arith.constant 80 : index
    %swap3A_379 = tpu.vector_load %arg9[%swap3A_378] {strides = array<i32>} : memref<128xi32, #tpu.memory_space<vmem>>, vector<16xi32>,
    %swap3A_380 = vector.shape_cast %swap3A_379 : vector<16xi32> to vector<16xi32>
    %swap3A_381 = vector.shape_cast %select_n3A_377 : vector<16xi32> to vector<16xi32>
    tpu.vector_store %arg9[%swap3A_378], %swap3A_381 {strides = array<i32>} : memref<128xi32, #tpu.memory_space<vmem>>, vector<16xi32>,
    %add3A_382 = arith.constant 96 : i32
    %add3A_383 = arith.addi %add3A_291, %add3A_382 : i32
    %add3A_384 = vector.broadcast %add3A_383 : i32 to vector<16xi32>
    %add3A_385 = arith.addi %iota3A, %add3A_384 : vector<16xi32>
    %ge3A_386 = arith.constant 2048 : i32
    %ge3A_387 = vector.broadcast %ge3A_386 : i32 to vector<16xi32>
    %ge3A_388 = arith.cmpi sge, %add3A_385, %ge3A_387 : vector<16xi32>
    %sub3A_389 = arith.constant 2048 : i32
    %sub3A_390 = vector.broadcast %sub3A_389 : i32 to vector<16xi32>
    %sub3A_391 = arith.subi %add3A_385, %sub3A_390 : vector<16xi32>
    %select_n3A_392 = arith.select %ge3A_388, %sub3A_391, %add3A_385 : vector<16xi1>, vector<16xi32>
    %swap3A_393 = arith.constant 96 : index
    %swap3A_394 = tpu.vector_load %arg9[%swap3A_393] {strides = array<i32>} : memref<128xi32, #tpu.memory_space<vmem>>, vector<16xi32>,
    %swap3A_395 = vector.shape_cast %swap3A_394 : vector<16xi32> to vector<16xi32>
    %swap3A_396 = vector.shape_cast %select_n3A_392 : vector<16xi32> to vector<16xi32>
    tpu.vector_store %arg9[%swap3A_393], %swap3A_396 {strides = array<i32>} : memref<128xi32, #tpu.memory_space<vmem>>, vector<16xi32>,
    %add3A_397 = arith.constant 112 : i32
    %add3A_398 = arith.addi %add3A_291, %add3A_397 : i32
    %add3A_399 = vector.broadcast %add3A_398 : i32 to vector<16xi32>
    %add3A_400 = arith.addi %iota3A, %add3A_399 : vector<16xi32>
    %ge3A_401 = arith.constant 2048 : i32
    %ge3A_402 = vector.broadcast %ge3A_401 : i32 to vector<16xi32>
    %ge3A_403 = arith.cmpi sge, %add3A_400, %ge3A_402 : vector<16xi32>
    %sub3A_404 = arith.constant 2048 : i32
    %sub3A_405 = vector.broadcast %sub3A_404 : i32 to vector<16xi32>
    %sub3A_406 = arith.subi %add3A_400, %sub3A_405 : vector<16xi32>
    %select_n3A_407 = arith.select %ge3A_403, %sub3A_406, %add3A_400 : vector<16xi1>, vector<16xi32>
    %swap3A_408 = arith.constant 112 : index
    %swap3A_409 = tpu.vector_load %arg9[%swap3A_408] {strides = array<i32>} : memref<128xi32, #tpu.memory_space<vmem>>, vector<16xi32>,
    %swap3A_410 = vector.shape_cast %swap3A_409 : vector<16xi32> to vector<16xi32>
    %swap3A_411 = vector.shape_cast %select_n3A_407 : vector<16xi32> to vector<16xi32>
    tpu.vector_store %arg9[%swap3A_408], %swap3A_411 {strides = array<i32>} : memref<128xi32, #tpu.memory_space<vmem>>, vector<16xi32>,
    "tpu.region"() ({
      %run_scoped3A = tpu.sem_alloc : memref<!tpu.dma_semaphore, #tpu.memory_space<semaphore_mem>>
      %dma_start3A = arith.constant 0 : i32
      %dma_start3A_415 = tpu.memref_slice %arg6[%dma_start3A] : memref<5120xi32, #tpu.memory_space<vmem_shared>> -> memref<5120xi32, #tpu.memory_space<vmem_shared>>
      tpu.enqueue_indirect_dma source(%arg9 : memref<128xi32, #tpu.memory_space<vmem>>) target(%dma_start3A_415 : memref<5120xi32, #tpu.memory_space<vmem_shared>>) offsets(%arg8 : memref<128xi32, #tpu.memory_space<vmem>>) semaphore(%run_scoped3A : memref<!tpu.dma_semaphore, #tpu.memory_space<semaphore_mem>>) {add = true}
      %dma_wait3A = arith.constant 0 : i32
      %dma_wait3A_416 = tpu.memref_slice %arg6[%dma_wait3A] : memref<5120xi32, #tpu.memory_space<vmem_shared>> -> memref<5120xi32, #tpu.memory_space<vmem_shared>>
      tpu.wait_indirect_dma semaphore(%run_scoped3A : memref<!tpu.dma_semaphore, #tpu.memory_space<semaphore_mem>>) src(%arg9 : memref<128xi32, #tpu.memory_space<vmem>>) dst(%dma_wait3A_416 : memref<5120xi32, #tpu.memory_space<vmem_shared>>)
      tpu.yield
    }) : () -> ()
    "tpu.region"() ({
      %run_scoped3A = tpu.sem_alloc : memref<!tpu.dma_semaphore, #tpu.memory_space<semaphore_mem>>
      %dma_start3A = arith.constant 0 : i32
      %dma_start3A_415 = tpu.memref_slice %arg7[%dma_start3A] : memref<5120xf32, #tpu.memory_space<vmem_shared>> -> memref<5120xf32, #tpu.memory_space<vmem_shared>>
      tpu.enqueue_indirect_dma source(%arg10 : memref<128xf32, #tpu.memory_space<vmem>>) target(%dma_start3A_415 : memref<5120xf32, #tpu.memory_space<vmem_shared>>) offsets(%arg8 : memref<128xi32, #tpu.memory_space<vmem>>) semaphore(%run_scoped3A : memref<!tpu.dma_semaphore, #tpu.memory_space<semaphore_mem>>) {add = true}
      %dma_wait3A = arith.constant 0 : i32
      %dma_wait3A_416 = tpu.memref_slice %arg7[%dma_wait3A] : memref<5120xf32, #tpu.memory_space<vmem_shared>> -> memref<5120xf32, #tpu.memory_space<vmem_shared>>
      tpu.wait_indirect_dma semaphore(%run_scoped3A : memref<!tpu.dma_semaphore, #tpu.memory_space<semaphore_mem>>) src(%arg10 : memref<128xf32, #tpu.memory_space<vmem>>) dst(%dma_wait3A_416 : memref<5120xf32, #tpu.memory_space<vmem_shared>>)
      tpu.yield
    }) : () -> ()
    %barrier3A_412 = arith.constant 0 : index
    tpu.barrier barrier_id(%barrier3A_412)
    %mul3A_413 = arith.constant 160 : i32
    %mul3A_414 = arith.muli %add3A, %mul3A_413 : i32
    "tpu.region"() ({
      %run_scoped3A = tpu.sem_alloc : memref<!tpu.dma_semaphore, #tpu.memory_space<semaphore_mem>>
      %dma_start3A = tpu.memref_slice %arg6[%mul3A_414] : memref<5120xi32, #tpu.memory_space<vmem_shared>> -> memref<160xi32, #tpu.memory_space<vmem_shared>>
      %dma_start3A_415 = tpu.memref_slice %arg6[%mul3A_414] : memref<5120xi32, #tpu.memory_space<vmem_shared>> -> memref<160xi32, #tpu.memory_space<vmem_shared>>
      tpu.enqueue_dma source(%dma_start3A_415 : memref<160xi32, #tpu.memory_space<vmem_shared>>) target(%arg13 : memref<160xi32, #tpu.memory_space<vmem>>) target_semaphore(%run_scoped3A : memref<!tpu.dma_semaphore, #tpu.memory_space<semaphore_mem>>)
      %dma_wait3A = tpu.memref_slice %arg6[%mul3A_414] : memref<5120xi32, #tpu.memory_space<vmem_shared>> -> memref<160xi32, #tpu.memory_space<vmem_shared>>
      %dma_wait3A_416 = tpu.memref_slice %arg6[%mul3A_414] : memref<5120xi32, #tpu.memory_space<vmem_shared>> -> memref<160xi32, #tpu.memory_space<vmem_shared>>
      tpu.wait_dma2 semaphore(%run_scoped3A : memref<!tpu.dma_semaphore, #tpu.memory_space<semaphore_mem>>) src(%dma_wait3A_416 : memref<160xi32, #tpu.memory_space<vmem_shared>>) dst(%arg13 : memref<160xi32, #tpu.memory_space<vmem>>)
      tpu.yield
    }) : () -> ()
    "tpu.region"() ({
      %run_scoped3A = tpu.sem_alloc : memref<!tpu.dma_semaphore, #tpu.memory_space<semaphore_mem>>
      %dma_start3A = tpu.memref_slice %arg4[%mul3A_414] : memref<5120xi32, #tpu.memory_space<hbm>> -> memref<160xi32, #tpu.memory_space<hbm>>
      %dma_start3A_415 = tpu.memref_slice %arg4[%mul3A_414] : memref<5120xi32, #tpu.memory_space<hbm>> -> memref<160xi32, #tpu.memory_space<hbm>>
      tpu.enqueue_dma source(%arg13 : memref<160xi32, #tpu.memory_space<vmem>>) target(%dma_start3A_415 : memref<160xi32, #tpu.memory_space<hbm>>) target_semaphore(%run_scoped3A : memref<!tpu.dma_semaphore, #tpu.memory_space<semaphore_mem>>)
      %dma_wait3A = tpu.memref_slice %arg4[%mul3A_414] : memref<5120xi32, #tpu.memory_space<hbm>> -> memref<160xi32, #tpu.memory_space<hbm>>
      %dma_wait3A_416 = tpu.memref_slice %arg4[%mul3A_414] : memref<5120xi32, #tpu.memory_space<hbm>> -> memref<160xi32, #tpu.memory_space<hbm>>
      tpu.wait_dma2 semaphore(%run_scoped3A : memref<!tpu.dma_semaphore, #tpu.memory_space<semaphore_mem>>) src(%arg13 : memref<160xi32, #tpu.memory_space<vmem>>) dst(%dma_wait3A_416 : memref<160xi32, #tpu.memory_space<hbm>>)
      tpu.yield
    }) : () -> ()
    "tpu.region"() ({
      %run_scoped3A = tpu.sem_alloc : memref<!tpu.dma_semaphore, #tpu.memory_space<semaphore_mem>>
      %dma_start3A = tpu.memref_slice %arg7[%mul3A_414] : memref<5120xf32, #tpu.memory_space<vmem_shared>> -> memref<160xf32, #tpu.memory_space<vmem_shared>>
      %dma_start3A_415 = tpu.memref_slice %arg7[%mul3A_414] : memref<5120xf32, #tpu.memory_space<vmem_shared>> -> memref<160xf32, #tpu.memory_space<vmem_shared>>
      tpu.enqueue_dma source(%dma_start3A_415 : memref<160xf32, #tpu.memory_space<vmem_shared>>) target(%arg14 : memref<160xf32, #tpu.memory_space<vmem>>) target_semaphore(%run_scoped3A : memref<!tpu.dma_semaphore, #tpu.memory_space<semaphore_mem>>)
      %dma_wait3A = tpu.memref_slice %arg7[%mul3A_414] : memref<5120xf32, #tpu.memory_space<vmem_shared>> -> memref<160xf32, #tpu.memory_space<vmem_shared>>
      %dma_wait3A_416 = tpu.memref_slice %arg7[%mul3A_414] : memref<5120xf32, #tpu.memory_space<vmem_shared>> -> memref<160xf32, #tpu.memory_space<vmem_shared>>
      tpu.wait_dma2 semaphore(%run_scoped3A : memref<!tpu.dma_semaphore, #tpu.memory_space<semaphore_mem>>) src(%dma_wait3A_416 : memref<160xf32, #tpu.memory_space<vmem_shared>>) dst(%arg14 : memref<160xf32, #tpu.memory_space<vmem>>)
      tpu.yield
    }) : () -> ()
    "tpu.region"() ({
      %run_scoped3A = tpu.sem_alloc : memref<!tpu.dma_semaphore, #tpu.memory_space<semaphore_mem>>
      %dma_start3A = tpu.memref_slice %arg5[%mul3A_414] : memref<5120xf32, #tpu.memory_space<hbm>> -> memref<160xf32, #tpu.memory_space<hbm>>
      %dma_start3A_415 = tpu.memref_slice %arg5[%mul3A_414] : memref<5120xf32, #tpu.memory_space<hbm>> -> memref<160xf32, #tpu.memory_space<hbm>>
      tpu.enqueue_dma source(%arg14 : memref<160xf32, #tpu.memory_space<vmem>>) target(%dma_start3A_415 : memref<160xf32, #tpu.memory_space<hbm>>) target_semaphore(%run_scoped3A : memref<!tpu.dma_semaphore, #tpu.memory_space<semaphore_mem>>)
      %dma_wait3A = tpu.memref_slice %arg5[%mul3A_414] : memref<5120xf32, #tpu.memory_space<hbm>> -> memref<160xf32, #tpu.memory_space<hbm>>
      %dma_wait3A_416 = tpu.memref_slice %arg5[%mul3A_414] : memref<5120xf32, #tpu.memory_space<hbm>> -> memref<160xf32, #tpu.memory_space<hbm>>
      tpu.wait_dma2 semaphore(%run_scoped3A : memref<!tpu.dma_semaphore, #tpu.memory_space<semaphore_mem>>) src(%arg14 : memref<160xf32, #tpu.memory_space<vmem>>) dst(%dma_wait3A_416 : memref<160xf32, #tpu.memory_space<hbm>>)
      tpu.yield
    }) : () -> ()
    return
  }
}

module attributes {stable_mosaic.version = 14 : i64} {
  func.func @_routing_kernel(%arg0: memref<2048x8xf32, #tpu.memory_space<vmem>>, %arg1: memref<1x8xf32, #tpu.memory_space<vmem>>, %arg2: memref<2048x1xi32, #tpu.memory_space<vmem>>, %arg3: memref<2048x1xi32, #tpu.memory_space<vmem>>, %arg4: memref<2048x1xf32, #tpu.memory_space<vmem>>, %arg5: memref<2048x1xf32, #tpu.memory_space<vmem>>, %arg6: memref<40x1xi32, #tpu.memory_space<vmem>>) attributes {dimension_semantics = [], scalar_prefetch = 0 : i64, scratch_operands = 0 : i64, tpu.core_type = #tpu.core_type<tc>} {
    %get3A = arith.constant 0 : index
    %get3A_0 = arith.constant 0 : index
    %get3A_1 = vector.load %arg0[%get3A, %get3A_0] : memref<2048x8xf32, #tpu.memory_space<vmem>>, vector<2048x8xf32>
    %get3A_2 = arith.constant 0 : index
    %get3A_3 = arith.constant 0 : index
    %get3A_4 = vector.load %arg1[%get3A_2, %get3A_3] : memref<1x8xf32, #tpu.memory_space<vmem>>, vector<1x8xf32>
    %iota3A = tpu.iota {dimensions = array<i32: 1>} : vector<2048x8xi32>
    %reduce_max3A = arith.constant dense<0xFF800000> : vector<2048xf32>
    %reduce_max3A_5 = vector.multi_reduction <maximumf>, %get3A_1, %reduce_max3A [1] : vector<2048x8xf32> to vector<2048xf32>
    %broadcast_in_dim3A = vector.shape_cast %reduce_max3A_5 : vector<2048xf32> to vector<2048x1xf32>
    %eq3A = vector.broadcast %broadcast_in_dim3A : vector<2048x1xf32> to vector<2048x8xf32>
    %eq3A_6 = arith.cmpf oeq, %get3A_1, %eq3A : vector<2048x8xf32>
    %jit3A = arith.constant 8 : i32
    %broadcast_in_dim3A_7 = vector.broadcast %jit3A : i32 to vector<2048x8xi32>
    %select_n3A = arith.select %eq3A_6, %iota3A, %broadcast_in_dim3A_7 : vector<2048x8xi1>, vector<2048x8xi32>
    %reduce_min3A = arith.constant dense<2147483647> : vector<2048xi32>
    %reduce_min3A_8 = vector.multi_reduction <minsi>, %select_n3A, %reduce_min3A [1] : vector<2048x8xi32> to vector<2048xi32>
    %broadcast_in_dim3A_9 = vector.shape_cast %reduce_min3A_8 : vector<2048xi32> to vector<2048x1xi32>
    %eq3A_10 = vector.broadcast %broadcast_in_dim3A_9 : vector<2048x1xi32> to vector<2048x8xi32>
    %eq3A_11 = arith.cmpi eq, %iota3A, %eq3A_10 : vector<2048x8xi32>
    %jit3A_12 = arith.constant 0xFF800000 : f32
    %broadcast_in_dim3A_13 = vector.broadcast %jit3A_12 : f32 to vector<2048x8xf32>
    %select_n3A_14 = arith.select %eq3A_11, %broadcast_in_dim3A_13, %get3A_1 : vector<2048x8xi1>, vector<2048x8xf32>
    %reduce_max3A_15 = arith.constant dense<0xFF800000> : vector<2048xf32>
    %reduce_max3A_16 = vector.multi_reduction <maximumf>, %select_n3A_14, %reduce_max3A_15 [1] : vector<2048x8xf32> to vector<2048xf32>
    %broadcast_in_dim3A_17 = vector.shape_cast %reduce_max3A_16 : vector<2048xf32> to vector<2048x1xf32>
    %eq3A_18 = vector.broadcast %broadcast_in_dim3A_17 : vector<2048x1xf32> to vector<2048x8xf32>
    %eq3A_19 = arith.cmpf oeq, %select_n3A_14, %eq3A_18 : vector<2048x8xf32>
    %jit3A_20 = arith.constant 8 : i32
    %broadcast_in_dim3A_21 = vector.broadcast %jit3A_20 : i32 to vector<2048x8xi32>
    %select_n3A_22 = arith.select %eq3A_19, %iota3A, %broadcast_in_dim3A_21 : vector<2048x8xi1>, vector<2048x8xi32>
    %reduce_min3A_23 = arith.constant dense<2147483647> : vector<2048xi32>
    %reduce_min3A_24 = vector.multi_reduction <minsi>, %select_n3A_22, %reduce_min3A_23 [1] : vector<2048x8xi32> to vector<2048xi32>
    %broadcast_in_dim3A_25 = vector.shape_cast %reduce_min3A_24 : vector<2048xi32> to vector<2048x1xi32>
    %eq3A_26 = vector.broadcast %broadcast_in_dim3A_25 : vector<2048x1xi32> to vector<2048x8xi32>
    %eq3A_27 = arith.cmpi eq, %iota3A, %eq3A_26 : vector<2048x8xi32>
    %sub3A = vector.broadcast %broadcast_in_dim3A : vector<2048x1xf32> to vector<2048x8xf32>
    %sub3A_28 = arith.subf %get3A_1, %sub3A : vector<2048x8xf32>
    %exp3A = math.exp %sub3A_28 : vector<2048x8xf32>
    %reduce_sum3A = arith.constant dense<0.000000e+00> : vector<2048xf32>
    %reduce_sum3A_29 = vector.multi_reduction <add>, %exp3A, %reduce_sum3A [1] : vector<2048x8xf32> to vector<2048xf32>
    %broadcast_in_dim3A_30 = vector.shape_cast %reduce_sum3A_29 : vector<2048xf32> to vector<2048x1xf32>
    %div3A = vector.broadcast %broadcast_in_dim3A_30 : vector<2048x1xf32> to vector<2048x8xf32>
    %div3A_31 = arith.divf %exp3A, %div3A : vector<2048x8xf32>
    %or3A = arith.ori %eq3A_11, %eq3A_27 : vector<2048x8xi1>
    %jit3A_32 = arith.constant 0.000000e+00 : f32
    %broadcast_in_dim3A_33 = vector.broadcast %jit3A_32 : f32 to vector<2048x8xf32>
    %select_n3A_34 = arith.select %or3A, %div3A_31, %broadcast_in_dim3A_33 : vector<2048x8xi1>, vector<2048x8xf32>
    %reduce_sum3A_35 = arith.constant dense<0.000000e+00> : vector<2048xf32>
    %reduce_sum3A_36 = vector.multi_reduction <add>, %select_n3A_34, %reduce_sum3A_35 [1] : vector<2048x8xf32> to vector<2048xf32>
    %broadcast_in_dim3A_37 = vector.shape_cast %reduce_sum3A_36 : vector<2048xf32> to vector<2048x1xf32>
    %gt3A = arith.constant 0.000000e+00 : f32
    %gt3A_38 = vector.broadcast %gt3A : f32 to vector<2048x1xf32>
    %gt3A_39 = arith.cmpf ogt, %broadcast_in_dim3A_37, %gt3A_38 : vector<2048x1xf32>
    %jit3A_40 = arith.constant 1.000000e+00 : f32
    %broadcast_in_dim3A_41 = vector.broadcast %jit3A_40 : f32 to vector<2048x1xf32>
    %select_n3A_42 = arith.select %gt3A_39, %broadcast_in_dim3A_37, %broadcast_in_dim3A_41 : vector<2048x1xi1>, vector<2048x1xf32>
    %mul3A = vector.broadcast %get3A_4 : vector<1x8xf32> to vector<2048x8xf32>
    %mul3A_43 = arith.mulf %div3A_31, %mul3A : vector<2048x8xf32>
    %jit3A_44 = arith.constant 0.000000e+00 : f32
    %broadcast_in_dim3A_45 = vector.broadcast %jit3A_44 : f32 to vector<2048x8xf32>
    %select_n3A_46 = arith.select %eq3A_11, %mul3A_43, %broadcast_in_dim3A_45 : vector<2048x8xi1>, vector<2048x8xf32>
    %reduce_sum3A_47 = arith.constant dense<0.000000e+00> : vector<2048xf32>
    %reduce_sum3A_48 = vector.multi_reduction <add>, %select_n3A_46, %reduce_sum3A_47 [1] : vector<2048x8xf32> to vector<2048xf32>
    %broadcast_in_dim3A_49 = vector.shape_cast %reduce_sum3A_48 : vector<2048xf32> to vector<2048x1xf32>
    %div3A_50 = arith.divf %broadcast_in_dim3A_49, %select_n3A_42 : vector<2048x1xf32>
    %jit3A_51 = arith.constant 0.000000e+00 : f32
    %broadcast_in_dim3A_52 = vector.broadcast %jit3A_51 : f32 to vector<2048x8xf32>
    %select_n3A_53 = arith.select %eq3A_27, %mul3A_43, %broadcast_in_dim3A_52 : vector<2048x8xi1>, vector<2048x8xf32>
    %reduce_sum3A_54 = arith.constant dense<0.000000e+00> : vector<2048xf32>
    %reduce_sum3A_55 = vector.multi_reduction <add>, %select_n3A_53, %reduce_sum3A_54 [1] : vector<2048x8xf32> to vector<2048xf32>
    %broadcast_in_dim3A_56 = vector.shape_cast %reduce_sum3A_55 : vector<2048xf32> to vector<2048x1xf32>
    %div3A_57 = arith.divf %broadcast_in_dim3A_56, %select_n3A_42 : vector<2048x1xf32>
    %convert_element_type3A = arith.extui %eq3A_11 : vector<2048x8xi1> to vector<2048x8xi32>
    %convert_element_type3A_58 = arith.sitofp %convert_element_type3A : vector<2048x8xi32> to vector<2048x8xf32>
    %convert_element_type3A_59 = arith.extui %eq3A_27 : vector<2048x8xi1> to vector<2048x8xi32>
    %convert_element_type3A_60 = arith.sitofp %convert_element_type3A_59 : vector<2048x8xi32> to vector<2048x8xf32>
    %broadcast_in_dim3A_61 = arith.constant 0.000000e+00 : f32
    %broadcast_in_dim3A_62 = vector.broadcast %broadcast_in_dim3A_61 : f32 to vector<1x8xf32>
    %slice3A = vector.extract_strided_slice %convert_element_type3A_58 {offsets = [0, 0], sizes = [2047, 8], strides = [1, 1]} : vector<2048x8xf32> to vector<2047x8xf32>
    %concatenate3A = tpu.concatenate %broadcast_in_dim3A_62, %slice3A in 0 : vector<1x8xf32>, vector<2047x8xf32> -> vector<2048x8xf32>
    %add3A = arith.addf %convert_element_type3A_58, %concatenate3A : vector<2048x8xf32>
    %broadcast_in_dim3A_63 = arith.constant 0.000000e+00 : f32
    %broadcast_in_dim3A_64 = vector.broadcast %broadcast_in_dim3A_63 : f32 to vector<2x8xf32>
    %slice3A_65 = vector.extract_strided_slice %add3A {offsets = [0, 0], sizes = [2046, 8], strides = [1, 1]} : vector<2048x8xf32> to vector<2046x8xf32>
    %concatenate3A_66 = tpu.concatenate %broadcast_in_dim3A_64, %slice3A_65 in 0 : vector<2x8xf32>, vector<2046x8xf32> -> vector<2048x8xf32>
    %add3A_67 = arith.addf %add3A, %concatenate3A_66 : vector<2048x8xf32>
    %broadcast_in_dim3A_68 = arith.constant 0.000000e+00 : f32
    %broadcast_in_dim3A_69 = vector.broadcast %broadcast_in_dim3A_68 : f32 to vector<4x8xf32>
    %slice3A_70 = vector.extract_strided_slice %add3A_67 {offsets = [0, 0], sizes = [2044, 8], strides = [1, 1]} : vector<2048x8xf32> to vector<2044x8xf32>
    %concatenate3A_71 = tpu.concatenate %broadcast_in_dim3A_69, %slice3A_70 in 0 : vector<4x8xf32>, vector<2044x8xf32> -> vector<2048x8xf32>
    %add3A_72 = arith.addf %add3A_67, %concatenate3A_71 : vector<2048x8xf32>
    %broadcast_in_dim3A_73 = arith.constant 0.000000e+00 : f32
    %broadcast_in_dim3A_74 = vector.broadcast %broadcast_in_dim3A_73 : f32 to vector<8x8xf32>
    %slice3A_75 = vector.extract_strided_slice %add3A_72 {offsets = [0, 0], sizes = [2040, 8], strides = [1, 1]} : vector<2048x8xf32> to vector<2040x8xf32>
    %concatenate3A_76 = tpu.concatenate %broadcast_in_dim3A_74, %slice3A_75 in 0 : vector<8x8xf32>, vector<2040x8xf32> -> vector<2048x8xf32>
    %add3A_77 = arith.addf %add3A_72, %concatenate3A_76 : vector<2048x8xf32>
    %broadcast_in_dim3A_78 = arith.constant 0.000000e+00 : f32
    %broadcast_in_dim3A_79 = vector.broadcast %broadcast_in_dim3A_78 : f32 to vector<16x8xf32>
    %slice3A_80 = vector.extract_strided_slice %add3A_77 {offsets = [0, 0], sizes = [2032, 8], strides = [1, 1]} : vector<2048x8xf32> to vector<2032x8xf32>
    %concatenate3A_81 = tpu.concatenate %broadcast_in_dim3A_79, %slice3A_80 in 0 : vector<16x8xf32>, vector<2032x8xf32> -> vector<2048x8xf32>
    %add3A_82 = arith.addf %add3A_77, %concatenate3A_81 : vector<2048x8xf32>
    %broadcast_in_dim3A_83 = arith.constant 0.000000e+00 : f32
    %broadcast_in_dim3A_84 = vector.broadcast %broadcast_in_dim3A_83 : f32 to vector<32x8xf32>
    %slice3A_85 = vector.extract_strided_slice %add3A_82 {offsets = [0, 0], sizes = [2016, 8], strides = [1, 1]} : vector<2048x8xf32> to vector<2016x8xf32>
    %concatenate3A_86 = tpu.concatenate %broadcast_in_dim3A_84, %slice3A_85 in 0 : vector<32x8xf32>, vector<2016x8xf32> -> vector<2048x8xf32>
    %add3A_87 = arith.addf %add3A_82, %concatenate3A_86 : vector<2048x8xf32>
    %broadcast_in_dim3A_88 = arith.constant 0.000000e+00 : f32
    %broadcast_in_dim3A_89 = vector.broadcast %broadcast_in_dim3A_88 : f32 to vector<64x8xf32>
    %slice3A_90 = vector.extract_strided_slice %add3A_87 {offsets = [0, 0], sizes = [1984, 8], strides = [1, 1]} : vector<2048x8xf32> to vector<1984x8xf32>
    %concatenate3A_91 = tpu.concatenate %broadcast_in_dim3A_89, %slice3A_90 in 0 : vector<64x8xf32>, vector<1984x8xf32> -> vector<2048x8xf32>
    %add3A_92 = arith.addf %add3A_87, %concatenate3A_91 : vector<2048x8xf32>
    %broadcast_in_dim3A_93 = arith.constant 0.000000e+00 : f32
    %broadcast_in_dim3A_94 = vector.broadcast %broadcast_in_dim3A_93 : f32 to vector<128x8xf32>
    %slice3A_95 = vector.extract_strided_slice %add3A_92 {offsets = [0, 0], sizes = [1920, 8], strides = [1, 1]} : vector<2048x8xf32> to vector<1920x8xf32>
    %concatenate3A_96 = tpu.concatenate %broadcast_in_dim3A_94, %slice3A_95 in 0 : vector<128x8xf32>, vector<1920x8xf32> -> vector<2048x8xf32>
    %add3A_97 = arith.addf %add3A_92, %concatenate3A_96 : vector<2048x8xf32>
    %broadcast_in_dim3A_98 = arith.constant 0.000000e+00 : f32
    %broadcast_in_dim3A_99 = vector.broadcast %broadcast_in_dim3A_98 : f32 to vector<256x8xf32>
    %slice3A_100 = vector.extract_strided_slice %add3A_97 {offsets = [0, 0], sizes = [1792, 8], strides = [1, 1]} : vector<2048x8xf32> to vector<1792x8xf32>
    %concatenate3A_101 = tpu.concatenate %broadcast_in_dim3A_99, %slice3A_100 in 0 : vector<256x8xf32>, vector<1792x8xf32> -> vector<2048x8xf32>
    %add3A_102 = arith.addf %add3A_97, %concatenate3A_101 : vector<2048x8xf32>
    %broadcast_in_dim3A_103 = arith.constant 0.000000e+00 : f32
    %broadcast_in_dim3A_104 = vector.broadcast %broadcast_in_dim3A_103 : f32 to vector<512x8xf32>
    %slice3A_105 = vector.extract_strided_slice %add3A_102 {offsets = [0, 0], sizes = [1536, 8], strides = [1, 1]} : vector<2048x8xf32> to vector<1536x8xf32>
    %concatenate3A_106 = tpu.concatenate %broadcast_in_dim3A_104, %slice3A_105 in 0 : vector<512x8xf32>, vector<1536x8xf32> -> vector<2048x8xf32>
    %add3A_107 = arith.addf %add3A_102, %concatenate3A_106 : vector<2048x8xf32>
    %broadcast_in_dim3A_108 = arith.constant 0.000000e+00 : f32
    %broadcast_in_dim3A_109 = vector.broadcast %broadcast_in_dim3A_108 : f32 to vector<1024x8xf32>
    %slice3A_110 = vector.extract_strided_slice %add3A_107 {offsets = [0, 0], sizes = [1024, 8], strides = [1, 1]} : vector<2048x8xf32> to vector<1024x8xf32>
    %concatenate3A_111 = tpu.concatenate %broadcast_in_dim3A_109, %slice3A_110 in 0 : vector<1024x8xf32>, vector<1024x8xf32> -> vector<2048x8xf32>
    %add3A_112 = arith.addf %add3A_107, %concatenate3A_111 : vector<2048x8xf32>
    %broadcast_in_dim3A_113 = arith.constant 0.000000e+00 : f32
    %broadcast_in_dim3A_114 = vector.broadcast %broadcast_in_dim3A_113 : f32 to vector<1x8xf32>
    %slice3A_115 = vector.extract_strided_slice %convert_element_type3A_60 {offsets = [0, 0], sizes = [2047, 8], strides = [1, 1]} : vector<2048x8xf32> to vector<2047x8xf32>
    %concatenate3A_116 = tpu.concatenate %broadcast_in_dim3A_114, %slice3A_115 in 0 : vector<1x8xf32>, vector<2047x8xf32> -> vector<2048x8xf32>
    %add3A_117 = arith.addf %convert_element_type3A_60, %concatenate3A_116 : vector<2048x8xf32>
    %broadcast_in_dim3A_118 = arith.constant 0.000000e+00 : f32
    %broadcast_in_dim3A_119 = vector.broadcast %broadcast_in_dim3A_118 : f32 to vector<2x8xf32>
    %slice3A_120 = vector.extract_strided_slice %add3A_117 {offsets = [0, 0], sizes = [2046, 8], strides = [1, 1]} : vector<2048x8xf32> to vector<2046x8xf32>
    %concatenate3A_121 = tpu.concatenate %broadcast_in_dim3A_119, %slice3A_120 in 0 : vector<2x8xf32>, vector<2046x8xf32> -> vector<2048x8xf32>
    %add3A_122 = arith.addf %add3A_117, %concatenate3A_121 : vector<2048x8xf32>
    %broadcast_in_dim3A_123 = arith.constant 0.000000e+00 : f32
    %broadcast_in_dim3A_124 = vector.broadcast %broadcast_in_dim3A_123 : f32 to vector<4x8xf32>
    %slice3A_125 = vector.extract_strided_slice %add3A_122 {offsets = [0, 0], sizes = [2044, 8], strides = [1, 1]} : vector<2048x8xf32> to vector<2044x8xf32>
    %concatenate3A_126 = tpu.concatenate %broadcast_in_dim3A_124, %slice3A_125 in 0 : vector<4x8xf32>, vector<2044x8xf32> -> vector<2048x8xf32>
    %add3A_127 = arith.addf %add3A_122, %concatenate3A_126 : vector<2048x8xf32>
    %broadcast_in_dim3A_128 = arith.constant 0.000000e+00 : f32
    %broadcast_in_dim3A_129 = vector.broadcast %broadcast_in_dim3A_128 : f32 to vector<8x8xf32>
    %slice3A_130 = vector.extract_strided_slice %add3A_127 {offsets = [0, 0], sizes = [2040, 8], strides = [1, 1]} : vector<2048x8xf32> to vector<2040x8xf32>
    %concatenate3A_131 = tpu.concatenate %broadcast_in_dim3A_129, %slice3A_130 in 0 : vector<8x8xf32>, vector<2040x8xf32> -> vector<2048x8xf32>
    %add3A_132 = arith.addf %add3A_127, %concatenate3A_131 : vector<2048x8xf32>
    %broadcast_in_dim3A_133 = arith.constant 0.000000e+00 : f32
    %broadcast_in_dim3A_134 = vector.broadcast %broadcast_in_dim3A_133 : f32 to vector<16x8xf32>
    %slice3A_135 = vector.extract_strided_slice %add3A_132 {offsets = [0, 0], sizes = [2032, 8], strides = [1, 1]} : vector<2048x8xf32> to vector<2032x8xf32>
    %concatenate3A_136 = tpu.concatenate %broadcast_in_dim3A_134, %slice3A_135 in 0 : vector<16x8xf32>, vector<2032x8xf32> -> vector<2048x8xf32>
    %add3A_137 = arith.addf %add3A_132, %concatenate3A_136 : vector<2048x8xf32>
    %broadcast_in_dim3A_138 = arith.constant 0.000000e+00 : f32
    %broadcast_in_dim3A_139 = vector.broadcast %broadcast_in_dim3A_138 : f32 to vector<32x8xf32>
    %slice3A_140 = vector.extract_strided_slice %add3A_137 {offsets = [0, 0], sizes = [2016, 8], strides = [1, 1]} : vector<2048x8xf32> to vector<2016x8xf32>
    %concatenate3A_141 = tpu.concatenate %broadcast_in_dim3A_139, %slice3A_140 in 0 : vector<32x8xf32>, vector<2016x8xf32> -> vector<2048x8xf32>
    %add3A_142 = arith.addf %add3A_137, %concatenate3A_141 : vector<2048x8xf32>
    %broadcast_in_dim3A_143 = arith.constant 0.000000e+00 : f32
    %broadcast_in_dim3A_144 = vector.broadcast %broadcast_in_dim3A_143 : f32 to vector<64x8xf32>
    %slice3A_145 = vector.extract_strided_slice %add3A_142 {offsets = [0, 0], sizes = [1984, 8], strides = [1, 1]} : vector<2048x8xf32> to vector<1984x8xf32>
    %concatenate3A_146 = tpu.concatenate %broadcast_in_dim3A_144, %slice3A_145 in 0 : vector<64x8xf32>, vector<1984x8xf32> -> vector<2048x8xf32>
    %add3A_147 = arith.addf %add3A_142, %concatenate3A_146 : vector<2048x8xf32>
    %broadcast_in_dim3A_148 = arith.constant 0.000000e+00 : f32
    %broadcast_in_dim3A_149 = vector.broadcast %broadcast_in_dim3A_148 : f32 to vector<128x8xf32>
    %slice3A_150 = vector.extract_strided_slice %add3A_147 {offsets = [0, 0], sizes = [1920, 8], strides = [1, 1]} : vector<2048x8xf32> to vector<1920x8xf32>
    %concatenate3A_151 = tpu.concatenate %broadcast_in_dim3A_149, %slice3A_150 in 0 : vector<128x8xf32>, vector<1920x8xf32> -> vector<2048x8xf32>
    %add3A_152 = arith.addf %add3A_147, %concatenate3A_151 : vector<2048x8xf32>
    %broadcast_in_dim3A_153 = arith.constant 0.000000e+00 : f32
    %broadcast_in_dim3A_154 = vector.broadcast %broadcast_in_dim3A_153 : f32 to vector<256x8xf32>
    %slice3A_155 = vector.extract_strided_slice %add3A_152 {offsets = [0, 0], sizes = [1792, 8], strides = [1, 1]} : vector<2048x8xf32> to vector<1792x8xf32>
    %concatenate3A_156 = tpu.concatenate %broadcast_in_dim3A_154, %slice3A_155 in 0 : vector<256x8xf32>, vector<1792x8xf32> -> vector<2048x8xf32>
    %add3A_157 = arith.addf %add3A_152, %concatenate3A_156 : vector<2048x8xf32>
    %broadcast_in_dim3A_158 = arith.constant 0.000000e+00 : f32
    %broadcast_in_dim3A_159 = vector.broadcast %broadcast_in_dim3A_158 : f32 to vector<512x8xf32>
    %slice3A_160 = vector.extract_strided_slice %add3A_157 {offsets = [0, 0], sizes = [1536, 8], strides = [1, 1]} : vector<2048x8xf32> to vector<1536x8xf32>
    %concatenate3A_161 = tpu.concatenate %broadcast_in_dim3A_159, %slice3A_160 in 0 : vector<512x8xf32>, vector<1536x8xf32> -> vector<2048x8xf32>
    %add3A_162 = arith.addf %add3A_157, %concatenate3A_161 : vector<2048x8xf32>
    %broadcast_in_dim3A_163 = arith.constant 0.000000e+00 : f32
    %broadcast_in_dim3A_164 = vector.broadcast %broadcast_in_dim3A_163 : f32 to vector<1024x8xf32>
    %slice3A_165 = vector.extract_strided_slice %add3A_162 {offsets = [0, 0], sizes = [1024, 8], strides = [1, 1]} : vector<2048x8xf32> to vector<1024x8xf32>
    %concatenate3A_166 = tpu.concatenate %broadcast_in_dim3A_164, %slice3A_165 in 0 : vector<1024x8xf32>, vector<1024x8xf32> -> vector<2048x8xf32>
    %add3A_167 = arith.addf %add3A_162, %concatenate3A_166 : vector<2048x8xf32>
    %slice3A_168 = vector.extract_strided_slice %add3A_112 {offsets = [2047, 0], sizes = [1, 8], strides = [1, 1]} : vector<2048x8xf32> to vector<1x8xf32>
    %slice3A_169 = vector.extract_strided_slice %add3A_167 {offsets = [2047, 0], sizes = [1, 8], strides = [1, 1]} : vector<2048x8xf32> to vector<1x8xf32>
    %add3A_170 = arith.addf %slice3A_168, %slice3A_169 : vector<1x8xf32>
    %jit3A_171 = arith.constant 0.000000e+00 : f32
    %broadcast_in_dim3A_172 = vector.broadcast %jit3A_171 : f32 to vector<2048x8xf32>
    %select_n3A_173 = arith.select %eq3A_11, %add3A_112, %broadcast_in_dim3A_172 : vector<2048x8xi1>, vector<2048x8xf32>
    %reduce_sum3A_174 = arith.constant dense<0.000000e+00> : vector<2048xf32>
    %reduce_sum3A_175 = vector.multi_reduction <add>, %select_n3A_173, %reduce_sum3A_174 [1] : vector<2048x8xf32> to vector<2048xf32>
    %broadcast_in_dim3A_176 = vector.shape_cast %reduce_sum3A_175 : vector<2048xf32> to vector<2048x1xf32>
    %sub3A_177 = arith.constant 1.000000e+00 : f32
    %sub3A_178 = vector.broadcast %sub3A_177 : f32 to vector<2048x1xf32>
    %sub3A_179 = arith.subf %broadcast_in_dim3A_176, %sub3A_178 : vector<2048x1xf32>
    %add3A_180 = vector.broadcast %slice3A_168 : vector<1x8xf32> to vector<2048x8xf32>
    %add3A_181 = arith.addf %add3A_167, %add3A_180 : vector<2048x8xf32>
    %jit3A_182 = arith.constant 0.000000e+00 : f32
    %broadcast_in_dim3A_183 = vector.broadcast %jit3A_182 : f32 to vector<2048x8xf32>
    %select_n3A_184 = arith.select %eq3A_27, %add3A_181, %broadcast_in_dim3A_183 : vector<2048x8xi1>, vector<2048x8xf32>
    %reduce_sum3A_185 = arith.constant dense<0.000000e+00> : vector<2048xf32>
    %reduce_sum3A_186 = vector.multi_reduction <add>, %select_n3A_184, %reduce_sum3A_185 [1] : vector<2048x8xf32> to vector<2048xf32>
    %broadcast_in_dim3A_187 = vector.shape_cast %reduce_sum3A_186 : vector<2048xf32> to vector<2048x1xf32>
    %sub3A_188 = arith.constant 1.000000e+00 : f32
    %sub3A_189 = vector.broadcast %sub3A_188 : f32 to vector<2048x1xf32>
    %sub3A_190 = arith.subf %broadcast_in_dim3A_187, %sub3A_189 : vector<2048x1xf32>
    %div3A_191 = arith.constant 1.280000e+02 : f32
    %div3A_192 = vector.broadcast %div3A_191 : f32 to vector<1x8xf32>
    %div3A_193 = arith.divf %add3A_170, %div3A_192 : vector<1x8xf32>
    %ceil3A = math.ceil %div3A_193 : vector<1x8xf32>
    %iota3A_194 = tpu.iota {dimensions = array<i32: 0>} : vector<8x8xi32>
    %iota3A_195 = tpu.iota {dimensions = array<i32: 1>} : vector<8x8xi32>
    %lt3A = arith.cmpi slt, %iota3A_194, %iota3A_195 : vector<8x8xi32>
    %convert_element_type3A_196 = arith.extui %lt3A : vector<8x8xi1> to vector<8x8xi32>
    %convert_element_type3A_197 = arith.sitofp %convert_element_type3A_196 : vector<8x8xi32> to vector<8x8xf32>
    %dot_general3A = arith.constant dense<0.000000e+00> : vector<1x8xf32>
    %dot_general3A_198 = tpu.matmul %ceil3A, %convert_element_type3A_197, %dot_general3A {dimension_numbers = #tpu.dot_dimension_numbers<[1], [0], [0], [1], [0, 0, 1, 1], [], []>, transpose_lhs_hint = false} : vector<1x8xf32>, vector<8x8xf32>, vector<1x8xf32> -> vector<1x8xf32>
    %mul3A_199 = arith.constant 1.280000e+02 : f32
    %mul3A_200 = vector.broadcast %mul3A_199 : f32 to vector<1x8xf32>
    %mul3A_201 = arith.mulf %dot_general3A_198, %mul3A_200 : vector<1x8xf32>
    %jit3A_202 = arith.constant 0.000000e+00 : f32
    %broadcast_in_dim3A_203 = vector.shape_cast %mul3A_201 : vector<1x8xf32> to vector<1x8xf32>
    %broadcast_in_dim3A_204 = vector.broadcast %broadcast_in_dim3A_203 : vector<1x8xf32> to vector<2048x8xf32>
    %broadcast_in_dim3A_205 = vector.broadcast %jit3A_202 : f32 to vector<2048x8xf32>
    %select_n3A_206 = arith.select %eq3A_11, %broadcast_in_dim3A_204, %broadcast_in_dim3A_205 : vector<2048x8xi1>, vector<2048x8xf32>
    %reduce_sum3A_207 = arith.constant dense<0.000000e+00> : vector<2048xf32>
    %reduce_sum3A_208 = vector.multi_reduction <add>, %select_n3A_206, %reduce_sum3A_207 [1] : vector<2048x8xf32> to vector<2048xf32>
    %broadcast_in_dim3A_209 = vector.shape_cast %reduce_sum3A_208 : vector<2048xf32> to vector<2048x1xf32>
    %add3A_210 = arith.addf %broadcast_in_dim3A_209, %sub3A_179 : vector<2048x1xf32>
    %jit3A_211 = arith.constant 0.000000e+00 : f32
    %broadcast_in_dim3A_212 = vector.shape_cast %mul3A_201 : vector<1x8xf32> to vector<1x8xf32>
    %broadcast_in_dim3A_213 = vector.broadcast %broadcast_in_dim3A_212 : vector<1x8xf32> to vector<2048x8xf32>
    %broadcast_in_dim3A_214 = vector.broadcast %jit3A_211 : f32 to vector<2048x8xf32>
    %select_n3A_215 = arith.select %eq3A_27, %broadcast_in_dim3A_213, %broadcast_in_dim3A_214 : vector<2048x8xi1>, vector<2048x8xf32>
    %reduce_sum3A_216 = arith.constant dense<0.000000e+00> : vector<2048xf32>
    %reduce_sum3A_217 = vector.multi_reduction <add>, %select_n3A_215, %reduce_sum3A_216 [1] : vector<2048x8xf32> to vector<2048xf32>
    %broadcast_in_dim3A_218 = vector.shape_cast %reduce_sum3A_217 : vector<2048xf32> to vector<2048x1xf32>
    %add3A_219 = arith.addf %broadcast_in_dim3A_218, %sub3A_190 : vector<2048x1xf32>
    %convert_element_type3A_220 = arith.fptosi %add3A_210 : vector<2048x1xf32> to vector<2048x1xi32>
    %swap3A = arith.constant 0 : index
    %swap3A_221 = arith.constant 0 : index
    %swap3A_222 = vector.load %arg2[%swap3A, %swap3A_221] : memref<2048x1xi32, #tpu.memory_space<vmem>>, vector<2048x1xi32>
    tpu.vector_store %arg2[%swap3A, %swap3A_221], %convert_element_type3A_220 {strides = array<i32>} : memref<2048x1xi32, #tpu.memory_space<vmem>>, vector<2048x1xi32>,
    %convert_element_type3A_223 = arith.fptosi %add3A_219 : vector<2048x1xf32> to vector<2048x1xi32>
    %swap3A_224 = arith.constant 0 : index
    %swap3A_225 = arith.constant 0 : index
    %swap3A_226 = vector.load %arg3[%swap3A_224, %swap3A_225] : memref<2048x1xi32, #tpu.memory_space<vmem>>, vector<2048x1xi32>
    tpu.vector_store %arg3[%swap3A_224, %swap3A_225], %convert_element_type3A_223 {strides = array<i32>} : memref<2048x1xi32, #tpu.memory_space<vmem>>, vector<2048x1xi32>,
    %swap3A_227 = arith.constant 0 : index
    %swap3A_228 = arith.constant 0 : index
    %swap3A_229 = vector.load %arg4[%swap3A_227, %swap3A_228] : memref<2048x1xf32, #tpu.memory_space<vmem>>, vector<2048x1xf32>
    tpu.vector_store %arg4[%swap3A_227, %swap3A_228], %div3A_50 {strides = array<i32>} : memref<2048x1xf32, #tpu.memory_space<vmem>>, vector<2048x1xf32>,
    %swap3A_230 = arith.constant 0 : index
    %swap3A_231 = arith.constant 0 : index
    %swap3A_232 = vector.load %arg5[%swap3A_230, %swap3A_231] : memref<2048x1xf32, #tpu.memory_space<vmem>>, vector<2048x1xf32>
    tpu.vector_store %arg5[%swap3A_230, %swap3A_231], %div3A_57 {strides = array<i32>} : memref<2048x1xf32, #tpu.memory_space<vmem>>, vector<2048x1xf32>,
    %iota3A_233 = tpu.iota {dimensions = array<i32: 0>} : vector<40x8xi32>
    %convert_element_type3A_234 = arith.fptosi %dot_general3A_198 : vector<1x8xf32> to vector<1x8xi32>
    %ge3A = vector.broadcast %convert_element_type3A_234 : vector<1x8xi32> to vector<40x8xi32>
    %ge3A_235 = arith.cmpi sge, %iota3A_233, %ge3A : vector<40x8xi32>
    %convert_element_type3A_236 = arith.extui %ge3A_235 : vector<40x8xi1> to vector<40x8xi32>
    %reduce_sum3A_237 = arith.constant dense<0> : vector<40xi32>
    %reduce_sum3A_238 = vector.multi_reduction <add>, %convert_element_type3A_236, %reduce_sum3A_237 [1] : vector<40x8xi32> to vector<40xi32>
    %broadcast_in_dim3A_239 = vector.shape_cast %reduce_sum3A_238 : vector<40xi32> to vector<40x1xi32>
    %sub3A_240 = arith.constant 1 : i32
    %sub3A_241 = vector.broadcast %sub3A_240 : i32 to vector<40x1xi32>
    %sub3A_242 = arith.subi %broadcast_in_dim3A_239, %sub3A_241 : vector<40x1xi32>
    %jit3A_243 = arith.constant 0 : i32
    %jit3A_244 = arith.constant 7 : i32
    %max3A = vector.broadcast %jit3A_243 : i32 to vector<40x1xi32>
    %max3A_245 = arith.maxsi %max3A, %sub3A_242 : vector<40x1xi32>
    %min3A = vector.broadcast %jit3A_244 : i32 to vector<40x1xi32>
    %min3A_246 = arith.minsi %min3A, %max3A_245 : vector<40x1xi32>
    %swap3A_247 = arith.constant 0 : index
    %swap3A_248 = arith.constant 0 : index
    %swap3A_249 = vector.load %arg6[%swap3A_247, %swap3A_248] : memref<40x1xi32, #tpu.memory_space<vmem>>, vector<40x1xi32>
    tpu.vector_store %arg6[%swap3A_247, %swap3A_248], %min3A_246 {strides = array<i32>} : memref<40x1xi32, #tpu.memory_space<vmem>>, vector<40x1xi32>,
    return
  }
}

module attributes {stable_mosaic.version = 14 : i64} {
  func.func @_ffn_kernel(%arg0: i32, %arg1: memref<40xi32, #tpu.memory_space<smem>>, %arg2: memref<128x1024xf32, #tpu.memory_space<vmem>>, %arg3: memref<1x1024x2048xf32, #tpu.memory_space<vmem>>, %arg4: memref<1x1024x2048xf32, #tpu.memory_space<vmem>>, %arg5: memref<1x2048x1024xf32, #tpu.memory_space<vmem>>, %arg6: memref<128x1xf32, #tpu.memory_space<vmem>>, %arg7: memref<128x1024xf32, #tpu.memory_space<vmem>>) attributes {dimension_semantics = [#tpu.dimension_semantics<arbitrary>], iteration_bounds = array<i64: 40>, scalar_prefetch = 1 : i64, scratch_operands = 0 : i64, tpu.core_type = #tpu.core_type<tc>, window_params = [{transform_indices = @transform_0, window_bounds = array<i64: 128, 1024>}, {transform_indices = @transform_1, window_bounds = array<i64: 1, 1024, 2048>}, {transform_indices = @transform_2, window_bounds = array<i64: 1, 1024, 2048>}, {transform_indices = @transform_3, window_bounds = array<i64: 1, 2048, 1024>}, {transform_indices = @transform_4, window_bounds = array<i64: 128, 1>}, {transform_indices = @transform_5, window_bounds = array<i64: 128, 1024>}]} {
    %get3A = arith.constant 0 : index
    %get3A_0 = arith.constant 0 : index
    %get3A_1 = vector.load %arg2[%get3A, %get3A_0] : memref<128x1024xf32, #tpu.memory_space<vmem>>, vector<128x1024xf32>
    %get3A_2 = arith.constant 0 : index
    %get3A_3 = arith.constant 0 : index
    %get3A_4 = arith.constant 0 : index
    %get3A_5 = vector.load %arg3[%get3A_2, %get3A_3, %get3A_4] : memref<1x1024x2048xf32, #tpu.memory_space<vmem>>, vector<1x1024x2048xf32>
    %get3A_6 = vector.shape_cast %get3A_5 : vector<1x1024x2048xf32> to vector<1024x2048xf32>
    %dot_general3A = arith.constant dense<0.000000e+00> : vector<128x2048xf32>
    %dot_general3A_7 = tpu.matmul %get3A_1, %get3A_6, %dot_general3A {dimension_numbers = #tpu.dot_dimension_numbers<[1], [0], [0], [1], [0, 0, 1, 1], [], []>, transpose_lhs_hint = false} : vector<128x1024xf32>, vector<1024x2048xf32>, vector<128x2048xf32> -> vector<128x2048xf32>
    %get3A_8 = arith.constant 0 : index
    %get3A_9 = arith.constant 0 : index
    %get3A_10 = arith.constant 0 : index
    %get3A_11 = vector.load %arg4[%get3A_8, %get3A_9, %get3A_10] : memref<1x1024x2048xf32, #tpu.memory_space<vmem>>, vector<1x1024x2048xf32>
    %get3A_12 = vector.shape_cast %get3A_11 : vector<1x1024x2048xf32> to vector<1024x2048xf32>
    %dot_general3A_13 = arith.constant dense<0.000000e+00> : vector<128x2048xf32>
    %dot_general3A_14 = tpu.matmul %get3A_1, %get3A_12, %dot_general3A_13 {dimension_numbers = #tpu.dot_dimension_numbers<[1], [0], [0], [1], [0, 0, 1, 1], [], []>, transpose_lhs_hint = false} : vector<128x1024xf32>, vector<1024x2048xf32>, vector<128x2048xf32> -> vector<128x2048xf32>
    %mul3A = arith.constant 5.000000e-01 : f32
    %mul3A_15 = vector.broadcast %mul3A : f32 to vector<128x2048xf32>
    %mul3A_16 = arith.mulf %mul3A_15, %dot_general3A_7 : vector<128x2048xf32>
    %mul3A_17 = arith.constant 0.707106769 : f32
    %mul3A_18 = vector.broadcast %mul3A_17 : f32 to vector<128x2048xf32>
    %mul3A_19 = arith.mulf %dot_general3A_7, %mul3A_18 : vector<128x2048xf32>
    %erf3A = math.erf %mul3A_19 : vector<128x2048xf32>
    %add3A = arith.constant 1.000000e+00 : f32
    %add3A_20 = vector.broadcast %add3A : f32 to vector<128x2048xf32>
    %add3A_21 = arith.addf %add3A_20, %erf3A : vector<128x2048xf32>
    %mul3A_22 = arith.mulf %mul3A_16, %add3A_21 : vector<128x2048xf32>
    %mul3A_23 = arith.mulf %mul3A_22, %dot_general3A_14 : vector<128x2048xf32>
    %get3A_24 = arith.constant 0 : index
    %get3A_25 = arith.constant 0 : index
    %get3A_26 = arith.constant 0 : index
    %get3A_27 = vector.load %arg5[%get3A_24, %get3A_25, %get3A_26] : memref<1x2048x1024xf32, #tpu.memory_space<vmem>>, vector<1x2048x1024xf32>
    %get3A_28 = vector.shape_cast %get3A_27 : vector<1x2048x1024xf32> to vector<2048x1024xf32>
    %dot_general3A_29 = arith.constant dense<0.000000e+00> : vector<128x1024xf32>
    %dot_general3A_30 = tpu.matmul %mul3A_23, %get3A_28, %dot_general3A_29 {dimension_numbers = #tpu.dot_dimension_numbers<[1], [0], [0], [1], [0, 0, 1, 1], [], []>, transpose_lhs_hint = false} : vector<128x2048xf32>, vector<2048x1024xf32>, vector<128x1024xf32> -> vector<128x1024xf32>
    %get3A_31 = arith.constant 0 : index
    %get3A_32 = arith.constant 0 : index
    %get3A_33 = vector.load %arg6[%get3A_31, %get3A_32] : memref<128x1xf32, #tpu.memory_space<vmem>>, vector<128x1xf32>
    %mul3A_34 = vector.broadcast %get3A_33 : vector<128x1xf32> to vector<128x1024xf32>
    %mul3A_35 = arith.mulf %dot_general3A_30, %mul3A_34 : vector<128x1024xf32>
    %swap3A = arith.constant 0 : index
    %swap3A_36 = arith.constant 0 : index
    %swap3A_37 = vector.load %arg7[%swap3A, %swap3A_36] : memref<128x1024xf32, #tpu.memory_space<vmem>>, vector<128x1024xf32>
    tpu.vector_store %arg7[%swap3A, %swap3A_36], %mul3A_35 {strides = array<i32>} : memref<128x1024xf32, #tpu.memory_space<vmem>>, vector<128x1024xf32>,
    return
  }
  func.func @transform_0(%arg0: i32, %arg1: memref<40xi32, #tpu.memory_space<smem>>) -> (i32, i32) {
    %c0_i32 = arith.constant 0 : i32
    %c0_i32_0 = arith.constant 0 : i32
    return %arg0, %c0_i32 : i32, i32
  }
  func.func @transform_1(%arg0: i32, %arg1: memref<40xi32, #tpu.memory_space<smem>>) -> (i32, i32, i32) {
    %get3A = arith.index_cast %arg0 : i32 to index
    %get3A_0 = memref.load %arg1[%get3A] : memref<40xi32, #tpu.memory_space<smem>>
    %c0_i32 = arith.constant 0 : i32
    %c0_i32_1 = arith.constant 0 : i32
    %c0_i32_2 = arith.constant 0 : i32
    return %get3A_0, %c0_i32, %c0_i32_1 : i32, i32, i32
  }
  func.func @transform_2(%arg0: i32, %arg1: memref<40xi32, #tpu.memory_space<smem>>) -> (i32, i32, i32) {
    %get3A = arith.index_cast %arg0 : i32 to index
    %get3A_0 = memref.load %arg1[%get3A] : memref<40xi32, #tpu.memory_space<smem>>
    %c0_i32 = arith.constant 0 : i32
    %c0_i32_1 = arith.constant 0 : i32
    %c0_i32_2 = arith.constant 0 : i32
    return %get3A_0, %c0_i32, %c0_i32_1 : i32, i32, i32
  }
  func.func @transform_3(%arg0: i32, %arg1: memref<40xi32, #tpu.memory_space<smem>>) -> (i32, i32, i32) {
    %get3A = arith.index_cast %arg0 : i32 to index
    %get3A_0 = memref.load %arg1[%get3A] : memref<40xi32, #tpu.memory_space<smem>>
    %c0_i32 = arith.constant 0 : i32
    %c0_i32_1 = arith.constant 0 : i32
    %c0_i32_2 = arith.constant 0 : i32
    return %get3A_0, %c0_i32, %c0_i32_1 : i32, i32, i32
  }
  func.func @transform_4(%arg0: i32, %arg1: memref<40xi32, #tpu.memory_space<smem>>) -> (i32, i32) {
    %c0_i32 = arith.constant 0 : i32
    %c0_i32_0 = arith.constant 0 : i32
    return %arg0, %c0_i32 : i32, i32
  }
  func.func @transform_5(%arg0: i32, %arg1: memref<40xi32, #tpu.memory_space<smem>>) -> (i32, i32) {
    %c0_i32 = arith.constant 0 : i32
    %c0_i32_0 = arith.constant 0 : i32
    return %arg0, %c0_i32 : i32, i32
  }
}

</mosaic_0001>

<sc_bundles>
// kernel: kernel.10.cloned.1.call-start
scs
__scs_entry_jumppad:
0x0: {  	(pc) =	sbr.rel $0x88, $3  }
0x1: {  	(tag) =	ssettag $0x0;
	lr =	simm.s32 $0x1  }
0x2: {  	[smem:$0x3F9B] =	sst lr;
	_ =	strace $0xD0000000  }
0x3: {  	_ = 	snop  }
0x4: {  	_ = 	snop  }
0x5: {  	_ = 	snop  }
0x6: {  	_ = 	snop  }
0x7: {  	_ = 	snop  }
__scs_overlays_trampoline_lowered:
0x8: {  	[smem:$0x3FAA] =	sst s0  }
0x9: {  	[smem:$0x3FAB] =	sst s1  }
0xa: {  	[smem:$0x3FAC] =	sst s2  }
0xb: {  	[smem:$0x3FAD] =	sst s3  }
0xc: {  	[smem:$0x3FAE] =	sst s4  }
0xd: {  	[smem:$0x3FAF] =	sst s5  }
0xe: {  	[smem:$0x3FB0] =	sst s6  }
0xf: {  	[smem:$0x3FB1] =	sst s7  }
0x10: {  	[smem:$0x3FB2] =	sst s8  }
0x11: {  	[smem:$0x3FB3] =	sst s9;
	s0 =	simm.s32 @!p0 $0x0  }
0x12: {  	s1 =	sld [smem:$0x3F99];
	s0 =	simm.s32 @p0 $0x1  }
0x13: {  	[smem:$0x3FB4] =	sst s0;
	s0 =	simm.s32 @!p1 $0x0  }
0x14: {  	s2 =	sld [smem:$0x3F98];
	s0 =	simm.s32 @p1 $0x1  }
0x15: {  	[smem:$0x3FB5] =	sst s0;
	s0 =	simm.s32 @!p2 $0x0  }
0x16: {  	s3 =	sld [smem:$0x3FDB];
	s0 =	simm.s32 @p2 $0x1  }
0x17: {  	s4 =	simm.s32 $0x1BF5;
	[smem:$0x3FB7] =	sst s0  }
0x18: {  	s0 =	sld [smem:$0x3F9A];
	_ =	swait.ge [sflag:s4], $0x0  }
0x19: {  	s7 =	sld [smem:$0x3F9B]  }
0x1a: {  	s8 =	sadd.s32 $0xFFFFE003, lr  }
0x1b: {  	s9 =	sadd.s32 $0xFFFFFEF7, lr;
	s5 =	simm.s32 $0xFFFFFFFF;
	p2 =	slt.u32 s8, $0xFFFFF086  }
0x1c: {  	p1 =	slt.u32 s9, $0xF7A;
	s5 =	simm.s32 @!p2 $0x0  }
0x1d: {  	s5 =	simm.s32 @p1 $0x1;
	p0 =	seq.s32 s7, s2  }
0x1e: {  	s7 =	smul.u32 @!p0 $0xF7A, s2;
	p2 =	seq.s32 @!p0 s5, $0x0  }
0x1f: {  	s9 =	smul.u32 $0xF7A, s1;
	s8 =	simm.s32 @!p0 $0x1BF5;
	p2 =	por !p2, p0  }
0x20: {  	[sflag:s8] =	ssyncset.s32 @!p0 $0xFFFFF086;
	s6 =	sadd.s32 @!p0 s3, s7;
	s7 =	simm.s32 @!p0 $0x108  }
0x21: {  	s3 =	sadd.s32 s3, s9;
	s6 =	sadd.s32 @!p0 $0x88, s6;
	s7 =	simm.s32 @p2 $0x1082  }
0x22: {  	[simem:s7], [sflag:s8] =	dma.local @!p0 [hbm:s6], $0xF7A  }
0x23: {  	s9 =	sor.u32 $0xD0000000, s2;
	s6 =	simm.s32 $0x108;
	_ =	swait.ge @!p0 [sflag:s8], $0x0  }
0x24: {  	s3 =	sadd.s32 $0x88, s3;
	s6 =	simm.s32 @!p1 $0x1082;
	[sflag:s4] =	ssyncset.s32 $0xFFFFF086  }
0x25: {  	[simem:s6], [sflag:s4] =	dma.local [hbm:s3], $0xF7A  }
0x26: {  	[smem:$0x3F9B] =	sst s1;
	(tag) =	ssettag s2;
	_ =	strace s9  }
0x27: {  	s1 =	sld [smem:$0x3FAB]  }
0x28: {  	s2 =	sld [smem:$0x3FAC]  }
0x29: {  	s4 =	sld [smem:$0x3FAE]  }
0x2a: {  	p0 =	seq.s32 s5, $0x0;
	s5 =	sld [smem:$0x3FAF]  }
0x2b: {  	s6 =	sld [smem:$0x3FB0]  }
0x2c: {  	s7 =	sld [smem:$0x3FB1]  }
0x2d: {  	s3 =	simm.s32 $0x108;
	s8 =	sld [smem:$0x3FB2]  }
0x2e: {  	s3 =	simm.s32 @!p0 $0x1082;
	s9 =	sld [smem:$0x3FB3]  }
0x2f: {  	lr =	sadd.s32 s0, s3;
	s0 =	sld [smem:$0x3FAA]  }
0x30: {  	s3 =	sld [smem:$0x3FAD]  }
0x31: {  	[smem:$0x3FB6] =	sst s10  }
0x32: {  	s10 =	sld [smem:$0x3FB4];
	_ =	sdelay $0x3  }
0x33: {  	p0 =	seq.s32 s10, $0x1;
	s10 =	sld [smem:$0x3FB6];
	_ =	sdelay $0x3  }
0x34: {  	[smem:$0x3FB6] =	sst s10  }
0x35: {  	s10 =	sld [smem:$0x3FB5];
	_ =	sdelay $0x3  }
0x36: {  	p1 =	seq.s32 s10, $0x1;
	s10 =	sld [smem:$0x3FB6];
	_ =	sdelay $0x3  }
0x37: {  	[smem:$0x3FB6] =	sst s10  }
0x38: {  	s10 =	sld [smem:$0x3FB7]  }
0x39: {  	_ = 	snop;
	(pc) =	sbr.ind lr, $3  }
0x3a: {  	_ = 	snop  }
0x3b: {  	_ = 	snop  }
0x3c: {  	p2 =	seq.s32 s10, $0x1;
	s10 =	sld [smem:$0x3FB6]  }
0x3d: {  	_ =	shalt  }
0x3e: {  	_ =	shalt  }
0x3f: {  	_ =	shalt  }
0x40: {  	_ =	shalt  }
0x41: {  	_ =	shalt  }
0x42: {  	_ =	shalt  }
0x43: {  	_ =	shalt  }
0x44: {  	_ =	shalt  }
0x45: {  	_ =	shalt  }
0x46: {  	_ =	shalt  }
0x47: {  	_ =	shalt  }
0x48: {  	_ =	shalt  }
0x49: {  	_ =	shalt  }
0x4a: {  	_ =	shalt  }
0x4b: {  	_ =	shalt  }
0x4c: {  	_ =	shalt  }
0x4d: {  	_ =	shalt  }
0x4e: {  	_ =	shalt  }
0x4f: {  	_ =	shalt  }
0x50: {  	_ =	shalt  }
0x51: {  	_ =	shalt  }
0x52: {  	_ =	shalt  }
0x53: {  	_ =	shalt  }
0x54: {  	_ =	shalt  }
0x55: {  	_ =	shalt  }
0x56: {  	_ =	shalt  }
0x57: {  	_ =	shalt  }
0x58: {  	_ =	shalt  }
0x59: {  	_ =	shalt  }
0x5a: {  	_ =	shalt  }
0x5b: {  	_ =	shalt  }
0x5c: {  	_ =	shalt  }
0x5d: {  	_ =	shalt  }
0x5e: {  	_ =	shalt  }
0x5f: {  	_ =	shalt  }
0x60: {  	_ =	shalt  }
0x61: {  	_ =	shalt  }
0x62: {  	_ =	shalt  }
0x63: {  	_ =	shalt  }
0x64: {  	_ =	shalt  }
0x65: {  	_ =	shalt  }
0x66: {  	_ =	shalt  }
0x67: {  	_ =	shalt  }
0x68: {  	_ =	shalt  }
0x69: {  	_ =	shalt  }
0x6a: {  	_ =	shalt  }
0x6b: {  	_ =	shalt  }
0x6c: {  	_ =	shalt  }
0x6d: {  	_ =	shalt  }
0x6e: {  	_ =	shalt  }
0x6f: {  	_ =	shalt  }
0x70: {  	_ =	shalt  }
0x71: {  	_ =	shalt  }
0x72: {  	_ =	shalt  }
0x73: {  	_ =	shalt  }
0x74: {  	_ =	shalt  }
0x75: {  	_ =	shalt  }
0x76: {  	_ =	shalt  }
0x77: {  	_ =	shalt  }
0x78: {  	_ =	shalt  }
0x79: {  	_ =	shalt  }
0x7a: {  	_ =	shalt  }
0x7b: {  	_ =	shalt  }
0x7c: {  	_ =	shalt  }
0x7d: {  	_ =	shalt  }
0x7e: {  	_ =	shalt  }
0x7f: {  	_ =	shalt  }
0x80: {  	_ =	shalt  }
0x81: {  	_ =	shalt  }
0x82: {  	_ =	shalt  }
0x83: {  	_ =	shalt  }
0x84: {  	_ =	shalt  }
0x85: {  	_ =	shalt  }
0x86: {  	_ =	shalt  }
0x87: {  	_ =	shalt  }
.Lfunc_end0:
.L_simem_size_0:
called_computation.1_lowered:
.L_overlay_start_0:
0x88: {  	s2 =	sld [smem:$0x3FD9]  }
0x89: {  	s3 =	sld [smem:$0x3FFE];
	_ =	sdelay $0x1  }
0x8a: {  	s1 =	srdreg.scid  }
0x8b: {  	s0 =	sand.u32 $0x1, s1  }
0x8c: {  	s17 =	sshll.u32 s0, $0xA;
	s2 =	sadd.s32 s3, s2  }
0x8d: {  	s2 =	sadd.s32 s2, s17  }
0x8e: {  	[smem:$0x3FC2] =	sst s2  }
0x8f: {  	_ = 	snop  }
0x90: {  	s2 =	sld [smem:$0x3FC9];
	(tm) =	ssettm $0x1  }
0x91: {  	s18 =	sld [smem:$0x3FFB];
	_ =	sdelay $0x3  }
0x92: {  	_ =	strace s18  }
0x93: {  	s3 =	sld [smem:$0x3FFC];
	_ =	sdelay $0x3  }
0x94: {  	_ =	strace s3  }
0x95: {  	s3 =	sld [smem:$0x3FFD];
	_ =	sdelay $0x3  }
0x96: {  	_ =	strace s3  }
0x97: {  	_ =	strace $0x8FFFFFFF  }
0x98: {  	s19 =	sld [smem:$0x3FDB];
	_ =	sdelay $0x1  }
0x99: {  	s4 =	simm.s32 $_scs_section_size  }
0x9a: {  	s5 =	simm.s32 $_size__tile_overlayer_lowered;
	s6 =	simm.s32 $_tile_overlayer_lowered  }
0x9b: {  	s22 =	simm.s32 $0x1BFF;
	s21 =	sshll.u32 s6, $0x1;
	s3 =	sadd.s32 s4, s19  }
0x9c: {  	s7 =	simm.s32 $0x0;
	s20 =	sshll.u32 s5, $0x1;
	s5 =	sadd.s32 s21, s3  }
0x9d: {  	[timem:s7], [sflag:s22] =	dma.local [hbm:s5], s20  }
0x9e: {  	_ =	swait.ge [sflag:s22], s20  }
0x9f: {  	s4 =	ssub.s32 $0x0, s20;
	[sflag:s22] =	ssyncset.done $0x0  }
0xa0: {  	[sflag:s22] =	ssyncadd.s32 s4;
	_ =	sdelay $0x1  }
0xa1: {  	s23 =	simm.s32 $0x1B8B  }
0xa2: {  	_ =	swait.ge [sflag:s23], $0x1  }
0xa3: {  	[sflag:s23] =	ssyncset.done $0x0  }
0xa4: {  	s25 =	simm.s32 $0x1B8E;
	s24 =	sld [smem:$0x3FFE];
	[sflag:s23] =	ssyncadd.s32 $0xFFFFFFFF  }
0xa5: {  	s26 =	simm.s32 $execute0_lowered;
	[smem:$0x3FD2] =	sst s25  }
0xa6: {  	s5 =	sshll.u32 s26, $0x1;
	_ =	strace $0x80000049;
	[dreg:$0x1] =	wrdreg $0xFFFFFFFF  }
0xa7: {  	s28 =	simm.s32 $_size_execute0_lowered;
	s3 =	sadd.s32 s3, s5;
	[dreg:$0x0] =	wrdreg $0x0  }
0xa8: {  	s5 =	sshll.u32 s28, $0x1;
	[dreg:$0x2] =	wrdreg s3  }
0xa9: {  	[dreg:$0x3] =	wrdreg s5  }
0xaa: {  	[dreg:$0x4] =	wrdreg $0xC0  }
0xab: {  	_ =	task [dreg:s7], $0x5FFFF  }
0xac: {  	[dreg:$0x1] =	wrdreg $0xFFFFFFFF  }
0xad: {  	[dreg:$0x0] =	wrdreg $0x60  }
0xae: {  	[dreg:$0x2] =	wrdreg s2  }
0xaf: {  	[dreg:$0x3] =	wrdreg s24  }
0xb0: {  	[dreg:$0x4] =	wrdreg $0x9  }
0xb1: {  	_ =	task.clear_ibuf [dreg:s7], $0x5FFFF;
	_ =	strace $0x90000049  }
0xb2: {  	s29 =	simm.s32 $0x9;
	_ =	strace $0x8000004B  }
0xb3: {  	_ =	swait.ge [sflag:s29], $0x1  }
0xb4: {  	[sflag:s29] =	ssyncadd.s32 $0xFFFFFFFF  }
0xb5: {  	_ =	strace $0x9000004B  }
0xb6: {  	_ =	sfence  }
0xb7: {  	s30 =	sld [smem:$0x0];
	_ =	sdelay $0x2  }
0xb8: {  	s31 =	sshll.u32 s1, $0xD;
	s1 =	sshrl.u32 s1, $0x2  }
0xb9: {  	s3 =	sand.u32 $0x4000, s31;
	s1 =	sadd.s32 s1, s30  }
0xba: {  	s0 =	sor.u32 s3, s0;
	s1 =	sshll.u32 s1, $0x11  }
0xbb: {  	s0 =	sor.u32 s1, s0  }
0xbc: {  	s0 =	sadd.s32 $0x8F2B, s0  }
0xbd: {  	[sflag:s0] =	ssyncadd.remote.s32 $0x1  }
0xbe: {  	_ =	sfence.sel $0xFFFF  }
0xbf: {  	[dreg:$0x0] =	wrdreg $0xFFFFFFFF;
	(pc) =	sbr.abs _section_cstart, $3  }
0xc0: {  	[dreg:$0x1] =	wrdreg $0xFFFFFFFF  }
0xc1: {  	_ =	task.clear_ibuf [dreg:s7], $0x2FFFF;
	_ =	strace $0x9FFFFFFF  }
0xc2: {  	(tm) =	ssettm $0x7FFFFFFF  }
0xc3: {  	_ =	shalt  }
tec
execute0_lowered:
.L_overlay_start_1:
0x0: {  	(tag) =	ssettag $0x1  }
0x1: {  	s2 =	rddreg [dreg:$0x0]  }
0x2: {  	s0 =	srdreg.scid;
	s3 =	stileid.u32  }
0x3: {  	s1 =	rddreg [dreg:$0x1];
	s8 =	simm.s32 $0x3;
	s9 =	simm.s32 $0x1  }
0x4: {  	s28 =	simm.s32 $0x2;
	s30 =	simm.s32 $0x100;
	s31 =	simm.s32 $0x900  }
0x5: {  	s10 =	simm.s32 $0x2100;
	s11 =	simm.s32 $0x2900;
	s12 =	simm.s32 $0x3100  }
0x6: {  	s13 =	simm.s32 $0x3900;
	s14 =	simm.s32 $0x4100;
	s15 =	simm.s32 $0x4900  }
0x7: {  	s16 =	simm.s32 $0x5100;
	s17 =	simm.s32 $0x5900;
	s18 =	simm.s32 $0x6100  }
0x8: {  	s19 =	simm.s32 $0x6900;
	s20 =	simm.s32 $0x7100;
	s21 =	simm.s32 $0x7900  }
0x9: {  	s22 =	simm.s32 $0x8100;
	s0 =	sand.u32 $0x1, s0;
	s4 =	sshll.u32 s3, $0x1  }
0xa: {  	s23 =	simm.s32 $0x8900;
	s24 =	simm.s32 $0x9100;
	s4 =	sor.u32 s0, s4  }
0xb: {  	s25 =	simm.s32 $0x9900;
	s3 =	simm.s32 $0x0;
	s5 =	smul.u32 $0x14, s4  }
0xc: {  	[smem:$0x7FF] =	sst s3;
	s0 =	ssub.s32 $0x2, s0;
	s6 =	smul.u32 $0x28000, s4  }
0xd: {  	_ =	strace $0x8000004A;
	s7 =	sshrl.u32 s0, $0x1;
	s4 =	smul.u32 $0x5000, s4  }
0xe: {  	s0 =	ssub.s32 s0, s7;
	s5 =	sadd.s32 s5, s1;
	s1 =	sadd.s32 $0xC00, s1  }
0xf: {  	s6 =	sshrl.u32 s6, $0x3;
	s7 =	smax.u32 s0, $0x1;
	s5 =	sadd.s32 $0x800, s5  }
0x10: {  	s26 =	sadd.s32 s1, s4;
	s1 =	sadd.s32 s1, s6;
	[dreg:$0x3] =	wrdreg s5  }
0x11: {  	s4 =	sadd.s32 $0x100, s2;
	[dreg:$0x4] =	wrdreg s26;
	s6 =	sadd.s32 $0x1400, s1  }
0x12: {  	v2 =	vlaneseq.u32;
	s5 =	sadd.s32 $0x200, s2;
	s29 =	sadd.s32 $0x2800, s1;
	[dreg:$0x5] =	wrdreg s6  }
0x13: {  	vm0 =	vmmov $0xffff;
	v1 =	vshrl.u32 v2, $0x3;
	s1 =	sadd.s32 $0x3C00, s1;
	s26 =	simm.s32 $0xA100;
	[dreg:$0x6] =	wrdreg s29  }
0x14: {  	v0 =	vand.u32 $0x7, v2;
	v2 =	vor.u32 $0x8, v2;
	v1 =	vmul.u32 $0x8, v1;
	s6 =	sadd.s32 $0x300, s2;
	[dreg:$0x7] =	wrdreg s1;
	s1 =	simm.s32 $0x1100  }
.LBB2_1:
0x15: {  	s29 =	rddreg [dreg:$0x3]  }
0x16: {  	[tilespmem:s3], [sflag:$0x3] =	stream.linear.gather [hbm4b:s29+s3], $0xA0, $0x38;
	[tilespmem:$0x14100] =	vst v63  }
0x17: {  	_ =	swait.ge [sflag:s8], $0xA0  }
0x18: {  	[sflag:s8] =	ssyncset.done $0x0  }
0x19: {  	[sflag:s8] =	ssyncadd.s32 $0xFFFFFF60  }
0x1a: {  	v3 =	vld [tilespmem:$0x0];
	_ =	sdelay $0x4  }
0x1b: {  	v4 =	vshll.u32 v3, $0x3  }
0x1c: {  	v3 =	vand.u32 $0x7, v3;
	v4 =	vand.u32 $0xFFFFFFC0, v4  }
0x1d: {  	v3 =	vor.u32 v3, v4  }
0x1e: {  	v4 =	vperm.xlane v3, v0;
	_ =	sdelay $0x1  }
0x1f: {  	v4 =	vadd.s32 v1, v4;
	_ =	sdelay $0x4  }
0x20: {  	[tilespmem:s30], [sflag:$0x1] =	stream.indirect_vreg.gather [hbm4b:s2+s3], $0x80, v4, vm0, $0xb8;
	[tilespmem:$0x14100] =	vst v63  }
0x21: {  	v3 =	vperm.xlane v3, v2  }
0x22: {  	[tilespmem:s31], [sflag:$0x1] =	stream.indirect_vreg.gather [hbm4b:s4+s3], $0x80, v4, vm0, $0xb8;
	[tilespmem:$0x14100] =	vst v63  }
0x23: {  	v3 =	vadd.s32 v1, v3  }
0x24: {  	[tilespmem:s1], [sflag:$0x1] =	stream.indirect_vreg.gather [hbm4b:s5+s3], $0x80, v4, vm0, $0xb8;
	[tilespmem:$0x14100] =	vst v63  }
0x25: {  	s0 =	simm.s32 $0x1900  }
0x26: {  	[tilespmem:s0], [sflag:$0x1] =	stream.indirect_vreg.gather [hbm4b:s6+s3], $0x80, v4, vm0, $0xb8;
	[tilespmem:$0x14100] =	vst v63  }
0x27: {  	_ = 	snop  }
0x28: {  	[tilespmem:s10], [sflag:$0x1] =	stream.indirect_vreg.gather [hbm4b:s2+s3], $0x80, v3, vm0, $0xb8;
	[tilespmem:$0x14100] =	vst v63  }
0x29: {  	_ = 	snop  }
0x2a: {  	[tilespmem:s11], [sflag:$0x1] =	stream.indirect_vreg.gather [hbm4b:s4+s3], $0x80, v3, vm0, $0xb8;
	[tilespmem:$0x14100] =	vst v63  }
0x2b: {  	_ = 	snop  }
0x2c: {  	[tilespmem:s12], [sflag:$0x1] =	stream.indirect_vreg.gather [hbm4b:s5+s3], $0x80, v3, vm0, $0xb8;
	[tilespmem:$0x14100] =	vst v63  }
0x2d: {  	_ = 	snop  }
0x2e: {  	[tilespmem:s13], [sflag:$0x1] =	stream.indirect_vreg.gather [hbm4b:s6+s3], $0x80, v3, vm0, $0xb8;
	[tilespmem:$0x14100] =	vst v63  }
0x2f: {  	v3 =	vld [tilespmem:$0x10];
	_ =	sdelay $0x4  }
0x30: {  	v53 =	vshll.u32 v3, $0x3  }
0x31: {  	v3 =	vand.u32 $0x7, v3;
	v4 =	vand.u32 $0xFFFFFFC0, v53  }
0x32: {  	v3 =	vor.u32 v3, v4  }
0x33: {  	v4 =	vperm.xlane v3, v0;
	_ =	sdelay $0x1  }
0x34: {  	v4 =	vadd.s32 v1, v4;
	_ =	sdelay $0x4  }
0x35: {  	[tilespmem:s14], [sflag:$0x1] =	stream.indirect_vreg.gather [hbm4b:s2+s3], $0x80, v4, vm0, $0xb8;
	[tilespmem:$0x14100] =	vst v63  }
0x36: {  	v3 =	vperm.xlane v3, v2  }
0x37: {  	[tilespmem:s15], [sflag:$0x1] =	stream.indirect_vreg.gather [hbm4b:s4+s3], $0x80, v4, vm0, $0xb8;
	[tilespmem:$0x14100] =	vst v63  }
0x38: {  	v3 =	vadd.s32 v1, v3  }
0x39: {  	[tilespmem:s16], [sflag:$0x1] =	stream.indirect_vreg.gather [hbm4b:s5+s3], $0x80, v4, vm0, $0xb8;
	[tilespmem:$0x14100] =	vst v63  }
0x3a: {  	_ = 	snop  }
0x3b: {  	[tilespmem:s17], [sflag:$0x1] =	stream.indirect_vreg.gather [hbm4b:s6+s3], $0x80, v4, vm0, $0xb8;
	[tilespmem:$0x14100] =	vst v63  }
0x3c: {  	_ = 	snop  }
0x3d: {  	[tilespmem:s18], [sflag:$0x1] =	stream.indirect_vreg.gather [hbm4b:s2+s3], $0x80, v3, vm0, $0xb8;
	[tilespmem:$0x14100] =	vst v63  }
0x3e: {  	_ = 	snop  }
0x3f: {  	[tilespmem:s19], [sflag:$0x1] =	stream.indirect_vreg.gather [hbm4b:s4+s3], $0x80, v3, vm0, $0xb8;
	[tilespmem:$0x14100] =	vst v63  }
0x40: {  	_ = 	snop  }
0x41: {  	[tilespmem:s20], [sflag:$0x1] =	stream.indirect_vreg.gather [hbm4b:s5+s3], $0x80, v3, vm0, $0xb8;
	[tilespmem:$0x14100] =	vst v63  }
0x42: {  	_ = 	snop  }
0x43: {  	[tilespmem:s21], [sflag:$0x1] =	stream.indirect_vreg.gather [hbm4b:s6+s3], $0x80, v3, vm0, $0xb8;
	[tilespmem:$0x14100] =	vst v63  }
0x44: {  	v3 =	vld.msk [tilespmem:$0x20], $0xff;
	_ =	sdelay $0x4  }
0x45: {  	v54 =	vshll.u32 v3, $0x3  }
0x46: {  	v3 =	vand.u32 $0x7, v3;
	v4 =	vand.u32 $0xFFFFFFC0, v54  }
0x47: {  	v3 =	vor.u32 v3, v4  }
0x48: {  	v3 =	vperm.xlane v3, v0;
	_ =	sdelay $0x1  }
0x49: {  	v3 =	vadd.s32 v1, v3;
	_ =	sdelay $0x4  }
0x4a: {  	[tilespmem:s22], [sflag:$0x1] =	stream.indirect_vreg.gather [hbm4b:s2+s3], $0x80, v3, vm0, $0xb8;
	[tilespmem:$0x14100] =	vst v63  }
0x4b: {  	_ = 	snop  }
0x4c: {  	[tilespmem:s23], [sflag:$0x1] =	stream.indirect_vreg.gather [hbm4b:s4+s3], $0x80, v3, vm0, $0xb8;
	[tilespmem:$0x14100] =	vst v63  }
0x4d: {  	_ = 	snop  }
0x4e: {  	[tilespmem:s24], [sflag:$0x1] =	stream.indirect_vreg.gather [hbm4b:s5+s3], $0x80, v3, vm0, $0xb8;
	[tilespmem:$0x14100] =	vst v63  }
0x4f: {  	_ = 	snop  }
0x50: {  	[tilespmem:s25], [sflag:$0x1] =	stream.indirect_vreg.gather [hbm4b:s6+s3], $0x80, v3, vm0, $0xb8;
	[tilespmem:$0x14100] =	vst v63  }
0x51: {  	v3 =	vld [tilespmem:$0x28];
	_ =	sdelay $0x4  }
0x52: {  	v55 =	vshll.u32 v3, $0x3  }
0x53: {  	v3 =	vand.u32 $0x7, v3;
	v4 =	vand.u32 $0xFFFFFFC0, v55  }
0x54: {  	v3 =	vor.u32 v3, v4  }
0x55: {  	v4 =	vperm.xlane v3, v0;
	_ =	sdelay $0x1  }
0x56: {  	v4 =	vadd.s32 v1, v4;
	_ =	sdelay $0x4  }
0x57: {  	[tilespmem:s26], [sflag:$0x2] =	stream.indirect_vreg.gather [hbm4b:s2+s3], $0x80, v4, vm0, $0xb8;
	[tilespmem:$0x14100] =	vst v63  }
0x58: {  	s29 =	simm.s32 $0xA900;
	v3 =	vperm.xlane v3, v2  }
0x59: {  	[tilespmem:s29], [sflag:$0x2] =	stream.indirect_vreg.gather [hbm4b:s4+s3], $0x80, v4, vm0, $0xb8;
	[tilespmem:$0x14100] =	vst v63  }
0x5a: {  	v3 =	vadd.s32 v1, v3;
	s29 =	simm.s32 $0xB100  }
0x5b: {  	[tilespmem:s29], [sflag:$0x2] =	stream.indirect_vreg.gather [hbm4b:s5+s3], $0x80, v4, vm0, $0xb8;
	[tilespmem:$0x14100] =	vst v63  }
0x5c: {  	s29 =	simm.s32 $0xB900  }
0x5d: {  	[tilespmem:s29], [sflag:$0x2] =	stream.indirect_vreg.gather [hbm4b:s6+s3], $0x80, v4, vm0, $0xb8;
	[tilespmem:$0x14100] =	vst v63  }
0x5e: {  	s29 =	simm.s32 $0xC100  }
0x5f: {  	[tilespmem:s29], [sflag:$0x2] =	stream.indirect_vreg.gather [hbm4b:s2+s3], $0x80, v3, vm0, $0xb8;
	[tilespmem:$0x14100] =	vst v63  }
0x60: {  	s29 =	simm.s32 $0xC900  }
0x61: {  	[tilespmem:s29], [sflag:$0x2] =	stream.indirect_vreg.gather [hbm4b:s4+s3], $0x80, v3, vm0, $0xb8;
	[tilespmem:$0x14100] =	vst v63  }
0x62: {  	s29 =	simm.s32 $0xD100  }
0x63: {  	[tilespmem:s29], [sflag:$0x2] =	stream.indirect_vreg.gather [hbm4b:s5+s3], $0x80, v3, vm0, $0xb8;
	[tilespmem:$0x14100] =	vst v63  }
0x64: {  	s29 =	simm.s32 $0xD900  }
0x65: {  	[tilespmem:s29], [sflag:$0x2] =	stream.indirect_vreg.gather [hbm4b:s6+s3], $0x80, v3, vm0, $0xb8;
	[tilespmem:$0x14100] =	vst v63  }
0x66: {  	v3 =	vld [tilespmem:$0x38];
	_ =	sdelay $0x4  }
0x67: {  	v56 =	vshll.u32 v3, $0x3  }
0x68: {  	v3 =	vand.u32 $0x7, v3;
	v4 =	vand.u32 $0xFFFFFFC0, v56  }
0x69: {  	v3 =	vor.u32 v3, v4  }
0x6a: {  	v4 =	vperm.xlane v3, v0;
	_ =	sdelay $0x1  }
0x6b: {  	v4 =	vadd.s32 v1, v4;
	_ =	sdelay $0x3  }
0x6c: {  	s29 =	simm.s32 $0xE100  }
0x6d: {  	[tilespmem:s29], [sflag:$0x2] =	stream.indirect_vreg.gather [hbm4b:s2+s3], $0x80, v4, vm0, $0xb8;
	[tilespmem:$0x14100] =	vst v63  }
0x6e: {  	v3 =	vperm.xlane v3, v2;
	s29 =	simm.s32 $0xE900  }
0x6f: {  	[tilespmem:s29], [sflag:$0x2] =	stream.indirect_vreg.gather [hbm4b:s4+s3], $0x80, v4, vm0, $0xb8;
	[tilespmem:$0x14100] =	vst v63  }
0x70: {  	v3 =	vadd.s32 v1, v3;
	s29 =	simm.s32 $0xF100  }
0x71: {  	[tilespmem:s29], [sflag:$0x2] =	stream.indirect_vreg.gather [hbm4b:s5+s3], $0x80, v4, vm0, $0xb8;
	[tilespmem:$0x14100] =	vst v63  }
0x72: {  	s29 =	simm.s32 $0xF900  }
0x73: {  	[tilespmem:s29], [sflag:$0x2] =	stream.indirect_vreg.gather [hbm4b:s6+s3], $0x80, v4, vm0, $0xb8;
	[tilespmem:$0x14100] =	vst v63  }
0x74: {  	s29 =	simm.s32 $0x10100  }
0x75: {  	[tilespmem:s29], [sflag:$0x2] =	stream.indirect_vreg.gather [hbm4b:s2+s3], $0x80, v3, vm0, $0xb8;
	[tilespmem:$0x14100] =	vst v63  }
0x76: {  	s29 =	simm.s32 $0x10900  }
0x77: {  	[tilespmem:s29], [sflag:$0x2] =	stream.indirect_vreg.gather [hbm4b:s4+s3], $0x80, v3, vm0, $0xb8;
	[tilespmem:$0x14100] =	vst v63  }
0x78: {  	s29 =	simm.s32 $0x11100  }
0x79: {  	[tilespmem:s29], [sflag:$0x2] =	stream.indirect_vreg.gather [hbm4b:s5+s3], $0x80, v3, vm0, $0xb8;
	[tilespmem:$0x14100] =	vst v63  }
0x7a: {  	s29 =	simm.s32 $0x11900  }
0x7b: {  	[tilespmem:s29], [sflag:$0x2] =	stream.indirect_vreg.gather [hbm4b:s6+s3], $0x80, v3, vm0, $0xb8;
	[tilespmem:$0x14100] =	vst v63  }
0x7c: {  	v3 =	vld.msk [tilespmem:$0x48], $0xff;
	_ =	sdelay $0x4  }
0x7d: {  	v57 =	vshll.u32 v3, $0x3  }
0x7e: {  	v3 =	vand.u32 $0x7, v3;
	v4 =	vand.u32 $0xFFFFFFC0, v57  }
0x7f: {  	v3 =	vor.u32 v3, v4  }
0x80: {  	v3 =	vperm.xlane v3, v0;
	_ =	sdelay $0x1  }
0x81: {  	v3 =	vadd.s32 v1, v3;
	_ =	sdelay $0x3  }
0x82: {  	s29 =	simm.s32 $0x12100  }
0x83: {  	[tilespmem:s29], [sflag:$0x2] =	stream.indirect_vreg.gather [hbm4b:s2+s3], $0x80, v3, vm0, $0xb8;
	[tilespmem:$0x14100] =	vst v63  }
0x84: {  	s29 =	simm.s32 $0x12900  }
0x85: {  	[tilespmem:s29], [sflag:$0x2] =	stream.indirect_vreg.gather [hbm4b:s4+s3], $0x80, v3, vm0, $0xb8;
	[tilespmem:$0x14100] =	vst v63  }
0x86: {  	s29 =	simm.s32 $0x13100  }
0x87: {  	[tilespmem:s29], [sflag:$0x2] =	stream.indirect_vreg.gather [hbm4b:s5+s3], $0x80, v3, vm0, $0xb8;
	[tilespmem:$0x14100] =	vst v63  }
0x88: {  	s29 =	simm.s32 $0x13900  }
0x89: {  	[tilespmem:s29], [sflag:$0x2] =	stream.indirect_vreg.gather [hbm4b:s6+s3], $0x80, v3, vm0, $0xb8;
	[tilespmem:$0x14100] =	vst v63  }
0x8a: {  	_ =	swait.ge [sflag:s9], $0xA000  }
0x8b: {  	[sflag:s9] =	ssyncset.done $0x0  }
0x8c: {  	s29 =	rddreg [dreg:$0x4];
	[sflag:s9] =	ssyncadd.s32 $0xFFFF6000  }
0x8d: {  	[hbm4b:s29+s3] =	stream.linear.scatter [tilespmem:s30], [sflag:$0x3], $0xA000, $0x38;
	[tilespmem:$0x14100] =	vst v63  }
0x8e: {  	_ =	swait.ge [sflag:s8], $0xA000  }
0x8f: {  	[sflag:s8] =	ssyncset.done $0x0  }
0x90: {  	[sflag:s8] =	ssyncadd.s32 $0xFFFF6000  }
0x91: {  	v3 =	vld [tilespmem:$0x50];
	_ =	sdelay $0x4  }
0x92: {  	v58 =	vshll.u32 v3, $0x3  }
0x93: {  	v3 =	vand.u32 $0x7, v3;
	v4 =	vand.u32 $0xFFFFFFC0, v58  }
0x94: {  	v3 =	vor.u32 v3, v4  }
0x95: {  	v4 =	vperm.xlane v3, v0;
	_ =	sdelay $0x1  }
0x96: {  	v4 =	vadd.s32 v1, v4;
	_ =	sdelay $0x4  }
0x97: {  	[tilespmem:s30], [sflag:$0x1] =	stream.indirect_vreg.gather [hbm4b:s2+s3], $0x80, v4, vm0, $0xb8;
	[tilespmem:$0x14100] =	vst v63  }
0x98: {  	v3 =	vperm.xlane v3, v2  }
0x99: {  	[tilespmem:s31], [sflag:$0x1] =	stream.indirect_vreg.gather [hbm4b:s4+s3], $0x80, v4, vm0, $0xb8;
	[tilespmem:$0x14100] =	vst v63  }
0x9a: {  	v3 =	vadd.s32 v1, v3  }
0x9b: {  	[tilespmem:s1], [sflag:$0x1] =	stream.indirect_vreg.gather [hbm4b:s5+s3], $0x80, v4, vm0, $0xb8;
	[tilespmem:$0x14100] =	vst v63  }
0x9c: {  	_ = 	snop  }
0x9d: {  	[tilespmem:s0], [sflag:$0x1] =	stream.indirect_vreg.gather [hbm4b:s6+s3], $0x80, v4, vm0, $0xb8;
	[tilespmem:$0x14100] =	vst v63  }
0x9e: {  	_ = 	snop  }
0x9f: {  	[tilespmem:s10], [sflag:$0x1] =	stream.indirect_vreg.gather [hbm4b:s2+s3], $0x80, v3, vm0, $0xb8;
	[tilespmem:$0x14100] =	vst v63  }
0xa0: {  	_ = 	snop  }
0xa1: {  	[tilespmem:s11], [sflag:$0x1] =	stream.indirect_vreg.gather [hbm4b:s4+s3], $0x80, v3, vm0, $0xb8;
	[tilespmem:$0x14100] =	vst v63  }
0xa2: {  	_ = 	snop  }
0xa3: {  	[tilespmem:s12], [sflag:$0x1] =	stream.indirect_vreg.gather [hbm4b:s5+s3], $0x80, v3, vm0, $0xb8;
	[tilespmem:$0x14100] =	vst v63  }
0xa4: {  	_ = 	snop  }
0xa5: {  	[tilespmem:s13], [sflag:$0x1] =	stream.indirect_vreg.gather [hbm4b:s6+s3], $0x80, v3, vm0, $0xb8;
	[tilespmem:$0x14100] =	vst v63  }
0xa6: {  	v3 =	vld [tilespmem:$0x60];
	_ =	sdelay $0x4  }
0xa7: {  	v59 =	vshll.u32 v3, $0x3  }
0xa8: {  	v3 =	vand.u32 $0x7, v3;
	v4 =	vand.u32 $0xFFFFFFC0, v59  }
0xa9: {  	v3 =	vor.u32 v3, v4  }
0xaa: {  	v4 =	vperm.xlane v3, v0;
	_ =	sdelay $0x1  }
0xab: {  	v4 =	vadd.s32 v1, v4;
	_ =	sdelay $0x4  }
0xac: {  	[tilespmem:s14], [sflag:$0x1] =	stream.indirect_vreg.gather [hbm4b:s2+s3], $0x80, v4, vm0, $0xb8;
	[tilespmem:$0x14100] =	vst v63  }
0xad: {  	v3 =	vperm.xlane v3, v2  }
0xae: {  	[tilespmem:s15], [sflag:$0x1] =	stream.indirect_vreg.gather [hbm4b:s4+s3], $0x80, v4, vm0, $0xb8;
	[tilespmem:$0x14100] =	vst v63  }
0xaf: {  	v3 =	vadd.s32 v1, v3  }
0xb0: {  	[tilespmem:s16], [sflag:$0x1] =	stream.indirect_vreg.gather [hbm4b:s5+s3], $0x80, v4, vm0, $0xb8;
	[tilespmem:$0x14100] =	vst v63  }
0xb1: {  	_ = 	snop  }
0xb2: {  	[tilespmem:s17], [sflag:$0x1] =	stream.indirect_vreg.gather [hbm4b:s6+s3], $0x80, v4, vm0, $0xb8;
	[tilespmem:$0x14100] =	vst v63  }
0xb3: {  	_ = 	snop  }
0xb4: {  	[tilespmem:s18], [sflag:$0x1] =	stream.indirect_vreg.gather [hbm4b:s2+s3], $0x80, v3, vm0, $0xb8;
	[tilespmem:$0x14100] =	vst v63  }
0xb5: {  	_ = 	snop  }
0xb6: {  	[tilespmem:s19], [sflag:$0x1] =	stream.indirect_vreg.gather [hbm4b:s4+s3], $0x80, v3, vm0, $0xb8;
	[tilespmem:$0x14100] =	vst v63  }
0xb7: {  	_ = 	snop  }
0xb8: {  	[tilespmem:s20], [sflag:$0x1] =	stream.indirect_vreg.gather [hbm4b:s5+s3], $0x80, v3, vm0, $0xb8;
	[tilespmem:$0x14100] =	vst v63  }
0xb9: {  	_ = 	snop  }
0xba: {  	[tilespmem:s21], [sflag:$0x1] =	stream.indirect_vreg.gather [hbm4b:s6+s3], $0x80, v3, vm0, $0xb8;
	[tilespmem:$0x14100] =	vst v63  }
0xbb: {  	v3 =	vld.msk [tilespmem:$0x70], $0xff;
	_ =	sdelay $0x4  }
0xbc: {  	v60 =	vshll.u32 v3, $0x3  }
0xbd: {  	v3 =	vand.u32 $0x7, v3;
	v4 =	vand.u32 $0xFFFFFFC0, v60  }
0xbe: {  	v3 =	vor.u32 v3, v4  }
0xbf: {  	v3 =	vperm.xlane v3, v0;
	_ =	sdelay $0x1  }
0xc0: {  	v3 =	vadd.s32 v1, v3;
	_ =	sdelay $0x4  }
0xc1: {  	[tilespmem:s22], [sflag:$0x1] =	stream.indirect_vreg.gather [hbm4b:s2+s3], $0x80, v3, vm0, $0xb8;
	[tilespmem:$0x14100] =	vst v63  }
0xc2: {  	_ = 	snop  }
0xc3: {  	[tilespmem:s23], [sflag:$0x1] =	stream.indirect_vreg.gather [hbm4b:s4+s3], $0x80, v3, vm0, $0xb8;
	[tilespmem:$0x14100] =	vst v63  }
0xc4: {  	_ = 	snop  }
0xc5: {  	[tilespmem:s24], [sflag:$0x1] =	stream.indirect_vreg.gather [hbm4b:s5+s3], $0x80, v3, vm0, $0xb8;
	[tilespmem:$0x14100] =	vst v63  }
0xc6: {  	_ = 	snop  }
0xc7: {  	[tilespmem:s25], [sflag:$0x1] =	stream.indirect_vreg.gather [hbm4b:s6+s3], $0x80, v3, vm0, $0xb8;
	[tilespmem:$0x14100] =	vst v63  }
0xc8: {  	_ =	swait.ge [sflag:s28], $0xA000  }
0xc9: {  	[sflag:s28] =	ssyncset.done $0x0  }
0xca: {  	s0 =	rddreg [dreg:$0x5];
	[sflag:s28] =	ssyncadd.s32 $0xFFFF6000  }
0xcb: {  	[hbm4b:s0+s3] =	stream.linear.scatter [tilespmem:s26], [sflag:$0x3], $0xA000, $0x38;
	[tilespmem:$0x14100] =	vst v63  }
0xcc: {  	_ =	swait.ge [sflag:s8], $0xA000  }
0xcd: {  	[sflag:s8] =	ssyncset.done $0x0  }
0xce: {  	[sflag:s8] =	ssyncadd.s32 $0xFFFF6000  }
0xcf: {  	v3 =	vld [tilespmem:$0x78];
	_ =	sdelay $0x4  }
0xd0: {  	v61 =	vshll.u32 v3, $0x3  }
0xd1: {  	v3 =	vand.u32 $0x7, v3;
	v4 =	vand.u32 $0xFFFFFFC0, v61  }
0xd2: {  	v3 =	vor.u32 v3, v4  }
0xd3: {  	v4 =	vperm.xlane v3, v0;
	_ =	sdelay $0x1  }
0xd4: {  	v4 =	vadd.s32 v1, v4;
	_ =	sdelay $0x4  }
0xd5: {  	[tilespmem:s26], [sflag:$0x2] =	stream.indirect_vreg.gather [hbm4b:s2+s3], $0x80, v4, vm0, $0xb8;
	[tilespmem:$0x14100] =	vst v63  }
0xd6: {  	s29 =	simm.s32 $0xA900;
	v3 =	vperm.xlane v3, v2  }
0xd7: {  	[tilespmem:s29], [sflag:$0x2] =	stream.indirect_vreg.gather [hbm4b:s4+s3], $0x80, v4, vm0, $0xb8;
	[tilespmem:$0x14100] =	vst v63  }
0xd8: {  	v3 =	vadd.s32 v1, v3;
	s29 =	simm.s32 $0xB100  }
0xd9: {  	[tilespmem:s29], [sflag:$0x2] =	stream.indirect_vreg.gather [hbm4b:s5+s3], $0x80, v4, vm0, $0xb8;
	[tilespmem:$0x14100] =	vst v63  }
0xda: {  	s29 =	simm.s32 $0xB900  }
0xdb: {  	[tilespmem:s29], [sflag:$0x2] =	stream.indirect_vreg.gather [hbm4b:s6+s3], $0x80, v4, vm0, $0xb8;
	[tilespmem:$0x14100] =	vst v63  }
0xdc: {  	s29 =	simm.s32 $0xC100  }
0xdd: {  	[tilespmem:s29], [sflag:$0x2] =	stream.indirect_vreg.gather [hbm4b:s2+s3], $0x80, v3, vm0, $0xb8;
	[tilespmem:$0x14100] =	vst v63  }
0xde: {  	s29 =	simm.s32 $0xC900  }
0xdf: {  	[tilespmem:s29], [sflag:$0x2] =	stream.indirect_vreg.gather [hbm4b:s4+s3], $0x80, v3, vm0, $0xb8;
	[tilespmem:$0x14100] =	vst v63  }
0xe0: {  	s29 =	simm.s32 $0xD100  }
0xe1: {  	[tilespmem:s29], [sflag:$0x2] =	stream.indirect_vreg.gather [hbm4b:s5+s3], $0x80, v3, vm0, $0xb8;
	[tilespmem:$0x14100] =	vst v63  }
0xe2: {  	s29 =	simm.s32 $0xD900  }
0xe3: {  	[tilespmem:s29], [sflag:$0x2] =	stream.indirect_vreg.gather [hbm4b:s6+s3], $0x80, v3, vm0, $0xb8;
	[tilespmem:$0x14100] =	vst v63  }
0xe4: {  	v3 =	vld [tilespmem:$0x88];
	_ =	sdelay $0x4  }
0xe5: {  	v62 =	vshll.u32 v3, $0x3  }
0xe6: {  	v3 =	vand.u32 $0x7, v3;
	v4 =	vand.u32 $0xFFFFFFC0, v62  }
0xe7: {  	v3 =	vor.u32 v3, v4  }
0xe8: {  	v4 =	vperm.xlane v3, v0;
	_ =	sdelay $0x1  }
0xe9: {  	v4 =	vadd.s32 v1, v4;
	_ =	sdelay $0x3  }
0xea: {  	s29 =	simm.s32 $0xE100  }
0xeb: {  	[tilespmem:s29], [sflag:$0x2] =	stream.indirect_vreg.gather [hbm4b:s2+s3], $0x80, v4, vm0, $0xb8;
	[tilespmem:$0x14100] =	vst v63  }
0xec: {  	v3 =	vperm.xlane v3, v2;
	s29 =	simm.s32 $0xE900  }
0xed: {  	[tilespmem:s29], [sflag:$0x2] =	stream.indirect_vreg.gather [hbm4b:s4+s3], $0x80, v4, vm0, $0xb8;
	[tilespmem:$0x14100] =	vst v63  }
0xee: {  	v3 =	vadd.s32 v1, v3;
	s29 =	simm.s32 $0xF100  }
0xef: {  	[tilespmem:s29], [sflag:$0x2] =	stream.indirect_vreg.gather [hbm4b:s5+s3], $0x80, v4, vm0, $0xb8;
	[tilespmem:$0x14100] =	vst v63  }
0xf0: {  	s29 =	simm.s32 $0xF900  }
0xf1: {  	[tilespmem:s29], [sflag:$0x2] =	stream.indirect_vreg.gather [hbm4b:s6+s3], $0x80, v4, vm0, $0xb8;
	[tilespmem:$0x14100] =	vst v63  }
0xf2: {  	s29 =	simm.s32 $0x10100  }
0xf3: {  	[tilespmem:s29], [sflag:$0x2] =	stream.indirect_vreg.gather [hbm4b:s2+s3], $0x80, v3, vm0, $0xb8;
	[tilespmem:$0x14100] =	vst v63  }
0xf4: {  	s29 =	simm.s32 $0x10900  }
0xf5: {  	[tilespmem:s29], [sflag:$0x2] =	stream.indirect_vreg.gather [hbm4b:s4+s3], $0x80, v3, vm0, $0xb8;
	[tilespmem:$0x14100] =	vst v63  }
0xf6: {  	s29 =	simm.s32 $0x11100  }
0xf7: {  	[tilespmem:s29], [sflag:$0x2] =	stream.indirect_vreg.gather [hbm4b:s5+s3], $0x80, v3, vm0, $0xb8;
	[tilespmem:$0x14100] =	vst v63  }
0xf8: {  	s29 =	simm.s32 $0x11900  }
0xf9: {  	[tilespmem:s29], [sflag:$0x2] =	stream.indirect_vreg.gather [hbm4b:s6+s3], $0x80, v3, vm0, $0xb8;
	[tilespmem:$0x14100] =	vst v63  }
0xfa: {  	v3 =	vld.msk [tilespmem:$0x98], $0xff;
	_ =	sdelay $0x4  }
0xfb: {  	v63 =	vshll.u32 v3, $0x3  }
0xfc: {  	v3 =	vand.u32 $0x7, v3;
	v4 =	vand.u32 $0xFFFFFFC0, v63  }
0xfd: {  	v3 =	vor.u32 v3, v4  }
0xfe: {  	v3 =	vperm.xlane v3, v0;
	_ =	sdelay $0x1  }
0xff: {  	v3 =	vadd.s32 v1, v3;
	_ =	sdelay $0x3  }
0x100: {  	s29 =	simm.s32 $0x12100  }
0x101: {  	[tilespmem:s29], [sflag:$0x2] =	stream.indirect_vreg.gather [hbm4b:s2+s3], $0x80, v3, vm0, $0xb8;
	[tilespmem:$0x14100] =	vst v63  }
0x102: {  	s29 =	simm.s32 $0x12900  }
0x103: {  	[tilespmem:s29], [sflag:$0x2] =	stream.indirect_vreg.gather [hbm4b:s4+s3], $0x80, v3, vm0, $0xb8;
	[tilespmem:$0x14100] =	vst v63  }
0x104: {  	s29 =	simm.s32 $0x13100  }
0x105: {  	[tilespmem:s29], [sflag:$0x2] =	stream.indirect_vreg.gather [hbm4b:s5+s3], $0x80, v3, vm0, $0xb8;
	[tilespmem:$0x14100] =	vst v63  }
0x106: {  	s29 =	simm.s32 $0x13900  }
0x107: {  	[tilespmem:s29], [sflag:$0x2] =	stream.indirect_vreg.gather [hbm4b:s6+s3], $0x80, v3, vm0, $0xb8;
	[tilespmem:$0x14100] =	vst v63  }
0x108: {  	_ =	swait.ge [sflag:s9], $0xA000  }
0x109: {  	[sflag:s9] =	ssyncset.done $0x0  }
0x10a: {  	s0 =	rddreg [dreg:$0x6];
	[sflag:s9] =	ssyncadd.s32 $0xFFFF6000  }
0x10b: {  	[hbm4b:s0+s3] =	stream.linear.scatter [tilespmem:s30], [sflag:$0x3], $0xA000, $0x38;
	[tilespmem:$0x14100] =	vst v63  }
0x10c: {  	_ =	swait.ge [sflag:s8], $0xA000  }
0x10d: {  	[sflag:s8] =	ssyncset.done $0x0  }
0x10e: {  	[sflag:s8] =	ssyncadd.s32 $0xFFFF6000  }
0x10f: {  	_ =	swait.ge [sflag:s28], $0xA000  }
0x110: {  	p0 =	sne.s32 s7, $0x1;
	[sflag:s28] =	ssyncset.done $0x0  }
.Ltmp0:
0x111: {  	s0 =	rddreg [dreg:$0x7];
	[sflag:s28] =	ssyncadd.s32 $0xFFFF6000;
	(pc) =	sbr.rel @p0 .LBB2_1-.Ltmp0, $4  }
0x112: {  	[hbm4b:s0+s3] =	stream.linear.scatter [tilespmem:s26], [sflag:$0x3], $0xA000, $0x38;
	[tilespmem:$0x14100] =	vst v63  }
0x113: {  	_ =	swait.ge [sflag:s8], $0xA000  }
0x114: {  	[sflag:s8] =	ssyncset.done $0x0  }
0x115: {  	s7 =	sadd.s32 $0xFFFFFFFF, s7;
	[sflag:s8] =	ssyncadd.s32 $0xFFFF6000  }
0x116: {  	_ =	sfence.sel $0x180000  }
0x117: {  	[bflag:$0x0] =	sbarrier.arrive $0xFFFF  }
0x118: {  	_ =	strace $0x9000004A  }
0x119: {  	s0 =	stileid.u32;
	[bflag:$0x2] =	sbarrier.arrive $0xFFFF  }
0x11a: {  	p0 =	sne.s32 s0, $0x0;
	s0 =	rddreg [dreg:$0x2]  }
0x11b: {  	s0 =	sadd.s32 @!p0 $0x100000, s0  }
0x11c: {  	[sflag:s0] =	ssyncadd.tile.s32 @!p0 $0x1;
	_ =	shalt  }
.Lfunc_end2:
_tile_overlayer_lowered:
.L_overlay_start_2:
0x11d: {  	(tag) =	ssettag $0x2  }
0x11e: {  	s0 =	rddreg [dreg:$0x0];
	s2 =	stileid.u32  }
0x11f: {  	s1 =	rddreg [dreg:$0x1];
	p0 =	sne.s32 s2, $0x0  }
0x120: {  	s3 =	rddreg [dreg:$0x2];
	[bflag:$0x3] =	sbarrier.arrive $0xFFFF;
	s2 =	simm.s32 @!p0 $0x1C03  }
0x121: {  	[timem:s3], [sflag:s2] =	dma.local @!p0 [hbm:s0], s1  }
0x122: {  	s0 =	simm.s32 @!p0 $0x3  }
0x123: {  	_ =	swait.ge @!p0 [sflag:s0], s1  }
0x124: {  	s1 =	ssub.s32 @!p0 $0x0, s1;
	[sflag:s0] =	ssyncset.done @!p0 $0x0  }
0x125: {  	[sflag:s0] =	ssyncadd.s32 @!p0 s1  }
0x126: {  	[bflag:$0x3] =	sbarrier.arrive $0xFFFF  }
0x127: {  	_ =	shalt  }

// kernel: kernel.13.cloned.1.call-start
scs
__scs_entry_jumppad:
0x0: {  	(pc) =	sbr.rel $0x88, $3  }
0x1: {  	(tag) =	ssettag $0x0;
	lr =	simm.s32 $0x1  }
0x2: {  	[smem:$0x3F9B] =	sst lr;
	_ =	strace $0xD0000000  }
0x3: {  	_ = 	snop  }
0x4: {  	_ = 	snop  }
0x5: {  	_ = 	snop  }
0x6: {  	_ = 	snop  }
0x7: {  	_ = 	snop  }
__scs_overlays_trampoline_lowered:
0x8: {  	[smem:$0x3FAA] =	sst s0  }
0x9: {  	[smem:$0x3FAB] =	sst s1  }
0xa: {  	[smem:$0x3FAC] =	sst s2  }
0xb: {  	[smem:$0x3FAD] =	sst s3  }
0xc: {  	[smem:$0x3FAE] =	sst s4  }
0xd: {  	[smem:$0x3FAF] =	sst s5  }
0xe: {  	[smem:$0x3FB0] =	sst s6  }
0xf: {  	[smem:$0x3FB1] =	sst s7  }
0x10: {  	[smem:$0x3FB2] =	sst s8  }
0x11: {  	[smem:$0x3FB3] =	sst s9;
	s0 =	simm.s32 @!p0 $0x0  }
0x12: {  	s1 =	sld [smem:$0x3F99];
	s0 =	simm.s32 @p0 $0x1  }
0x13: {  	[smem:$0x3FB4] =	sst s0;
	s0 =	simm.s32 @!p1 $0x0  }
0x14: {  	s2 =	sld [smem:$0x3F98];
	s0 =	simm.s32 @p1 $0x1  }
0x15: {  	[smem:$0x3FB5] =	sst s0;
	s0 =	simm.s32 @!p2 $0x0  }
0x16: {  	s3 =	sld [smem:$0x3FDB];
	s0 =	simm.s32 @p2 $0x1  }
0x17: {  	s4 =	simm.s32 $0x1BF5;
	[smem:$0x3FB7] =	sst s0  }
0x18: {  	s0 =	sld [smem:$0x3F9A];
	_ =	swait.ge [sflag:s4], $0x0  }
0x19: {  	s7 =	sld [smem:$0x3F9B]  }
0x1a: {  	s8 =	sadd.s32 $0xFFFFE003, lr  }
0x1b: {  	s9 =	sadd.s32 $0xFFFFFEF7, lr;
	s5 =	simm.s32 $0xFFFFFFFF;
	p2 =	slt.u32 s8, $0xFFFFF086  }
0x1c: {  	p1 =	slt.u32 s9, $0xF7A;
	s5 =	simm.s32 @!p2 $0x0  }
0x1d: {  	s5 =	simm.s32 @p1 $0x1;
	p0 =	seq.s32 s7, s2  }
0x1e: {  	s7 =	smul.u32 @!p0 $0xF7A, s2;
	p2 =	seq.s32 @!p0 s5, $0x0  }
0x1f: {  	s9 =	smul.u32 $0xF7A, s1;
	s8 =	simm.s32 @!p0 $0x1BF5;
	p2 =	por !p2, p0  }
0x20: {  	[sflag:s8] =	ssyncset.s32 @!p0 $0xFFFFF086;
	s6 =	sadd.s32 @!p0 s3, s7;
	s7 =	simm.s32 @!p0 $0x108  }
0x21: {  	s3 =	sadd.s32 s3, s9;
	s6 =	sadd.s32 @!p0 $0x88, s6;
	s7 =	simm.s32 @p2 $0x1082  }
0x22: {  	[simem:s7], [sflag:s8] =	dma.local @!p0 [hbm:s6], $0xF7A  }
0x23: {  	s9 =	sor.u32 $0xD0000000, s2;
	s6 =	simm.s32 $0x108;
	_ =	swait.ge @!p0 [sflag:s8], $0x0  }
0x24: {  	s3 =	sadd.s32 $0x88, s3;
	s6 =	simm.s32 @!p1 $0x1082;
	[sflag:s4] =	ssyncset.s32 $0xFFFFF086  }
0x25: {  	[simem:s6], [sflag:s4] =	dma.local [hbm:s3], $0xF7A  }
0x26: {  	[smem:$0x3F9B] =	sst s1;
	(tag) =	ssettag s2;
	_ =	strace s9  }
0x27: {  	s1 =	sld [smem:$0x3FAB]  }
0x28: {  	s2 =	sld [smem:$0x3FAC]  }
0x29: {  	s4 =	sld [smem:$0x3FAE]  }
0x2a: {  	p0 =	seq.s32 s5, $0x0;
	s5 =	sld [smem:$0x3FAF]  }
0x2b: {  	s6 =	sld [smem:$0x3FB0]  }
0x2c: {  	s7 =	sld [smem:$0x3FB1]  }
0x2d: {  	s3 =	simm.s32 $0x108;
	s8 =	sld [smem:$0x3FB2]  }
0x2e: {  	s3 =	simm.s32 @!p0 $0x1082;
	s9 =	sld [smem:$0x3FB3]  }
0x2f: {  	lr =	sadd.s32 s0, s3;
	s0 =	sld [smem:$0x3FAA]  }
0x30: {  	s3 =	sld [smem:$0x3FAD]  }
0x31: {  	[smem:$0x3FB6] =	sst s10  }
0x32: {  	s10 =	sld [smem:$0x3FB4];
	_ =	sdelay $0x3  }
0x33: {  	p0 =	seq.s32 s10, $0x1;
	s10 =	sld [smem:$0x3FB6];
	_ =	sdelay $0x3  }
0x34: {  	[smem:$0x3FB6] =	sst s10  }
0x35: {  	s10 =	sld [smem:$0x3FB5];
	_ =	sdelay $0x3  }
0x36: {  	p1 =	seq.s32 s10, $0x1;
	s10 =	sld [smem:$0x3FB6];
	_ =	sdelay $0x3  }
0x37: {  	[smem:$0x3FB6] =	sst s10  }
0x38: {  	s10 =	sld [smem:$0x3FB7]  }
0x39: {  	_ = 	snop;
	(pc) =	sbr.ind lr, $3  }
0x3a: {  	_ = 	snop  }
0x3b: {  	_ = 	snop  }
0x3c: {  	p2 =	seq.s32 s10, $0x1;
	s10 =	sld [smem:$0x3FB6]  }
0x3d: {  	_ =	shalt  }
0x3e: {  	_ =	shalt  }
0x3f: {  	_ =	shalt  }
0x40: {  	_ =	shalt  }
0x41: {  	_ =	shalt  }
0x42: {  	_ =	shalt  }
0x43: {  	_ =	shalt  }
0x44: {  	_ =	shalt  }
0x45: {  	_ =	shalt  }
0x46: {  	_ =	shalt  }
0x47: {  	_ =	shalt  }
0x48: {  	_ =	shalt  }
0x49: {  	_ =	shalt  }
0x4a: {  	_ =	shalt  }
0x4b: {  	_ =	shalt  }
0x4c: {  	_ =	shalt  }
0x4d: {  	_ =	shalt  }
0x4e: {  	_ =	shalt  }
0x4f: {  	_ =	shalt  }
0x50: {  	_ =	shalt  }
0x51: {  	_ =	shalt  }
0x52: {  	_ =	shalt  }
0x53: {  	_ =	shalt  }
0x54: {  	_ =	shalt  }
0x55: {  	_ =	shalt  }
0x56: {  	_ =	shalt  }
0x57: {  	_ =	shalt  }
0x58: {  	_ =	shalt  }
0x59: {  	_ =	shalt  }
0x5a: {  	_ =	shalt  }
0x5b: {  	_ =	shalt  }
0x5c: {  	_ =	shalt  }
0x5d: {  	_ =	shalt  }
0x5e: {  	_ =	shalt  }
0x5f: {  	_ =	shalt  }
0x60: {  	_ =	shalt  }
0x61: {  	_ =	shalt  }
0x62: {  	_ =	shalt  }
0x63: {  	_ =	shalt  }
0x64: {  	_ =	shalt  }
0x65: {  	_ =	shalt  }
0x66: {  	_ =	shalt  }
0x67: {  	_ =	shalt  }
0x68: {  	_ =	shalt  }
0x69: {  	_ =	shalt  }
0x6a: {  	_ =	shalt  }
0x6b: {  	_ =	shalt  }
0x6c: {  	_ =	shalt  }
0x6d: {  	_ =	shalt  }
0x6e: {  	_ =	shalt  }
0x6f: {  	_ =	shalt  }
0x70: {  	_ =	shalt  }
0x71: {  	_ =	shalt  }
0x72: {  	_ =	shalt  }
0x73: {  	_ =	shalt  }
0x74: {  	_ =	shalt  }
0x75: {  	_ =	shalt  }
0x76: {  	_ =	shalt  }
0x77: {  	_ =	shalt  }
0x78: {  	_ =	shalt  }
0x79: {  	_ =	shalt  }
0x7a: {  	_ =	shalt  }
0x7b: {  	_ =	shalt  }
0x7c: {  	_ =	shalt  }
0x7d: {  	_ =	shalt  }
0x7e: {  	_ =	shalt  }
0x7f: {  	_ =	shalt  }
0x80: {  	_ =	shalt  }
0x81: {  	_ =	shalt  }
0x82: {  	_ =	shalt  }
0x83: {  	_ =	shalt  }
0x84: {  	_ =	shalt  }
0x85: {  	_ =	shalt  }
0x86: {  	_ =	shalt  }
0x87: {  	_ =	shalt  }
.Lfunc_end0:
.L_simem_size_0:
called_computation.2_lowered:
.L_overlay_start_0:
0x88: {  	s2 =	sld [smem:$0x3FD9]  }
0x89: {  	s3 =	sld [smem:$0x3FFE];
	_ =	sdelay $0x1  }
0x8a: {  	s1 =	srdreg.scid  }
0x8b: {  	s0 =	sand.u32 $0x1, s1  }
0x8c: {  	s17 =	sshll.u32 s0, $0xA;
	s2 =	sadd.s32 s3, s2  }
0x8d: {  	s2 =	sadd.s32 s2, s17  }
0x8e: {  	[smem:$0x3FC2] =	sst s2  }
0x8f: {  	_ = 	snop  }
0x90: {  	s2 =	sld [smem:$0x3FD0];
	(tm) =	ssettm $0x1  }
0x91: {  	s18 =	sld [smem:$0x3FFB];
	_ =	sdelay $0x3  }
0x92: {  	_ =	strace s18  }
0x93: {  	s3 =	sld [smem:$0x3FFC];
	_ =	sdelay $0x3  }
0x94: {  	_ =	strace s3  }
0x95: {  	s3 =	sld [smem:$0x3FFD];
	_ =	sdelay $0x3  }
0x96: {  	_ =	strace s3  }
0x97: {  	_ =	strace $0x8FFFFFFF  }
0x98: {  	s19 =	sld [smem:$0x3FDB];
	_ =	sdelay $0x1  }
0x99: {  	s4 =	simm.s32 $_scs_section_size  }
0x9a: {  	s5 =	simm.s32 $_size__tile_overlayer_lowered;
	s6 =	simm.s32 $_tile_overlayer_lowered  }
0x9b: {  	s22 =	simm.s32 $0x1BFF;
	s21 =	sshll.u32 s6, $0x1;
	s3 =	sadd.s32 s4, s19  }
0x9c: {  	s7 =	simm.s32 $0x0;
	s20 =	sshll.u32 s5, $0x1;
	s5 =	sadd.s32 s21, s3  }
0x9d: {  	[timem:s7], [sflag:s22] =	dma.local [hbm:s5], s20  }
0x9e: {  	_ =	swait.ge [sflag:s22], s20  }
0x9f: {  	s4 =	ssub.s32 $0x0, s20;
	[sflag:s22] =	ssyncset.done $0x0  }
0xa0: {  	[sflag:s22] =	ssyncadd.s32 s4;
	_ =	sdelay $0x1  }
0xa1: {  	s23 =	simm.s32 $0x1B8B  }
0xa2: {  	_ =	swait.ge [sflag:s23], $0x1  }
0xa3: {  	[sflag:s23] =	ssyncset.done $0x0  }
0xa4: {  	s25 =	simm.s32 $0x1B8E;
	s24 =	sld [smem:$0x3FFE];
	[sflag:s23] =	ssyncadd.s32 $0xFFFFFFFF  }
0xa5: {  	s26 =	simm.s32 $execute0_lowered;
	[smem:$0x3FD2] =	sst s25  }
0xa6: {  	s5 =	sshll.u32 s26, $0x1;
	_ =	strace $0x8000004C;
	[dreg:$0x1] =	wrdreg $0xFFFFFFFF  }
0xa7: {  	s28 =	simm.s32 $_size_execute0_lowered;
	s3 =	sadd.s32 s3, s5;
	[dreg:$0x0] =	wrdreg $0x0  }
0xa8: {  	s5 =	sshll.u32 s28, $0x1;
	[dreg:$0x2] =	wrdreg s3  }
0xa9: {  	[dreg:$0x3] =	wrdreg s5  }
0xaa: {  	[dreg:$0x4] =	wrdreg $0xC0  }
0xab: {  	_ =	task [dreg:s7], $0x5FFFF  }
0xac: {  	[dreg:$0x1] =	wrdreg $0xFFFFFFFF  }
0xad: {  	[dreg:$0x0] =	wrdreg $0x60  }
0xae: {  	[dreg:$0x2] =	wrdreg s24  }
0xaf: {  	[dreg:$0x3] =	wrdreg s2  }
0xb0: {  	[dreg:$0x4] =	wrdreg $0x9  }
0xb1: {  	_ =	task.clear_ibuf [dreg:s7], $0x5FFFF;
	_ =	strace $0x9000004C  }
0xb2: {  	s29 =	simm.s32 $0x9;
	_ =	strace $0x8000004E  }
0xb3: {  	_ =	swait.ge [sflag:s29], $0x1  }
0xb4: {  	[sflag:s29] =	ssyncadd.s32 $0xFFFFFFFF  }
0xb5: {  	_ =	strace $0x9000004E  }
0xb6: {  	_ =	sfence  }
0xb7: {  	s30 =	sld [smem:$0x0];
	_ =	sdelay $0x2  }
0xb8: {  	s31 =	sshll.u32 s1, $0xD;
	s1 =	sshrl.u32 s1, $0x2  }
0xb9: {  	s3 =	sand.u32 $0x4000, s31;
	s1 =	sadd.s32 s1, s30  }
0xba: {  	s0 =	sor.u32 s3, s0;
	s1 =	sshll.u32 s1, $0x11  }
0xbb: {  	s0 =	sor.u32 s1, s0  }
0xbc: {  	s0 =	sadd.s32 $0x8F2B, s0  }
0xbd: {  	[sflag:s0] =	ssyncadd.remote.s32 $0x1  }
0xbe: {  	_ =	sfence.sel $0xFFFF  }
0xbf: {  	[dreg:$0x0] =	wrdreg $0xFFFFFFFF;
	(pc) =	sbr.abs _section_cstart, $3  }
0xc0: {  	[dreg:$0x1] =	wrdreg $0xFFFFFFFF  }
0xc1: {  	_ =	task.clear_ibuf [dreg:s7], $0x2FFFF;
	_ =	strace $0x9FFFFFFF  }
0xc2: {  	(tm) =	ssettm $0x7FFFFFFF  }
0xc3: {  	_ =	shalt  }
tec
execute0_lowered:
.L_overlay_start_1:
0x0: {  	(tag) =	ssettag $0x1  }
0x1: {  	s0 =	rddreg [dreg:$0x0]  }
0x2: {  	s1 =	rddreg [dreg:$0x1];
	s2 =	simm.s32 $0x0  }
0x3: {  	s3 =	srdreg.scid;
	s5 =	stileid.u32;
	s14 =	simm.s32 $0x2  }
0x4: {  	s16 =	simm.s32 $0x100;
	s15 =	simm.s32 $0x9100;
	s17 =	simm.s32 $0x9900  }
0x5: {  	s18 =	simm.s32 $0xA100;
	s19 =	simm.s32 $0xA900;
	s20 =	simm.s32 $0xB100  }
0x6: {  	s21 =	simm.s32 $0xC100;
	s22 =	simm.s32 $0xD100;
	s23 =	simm.s32 $0xD900  }
0x7: {  	s24 =	simm.s32 $0xE900;
	s12 =	simm.s32 $0xF100;
	s13 =	simm.s32 $0x0  }
0x8: {  	[smem:$0x7FF] =	sst s2;
	s4 =	sand.u32 $0x1, s3;
	s5 =	sshll.u32 s5, $0x7  }
0x9: {  	s3 =	sadd.s32 $0xA0C00, s0;
	s9 =	sadd.s32 $0x200, s0;
	s8 =	sadd.s32 $0xA0F00, s0  }
0xa: {  	_ =	strace $0x8000004D;
	s6 =	sshll.u32 s4, $0x6;
	s4 =	ssub.s32 $0x2, s4  }
0xb: {  	s5 =	sor.u32 s6, s5;
	s25 =	sshrl.u32 s4, $0x1;
	s6 =	sadd.s32 $0xA0D00, s0  }
0xc: {  	s7 =	sshrl.u32 s5, $0x3;
	s4 =	ssub.s32 s4, s25;
	s10 =	sor.u32 $0x20, s5  }
0xd: {  	s5 =	sshll.u32 s5, $0x7;
	s25 =	simm.s32 $0xF900;
	s26 =	sadd.s32 s0, s7  }
0xe: {  	s28 =	sadd.s32 s9, s7;
	s7 =	sadd.s32 $0xA0E00, s0;
	[dreg:$0x3] =	wrdreg s26  }
0xf: {  	s11 =	sshrl.u32 s10, $0x3;
	s5 =	sadd.s32 s1, s5;
	[dreg:$0x4] =	wrdreg s28  }
0x10: {  	s29 =	sshll.u32 s10, $0x7;
	s31 =	smax.u32 s4, $0x1;
	[dreg:$0x5] =	wrdreg s5  }
0x11: {  	s10 =	simm.s32 $0xC900;
	s0 =	sadd.s32 s0, s11;
	[dreg:$0x9] =	wrdreg s31  }
0x12: {  	v2 =	vlaneseq.u32;
	s30 =	sadd.s32 s9, s11;
	s5 =	simm.s32 $0x8900;
	[dreg:$0x6] =	wrdreg s0  }
0x13: {  	vm0 =	vmmov $0xffff;
	v1 =	vshrl.u32 v2, $0x3;
	s9 =	simm.s32 $0xB900;
	[dreg:$0x7] =	wrdreg s30;
	s0 =	sadd.s32 s1, s29  }
0x14: {  	v0 =	vand.u32 $0x7, v2;
	v2 =	vor.u32 $0x8, v2;
	v1 =	vmul.u32 $0x8, v1;
	s11 =	simm.s32 $0xE100;
	s1 =	simm.s32 $0x1;
	[dreg:$0x8] =	wrdreg s0  }
.LBB2_1:
0x15: {  	s0 =	rddreg [dreg:$0x3]  }
0x16: {  	[tilespmem:s2], [sflag:$0x2] =	stream.linear.gather [hbm4b:s0+s2], $0x20, $0x38;
	[tilespmem:$0x10100] =	vst v63  }
0x17: {  	_ =	swait.ge [sflag:s14], $0x20  }
0x18: {  	[sflag:s14] =	ssyncset.done $0x0  }
0x19: {  	s4 =	simm.s32 $0x80;
	s26 =	rddreg [dreg:$0x4];
	[sflag:s14] =	ssyncadd.s32 $0xFFFFFFE0  }
0x1a: {  	[tilespmem:s4], [sflag:$0x2] =	stream.linear.gather [hbm4b:s26+s2], $0x20, $0x38;
	[tilespmem:$0x10100] =	vst v63  }
0x1b: {  	_ =	swait.ge [sflag:s14], $0x20  }
0x1c: {  	[sflag:s14] =	ssyncset.done $0x0  }
0x1d: {  	[sflag:s14] =	ssyncadd.s32 $0xFFFFFFE0  }
0x1e: {  	v3 =	vld [tilespmem:$0x0];
	_ =	sdelay $0x4  }
0x1f: {  	v4 =	vshll.u32 v3, $0x3  }
0x20: {  	v3 =	vand.u32 $0x7, v3;
	v4 =	vand.u32 $0xFFFFFFC0, v4  }
0x21: {  	v3 =	vor.u32 v3, v4  }
0x22: {  	v4 =	vperm.xlane v3, v0;
	_ =	sdelay $0x1  }
0x23: {  	v4 =	vadd.s32 v1, v4;
	_ =	sdelay $0x4  }
0x24: {  	[tilespmem:s16], [sflag:$0x1] =	stream.indirect_vreg.gather [hbm4b:s3+s2], $0x80, v4, vm0, $0xb8;
	[tilespmem:$0x10100] =	vst v63  }
0x25: {  	s31 =	simm.s32 $0x900;
	v3 =	vperm.xlane v3, v2  }
0x26: {  	[tilespmem:s31], [sflag:$0x1] =	stream.indirect_vreg.gather [hbm4b:s6+s2], $0x80, v4, vm0, $0xb8;
	[tilespmem:$0x10100] =	vst v63  }
0x27: {  	s4 =	simm.s32 $0x1100;
	v3 =	vadd.s32 v1, v3  }
0x28: {  	[tilespmem:s4], [sflag:$0x1] =	stream.indirect_vreg.gather [hbm4b:s7+s2], $0x80, v4, vm0, $0xb8;
	[tilespmem:$0x10100] =	vst v63  }
0x29: {  	s26 =	simm.s32 $0x1900  }
0x2a: {  	[tilespmem:s26], [sflag:$0x1] =	stream.indirect_vreg.gather [hbm4b:s8+s2], $0x80, v4, vm0, $0xb8;
	[tilespmem:$0x10100] =	vst v63  }
0x2b: {  	s31 =	simm.s32 $0x2100  }
0x2c: {  	[tilespmem:s31], [sflag:$0x1] =	stream.indirect_vreg.gather [hbm4b:s3+s2], $0x80, v3, vm0, $0xb8;
	[tilespmem:$0x10100] =	vst v63  }
0x2d: {  	s4 =	simm.s32 $0x2900  }
0x2e: {  	[tilespmem:s4], [sflag:$0x1] =	stream.indirect_vreg.gather [hbm4b:s6+s2], $0x80, v3, vm0, $0xb8;
	[tilespmem:$0x10100] =	vst v63  }
0x2f: {  	s26 =	simm.s32 $0x3100  }
0x30: {  	[tilespmem:s26], [sflag:$0x1] =	stream.indirect_vreg.gather [hbm4b:s7+s2], $0x80, v3, vm0, $0xb8;
	[tilespmem:$0x10100] =	vst v63  }
0x31: {  	s31 =	simm.s32 $0x3900  }
0x32: {  	[tilespmem:s31], [sflag:$0x1] =	stream.indirect_vreg.gather [hbm4b:s8+s2], $0x80, v3, vm0, $0xb8;
	[tilespmem:$0x10100] =	vst v63  }
0x33: {  	v3 =	vld [tilespmem:$0x10];
	_ =	sdelay $0x4  }
0x34: {  	v61 =	vshll.u32 v3, $0x3  }
0x35: {  	v3 =	vand.u32 $0x7, v3;
	v4 =	vand.u32 $0xFFFFFFC0, v61  }
0x36: {  	v3 =	vor.u32 v3, v4  }
0x37: {  	v4 =	vperm.xlane v3, v0;
	_ =	sdelay $0x1  }
0x38: {  	v4 =	vadd.s32 v1, v4;
	_ =	sdelay $0x3  }
0x39: {  	s4 =	simm.s32 $0x4100  }
0x3a: {  	[tilespmem:s4], [sflag:$0x1] =	stream.indirect_vreg.gather [hbm4b:s3+s2], $0x80, v4, vm0, $0xb8;
	[tilespmem:$0x10100] =	vst v63  }
0x3b: {  	s26 =	simm.s32 $0x4900;
	v3 =	vperm.xlane v3, v2  }
0x3c: {  	[tilespmem:s26], [sflag:$0x1] =	stream.indirect_vreg.gather [hbm4b:s6+s2], $0x80, v4, vm0, $0xb8;
	[tilespmem:$0x10100] =	vst v63  }
0x3d: {  	s31 =	simm.s32 $0x5100;
	v3 =	vadd.s32 v1, v3  }
0x3e: {  	[tilespmem:s31], [sflag:$0x1] =	stream.indirect_vreg.gather [hbm4b:s7+s2], $0x80, v4, vm0, $0xb8;
	[tilespmem:$0x10100] =	vst v63  }
0x3f: {  	s4 =	simm.s32 $0x5900  }
0x40: {  	[tilespmem:s4], [sflag:$0x1] =	stream.indirect_vreg.gather [hbm4b:s8+s2], $0x80, v4, vm0, $0xb8;
	[tilespmem:$0x10100] =	vst v63  }
0x41: {  	s26 =	simm.s32 $0x6100  }
0x42: {  	[tilespmem:s26], [sflag:$0x1] =	stream.indirect_vreg.gather [hbm4b:s3+s2], $0x80, v3, vm0, $0xb8;
	[tilespmem:$0x10100] =	vst v63  }
0x43: {  	s31 =	simm.s32 $0x6900  }
0x44: {  	[tilespmem:s31], [sflag:$0x1] =	stream.indirect_vreg.gather [hbm4b:s6+s2], $0x80, v3, vm0, $0xb8;
	[tilespmem:$0x10100] =	vst v63  }
0x45: {  	s4 =	simm.s32 $0x7100  }
0x46: {  	[tilespmem:s4], [sflag:$0x1] =	stream.indirect_vreg.gather [hbm4b:s7+s2], $0x80, v3, vm0, $0xb8;
	[tilespmem:$0x10100] =	vst v63  }
0x47: {  	s26 =	simm.s32 $0x7900  }
0x48: {  	[tilespmem:s26], [sflag:$0x1] =	stream.indirect_vreg.gather [hbm4b:s8+s2], $0x80, v3, vm0, $0xb8;
	[tilespmem:$0x10100] =	vst v63  }
0x49: {  	_ =	swait.ge [sflag:s1], $0x8000  }
0x4a: {  	[sflag:s1] =	ssyncset.done $0x0  }
0x4b: {  	[sflag:s1] =	ssyncadd.s32 $0xFFFF8000  }
0x4c: {  	v3 =	vld [tilespmem:$0x80];
	_ =	sdelay $0x4  }
0x4d: {  	v62 =	vshll.u32 v3, $0x3  }
0x4e: {  	v3 =	vand.u32 $0x7, v3;
	v4 =	vand.u32 $0xFFFFFFC0, v62  }
0x4f: {  	v3 =	vor.u32 v3, v4  }
0x50: {  	v4 =	vperm.xlane v3, v0;
	_ =	sdelay $0x1  }
0x51: {  	v4 =	vadd.s32 v1, v4;
	_ =	sdelay $0x3  }
0x52: {  	s31 =	simm.s32 $0x8100  }
0x53: {  	[tilespmem:s31], [sflag:$0x1] =	stream.indirect_vreg.gather [hbm4b:s3+s2], $0x80, v4, vm0, $0xb8;
	[tilespmem:$0x10100] =	vst v63  }
0x54: {  	v3 =	vperm.xlane v3, v2  }
0x55: {  	[tilespmem:s5], [sflag:$0x1] =	stream.indirect_vreg.gather [hbm4b:s6+s2], $0x80, v4, vm0, $0xb8;
	[tilespmem:$0x10100] =	vst v63  }
0x56: {  	v3 =	vadd.s32 v1, v3  }
0x57: {  	[tilespmem:s15], [sflag:$0x1] =	stream.indirect_vreg.gather [hbm4b:s7+s2], $0x80, v4, vm0, $0xb8;
	[tilespmem:$0x10100] =	vst v63  }
0x58: {  	_ = 	snop  }
0x59: {  	[tilespmem:s17], [sflag:$0x1] =	stream.indirect_vreg.gather [hbm4b:s8+s2], $0x80, v4, vm0, $0xb8;
	[tilespmem:$0x10100] =	vst v63  }
0x5a: {  	_ = 	snop  }
0x5b: {  	[tilespmem:s18], [sflag:$0x1] =	stream.indirect_vreg.gather [hbm4b:s3+s2], $0x80, v3, vm0, $0xb8;
	[tilespmem:$0x10100] =	vst v63  }
0x5c: {  	_ = 	snop  }
0x5d: {  	[tilespmem:s19], [sflag:$0x1] =	stream.indirect_vreg.gather [hbm4b:s6+s2], $0x80, v3, vm0, $0xb8;
	[tilespmem:$0x10100] =	vst v63  }
0x5e: {  	_ = 	snop  }
0x5f: {  	[tilespmem:s20], [sflag:$0x1] =	stream.indirect_vreg.gather [hbm4b:s7+s2], $0x80, v3, vm0, $0xb8;
	[tilespmem:$0x10100] =	vst v63  }
0x60: {  	_ = 	snop  }
0x61: {  	[tilespmem:s9], [sflag:$0x1] =	stream.indirect_vreg.gather [hbm4b:s8+s2], $0x80, v3, vm0, $0xb8;
	[tilespmem:$0x10100] =	vst v63  }
0x62: {  	v3 =	vld [tilespmem:$0x90];
	_ =	sdelay $0x4  }
0x63: {  	v63 =	vshll.u32 v3, $0x3  }
0x64: {  	v3 =	vand.u32 $0x7, v3;
	v4 =	vand.u32 $0xFFFFFFC0, v63  }
0x65: {  	v3 =	vor.u32 v3, v4  }
0x66: {  	v4 =	vperm.xlane v3, v0;
	_ =	sdelay $0x1  }
0x67: {  	v4 =	vadd.s32 v1, v4;
	_ =	sdelay $0x4  }
0x68: {  	[tilespmem:s21], [sflag:$0x1] =	stream.indirect_vreg.gather [hbm4b:s3+s2], $0x80, v4, vm0, $0xb8;
	[tilespmem:$0x10100] =	vst v63  }
0x69: {  	v3 =	vperm.xlane v3, v2  }
0x6a: {  	[tilespmem:s10], [sflag:$0x1] =	stream.indirect_vreg.gather [hbm4b:s6+s2], $0x80, v4, vm0, $0xb8;
	[tilespmem:$0x10100] =	vst v63  }
0x6b: {  	v3 =	vadd.s32 v1, v3  }
0x6c: {  	[tilespmem:s22], [sflag:$0x1] =	stream.indirect_vreg.gather [hbm4b:s7+s2], $0x80, v4, vm0, $0xb8;
	[tilespmem:$0x10100] =	vst v63  }
0x6d: {  	_ = 	snop  }
0x6e: {  	[tilespmem:s23], [sflag:$0x1] =	stream.indirect_vreg.gather [hbm4b:s8+s2], $0x80, v4, vm0, $0xb8;
	[tilespmem:$0x10100] =	vst v63  }
0x6f: {  	_ = 	snop  }
0x70: {  	[tilespmem:s11], [sflag:$0x1] =	stream.indirect_vreg.gather [hbm4b:s3+s2], $0x80, v3, vm0, $0xb8;
	[tilespmem:$0x10100] =	vst v63  }
0x71: {  	_ = 	snop  }
0x72: {  	[tilespmem:s24], [sflag:$0x1] =	stream.indirect_vreg.gather [hbm4b:s6+s2], $0x80, v3, vm0, $0xb8;
	[tilespmem:$0x10100] =	vst v63  }
0x73: {  	_ = 	snop  }
0x74: {  	[tilespmem:s12], [sflag:$0x1] =	stream.indirect_vreg.gather [hbm4b:s7+s2], $0x80, v3, vm0, $0xb8;
	[tilespmem:$0x10100] =	vst v63  }
0x75: {  	_ = 	snop  }
0x76: {  	[tilespmem:s25], [sflag:$0x1] =	stream.indirect_vreg.gather [hbm4b:s8+s2], $0x80, v3, vm0, $0xb8;
	[tilespmem:$0x10100] =	vst v63  }
0x77: {  	_ =	swait.ge [sflag:s1], $0x8000  }
0x78: {  	s28 =	simm.s32 $0x0;
	s29 =	simm.s32 $0x0;
	[sflag:s1] =	ssyncset.done $0x0  }
0x79: {  	s30 =	simm.s32 $0x0;
	s26 =	simm.s32 $0xFFFF8000;
	[sflag:s1] =	ssyncadd.s32 $0xFFFF8000  }
.LBB2_2:
0x7a: {  	s31 =	sadd.s32 $0x8000, s26  }
0x7b: {  	s0 =	sand.u32 $0x380, s30;
	s31 =	sand.u32 $0x6000, s31  }
0x7c: {  	s31 =	sor.u32 s0, s31  }
0x7d: {  	v3 =	vld [tilespmem:s31+$0x100]  }
0x7e: {  	v4 =	vld [tilespmem:s31+$0x8100]  }
0x7f: {  	v5 =	vld [tilespmem:s31+$0x110]  }
0x80: {  	v6 =	vld [tilespmem:s31+$0x8110]  }
0x81: {  	v7 =	vld [tilespmem:s31+$0x120]  }
0x82: {  	v8 =	vld [tilespmem:s31+$0x8120]  }
0x83: {  	v9 =	vld [tilespmem:s31+$0x130]  }
0x84: {  	v10 =	vld [tilespmem:s31+$0x8130]  }
0x85: {  	v11 =	vld [tilespmem:s31+$0x140]  }
0x86: {  	v12 =	vld [tilespmem:s31+$0x8140]  }
0x87: {  	v13 =	vld [tilespmem:s31+$0x150]  }
0x88: {  	v14 =	vld [tilespmem:s31+$0x8150]  }
0x89: {  	v15 =	vld [tilespmem:s31+$0x160]  }
0x8a: {  	v16 =	vld [tilespmem:s31+$0x8160]  }
0x8b: {  	v17 =	vld [tilespmem:s31+$0x170]  }
0x8c: {  	v18 =	vld [tilespmem:s31+$0x8170]  }
0x8d: {  	v19 =	vld [tilespmem:s31+$0x500]  }
0x8e: {  	v20 =	vld [tilespmem:s31+$0x8500]  }
0x8f: {  	v21 =	vld [tilespmem:s31+$0x510]  }
0x90: {  	v22 =	vld [tilespmem:s31+$0x8510]  }
0x91: {  	v23 =	vld [tilespmem:s31+$0x520]  }
0x92: {  	v24 =	vld [tilespmem:s31+$0x8520]  }
0x93: {  	v25 =	vld [tilespmem:s31+$0x530]  }
0x94: {  	v26 =	vld [tilespmem:s31+$0x8530]  }
0x95: {  	v27 =	vld [tilespmem:s31+$0x540]  }
0x96: {  	v28 =	vld [tilespmem:s31+$0x8540]  }
0x97: {  	v29 =	vld [tilespmem:s31+$0x550]  }
0x98: {  	v30 =	vld [tilespmem:s31+$0x8550]  }
0x99: {  	v31 =	vld [tilespmem:s31+$0x560]  }
0x9a: {  	v32 =	vld [tilespmem:s31+$0x8560]  }
0x9b: {  	v33 =	vld [tilespmem:s31+$0x570]  }
0x9c: {  	v34 =	vld [tilespmem:s31+$0x8570]  }
0x9d: {  	v35 =	vld [tilespmem:s31+$0x900]  }
0x9e: {  	v36 =	vld [tilespmem:s31+$0x8900]  }
0x9f: {  	v37 =	vld [tilespmem:s31+$0x910]  }
0xa0: {  	v38 =	vld [tilespmem:s31+$0x8910]  }
0xa1: {  	v39 =	vld [tilespmem:s31+$0x920]  }
0xa2: {  	v40 =	vld [tilespmem:s31+$0x8920]  }
0xa3: {  	v41 =	vld [tilespmem:s31+$0x930]  }
0xa4: {  	v42 =	vld [tilespmem:s31+$0x8930]  }
0xa5: {  	v43 =	vld [tilespmem:s31+$0x940]  }
0xa6: {  	v44 =	vld [tilespmem:s31+$0x8940]  }
0xa7: {  	v45 =	vld [tilespmem:s31+$0x950]  }
0xa8: {  	v46 =	vld [tilespmem:s31+$0x8950]  }
0xa9: {  	v47 =	vld [tilespmem:s31+$0x960]  }
0xaa: {  	v48 =	vld [tilespmem:s31+$0x8960]  }
0xab: {  	v49 =	vld [tilespmem:s31+$0x970]  }
0xac: {  	v50 =	vld [tilespmem:s31+$0x8970]  }
0xad: {  	v51 =	vld [tilespmem:s31+$0xD00]  }
0xae: {  	v52 =	vld [tilespmem:s31+$0x8D00]  }
0xaf: {  	v53 =	vld [tilespmem:s31+$0xD10]  }
0xb0: {  	v54 =	vld [tilespmem:s31+$0x8D10]  }
0xb1: {  	v55 =	vld [tilespmem:s31+$0xD20]  }
0xb2: {  	v56 =	vld [tilespmem:s31+$0x8D20]  }
0xb3: {  	v57 =	vld [tilespmem:s31+$0xD30]  }
0xb4: {  	v58 =	vld [tilespmem:s31+$0x8D30]  }
0xb5: {  	v59 =	vld [tilespmem:s31+$0xD40]  }
0xb6: {  	v60 =	vld [tilespmem:s31+$0x8D40]  }
0xb7: {  	v61 =	vld [tilespmem:s31+$0xD50]  }
0xb8: {  	v62 =	vld [tilespmem:s31+$0x8D50]  }
0xb9: {  	v63 =	vld [tilespmem:s31+$0xD60]  }
0xba: {  	v3 =	vadd.f32 v4, v3;
	v4 =	vld [tilespmem:s31+$0x8D60]  }
0xbb: {  	v5 =	vadd.f32 v6, v5;
	v6 =	vld [tilespmem:s31+$0xD70]  }
0xbc: {  	v14 =	vadd.f32 v14, v13;
	v13 =	vld [tilespmem:s31+$0x9120];
	[tilespmem:s31+$0x100] =	vst v3;
	v3 =	vadd.f32 v8, v7  }
0xbd: {  	v18 =	vadd.f32 v18, v17;
	v17 =	vld [tilespmem:s31+$0x9140];
	[tilespmem:s31+$0x110] =	vst v5  }
0xbe: {  	v22 =	vadd.f32 v22, v21;
	v21 =	vld [tilespmem:s31+$0x9160];
	[tilespmem:s31+$0x120] =	vst v3;
	v3 =	vadd.f32 v12, v11  }
0xbf: {  	v7 =	vld [tilespmem:s31+$0x8D70];
	[tilespmem:s31+$0x150] =	vst v14  }
0xc0: {  	v8 =	vld [tilespmem:s31+$0x1100];
	[tilespmem:s31+$0x140] =	vst v3;
	v3 =	vadd.f32 v16, v15  }
0xc1: {  	v5 =	vadd.f32 v10, v9;
	v9 =	vld [tilespmem:s31+$0x9100];
	[tilespmem:s31+$0x170] =	vst v18  }
0xc2: {  	v10 =	vld [tilespmem:s31+$0x1110];
	[tilespmem:s31+$0x160] =	vst v3;
	v3 =	vadd.f32 v20, v19  }
0xc3: {  	v26 =	vadd.f32 v26, v25;
	v14 =	vld [tilespmem:s31+$0x1130];
	[tilespmem:s31+$0x510] =	vst v22  }
0xc4: {  	v18 =	vld [tilespmem:s31+$0x1150];
	[tilespmem:s31+$0x500] =	vst v3;
	v3 =	vadd.f32 v24, v23  }
0xc5: {  	v30 =	vadd.f32 v30, v29;
	[tilespmem:s31+$0x530] =	vst v26;
	v22 =	vld [tilespmem:s31+$0x1170]  }
0xc6: {  	v19 =	vld [tilespmem:s31+$0x9150];
	[tilespmem:s31+$0x520] =	vst v3;
	v3 =	vadd.f32 v28, v27  }
0xc7: {  	v34 =	vadd.f32 v34, v33;
	[tilespmem:s31+$0x550] =	vst v30;
	v11 =	vld [tilespmem:s31+$0x9110]  }
0xc8: {  	v12 =	vld [tilespmem:s31+$0x1120];
	[tilespmem:s31+$0x540] =	vst v3;
	v3 =	vadd.f32 v32, v31  }
0xc9: {  	[tilespmem:s31+$0x570] =	vst v34;
	v15 =	vld [tilespmem:s31+$0x9130]  }
0xca: {  	v16 =	vld [tilespmem:s31+$0x1140];
	[tilespmem:s31+$0x560] =	vst v3;
	v3 =	vadd.f32 v36, v35  }
0xcb: {  	[tilespmem:s31+$0x130] =	vst v5;
	v20 =	vld [tilespmem:s31+$0x1160];
	v19 =	vadd.f32 v19, v18  }
0xcc: {  	v24 =	vld [tilespmem:s31+$0x1500];
	[tilespmem:s31+$0x900] =	vst v3;
	v3 =	vadd.f32 v40, v39  }
0xcd: {  	[tilespmem:s31+$0x1150] =	vst v19;
	v36 =	vadd.f32 v38, v37;
	v37 =	vld [tilespmem:s31+$0x9170]  }
0xce: {  	v38 =	vadd.f32 v42, v41;
	v41 =	vld [tilespmem:s31+$0x1510];
	[tilespmem:s31+$0x920] =	vst v3;
	v3 =	vadd.f32 v44, v43  }
0xcf: {  	v42 =	vld [tilespmem:s31+$0x9510];
	[tilespmem:s31+$0x910] =	vst v36  }
0xd0: {  	v35 =	vld [tilespmem:s31+$0x1910];
	[tilespmem:s31+$0x940] =	vst v3;
	v3 =	vadd.f32 v48, v47  }
0xd1: {  	v39 =	vld [tilespmem:s31+$0x9500];
	[tilespmem:s31+$0x930] =	vst v38;
	v40 =	vadd.f32 v46, v45  }
0xd2: {  	v45 =	vld [tilespmem:s31+$0x9520];
	[tilespmem:s31+$0x960] =	vst v3;
	v3 =	vadd.f32 v52, v51  }
0xd3: {  	v46 =	vadd.f32 v54, v53;
	v53 =	vld [tilespmem:s31+$0x1550];
	[tilespmem:s31+$0x950] =	vst v40  }
0xd4: {  	v54 =	vld [tilespmem:s31+$0x9550];
	[tilespmem:s31+$0xD00] =	vst v3;
	v3 =	vadd.f32 v56, v55  }
0xd5: {  	v36 =	vld [tilespmem:s31+$0x9910];
	v43 =	vadd.f32 v50, v49;
	[tilespmem:s31+$0xD10] =	vst v46  }
0xd6: {  	v38 =	vld [tilespmem:s31+$0x1920];
	[tilespmem:s31+$0xD20] =	vst v3;
	v3 =	vadd.f32 v60, v59  }
0xd7: {  	v44 =	vld [tilespmem:s31+$0x1520];
	v49 =	vadd.f32 v58, v57;
	[tilespmem:s31+$0x970] =	vst v43  }
0xd8: {  	v50 =	vld [tilespmem:s31+$0x1540];
	[tilespmem:s31+$0xD40] =	vst v3;
	v3 =	vadd.f32 v4, v63  }
0xd9: {  	v57 =	vld [tilespmem:s31+$0x9560];
	v58 =	vadd.f32 v11, v10;
	[tilespmem:s31+$0xD30] =	vst v49  }
0xda: {  	v46 =	vld [tilespmem:s31+$0x9950];
	[tilespmem:s31+$0xD60] =	vst v3;
	v3 =	vadd.f32 v9, v8  }
0xdb: {  	v37 =	vadd.f32 v37, v22;
	v40 =	vadd.f32 v42, v41;
	v41 =	vld [tilespmem:s31+$0x1930];
	[tilespmem:s31+$0x1110] =	vst v58  }
0xdc: {  	v42 =	vld [tilespmem:s31+$0x9930];
	[tilespmem:s31+$0x1100] =	vst v3;
	v3 =	vadd.f32 v13, v12  }
0xdd: {  	v47 =	vld [tilespmem:s31+$0x1530];
	[tilespmem:s31+$0x1170] =	vst v37  }
0xde: {  	v48 =	vld [tilespmem:s31+$0x9530];
	[tilespmem:s31+$0x1120] =	vst v3;
	v3 =	vadd.f32 v17, v16  }
0xdf: {  	v49 =	vld [tilespmem:s31+$0x9960];
	[tilespmem:s31+$0x1510] =	vst v40;
	v52 =	vadd.f32 v62, v61  }
0xe0: {  	v51 =	vld [tilespmem:s31+$0x9540];
	[tilespmem:s31+$0x1140] =	vst v3;
	v3 =	vadd.f32 v21, v20  }
0xe1: {  	v61 =	vadd.f32 v15, v14;
	v62 =	vld [tilespmem:s31+$0x1900];
	[tilespmem:s31+$0xD50] =	vst v52  }
0xe2: {  	v56 =	vld [tilespmem:s31+$0x1560];
	[tilespmem:s31+$0x1160] =	vst v3;
	v3 =	vadd.f32 v39, v24  }
0xe3: {  	v55 =	vadd.f32 v7, v6;
	[tilespmem:s31+$0x1130] =	vst v61;
	v52 =	vld [tilespmem:s31+$0x9970]  }
0xe4: {  	v43 =	vadd.f32 v48, v47;
	v47 =	vld [tilespmem:s31+$0x1960];
	[tilespmem:s31+$0x1500] =	vst v3;
	v3 =	vadd.f32 v45, v44  }
0xe5: {  	[tilespmem:s31+$0xD70] =	vst v55;
	v63 =	vld [tilespmem:s31+$0x9900]  }
0xe6: {  	v59 =	vld [tilespmem:s31+$0x1570];
	[tilespmem:s31+$0x1520] =	vst v3;
	v3 =	vadd.f32 v51, v50  }
0xe7: {  	[tilespmem:s31+$0x1530] =	vst v43;
	v4 =	vadd.f32 v54, v53;
	v39 =	vld [tilespmem:s31+$0x9920]  }
0xe8: {  	v60 =	vld [tilespmem:s31+$0x9570];
	[tilespmem:s31+$0x1540] =	vst v3;
	v3 =	vadd.f32 v57, v56  }
0xe9: {  	v54 =	vadd.f32 v42, v41;
	[tilespmem:s31+$0x1550] =	vst v4;
	v45 =	vld [tilespmem:s31+$0x1950]  }
0xea: {  	v53 =	vld [tilespmem:s31+$0x9940];
	[tilespmem:s31+$0x1560] =	vst v3;
	v3 =	vadd.f32 v63, v62  }
0xeb: {  	[tilespmem:s31+$0x1930] =	vst v54;
	v55 =	vadd.f32 v49, v47;
	v50 =	vld [tilespmem:s31+$0x1970]  }
0xec: {  	v44 =	vld [tilespmem:s31+$0x1940];
	[tilespmem:s31+$0x1900] =	vst v3;
	v3 =	vadd.f32 v39, v38  }
0xed: {  	v48 =	vadd.f32 v60, v59;
	[tilespmem:s31+$0x1960] =	vst v55  }
0xee: {  	[tilespmem:s31+$0x1920] =	vst v3;
	v3 =	vadd.f32 v46, v45  }
0xef: {  	s4 =	sand.u32 $0x7, s28;
	[tilespmem:s31+$0x1570] =	vst v48;
	v51 =	vadd.f32 v36, v35  }
0xf0: {  	s0 =	sshll.u32 s4, $0x7;
	[tilespmem:s31+$0x1950] =	vst v3;
	v3 =	vadd.f32 v52, v50  }
0xf1: {  	s0 =	sadd.s32 s0, s29;
	[tilespmem:s31+$0x1910] =	vst v51;
	v56 =	vadd.f32 v53, v44  }
0xf2: {  	s4 =	sor.u32 $0x1C00, s0;
	[tilespmem:s31+$0x1970] =	vst v3  }
0xf3: {  	[tilespmem:s31+$0x1940] =	vst v56;
	v3 =	vld [tilespmem:s4+$0x100]  }
0xf4: {  	v4 =	vld [tilespmem:s4+$0x8100];
	_ =	sdelay $0x4  }
0xf5: {  	v3 =	vadd.f32 v4, v3;
	_ =	sdelay $0x1  }
0xf6: {  	s31 =	sor.u32 $0x1C10, s0;
	[tilespmem:s4+$0x100] =	vst v3  }
0xf7: {  	v3 =	vld [tilespmem:s31+$0x100]  }
0xf8: {  	v57 =	vld [tilespmem:s31+$0x8100];
	_ =	sdelay $0x4  }
0xf9: {  	v3 =	vadd.f32 v57, v3;
	_ =	sdelay $0x1  }
0xfa: {  	[tilespmem:s31+$0x100] =	vst v3;
	s31 =	sor.u32 $0x1C20, s0  }
0xfb: {  	v3 =	vld [tilespmem:s31+$0x100]  }
0xfc: {  	v58 =	vld [tilespmem:s31+$0x8100];
	_ =	sdelay $0x4  }
0xfd: {  	v3 =	vadd.f32 v58, v3;
	_ =	sdelay $0x1  }
0xfe: {  	[tilespmem:s31+$0x100] =	vst v3;
	s31 =	sor.u32 $0x1C30, s0  }
0xff: {  	v3 =	vld [tilespmem:s31+$0x100]  }
0x100: {  	v59 =	vld [tilespmem:s31+$0x8100];
	_ =	sdelay $0x4  }
0x101: {  	v3 =	vadd.f32 v59, v3;
	_ =	sdelay $0x1  }
0x102: {  	[tilespmem:s31+$0x100] =	vst v3;
	s31 =	sor.u32 $0x1C40, s0  }
0x103: {  	v3 =	vld [tilespmem:s31+$0x100]  }
0x104: {  	v60 =	vld [tilespmem:s31+$0x8100];
	_ =	sdelay $0x4  }
0x105: {  	v3 =	vadd.f32 v60, v3;
	_ =	sdelay $0x1  }
0x106: {  	[tilespmem:s31+$0x100] =	vst v3;
	s31 =	sor.u32 $0x1C50, s0  }
0x107: {  	v3 =	vld [tilespmem:s31+$0x100]  }
0x108: {  	v61 =	vld [tilespmem:s31+$0x8100];
	_ =	sdelay $0x4  }
0x109: {  	v3 =	vadd.f32 v61, v3;
	_ =	sdelay $0x1  }
0x10a: {  	[tilespmem:s31+$0x100] =	vst v3;
	s31 =	sor.u32 $0x1C60, s0  }
0x10b: {  	v3 =	vld [tilespmem:s31+$0x100]  }
0x10c: {  	v62 =	vld [tilespmem:s31+$0x8100];
	_ =	sdelay $0x4  }
0x10d: {  	v3 =	vadd.f32 v62, v3;
	_ =	sdelay $0x1  }
0x10e: {  	s0 =	sor.u32 $0x1C70, s0;
	[tilespmem:s31+$0x100] =	vst v3  }
0x10f: {  	v3 =	vld [tilespmem:s0+$0x100]  }
0x110: {  	v63 =	vld [tilespmem:s0+$0x8100];
	_ =	sdelay $0x1  }
0x111: {  	p0 =	sne.s32 s30, $0xF80  }
.Ltmp0:
0x112: {  	_ = 	snop;
	(pc) =	sbr.rel @p0 .LBB2_2-.Ltmp0, $4  }
0x113: {  	_ = 	snop  }
0x114: {  	v3 =	vadd.f32 v63, v3  }
0x115: {  	s28 =	sadd.s32 $0x1, s28  }
0x116: {  	s26 =	sadd.s32 $0x400, s26;
	s30 =	sadd.s32 $0x80, s30;
	s29 =	sadd.s32 $0x400, s29;
	[tilespmem:s0+$0x100] =	vst v3  }
0x117: {  	s26 =	simm.s32 $0x0;
	s0 =	rddreg [dreg:$0x5]  }
0x118: {  	[hbm4b:s0+s26] =	stream.linear.scatter [tilespmem:s16], [sflag:$0x2], $0x8000, $0x38;
	[tilespmem:$0x10100] =	vst v63  }
0x119: {  	_ =	swait.ge [sflag:s14], $0x8000  }
0x11a: {  	[sflag:s14] =	ssyncset.done $0x0  }
0x11b: {  	s4 =	rddreg [dreg:$0x6];
	[sflag:s14] =	ssyncadd.s32 $0xFFFF8000  }
0x11c: {  	[tilespmem:s26], [sflag:$0x2] =	stream.linear.gather [hbm4b:s4+s26], $0x20, $0x38;
	[tilespmem:$0x10100] =	vst v63  }
0x11d: {  	_ =	swait.ge [sflag:s14], $0x20  }
0x11e: {  	[sflag:s14] =	ssyncset.done $0x0  }
0x11f: {  	s4 =	simm.s32 $0x80;
	s31 =	rddreg [dreg:$0x7];
	[sflag:s14] =	ssyncadd.s32 $0xFFFFFFE0  }
0x120: {  	[tilespmem:s4], [sflag:$0x2] =	stream.linear.gather [hbm4b:s31+s26], $0x20, $0x38;
	[tilespmem:$0x10100] =	vst v63  }
0x121: {  	_ =	swait.ge [sflag:s14], $0x20  }
0x122: {  	[sflag:s14] =	ssyncset.done $0x0  }
0x123: {  	[sflag:s14] =	ssyncadd.s32 $0xFFFFFFE0  }
0x124: {  	v3 =	vld [tilespmem:$0x0];
	_ =	sdelay $0x4  }
0x125: {  	v4 =	vshll.u32 v3, $0x3  }
0x126: {  	v3 =	vand.u32 $0x7, v3;
	v4 =	vand.u32 $0xFFFFFFC0, v4  }
0x127: {  	v3 =	vor.u32 v3, v4  }
0x128: {  	v4 =	vperm.xlane v3, v0;
	_ =	sdelay $0x1  }
0x129: {  	v4 =	vadd.s32 v1, v4;
	_ =	sdelay $0x4  }
0x12a: {  	[tilespmem:s16], [sflag:$0x1] =	stream.indirect_vreg.gather [hbm4b:s3+s26], $0x80, v4, vm0, $0xb8;
	[tilespmem:$0x10100] =	vst v63  }
0x12b: {  	s4 =	simm.s32 $0x900;
	v3 =	vperm.xlane v3, v2  }
0x12c: {  	[tilespmem:s4], [sflag:$0x1] =	stream.indirect_vreg.gather [hbm4b:s6+s26], $0x80, v4, vm0, $0xb8;
	[tilespmem:$0x10100] =	vst v63  }
0x12d: {  	s31 =	simm.s32 $0x1100;
	v3 =	vadd.s32 v1, v3  }
0x12e: {  	[tilespmem:s31], [sflag:$0x1] =	stream.indirect_vreg.gather [hbm4b:s7+s26], $0x80, v4, vm0, $0xb8;
	[tilespmem:$0x10100] =	vst v63  }
0x12f: {  	s4 =	simm.s32 $0x1900  }
0x130: {  	[tilespmem:s4], [sflag:$0x1] =	stream.indirect_vreg.gather [hbm4b:s8+s26], $0x80, v4, vm0, $0xb8;
	[tilespmem:$0x10100] =	vst v63  }
0x131: {  	s31 =	simm.s32 $0x2100  }
0x132: {  	[tilespmem:s31], [sflag:$0x1] =	stream.indirect_vreg.gather [hbm4b:s3+s26], $0x80, v3, vm0, $0xb8;
	[tilespmem:$0x10100] =	vst v63  }
0x133: {  	s4 =	simm.s32 $0x2900  }
0x134: {  	[tilespmem:s4], [sflag:$0x1] =	stream.indirect_vreg.gather [hbm4b:s6+s26], $0x80, v3, vm0, $0xb8;
	[tilespmem:$0x10100] =	vst v63  }
0x135: {  	s31 =	simm.s32 $0x3100  }
0x136: {  	[tilespmem:s31], [sflag:$0x1] =	stream.indirect_vreg.gather [hbm4b:s7+s26], $0x80, v3, vm0, $0xb8;
	[tilespmem:$0x10100] =	vst v63  }
0x137: {  	s4 =	simm.s32 $0x3900  }
0x138: {  	[tilespmem:s4], [sflag:$0x1] =	stream.indirect_vreg.gather [hbm4b:s8+s26], $0x80, v3, vm0, $0xb8;
	[tilespmem:$0x10100] =	vst v63  }
0x139: {  	v3 =	vld [tilespmem:$0x10];
	_ =	sdelay $0x4  }
0x13a: {  	v61 =	vshll.u32 v3, $0x3  }
0x13b: {  	v3 =	vand.u32 $0x7, v3;
	v4 =	vand.u32 $0xFFFFFFC0, v61  }
0x13c: {  	v3 =	vor.u32 v3, v4  }
0x13d: {  	v4 =	vperm.xlane v3, v0;
	_ =	sdelay $0x1  }
0x13e: {  	v4 =	vadd.s32 v1, v4;
	_ =	sdelay $0x3  }
0x13f: {  	s31 =	simm.s32 $0x4100  }
0x140: {  	[tilespmem:s31], [sflag:$0x1] =	stream.indirect_vreg.gather [hbm4b:s3+s26], $0x80, v4, vm0, $0xb8;
	[tilespmem:$0x10100] =	vst v63  }
0x141: {  	s4 =	simm.s32 $0x4900;
	v3 =	vperm.xlane v3, v2  }
0x142: {  	[tilespmem:s4], [sflag:$0x1] =	stream.indirect_vreg.gather [hbm4b:s6+s26], $0x80, v4, vm0, $0xb8;
	[tilespmem:$0x10100] =	vst v63  }
0x143: {  	v3 =	vadd.s32 v1, v3;
	s31 =	simm.s32 $0x5100  }
0x144: {  	[tilespmem:s31], [sflag:$0x1] =	stream.indirect_vreg.gather [hbm4b:s7+s26], $0x80, v4, vm0, $0xb8;
	[tilespmem:$0x10100] =	vst v63  }
0x145: {  	s4 =	simm.s32 $0x5900  }
0x146: {  	[tilespmem:s4], [sflag:$0x1] =	stream.indirect_vreg.gather [hbm4b:s8+s26], $0x80, v4, vm0, $0xb8;
	[tilespmem:$0x10100] =	vst v63  }
0x147: {  	s31 =	simm.s32 $0x6100  }
0x148: {  	[tilespmem:s31], [sflag:$0x1] =	stream.indirect_vreg.gather [hbm4b:s3+s26], $0x80, v3, vm0, $0xb8;
	[tilespmem:$0x10100] =	vst v63  }
0x149: {  	s4 =	simm.s32 $0x6900  }
0x14a: {  	[tilespmem:s4], [sflag:$0x1] =	stream.indirect_vreg.gather [hbm4b:s6+s26], $0x80, v3, vm0, $0xb8;
	[tilespmem:$0x10100] =	vst v63  }
0x14b: {  	s31 =	simm.s32 $0x7100  }
0x14c: {  	[tilespmem:s31], [sflag:$0x1] =	stream.indirect_vreg.gather [hbm4b:s7+s26], $0x80, v3, vm0, $0xb8;
	[tilespmem:$0x10100] =	vst v63  }
0x14d: {  	s4 =	simm.s32 $0x7900  }
0x14e: {  	[tilespmem:s4], [sflag:$0x1] =	stream.indirect_vreg.gather [hbm4b:s8+s26], $0x80, v3, vm0, $0xb8;
	[tilespmem:$0x10100] =	vst v63  }
0x14f: {  	_ =	swait.ge [sflag:s1], $0x8000  }
0x150: {  	[sflag:s1] =	ssyncset.done $0x0  }
0x151: {  	[sflag:s1] =	ssyncadd.s32 $0xFFFF8000  }
0x152: {  	v3 =	vld [tilespmem:$0x80];
	_ =	sdelay $0x4  }
0x153: {  	v62 =	vshll.u32 v3, $0x3  }
0x154: {  	v3 =	vand.u32 $0x7, v3;
	v4 =	vand.u32 $0xFFFFFFC0, v62  }
0x155: {  	v3 =	vor.u32 v3, v4  }
0x156: {  	v4 =	vperm.xlane v3, v0;
	_ =	sdelay $0x1  }
0x157: {  	v4 =	vadd.s32 v1, v4;
	_ =	sdelay $0x3  }
0x158: {  	s31 =	simm.s32 $0x8100  }
0x159: {  	[tilespmem:s31], [sflag:$0x1] =	stream.indirect_vreg.gather [hbm4b:s3+s26], $0x80, v4, vm0, $0xb8;
	[tilespmem:$0x10100] =	vst v63  }
0x15a: {  	v3 =	vperm.xlane v3, v2  }
0x15b: {  	[tilespmem:s5], [sflag:$0x1] =	stream.indirect_vreg.gather [hbm4b:s6+s26], $0x80, v4, vm0, $0xb8;
	[tilespmem:$0x10100] =	vst v63  }
0x15c: {  	v3 =	vadd.s32 v1, v3  }
0x15d: {  	[tilespmem:s15], [sflag:$0x1] =	stream.indirect_vreg.gather [hbm4b:s7+s26], $0x80, v4, vm0, $0xb8;
	[tilespmem:$0x10100] =	vst v63  }
0x15e: {  	_ = 	snop  }
0x15f: {  	[tilespmem:s17], [sflag:$0x1] =	stream.indirect_vreg.gather [hbm4b:s8+s26], $0x80, v4, vm0, $0xb8;
	[tilespmem:$0x10100] =	vst v63  }
0x160: {  	_ = 	snop  }
0x161: {  	[tilespmem:s18], [sflag:$0x1] =	stream.indirect_vreg.gather [hbm4b:s3+s26], $0x80, v3, vm0, $0xb8;
	[tilespmem:$0x10100] =	vst v63  }
0x162: {  	_ = 	snop  }
0x163: {  	[tilespmem:s19], [sflag:$0x1] =	stream.indirect_vreg.gather [hbm4b:s6+s26], $0x80, v3, vm0, $0xb8;
	[tilespmem:$0x10100] =	vst v63  }
0x164: {  	_ = 	snop  }
0x165: {  	[tilespmem:s20], [sflag:$0x1] =	stream.indirect_vreg.gather [hbm4b:s7+s26], $0x80, v3, vm0, $0xb8;
	[tilespmem:$0x10100] =	vst v63  }
0x166: {  	_ = 	snop  }
0x167: {  	[tilespmem:s9], [sflag:$0x1] =	stream.indirect_vreg.gather [hbm4b:s8+s26], $0x80, v3, vm0, $0xb8;
	[tilespmem:$0x10100] =	vst v63  }
0x168: {  	v3 =	vld [tilespmem:$0x90];
	_ =	sdelay $0x4  }
0x169: {  	v63 =	vshll.u32 v3, $0x3  }
0x16a: {  	v3 =	vand.u32 $0x7, v3;
	v4 =	vand.u32 $0xFFFFFFC0, v63  }
0x16b: {  	v3 =	vor.u32 v3, v4  }
0x16c: {  	v4 =	vperm.xlane v3, v0;
	_ =	sdelay $0x1  }
0x16d: {  	v4 =	vadd.s32 v1, v4;
	_ =	sdelay $0x4  }
0x16e: {  	[tilespmem:s21], [sflag:$0x1] =	stream.indirect_vreg.gather [hbm4b:s3+s26], $0x80, v4, vm0, $0xb8;
	[tilespmem:$0x10100] =	vst v63  }
0x16f: {  	v3 =	vperm.xlane v3, v2  }
0x170: {  	[tilespmem:s10], [sflag:$0x1] =	stream.indirect_vreg.gather [hbm4b:s6+s26], $0x80, v4, vm0, $0xb8;
	[tilespmem:$0x10100] =	vst v63  }
0x171: {  	v3 =	vadd.s32 v1, v3  }
0x172: {  	[tilespmem:s22], [sflag:$0x1] =	stream.indirect_vreg.gather [hbm4b:s7+s26], $0x80, v4, vm0, $0xb8;
	[tilespmem:$0x10100] =	vst v63  }
0x173: {  	_ = 	snop  }
0x174: {  	[tilespmem:s23], [sflag:$0x1] =	stream.indirect_vreg.gather [hbm4b:s8+s26], $0x80, v4, vm0, $0xb8;
	[tilespmem:$0x10100] =	vst v63  }
0x175: {  	_ = 	snop  }
0x176: {  	[tilespmem:s11], [sflag:$0x1] =	stream.indirect_vreg.gather [hbm4b:s3+s26], $0x80, v3, vm0, $0xb8;
	[tilespmem:$0x10100] =	vst v63  }
0x177: {  	_ = 	snop  }
0x178: {  	[tilespmem:s24], [sflag:$0x1] =	stream.indirect_vreg.gather [hbm4b:s6+s26], $0x80, v3, vm0, $0xb8;
	[tilespmem:$0x10100] =	vst v63  }
0x179: {  	_ = 	snop  }
0x17a: {  	[tilespmem:s12], [sflag:$0x1] =	stream.indirect_vreg.gather [hbm4b:s7+s26], $0x80, v3, vm0, $0xb8;
	[tilespmem:$0x10100] =	vst v63  }
0x17b: {  	_ = 	snop  }
0x17c: {  	[tilespmem:s25], [sflag:$0x1] =	stream.indirect_vreg.gather [hbm4b:s8+s26], $0x80, v3, vm0, $0xb8;
	[tilespmem:$0x10100] =	vst v63  }
0x17d: {  	_ =	swait.ge [sflag:s1], $0x8000  }
0x17e: {  	s28 =	simm.s32 $0xFFFF8000;
	[sflag:s1] =	ssyncset.done $0x0  }
0x17f: {  	s29 =	simm.s32 $0x0;
	s30 =	simm.s32 $0x0;
	[sflag:s1] =	ssyncadd.s32 $0xFFFF8000  }
.LBB2_4:
0x180: {  	s0 =	sadd.s32 $0x8000, s28  }
0x181: {  	s4 =	sand.u32 $0x380, s30;
	s0 =	sand.u32 $0x6000, s0  }
0x182: {  	s31 =	sor.u32 s4, s0  }
0x183: {  	v3 =	vld [tilespmem:s31+$0x100]  }
0x184: {  	v4 =	vld [tilespmem:s31+$0x8100]  }
0x185: {  	v5 =	vld [tilespmem:s31+$0x110]  }
0x186: {  	v6 =	vld [tilespmem:s31+$0x8110]  }
0x187: {  	v7 =	vld [tilespmem:s31+$0x120]  }
0x188: {  	v8 =	vld [tilespmem:s31+$0x8120]  }
0x189: {  	v9 =	vld [tilespmem:s31+$0x130]  }
0x18a: {  	v10 =	vld [tilespmem:s31+$0x8130]  }
0x18b: {  	v11 =	vld [tilespmem:s31+$0x140]  }
0x18c: {  	v12 =	vld [tilespmem:s31+$0x8140]  }
0x18d: {  	v13 =	vld [tilespmem:s31+$0x150]  }
0x18e: {  	v14 =	vld [tilespmem:s31+$0x8150]  }
0x18f: {  	v15 =	vld [tilespmem:s31+$0x160]  }
0x190: {  	v16 =	vld [tilespmem:s31+$0x8160]  }
0x191: {  	v17 =	vld [tilespmem:s31+$0x170]  }
0x192: {  	v18 =	vld [tilespmem:s31+$0x8170]  }
0x193: {  	v19 =	vld [tilespmem:s31+$0x500]  }
0x194: {  	v20 =	vld [tilespmem:s31+$0x8500]  }
0x195: {  	v21 =	vld [tilespmem:s31+$0x510]  }
0x196: {  	v22 =	vld [tilespmem:s31+$0x8510]  }
0x197: {  	v23 =	vld [tilespmem:s31+$0x520]  }
0x198: {  	v24 =	vld [tilespmem:s31+$0x8520]  }
0x199: {  	v25 =	vld [tilespmem:s31+$0x530]  }
0x19a: {  	v26 =	vld [tilespmem:s31+$0x8530]  }
0x19b: {  	v27 =	vld [tilespmem:s31+$0x540]  }
0x19c: {  	v28 =	vld [tilespmem:s31+$0x8540]  }
0x19d: {  	v29 =	vld [tilespmem:s31+$0x550]  }
0x19e: {  	v30 =	vld [tilespmem:s31+$0x8550]  }
0x19f: {  	v31 =	vld [tilespmem:s31+$0x560]  }
0x1a0: {  	v32 =	vld [tilespmem:s31+$0x8560]  }
0x1a1: {  	v33 =	vld [tilespmem:s31+$0x570]  }
0x1a2: {  	v34 =	vld [tilespmem:s31+$0x8570]  }
0x1a3: {  	v35 =	vld [tilespmem:s31+$0x900]  }
0x1a4: {  	v36 =	vld [tilespmem:s31+$0x8900]  }
0x1a5: {  	v37 =	vld [tilespmem:s31+$0x910]  }
0x1a6: {  	v38 =	vld [tilespmem:s31+$0x8910]  }
0x1a7: {  	v39 =	vld [tilespmem:s31+$0x920]  }
0x1a8: {  	v40 =	vld [tilespmem:s31+$0x8920]  }
0x1a9: {  	v41 =	vld [tilespmem:s31+$0x930]  }
0x1aa: {  	v42 =	vld [tilespmem:s31+$0x8930]  }
0x1ab: {  	v43 =	vld [tilespmem:s31+$0x940]  }
0x1ac: {  	v44 =	vld [tilespmem:s31+$0x8940]  }
0x1ad: {  	v45 =	vld [tilespmem:s31+$0x950]  }
0x1ae: {  	v46 =	vld [tilespmem:s31+$0x8950]  }
0x1af: {  	v47 =	vld [tilespmem:s31+$0x960]  }
0x1b0: {  	v48 =	vld [tilespmem:s31+$0x8960]  }
0x1b1: {  	v49 =	vld [tilespmem:s31+$0x970]  }
0x1b2: {  	v50 =	vld [tilespmem:s31+$0x8970]  }
0x1b3: {  	v51 =	vld [tilespmem:s31+$0xD00]  }
0x1b4: {  	v52 =	vld [tilespmem:s31+$0x8D00]  }
0x1b5: {  	v53 =	vld [tilespmem:s31+$0xD10]  }
0x1b6: {  	v54 =	vld [tilespmem:s31+$0x8D10]  }
0x1b7: {  	v55 =	vld [tilespmem:s31+$0xD20]  }
0x1b8: {  	v56 =	vld [tilespmem:s31+$0x8D20]  }
0x1b9: {  	v57 =	vld [tilespmem:s31+$0xD30]  }
0x1ba: {  	v58 =	vld [tilespmem:s31+$0x8D30]  }
0x1bb: {  	v59 =	vld [tilespmem:s31+$0xD40]  }
0x1bc: {  	v60 =	vld [tilespmem:s31+$0x8D40]  }
0x1bd: {  	v61 =	vld [tilespmem:s31+$0xD50]  }
0x1be: {  	v62 =	vld [tilespmem:s31+$0x8D50]  }
0x1bf: {  	v63 =	vld [tilespmem:s31+$0xD60]  }
0x1c0: {  	v3 =	vadd.f32 v4, v3;
	v4 =	vld [tilespmem:s31+$0x8D60]  }
0x1c1: {  	v5 =	vadd.f32 v6, v5;
	v6 =	vld [tilespmem:s31+$0xD70]  }
0x1c2: {  	v14 =	vadd.f32 v14, v13;
	v13 =	vld [tilespmem:s31+$0x9120];
	[tilespmem:s31+$0x100] =	vst v3;
	v3 =	vadd.f32 v8, v7  }
0x1c3: {  	v18 =	vadd.f32 v18, v17;
	v17 =	vld [tilespmem:s31+$0x9140];
	[tilespmem:s31+$0x110] =	vst v5  }
0x1c4: {  	v22 =	vadd.f32 v22, v21;
	v21 =	vld [tilespmem:s31+$0x9160];
	[tilespmem:s31+$0x120] =	vst v3;
	v3 =	vadd.f32 v12, v11  }
0x1c5: {  	v7 =	vld [tilespmem:s31+$0x8D70];
	[tilespmem:s31+$0x150] =	vst v14  }
0x1c6: {  	v8 =	vld [tilespmem:s31+$0x1100];
	[tilespmem:s31+$0x140] =	vst v3;
	v3 =	vadd.f32 v16, v15  }
0x1c7: {  	v5 =	vadd.f32 v10, v9;
	v9 =	vld [tilespmem:s31+$0x9100];
	[tilespmem:s31+$0x170] =	vst v18  }
0x1c8: {  	v10 =	vld [tilespmem:s31+$0x1110];
	[tilespmem:s31+$0x160] =	vst v3;
	v3 =	vadd.f32 v20, v19  }
0x1c9: {  	v26 =	vadd.f32 v26, v25;
	v14 =	vld [tilespmem:s31+$0x1130];
	[tilespmem:s31+$0x510] =	vst v22  }
0x1ca: {  	v18 =	vld [tilespmem:s31+$0x1150];
	[tilespmem:s31+$0x500] =	vst v3;
	v3 =	vadd.f32 v24, v23  }
0x1cb: {  	v30 =	vadd.f32 v30, v29;
	[tilespmem:s31+$0x530] =	vst v26;
	v22 =	vld [tilespmem:s31+$0x1170]  }
0x1cc: {  	v19 =	vld [tilespmem:s31+$0x9150];
	[tilespmem:s31+$0x520] =	vst v3;
	v3 =	vadd.f32 v28, v27  }
0x1cd: {  	v34 =	vadd.f32 v34, v33;
	[tilespmem:s31+$0x550] =	vst v30;
	v11 =	vld [tilespmem:s31+$0x9110]  }
0x1ce: {  	v12 =	vld [tilespmem:s31+$0x1120];
	[tilespmem:s31+$0x540] =	vst v3;
	v3 =	vadd.f32 v32, v31  }
0x1cf: {  	[tilespmem:s31+$0x570] =	vst v34;
	v15 =	vld [tilespmem:s31+$0x9130]  }
0x1d0: {  	v16 =	vld [tilespmem:s31+$0x1140];
	[tilespmem:s31+$0x560] =	vst v3;
	v3 =	vadd.f32 v36, v35  }
0x1d1: {  	[tilespmem:s31+$0x130] =	vst v5;
	v20 =	vld [tilespmem:s31+$0x1160];
	v19 =	vadd.f32 v19, v18  }
0x1d2: {  	v24 =	vld [tilespmem:s31+$0x1500];
	[tilespmem:s31+$0x900] =	vst v3;
	v3 =	vadd.f32 v40, v39  }
0x1d3: {  	[tilespmem:s31+$0x1150] =	vst v19;
	v36 =	vadd.f32 v38, v37;
	v37 =	vld [tilespmem:s31+$0x9170]  }
0x1d4: {  	v38 =	vadd.f32 v42, v41;
	v41 =	vld [tilespmem:s31+$0x1510];
	[tilespmem:s31+$0x920] =	vst v3;
	v3 =	vadd.f32 v44, v43  }
0x1d5: {  	v42 =	vld [tilespmem:s31+$0x9510];
	[tilespmem:s31+$0x910] =	vst v36  }
0x1d6: {  	v35 =	vld [tilespmem:s31+$0x1910];
	[tilespmem:s31+$0x940] =	vst v3;
	v3 =	vadd.f32 v48, v47  }
0x1d7: {  	v39 =	vld [tilespmem:s31+$0x9500];
	[tilespmem:s31+$0x930] =	vst v38;
	v40 =	vadd.f32 v46, v45  }
0x1d8: {  	v45 =	vld [tilespmem:s31+$0x9520];
	[tilespmem:s31+$0x960] =	vst v3;
	v3 =	vadd.f32 v52, v51  }
0x1d9: {  	v46 =	vadd.f32 v54, v53;
	v53 =	vld [tilespmem:s31+$0x1550];
	[tilespmem:s31+$0x950] =	vst v40  }
0x1da: {  	v54 =	vld [tilespmem:s31+$0x9550];
	[tilespmem:s31+$0xD00] =	vst v3;
	v3 =	vadd.f32 v56, v55  }
0x1db: {  	v36 =	vld [tilespmem:s31+$0x9910];
	v43 =	vadd.f32 v50, v49;
	[tilespmem:s31+$0xD10] =	vst v46  }
0x1dc: {  	v38 =	vld [tilespmem:s31+$0x1920];
	[tilespmem:s31+$0xD20] =	vst v3;
	v3 =	vadd.f32 v60, v59  }
0x1dd: {  	v44 =	vld [tilespmem:s31+$0x1520];
	v49 =	vadd.f32 v58, v57;
	[tilespmem:s31+$0x970] =	vst v43  }
0x1de: {  	v50 =	vld [tilespmem:s31+$0x1540];
	[tilespmem:s31+$0xD40] =	vst v3;
	v3 =	vadd.f32 v4, v63  }
0x1df: {  	v57 =	vld [tilespmem:s31+$0x9560];
	v58 =	vadd.f32 v11, v10;
	[tilespmem:s31+$0xD30] =	vst v49  }
0x1e0: {  	v46 =	vld [tilespmem:s31+$0x9950];
	[tilespmem:s31+$0xD60] =	vst v3;
	v3 =	vadd.f32 v9, v8  }
0x1e1: {  	v37 =	vadd.f32 v37, v22;
	v40 =	vadd.f32 v42, v41;
	v41 =	vld [tilespmem:s31+$0x1930];
	[tilespmem:s31+$0x1110] =	vst v58  }
0x1e2: {  	v42 =	vld [tilespmem:s31+$0x9930];
	[tilespmem:s31+$0x1100] =	vst v3;
	v3 =	vadd.f32 v13, v12  }
0x1e3: {  	v47 =	vld [tilespmem:s31+$0x1530];
	[tilespmem:s31+$0x1170] =	vst v37  }
0x1e4: {  	v48 =	vld [tilespmem:s31+$0x9530];
	[tilespmem:s31+$0x1120] =	vst v3;
	v3 =	vadd.f32 v17, v16  }
0x1e5: {  	v49 =	vld [tilespmem:s31+$0x9960];
	[tilespmem:s31+$0x1510] =	vst v40;
	v52 =	vadd.f32 v62, v61  }
0x1e6: {  	v51 =	vld [tilespmem:s31+$0x9540];
	[tilespmem:s31+$0x1140] =	vst v3;
	v3 =	vadd.f32 v21, v20  }
0x1e7: {  	v61 =	vadd.f32 v15, v14;
	v62 =	vld [tilespmem:s31+$0x1900];
	[tilespmem:s31+$0xD50] =	vst v52  }
0x1e8: {  	v56 =	vld [tilespmem:s31+$0x1560];
	[tilespmem:s31+$0x1160] =	vst v3;
	v3 =	vadd.f32 v39, v24  }
0x1e9: {  	v55 =	vadd.f32 v7, v6;
	[tilespmem:s31+$0x1130] =	vst v61;
	v52 =	vld [tilespmem:s31+$0x9970]  }
0x1ea: {  	v43 =	vadd.f32 v48, v47;
	v47 =	vld [tilespmem:s31+$0x1960];
	[tilespmem:s31+$0x1500] =	vst v3;
	v3 =	vadd.f32 v45, v44  }
0x1eb: {  	[tilespmem:s31+$0xD70] =	vst v55;
	v63 =	vld [tilespmem:s31+$0x9900]  }
0x1ec: {  	v59 =	vld [tilespmem:s31+$0x1570];
	[tilespmem:s31+$0x1520] =	vst v3;
	v3 =	vadd.f32 v51, v50  }
0x1ed: {  	[tilespmem:s31+$0x1530] =	vst v43;
	v4 =	vadd.f32 v54, v53;
	v39 =	vld [tilespmem:s31+$0x9920]  }
0x1ee: {  	v60 =	vld [tilespmem:s31+$0x9570];
	[tilespmem:s31+$0x1540] =	vst v3;
	v3 =	vadd.f32 v57, v56  }
0x1ef: {  	v54 =	vadd.f32 v42, v41;
	[tilespmem:s31+$0x1550] =	vst v4;
	v45 =	vld [tilespmem:s31+$0x1950]  }
0x1f0: {  	v53 =	vld [tilespmem:s31+$0x9940];
	[tilespmem:s31+$0x1560] =	vst v3;
	v3 =	vadd.f32 v63, v62  }
0x1f1: {  	[tilespmem:s31+$0x1930] =	vst v54;
	v55 =	vadd.f32 v49, v47;
	v50 =	vld [tilespmem:s31+$0x1970]  }
0x1f2: {  	v44 =	vld [tilespmem:s31+$0x1940];
	[tilespmem:s31+$0x1900] =	vst v3;
	v3 =	vadd.f32 v39, v38  }
0x1f3: {  	v48 =	vadd.f32 v60, v59;
	[tilespmem:s31+$0x1960] =	vst v55  }
0x1f4: {  	[tilespmem:s31+$0x1920] =	vst v3;
	v3 =	vadd.f32 v46, v45  }
0x1f5: {  	s4 =	sand.u32 $0x7, s26;
	[tilespmem:s31+$0x1570] =	vst v48;
	v51 =	vadd.f32 v36, v35  }
0x1f6: {  	s0 =	sshll.u32 s4, $0x7;
	[tilespmem:s31+$0x1950] =	vst v3;
	v3 =	vadd.f32 v52, v50  }
0x1f7: {  	s0 =	sadd.s32 s0, s29;
	[tilespmem:s31+$0x1910] =	vst v51;
	v56 =	vadd.f32 v53, v44  }
0x1f8: {  	s4 =	sor.u32 $0x1C00, s0;
	[tilespmem:s31+$0x1970] =	vst v3  }
0x1f9: {  	[tilespmem:s31+$0x1940] =	vst v56;
	v3 =	vld [tilespmem:s4+$0x100]  }
0x1fa: {  	v4 =	vld [tilespmem:s4+$0x8100];
	_ =	sdelay $0x4  }
0x1fb: {  	v3 =	vadd.f32 v4, v3;
	_ =	sdelay $0x1  }
0x1fc: {  	s31 =	sor.u32 $0x1C10, s0;
	[tilespmem:s4+$0x100] =	vst v3  }
0x1fd: {  	v3 =	vld [tilespmem:s31+$0x100]  }
0x1fe: {  	v57 =	vld [tilespmem:s31+$0x8100];
	_ =	sdelay $0x4  }
0x1ff: {  	v3 =	vadd.f32 v57, v3;
	_ =	sdelay $0x1  }
0x200: {  	[tilespmem:s31+$0x100] =	vst v3;
	s31 =	sor.u32 $0x1C20, s0  }
0x201: {  	v3 =	vld [tilespmem:s31+$0x100]  }
0x202: {  	v58 =	vld [tilespmem:s31+$0x8100];
	_ =	sdelay $0x4  }
0x203: {  	v3 =	vadd.f32 v58, v3;
	_ =	sdelay $0x1  }
0x204: {  	[tilespmem:s31+$0x100] =	vst v3;
	s31 =	sor.u32 $0x1C30, s0  }
0x205: {  	v3 =	vld [tilespmem:s31+$0x100]  }
0x206: {  	v59 =	vld [tilespmem:s31+$0x8100];
	_ =	sdelay $0x4  }
0x207: {  	v3 =	vadd.f32 v59, v3;
	_ =	sdelay $0x1  }
0x208: {  	[tilespmem:s31+$0x100] =	vst v3;
	s31 =	sor.u32 $0x1C40, s0  }
0x209: {  	v3 =	vld [tilespmem:s31+$0x100]  }
0x20a: {  	v60 =	vld [tilespmem:s31+$0x8100];
	_ =	sdelay $0x4  }
0x20b: {  	v3 =	vadd.f32 v60, v3;
	_ =	sdelay $0x1  }
0x20c: {  	[tilespmem:s31+$0x100] =	vst v3;
	s31 =	sor.u32 $0x1C50, s0  }
0x20d: {  	v3 =	vld [tilespmem:s31+$0x100]  }
0x20e: {  	v61 =	vld [tilespmem:s31+$0x8100];
	_ =	sdelay $0x4  }
0x20f: {  	v3 =	vadd.f32 v61, v3;
	_ =	sdelay $0x1  }
0x210: {  	[tilespmem:s31+$0x100] =	vst v3;
	s31 =	sor.u32 $0x1C60, s0  }
0x211: {  	v3 =	vld [tilespmem:s31+$0x100]  }
0x212: {  	v62 =	vld [tilespmem:s31+$0x8100];
	_ =	sdelay $0x4  }
0x213: {  	v3 =	vadd.f32 v62, v3;
	_ =	sdelay $0x1  }
0x214: {  	s0 =	sor.u32 $0x1C70, s0;
	[tilespmem:s31+$0x100] =	vst v3  }
0x215: {  	v3 =	vld [tilespmem:s0+$0x100]  }
0x216: {  	v63 =	vld [tilespmem:s0+$0x8100];
	_ =	sdelay $0x1  }
0x217: {  	p0 =	sne.s32 s30, $0xF80  }
.Ltmp1:
0x218: {  	_ = 	snop;
	(pc) =	sbr.rel @p0 .LBB2_4-.Ltmp1, $4  }
0x219: {  	_ = 	snop  }
0x21a: {  	v3 =	vadd.f32 v63, v3  }
0x21b: {  	s28 =	sadd.s32 $0x400, s28  }
0x21c: {  	s30 =	sadd.s32 $0x80, s30;
	s26 =	sadd.s32 $0x1, s26;
	s29 =	sadd.s32 $0x400, s29;
	[tilespmem:s0+$0x100] =	vst v3  }
0x21d: {  	s0 =	rddreg [dreg:$0x8]  }
0x21e: {  	[hbm4b:s0+s2] =	stream.linear.scatter [tilespmem:s16], [sflag:$0x2], $0x8000, $0x38;
	[tilespmem:$0x10100] =	vst v63  }
0x21f: {  	_ =	swait.ge [sflag:s14], $0x8000  }
0x220: {  	s13 =	sadd.s32 $0x1, s13;
	s31 =	rddreg [dreg:$0x9]  }
0x221: {  	p0 =	sne.s32 s13, s31  }
.Ltmp2:
0x222: {  	_ = 	snop;
	(pc) =	sbr.rel @p0 .LBB2_1-.Ltmp2, $3  }
0x223: {  	_ =	sdelay $0x1  }
0x224: {  	[sflag:s14] =	ssyncset.done $0x0  }
0x225: {  	[sflag:s14] =	ssyncadd.s32 $0xFFFF8000  }
0x226: {  	_ =	sfence.sel $0x180000  }
0x227: {  	[bflag:$0x0] =	sbarrier.arrive $0xFFFF  }
0x228: {  	_ =	strace $0x9000004D  }
0x229: {  	s0 =	stileid.u32;
	[bflag:$0x2] =	sbarrier.arrive $0xFFFF  }
0x22a: {  	p0 =	sne.s32 s0, $0x0;
	s0 =	rddreg [dreg:$0x2]  }
0x22b: {  	s0 =	sadd.s32 @!p0 $0x100000, s0  }
0x22c: {  	[sflag:s0] =	ssyncadd.tile.s32 @!p0 $0x1;
	_ =	shalt  }
.Lfunc_end2:
_tile_overlayer_lowered:
.L_overlay_start_2:
0x22d: {  	(tag) =	ssettag $0x2  }
0x22e: {  	s0 =	rddreg [dreg:$0x0];
	s2 =	stileid.u32  }
0x22f: {  	s1 =	rddreg [dreg:$0x1];
	p0 =	sne.s32 s2, $0x0  }
0x230: {  	s3 =	rddreg [dreg:$0x2];
	[bflag:$0x3] =	sbarrier.arrive $0xFFFF;
	s2 =	simm.s32 @!p0 $0x1C02  }
0x231: {  	[timem:s3], [sflag:s2] =	dma.local @!p0 [hbm:s0], s1  }
0x232: {  	s0 =	simm.s32 @!p0 $0x2  }
0x233: {  	_ =	swait.ge @!p0 [sflag:s0], s1  }
0x234: {  	s1 =	ssub.s32 @!p0 $0x0, s1;
	[sflag:s0] =	ssyncset.done @!p0 $0x0  }
0x235: {  	[sflag:s0] =	ssyncadd.s32 @!p0 s1  }
0x236: {  	[bflag:$0x3] =	sbarrier.arrive $0xFFFF  }
0x237: {  	_ =	shalt  }

// kernel: kernel.7.cloned.1.call-start
scs
__scs_entry_jumppad:
0x0: {  	(pc) =	sbr.rel $0x88, $3  }
0x1: {  	(tag) =	ssettag $0x0;
	lr =	simm.s32 $0x1  }
0x2: {  	[smem:$0x3F9B] =	sst lr;
	_ =	strace $0xD0000000  }
0x3: {  	_ = 	snop  }
0x4: {  	_ = 	snop  }
0x5: {  	_ = 	snop  }
0x6: {  	_ = 	snop  }
0x7: {  	_ = 	snop  }
__scs_overlays_trampoline_lowered:
0x8: {  	[smem:$0x3FAA] =	sst s0  }
0x9: {  	[smem:$0x3FAB] =	sst s1  }
0xa: {  	[smem:$0x3FAC] =	sst s2  }
0xb: {  	[smem:$0x3FAD] =	sst s3  }
0xc: {  	[smem:$0x3FAE] =	sst s4  }
0xd: {  	[smem:$0x3FAF] =	sst s5  }
0xe: {  	[smem:$0x3FB0] =	sst s6  }
0xf: {  	[smem:$0x3FB1] =	sst s7  }
0x10: {  	[smem:$0x3FB2] =	sst s8  }
0x11: {  	[smem:$0x3FB3] =	sst s9;
	s0 =	simm.s32 @!p0 $0x0  }
0x12: {  	s1 =	sld [smem:$0x3F99];
	s0 =	simm.s32 @p0 $0x1  }
0x13: {  	[smem:$0x3FB4] =	sst s0;
	s0 =	simm.s32 @!p1 $0x0  }
0x14: {  	s2 =	sld [smem:$0x3F98];
	s0 =	simm.s32 @p1 $0x1  }
0x15: {  	[smem:$0x3FB5] =	sst s0;
	s0 =	simm.s32 @!p2 $0x0  }
0x16: {  	s3 =	sld [smem:$0x3FDB];
	s0 =	simm.s32 @p2 $0x1  }
0x17: {  	s4 =	simm.s32 $0x1BF5;
	[smem:$0x3FB7] =	sst s0  }
0x18: {  	s0 =	sld [smem:$0x3F9A];
	_ =	swait.ge [sflag:s4], $0x0  }
0x19: {  	s7 =	sld [smem:$0x3F9B]  }
0x1a: {  	s8 =	sadd.s32 $0xFFFFE003, lr  }
0x1b: {  	s9 =	sadd.s32 $0xFFFFFEF7, lr;
	s5 =	simm.s32 $0xFFFFFFFF;
	p2 =	slt.u32 s8, $0xFFFFF086  }
0x1c: {  	p1 =	slt.u32 s9, $0xF7A;
	s5 =	simm.s32 @!p2 $0x0  }
0x1d: {  	s5 =	simm.s32 @p1 $0x1;
	p0 =	seq.s32 s7, s2  }
0x1e: {  	s7 =	smul.u32 @!p0 $0xF7A, s2;
	p2 =	seq.s32 @!p0 s5, $0x0  }
0x1f: {  	s9 =	smul.u32 $0xF7A, s1;
	s8 =	simm.s32 @!p0 $0x1BF5;
	p2 =	por !p2, p0  }
0x20: {  	[sflag:s8] =	ssyncset.s32 @!p0 $0xFFFFF086;
	s6 =	sadd.s32 @!p0 s3, s7;
	s7 =	simm.s32 @!p0 $0x108  }
0x21: {  	s3 =	sadd.s32 s3, s9;
	s6 =	sadd.s32 @!p0 $0x88, s6;
	s7 =	simm.s32 @p2 $0x1082  }
0x22: {  	[simem:s7], [sflag:s8] =	dma.local @!p0 [hbm:s6], $0xF7A  }
0x23: {  	s9 =	sor.u32 $0xD0000000, s2;
	s6 =	simm.s32 $0x108;
	_ =	swait.ge @!p0 [sflag:s8], $0x0  }
0x24: {  	s3 =	sadd.s32 $0x88, s3;
	s6 =	simm.s32 @!p1 $0x1082;
	[sflag:s4] =	ssyncset.s32 $0xFFFFF086  }
0x25: {  	[simem:s6], [sflag:s4] =	dma.local [hbm:s3], $0xF7A  }
0x26: {  	[smem:$0x3F9B] =	sst s1;
	(tag) =	ssettag s2;
	_ =	strace s9  }
0x27: {  	s1 =	sld [smem:$0x3FAB]  }
0x28: {  	s2 =	sld [smem:$0x3FAC]  }
0x29: {  	s4 =	sld [smem:$0x3FAE]  }
0x2a: {  	p0 =	seq.s32 s5, $0x0;
	s5 =	sld [smem:$0x3FAF]  }
0x2b: {  	s6 =	sld [smem:$0x3FB0]  }
0x2c: {  	s7 =	sld [smem:$0x3FB1]  }
0x2d: {  	s3 =	simm.s32 $0x108;
	s8 =	sld [smem:$0x3FB2]  }
0x2e: {  	s3 =	simm.s32 @!p0 $0x1082;
	s9 =	sld [smem:$0x3FB3]  }
0x2f: {  	lr =	sadd.s32 s0, s3;
	s0 =	sld [smem:$0x3FAA]  }
0x30: {  	s3 =	sld [smem:$0x3FAD]  }
0x31: {  	[smem:$0x3FB6] =	sst s10  }
0x32: {  	s10 =	sld [smem:$0x3FB4];
	_ =	sdelay $0x3  }
0x33: {  	p0 =	seq.s32 s10, $0x1;
	s10 =	sld [smem:$0x3FB6];
	_ =	sdelay $0x3  }
0x34: {  	[smem:$0x3FB6] =	sst s10  }
0x35: {  	s10 =	sld [smem:$0x3FB5];
	_ =	sdelay $0x3  }
0x36: {  	p1 =	seq.s32 s10, $0x1;
	s10 =	sld [smem:$0x3FB6];
	_ =	sdelay $0x3  }
0x37: {  	[smem:$0x3FB6] =	sst s10  }
0x38: {  	s10 =	sld [smem:$0x3FB7]  }
0x39: {  	_ = 	snop;
	(pc) =	sbr.ind lr, $3  }
0x3a: {  	_ = 	snop  }
0x3b: {  	_ = 	snop  }
0x3c: {  	p2 =	seq.s32 s10, $0x1;
	s10 =	sld [smem:$0x3FB6]  }
0x3d: {  	_ =	shalt  }
0x3e: {  	_ =	shalt  }
0x3f: {  	_ =	shalt  }
0x40: {  	_ =	shalt  }
0x41: {  	_ =	shalt  }
0x42: {  	_ =	shalt  }
0x43: {  	_ =	shalt  }
0x44: {  	_ =	shalt  }
0x45: {  	_ =	shalt  }
0x46: {  	_ =	shalt  }
0x47: {  	_ =	shalt  }
0x48: {  	_ =	shalt  }
0x49: {  	_ =	shalt  }
0x4a: {  	_ =	shalt  }
0x4b: {  	_ =	shalt  }
0x4c: {  	_ =	shalt  }
0x4d: {  	_ =	shalt  }
0x4e: {  	_ =	shalt  }
0x4f: {  	_ =	shalt  }
0x50: {  	_ =	shalt  }
0x51: {  	_ =	shalt  }
0x52: {  	_ =	shalt  }
0x53: {  	_ =	shalt  }
0x54: {  	_ =	shalt  }
0x55: {  	_ =	shalt  }
0x56: {  	_ =	shalt  }
0x57: {  	_ =	shalt  }
0x58: {  	_ =	shalt  }
0x59: {  	_ =	shalt  }
0x5a: {  	_ =	shalt  }
0x5b: {  	_ =	shalt  }
0x5c: {  	_ =	shalt  }
0x5d: {  	_ =	shalt  }
0x5e: {  	_ =	shalt  }
0x5f: {  	_ =	shalt  }
0x60: {  	_ =	shalt  }
0x61: {  	_ =	shalt  }
0x62: {  	_ =	shalt  }
0x63: {  	_ =	shalt  }
0x64: {  	_ =	shalt  }
0x65: {  	_ =	shalt  }
0x66: {  	_ =	shalt  }
0x67: {  	_ =	shalt  }
0x68: {  	_ =	shalt  }
0x69: {  	_ =	shalt  }
0x6a: {  	_ =	shalt  }
0x6b: {  	_ =	shalt  }
0x6c: {  	_ =	shalt  }
0x6d: {  	_ =	shalt  }
0x6e: {  	_ =	shalt  }
0x6f: {  	_ =	shalt  }
0x70: {  	_ =	shalt  }
0x71: {  	_ =	shalt  }
0x72: {  	_ =	shalt  }
0x73: {  	_ =	shalt  }
0x74: {  	_ =	shalt  }
0x75: {  	_ =	shalt  }
0x76: {  	_ =	shalt  }
0x77: {  	_ =	shalt  }
0x78: {  	_ =	shalt  }
0x79: {  	_ =	shalt  }
0x7a: {  	_ =	shalt  }
0x7b: {  	_ =	shalt  }
0x7c: {  	_ =	shalt  }
0x7d: {  	_ =	shalt  }
0x7e: {  	_ =	shalt  }
0x7f: {  	_ =	shalt  }
0x80: {  	_ =	shalt  }
0x81: {  	_ =	shalt  }
0x82: {  	_ =	shalt  }
0x83: {  	_ =	shalt  }
0x84: {  	_ =	shalt  }
0x85: {  	_ =	shalt  }
0x86: {  	_ =	shalt  }
0x87: {  	_ =	shalt  }
.Lfunc_end0:
.L_simem_size_0:
called_computation_lowered:
.L_overlay_start_0:
0x88: {  	s2 =	sld [smem:$0x3FD9]  }
0x89: {  	s3 =	sld [smem:$0x3FFE];
	_ =	sdelay $0x1  }
0x8a: {  	s1 =	srdreg.scid  }
0x8b: {  	s0 =	sand.u32 $0x1, s1  }
0x8c: {  	s17 =	sshll.u32 s0, $0xA;
	s2 =	sadd.s32 s3, s2  }
0x8d: {  	s2 =	sadd.s32 s2, s17  }
0x8e: {  	[smem:$0x3FC2] =	sst s2  }
0x8f: {  	_ = 	snop  }
0x90: {  	s2 =	sld [smem:$0x3FD0];
	(tm) =	ssettm $0x1  }
0x91: {  	s18 =	sld [smem:$0x3FFB];
	_ =	sdelay $0x3  }
0x92: {  	_ =	strace s18  }
0x93: {  	s3 =	sld [smem:$0x3FFC];
	_ =	sdelay $0x3  }
0x94: {  	_ =	strace s3  }
0x95: {  	s3 =	sld [smem:$0x3FFD];
	_ =	sdelay $0x3  }
0x96: {  	_ =	strace s3  }
0x97: {  	_ =	strace $0x8FFFFFFF  }
0x98: {  	s19 =	sld [smem:$0x3FDB];
	_ =	sdelay $0x1  }
0x99: {  	s4 =	simm.s32 $_scs_section_size  }
0x9a: {  	s5 =	simm.s32 $_size__tile_overlayer_lowered;
	s6 =	simm.s32 $_tile_overlayer_lowered  }
0x9b: {  	s22 =	simm.s32 $0x1BFF;
	s21 =	sshll.u32 s6, $0x1;
	s3 =	sadd.s32 s4, s19  }
0x9c: {  	s7 =	simm.s32 $0x0;
	s20 =	sshll.u32 s5, $0x1;
	s5 =	sadd.s32 s21, s3  }
0x9d: {  	[timem:s7], [sflag:s22] =	dma.local [hbm:s5], s20  }
0x9e: {  	_ =	swait.ge [sflag:s22], s20  }
0x9f: {  	s4 =	ssub.s32 $0x0, s20;
	[sflag:s22] =	ssyncset.done $0x0  }
0xa0: {  	[sflag:s22] =	ssyncadd.s32 s4;
	_ =	sdelay $0x1  }
0xa1: {  	s23 =	simm.s32 $0x1B8B  }
0xa2: {  	_ =	swait.ge [sflag:s23], $0x1  }
0xa3: {  	[sflag:s23] =	ssyncset.done $0x0  }
0xa4: {  	s25 =	simm.s32 $0x1B8E;
	s24 =	sld [smem:$0x3FFE];
	[sflag:s23] =	ssyncadd.s32 $0xFFFFFFFF  }
0xa5: {  	s26 =	simm.s32 $execute0_lowered;
	[smem:$0x3FD2] =	sst s25  }
0xa6: {  	s5 =	sshll.u32 s26, $0x1;
	_ =	strace $0x80000046;
	[dreg:$0x1] =	wrdreg $0xFFFFFFFF  }
0xa7: {  	s28 =	simm.s32 $_size_execute0_lowered;
	s3 =	sadd.s32 s3, s5;
	[dreg:$0x0] =	wrdreg $0x0  }
0xa8: {  	s5 =	sshll.u32 s28, $0x1;
	[dreg:$0x2] =	wrdreg s3  }
0xa9: {  	[dreg:$0x3] =	wrdreg s5  }
0xaa: {  	[dreg:$0x4] =	wrdreg $0xC0  }
0xab: {  	_ =	task [dreg:s7], $0x5FFFF  }
0xac: {  	[dreg:$0x1] =	wrdreg $0xFFFFFFFF  }
0xad: {  	[dreg:$0x0] =	wrdreg $0x60  }
0xae: {  	[dreg:$0x2] =	wrdreg s24  }
0xaf: {  	[dreg:$0x3] =	wrdreg s2  }
0xb0: {  	[dreg:$0x4] =	wrdreg $0x0  }
0xb1: {  	[dreg:$0x5] =	wrdreg $0x1400  }
0xb2: {  	[dreg:$0x6] =	wrdreg $0x9  }
0xb3: {  	_ =	task.clear_ibuf [dreg:s7], $0x7FFFF;
	_ =	strace $0x90000046  }
0xb4: {  	s29 =	simm.s32 $0x9;
	_ =	strace $0x80000048  }
0xb5: {  	_ =	swait.ge [sflag:s29], $0x1  }
0xb6: {  	[sflag:s29] =	ssyncadd.s32 $0xFFFFFFFF  }
0xb7: {  	_ =	strace $0x90000048  }
0xb8: {  	_ =	sfence  }
0xb9: {  	s30 =	sld [smem:$0x0];
	_ =	sdelay $0x2  }
0xba: {  	s31 =	sshll.u32 s1, $0xD;
	s1 =	sshrl.u32 s1, $0x2  }
0xbb: {  	s3 =	sand.u32 $0x4000, s31;
	s1 =	sadd.s32 s1, s30  }
0xbc: {  	s0 =	sor.u32 s3, s0;
	s1 =	sshll.u32 s1, $0x11  }
0xbd: {  	s0 =	sor.u32 s1, s0  }
0xbe: {  	s0 =	sadd.s32 $0x8F2B, s0  }
0xbf: {  	[sflag:s0] =	ssyncadd.remote.s32 $0x1  }
0xc0: {  	_ =	sfence.sel $0xFFFF  }
0xc1: {  	[dreg:$0x0] =	wrdreg $0xFFFFFFFF;
	(pc) =	sbr.abs _section_cstart, $3  }
0xc2: {  	[dreg:$0x1] =	wrdreg $0xFFFFFFFF  }
0xc3: {  	_ =	task.clear_ibuf [dreg:s7], $0x2FFFF;
	_ =	strace $0x9FFFFFFF  }
0xc4: {  	(tm) =	ssettm $0x7FFFFFFF  }
0xc5: {  	_ =	shalt  }
tec
execute0_lowered:
.L_overlay_start_1:
0x0: {  	(tag) =	ssettag $0x1  }
0x1: {  	s19 =	rddreg [dreg:$0x0]  }
0x2: {  	s18 =	rddreg [dreg:$0x1]  }
0x3: {  	s2 =	rddreg [dreg:$0x2]  }
0x4: {  	s3 =	rddreg [dreg:$0x3];
	s1 =	simm.s32 $0x0  }
0x5: {  	v0 =	vimm.s32 $0x0;
	[smem:$0x7FF] =	sst s1  }
0x6: {  	s0 =	rddreg [dreg:$0x4];
	v1 =	vimm.f32 $0.0e+00;
	_ =	strace $0x80000047;
	[tilespmem:$0x480] =	vst v0  }
0x7: {  	[tilespmem:$0x600] =	vst v1  }
0x8: {  	[tilespmem:$0x490] =	vst v0  }
0x9: {  	[tilespmem:$0x610] =	vst v1  }
0xa: {  	[tilespmem:$0x400] =	vst v0  }
0xb: {  	[tilespmem:$0x6B0] =	vst v1  }
0xc: {  	[tilespmem:$0x530] =	vst v0  }
0xd: {  	[tilespmem:$0x6A0] =	vst v1  }
0xe: {  	[tilespmem:$0x520] =	vst v0  }
0xf: {  	[tilespmem:$0x690] =	vst v1  }
0x10: {  	[tilespmem:$0x510] =	vst v0  }
0x11: {  	[tilespmem:$0x680] =	vst v1  }
0x12: {  	[tilespmem:$0x500] =	vst v0  }
0x13: {  	[tilespmem:$0x670] =	vst v1  }
0x14: {  	[tilespmem:$0x4F0] =	vst v0  }
0x15: {  	[tilespmem:$0x660] =	vst v1  }
0x16: {  	[tilespmem:$0x4E0] =	vst v0  }
0x17: {  	[tilespmem:$0x650] =	vst v1  }
0x18: {  	[tilespmem:$0x4D0] =	vst v0  }
0x19: {  	[tilespmem:$0x640] =	vst v1  }
0x1a: {  	[tilespmem:$0x4C0] =	vst v0  }
0x1b: {  	[tilespmem:$0x630] =	vst v1  }
0x1c: {  	[tilespmem:$0x4B0] =	vst v0  }
0x1d: {  	[tilespmem:$0x620] =	vst v1  }
0x1e: {  	[tilespmem:$0x4A0] =	vst v0  }
0x1f: {  	[tilespmem:$0x5F0] =	vst v1  }
0x20: {  	[tilespmem:$0x470] =	vst v0  }
0x21: {  	[tilespmem:$0x5E0] =	vst v1  }
0x22: {  	[tilespmem:$0x460] =	vst v0  }
0x23: {  	[tilespmem:$0x5D0] =	vst v1  }
0x24: {  	[tilespmem:$0x450] =	vst v0  }
0x25: {  	[tilespmem:$0x5C0] =	vst v1  }
0x26: {  	[tilespmem:$0x440] =	vst v0  }
0x27: {  	[tilespmem:$0x5B0] =	vst v1  }
0x28: {  	[tilespmem:$0x430] =	vst v0  }
0x29: {  	[tilespmem:$0x5A0] =	vst v1  }
0x2a: {  	s4 =	stileid.u32;
	[tilespmem:$0x420] =	vst v0  }
0x2b: {  	s8 =	smul.u32 $0x140, s4;
	[tilespmem:$0x590] =	vst v1  }
0x2c: {  	[tilespmem:$0x410] =	vst v0  }
0x2d: {  	s7 =	simm.s32 $0x400;
	s5 =	simm.s32 $0x1;
	[tilespmem:$0x580] =	vst v1;
	s6 =	sadd.s32 s8, s2  }
0x2e: {  	[spmem:s6] =	stream.linear.scatter [tilespmem:s7], [sflag:$0x1], $0x140, $0x38;
	[tilespmem:$0x900] =	vst v63  }
0x2f: {  	_ =	swait.ge [sflag:s5], $0x140  }
0x30: {  	[sflag:s5] =	ssyncset.done $0x0  }
0x31: {  	s9 =	simm.s32 $0x580;
	s8 =	sadd.s32 s8, s3;
	[sflag:s5] =	ssyncadd.s32 $0xFFFFFEC0  }
0x32: {  	[spmem:s8] =	stream.linear.scatter [tilespmem:s9], [sflag:$0x1], $0x140, $0x38;
	[tilespmem:$0x900] =	vst v63  }
0x33: {  	s12 =	simm.s32 $0x280;
	s13 =	simm.s32 $0x380;
	_ =	swait.ge [sflag:s5], $0x140  }
0x34: {  	s16 =	sadd.s32 $0x600, s19;
	s17 =	sadd.s32 $0x400, s19;
	[sflag:s5] =	ssyncset.done $0x0  }
0x35: {  	s20 =	sshll.u32 s4, $0x8;
	s11 =	sshll.u32 s4, $0x5;
	[sflag:s5] =	ssyncadd.s32 $0xFFFFFEC0  }
0x36: {  	v17 =	vlaneseq.u32;
	s10 =	sadd.s32 s16, s11;
	s11 =	sadd.s32 s17, s11;
	[bflag:$0x0] =	sbarrier.arrive $0xFFFF  }
0x37: {  	v18 =	vor.u32 $0xFFFFF800, v17;
	[tilespmem:s12], [sflag:$0x1] =	stream.linear.gather [hbm4b:s10+s1], $0x80, $0x38;
	[tilespmem:$0x900] =	vst v63  }
0x38: {  	s14 =	sor.u32 $0x20, s20;
	v2 =	vmov s20;
	v7 =	vor.u32 s20, v17;
	s15 =	sor.u32 $0x30, s20;
	v8 =	vadd.s32 s20, v18;
	_ =	swait.ge [sflag:s5], $0x80  }
0x39: {  	s21 =	sor.u32 $0x40, s20;
	s22 =	sor.u32 $0x50, s20;
	vm0 =	vgt.u32 v2, $0x7FF;
	v9 =	vmov s14;
	v10 =	vor.u32 s14, v17;
	[sflag:s5] =	ssyncset.done $0x0  }
0x3a: {  	s23 =	sor.u32 $0x60, s20;
	s24 =	sor.u32 $0x70, s20;
	v6 =	vmov s15;
	v11 =	vor.u32 s15, v17;
	v5 =	vmov s21;
	[sflag:s5] =	ssyncadd.s32 $0xFFFFFF80  }
0x3b: {  	v12 =	vor.u32 s21, v17;
	v4 =	vmov s22;
	v13 =	vor.u32 s22, v17;
	[tilespmem:s13], [sflag:$0x1] =	stream.linear.gather [hbm4b:s11+s1], $0x80, $0x38;
	[tilespmem:$0x900] =	vst v63  }
0x3c: {  	v3 =	vmov s23;
	v14 =	vor.u32 s23, v17;
	v2 =	vmov s24;
	_ =	swait.ge [sflag:s5], $0x80  }
0x3d: {  	v15 =	vor.u32 s24, v17;
	vm1 =	vgt.u32 v2, $0x7FF;
	v2 =	vadd.s32 s24, v18;
	[sflag:s5] =	ssyncset.done $0x0  }
0x3e: {  	vm14 =	vgt.u32 v3, $0x7FF;
	v3 =	vadd.s32 s23, v18;
	v2 =	vsel vm1, v2, v15;
	[sflag:s5] =	ssyncadd.s32 $0xFFFFFF80  }
0x3f: {  	vm15 =	vgt.u32 v4, $0x7FF;
	v4 =	vadd.s32 s22, v18;
	v3 =	vsel vm14, v3, v14;
	[tilespmem:$0x370] =	vst v2  }
0x40: {  	vm4 =	vgt.u32 v5, $0x7FF;
	v5 =	vadd.s32 s21, v18;
	v4 =	vsel vm15, v4, v13;
	[tilespmem:$0x360] =	vst v3  }
0x41: {  	vm5 =	vgt.u32 v6, $0x7FF;
	v6 =	vadd.s32 s15, v18;
	v5 =	vsel vm4, v5, v12;
	[tilespmem:$0x350] =	vst v4  }
0x42: {  	s24 =	sor.u32 $0x10, s20;
	vm6 =	vgt.u32 v9, $0x7FF;
	v9 =	vadd.s32 s14, v18;
	v6 =	vsel vm5, v6, v11;
	[tilespmem:$0x340] =	vst v5  }
0x43: {  	v7 =	vsel vm0, v8, v7;
	v11 =	vmov s24;
	v8 =	vsel vm6, v9, v10;
	[tilespmem:$0x330] =	vst v6  }
0x44: {  	v9 =	vor.u32 s24, v17;
	v10 =	vadd.s32 s24, v18;
	vm7 =	vgt.u32 v11, $0x7FF;
	[tilespmem:$0x320] =	vst v8  }
0x45: {  	v9 =	vsel vm7, v10, v9;
	[tilespmem:$0x300] =	vst v7  }
0x46: {  	s14 =	simm.s32 $0x80;
	s15 =	simm.s32 $0x300;
	[tilespmem:$0x310] =	vst v9  }
0x47: {  	[spmem:s2] =	stream.indirect.scatter.add.s32 [tilespmem:s15], [sflag:$0x1], $0x1, s12, s14, $0xb8;
	[tilespmem:$0x900] =	vst v63  }
0x48: {  	_ =	swait.ge [sflag:s5], $0x80  }
0x49: {  	[sflag:s5] =	ssyncset.done $0x0  }
0x4a: {  	[sflag:s5] =	ssyncadd.s32 $0xFFFFFF80  }
0x4b: {  	[spmem:s3] =	stream.indirect.scatter.add.f32 [tilespmem:s13], [sflag:$0x1], $0x1, s12, s14, $0xb8;
	[tilespmem:$0x900] =	vst v63  }
0x4c: {  	s25 =	sor.u32 $0x80, s20;
	_ =	swait.ge [sflag:s5], $0x80  }
0x4d: {  	s30 =	sor.u32 $0xD0, s20;
	s26 =	sshrl.u32 s25, $0x3;
	[sflag:s5] =	ssyncset.done $0x0  }
0x4e: {  	s31 =	sor.u32 $0xE0, s20;
	s16 =	sadd.s32 s16, s26;
	[sflag:s5] =	ssyncadd.s32 $0xFFFFFF80  }
0x4f: {  	[tilespmem:s12], [sflag:$0x1] =	stream.linear.gather [hbm4b:s16+s1], $0x80, $0x38;
	[tilespmem:$0x900] =	vst v63  }
0x50: {  	v16 =	vor.u32 s30, v17;
	v19 =	vor.u32 s31, v17;
	v10 =	vmov s25;
	_ =	swait.ge [sflag:s5], $0x80  }
0x51: {  	s28 =	sor.u32 $0x90, s20;
	v11 =	vor.u32 s25, v17;
	vm8 =	vgt.u32 v10, $0x7FF;
	v10 =	vadd.s32 s25, v18;
	[sflag:s5] =	ssyncset.done $0x0  }
0x52: {  	s29 =	sor.u32 $0xC0, s20;
	s17 =	sadd.s32 s17, s26;
	v15 =	vor.u32 s28, v17;
	v10 =	vsel vm8, v10, v11;
	v11 =	vmov s28;
	[sflag:s5] =	ssyncadd.s32 $0xFFFFFF80  }
0x53: {  	v12 =	vor.u32 s29, v17;
	vm9 =	vgt.u32 v11, $0x7FF;
	v11 =	vmov s29;
	[tilespmem:s13], [sflag:$0x1] =	stream.linear.gather [hbm4b:s17+s1], $0x80, $0x38;
	[tilespmem:$0x900] =	vst v63  }
0x54: {  	v14 =	vmov s30;
	s25 =	sor.u32 $0xF0, s20;
	vm10 =	vgt.u32 v11, $0x7FF;
	v11 =	vadd.s32 s29, v18;
	_ =	swait.ge [sflag:s5], $0x80  }
0x55: {  	v13 =	vmov s31;
	v11 =	vsel vm10, v11, v12;
	v12 =	vmov s25;
	[sflag:s5] =	ssyncset.done $0x0  }
0x56: {  	v20 =	vor.u32 s25, v17;
	vm11 =	vgt.u32 v12, $0x7FF;
	v12 =	vadd.s32 s25, v18;
	[sflag:s5] =	ssyncadd.s32 $0xFFFFFF80  }
0x57: {  	s26 =	sor.u32 $0xB0, s20;
	vm12 =	vgt.u32 v13, $0x7FF;
	v13 =	vadd.s32 s31, v18;
	v12 =	vsel vm11, v12, v20;
	[tilespmem:$0x300] =	vst v10  }
0x58: {  	v62 =	vmov s26;
	v63 =	vadd.s32 s26, v18;
	v13 =	vsel vm12, v13, v19;
	[tilespmem:$0x370] =	vst v12  }
0x59: {  	vm13 =	vgt.u32 v14, $0x7FF;
	v14 =	vadd.s32 s30, v18;
	vm14 =	vgt.u32 v62, $0x7FF;
	[tilespmem:$0x360] =	vst v13  }
0x5a: {  	v19 =	vadd.s32 s28, v18;
	v14 =	vsel vm13, v14, v16;
	v16 =	vor.u32 s26, v17;
	s20 =	sor.u32 $0xA0, s20;
	[tilespmem:$0x340] =	vst v11  }
0x5b: {  	v16 =	vsel vm14, v63, v16;
	s28 =	srdreg.scid;
	v15 =	vsel vm9, v19, v15;
	v19 =	vmov s20;
	[tilespmem:$0x350] =	vst v14  }
0x5c: {  	v17 =	vor.u32 s20, v17;
	s29 =	sshll.u32 s4, $0x1;
	vm15 =	vgt.u32 v19, $0x7FF;
	v18 =	vadd.s32 s20, v18;
	s20 =	sand.u32 $0x1, s28;
	[tilespmem:$0x330] =	vst v16  }
0x5d: {  	v17 =	vsel vm15, v18, v17;
	s21 =	sor.u32 s20, s29;
	s20 =	ssub.s32 $0x2, s20;
	[tilespmem:$0x310] =	vst v15  }
0x5e: {  	s31 =	sshrl.u32 s20, $0x1;
	[tilespmem:$0x320] =	vst v17  }
0x5f: {  	[spmem:s2] =	stream.indirect.scatter.add.s32 [tilespmem:s15], [sflag:$0x1], $0x1, s12, s14, $0xb8;
	[tilespmem:$0x900] =	vst v63  }
0x60: {  	s30 =	smul.u32 $0xA0, s21;
	s20 =	ssub.s32 s20, s31;
	_ =	swait.ge [sflag:s5], $0x80  }
0x61: {  	s21 =	simm.s32 $0x700;
	s26 =	smax.u32 s20, $0x1;
	[sflag:s5] =	ssyncset.done $0x0  }
0x62: {  	s25 =	sshrl.u32 s30, $0x3;
	p0 =	sne.s32 s26, $0x1;
	[sflag:s5] =	ssyncadd.s32 $0xFFFFFF80  }
0x63: {  	[spmem:s3] =	stream.indirect.scatter.add.f32 [tilespmem:s13], [sflag:$0x1], $0x1, s12, s14, $0xb8;
	[tilespmem:$0x900] =	vst v63  }
.Ltmp0:
0x64: {  	s22 =	sadd.s32 s30, s2;
	_ =	swait.ge [sflag:s5], $0x80;
	(pc) =	sbr.rel @!p0 .LBB2_2-.Ltmp0, $4  }
0x65: {  	s20 =	sadd.s32 s30, s3;
	s19 =	sadd.s32 s25, s19;
	[sflag:s5] =	ssyncset.done $0x0  }
0x66: {  	s18 =	sadd.s32 s18, s25;
	s24 =	sadd.s32 $0xFFFFFFFF, s26;
	[sflag:s5] =	ssyncadd.s32 $0xFFFFFF80  }
0x67: {  	s23 =	sadd.s32 $0x800, s19;
	s19 =	simm.s32 $0x800;
	[bflag:$0x0] =	sbarrier.arrive $0xFFFF  }
0x68: {  	[tilespmem:s21], [sflag:$0x1] =	stream.linear.gather [spmem:s22], $0xA0, $0x38;
	[tilespmem:$0x900] =	vst v63  }
.LBB2_1:
0x69: {  	p0 =	sne.s32 s24, $0x1;
	s24 =	sadd.s32 $0xFFFFFFFF, s24;
	_ =	swait.ge [sflag:s5], $0xA0  }
0x6a: {  	[sflag:s5] =	ssyncset.done $0x0  }
0x6b: {  	[sflag:s5] =	ssyncadd.s32 $0xFFFFFF60  }
0x6c: {  	[hbm4b:s23+s1] =	stream.linear.scatter [tilespmem:s21], [sflag:$0x1], $0xA0, $0x38;
	[tilespmem:$0x900] =	vst v63  }
0x6d: {  	_ =	swait.ge [sflag:s5], $0xA0  }
0x6e: {  	[sflag:s5] =	ssyncset.done $0x0  }
0x6f: {  	[sflag:s5] =	ssyncadd.s32 $0xFFFFFF60  }
0x70: {  	[tilespmem:s19], [sflag:$0x1] =	stream.linear.gather [spmem:s20], $0xA0, $0x38;
	[tilespmem:$0x900] =	vst v63  }
0x71: {  	_ =	swait.ge [sflag:s5], $0xA0  }
0x72: {  	[sflag:s5] =	ssyncset.done $0x0  }
0x73: {  	[sflag:s5] =	ssyncadd.s32 $0xFFFFFF60  }
0x74: {  	[hbm4b:s18+s1] =	stream.linear.scatter [tilespmem:s19], [sflag:$0x1], $0xA0, $0x38;
	[tilespmem:$0x900] =	vst v63  }
0x75: {  	_ =	swait.ge [sflag:s5], $0xA0  }
0x76: {  	[sflag:s5] =	ssyncset.done $0x0  }
0x77: {  	[sflag:s5] =	ssyncadd.s32 $0xFFFFFF60  }
0x78: {  	[tilespmem:$0x480] =	vst v0  }
0x79: {  	[tilespmem:$0x600] =	vst v1  }
0x7a: {  	[tilespmem:$0x490] =	vst v0  }
0x7b: {  	[tilespmem:$0x610] =	vst v1  }
0x7c: {  	[tilespmem:$0x400] =	vst v0  }
0x7d: {  	[tilespmem:$0x6B0] =	vst v1  }
0x7e: {  	[tilespmem:$0x530] =	vst v0  }
0x7f: {  	[tilespmem:$0x6A0] =	vst v1  }
0x80: {  	[tilespmem:$0x520] =	vst v0  }
0x81: {  	[tilespmem:$0x690] =	vst v1  }
0x82: {  	[tilespmem:$0x510] =	vst v0  }
0x83: {  	[tilespmem:$0x680] =	vst v1  }
0x84: {  	[tilespmem:$0x500] =	vst v0  }
0x85: {  	[tilespmem:$0x670] =	vst v1  }
0x86: {  	[tilespmem:$0x4F0] =	vst v0  }
0x87: {  	[tilespmem:$0x660] =	vst v1  }
0x88: {  	[tilespmem:$0x4E0] =	vst v0  }
0x89: {  	[tilespmem:$0x650] =	vst v1  }
0x8a: {  	[tilespmem:$0x4D0] =	vst v0  }
0x8b: {  	[tilespmem:$0x640] =	vst v1  }
0x8c: {  	[tilespmem:$0x4C0] =	vst v0  }
0x8d: {  	[tilespmem:$0x630] =	vst v1  }
0x8e: {  	[tilespmem:$0x4B0] =	vst v0  }
0x8f: {  	[tilespmem:$0x620] =	vst v1  }
0x90: {  	[tilespmem:$0x4A0] =	vst v0  }
0x91: {  	[tilespmem:$0x5F0] =	vst v1  }
0x92: {  	[tilespmem:$0x470] =	vst v0  }
0x93: {  	[tilespmem:$0x5E0] =	vst v1  }
0x94: {  	[tilespmem:$0x460] =	vst v0  }
0x95: {  	[tilespmem:$0x5D0] =	vst v1  }
0x96: {  	[tilespmem:$0x450] =	vst v0  }
0x97: {  	[tilespmem:$0x5C0] =	vst v1  }
0x98: {  	[tilespmem:$0x440] =	vst v0  }
0x99: {  	[tilespmem:$0x5B0] =	vst v1  }
0x9a: {  	[tilespmem:$0x430] =	vst v0  }
0x9b: {  	[tilespmem:$0x5A0] =	vst v1  }
0x9c: {  	[tilespmem:$0x420] =	vst v0  }
0x9d: {  	[tilespmem:$0x590] =	vst v1  }
0x9e: {  	[tilespmem:$0x410] =	vst v0  }
0x9f: {  	[tilespmem:$0x580] =	vst v1  }
0xa0: {  	[spmem:s6] =	stream.linear.scatter [tilespmem:s7], [sflag:$0x1], $0x140, $0x38;
	[tilespmem:$0x900] =	vst v63  }
0xa1: {  	_ =	swait.ge [sflag:s5], $0x140  }
0xa2: {  	[sflag:s5] =	ssyncset.done $0x0  }
0xa3: {  	[sflag:s5] =	ssyncadd.s32 $0xFFFFFEC0  }
0xa4: {  	[spmem:s8] =	stream.linear.scatter [tilespmem:s9], [sflag:$0x1], $0x140, $0x38;
	[tilespmem:$0x900] =	vst v63  }
0xa5: {  	_ =	swait.ge [sflag:s5], $0x140  }
0xa6: {  	[sflag:s5] =	ssyncset.done $0x0  }
0xa7: {  	[sflag:s5] =	ssyncadd.s32 $0xFFFFFEC0  }
0xa8: {  	[bflag:$0x0] =	sbarrier.arrive $0xFFFF  }
0xa9: {  	[tilespmem:s12], [sflag:$0x1] =	stream.linear.gather [hbm4b:s10+s1], $0x80, $0x38;
	[tilespmem:$0x900] =	vst v63  }
0xaa: {  	_ =	swait.ge [sflag:s5], $0x80  }
0xab: {  	[sflag:s5] =	ssyncset.done $0x0  }
0xac: {  	[sflag:s5] =	ssyncadd.s32 $0xFFFFFF80  }
0xad: {  	[tilespmem:s13], [sflag:$0x1] =	stream.linear.gather [hbm4b:s11+s1], $0x80, $0x38;
	[tilespmem:$0x900] =	vst v63  }
0xae: {  	_ =	swait.ge [sflag:s5], $0x80  }
0xaf: {  	[sflag:s5] =	ssyncset.done $0x0  }
0xb0: {  	[sflag:s5] =	ssyncadd.s32 $0xFFFFFF80  }
0xb1: {  	[tilespmem:$0x370] =	vst v2  }
0xb2: {  	[tilespmem:$0x360] =	vst v3  }
0xb3: {  	[tilespmem:$0x350] =	vst v4  }
0xb4: {  	[tilespmem:$0x340] =	vst v5  }
0xb5: {  	[tilespmem:$0x330] =	vst v6  }
0xb6: {  	[tilespmem:$0x320] =	vst v8  }
0xb7: {  	[tilespmem:$0x300] =	vst v7  }
0xb8: {  	[tilespmem:$0x310] =	vst v9  }
0xb9: {  	[spmem:s2] =	stream.indirect.scatter.add.s32 [tilespmem:s15], [sflag:$0x1], $0x1, s12, s14, $0xb8;
	[tilespmem:$0x900] =	vst v63  }
0xba: {  	_ =	swait.ge [sflag:s5], $0x80  }
0xbb: {  	[sflag:s5] =	ssyncset.done $0x0  }
0xbc: {  	[sflag:s5] =	ssyncadd.s32 $0xFFFFFF80  }
0xbd: {  	[spmem:s3] =	stream.indirect.scatter.add.f32 [tilespmem:s13], [sflag:$0x1], $0x1, s12, s14, $0xb8;
	[tilespmem:$0x900] =	vst v63  }
0xbe: {  	_ =	swait.ge [sflag:s5], $0x80  }
0xbf: {  	[sflag:s5] =	ssyncset.done $0x0  }
0xc0: {  	[sflag:s5] =	ssyncadd.s32 $0xFFFFFF80  }
0xc1: {  	[tilespmem:s12], [sflag:$0x1] =	stream.linear.gather [hbm4b:s16+s1], $0x80, $0x38;
	[tilespmem:$0x900] =	vst v63  }
0xc2: {  	_ =	swait.ge [sflag:s5], $0x80  }
0xc3: {  	[sflag:s5] =	ssyncset.done $0x0  }
0xc4: {  	[sflag:s5] =	ssyncadd.s32 $0xFFFFFF80  }
0xc5: {  	[tilespmem:s13], [sflag:$0x1] =	stream.linear.gather [hbm4b:s17+s1], $0x80, $0x38;
	[tilespmem:$0x900] =	vst v63  }
0xc6: {  	_ =	swait.ge [sflag:s5], $0x80  }
0xc7: {  	[sflag:s5] =	ssyncset.done $0x0  }
0xc8: {  	[sflag:s5] =	ssyncadd.s32 $0xFFFFFF80  }
0xc9: {  	[tilespmem:$0x300] =	vst v10  }
0xca: {  	[tilespmem:$0x370] =	vst v12  }
0xcb: {  	[tilespmem:$0x360] =	vst v13  }
0xcc: {  	[tilespmem:$0x340] =	vst v11  }
0xcd: {  	[tilespmem:$0x350] =	vst v14  }
0xce: {  	[tilespmem:$0x330] =	vst v16  }
0xcf: {  	[tilespmem:$0x310] =	vst v15  }
0xd0: {  	[tilespmem:$0x320] =	vst v17  }
0xd1: {  	[spmem:s2] =	stream.indirect.scatter.add.s32 [tilespmem:s15], [sflag:$0x1], $0x1, s12, s14, $0xb8;
	[tilespmem:$0x900] =	vst v63  }
0xd2: {  	_ =	swait.ge [sflag:s5], $0x80  }
0xd3: {  	[sflag:s5] =	ssyncset.done $0x0  }
0xd4: {  	[sflag:s5] =	ssyncadd.s32 $0xFFFFFF80  }
0xd5: {  	[spmem:s3] =	stream.indirect.scatter.add.f32 [tilespmem:s13], [sflag:$0x1], $0x1, s12, s14, $0xb8;
	[tilespmem:$0x900] =	vst v63  }
.Ltmp1:
0xd6: {  	_ =	swait.ge [sflag:s5], $0x80;
	(pc) =	sbr.rel @p0 .LBB2_1-.Ltmp1, $4  }
0xd7: {  	[sflag:s5] =	ssyncset.done $0x0  }
0xd8: {  	[sflag:s5] =	ssyncadd.s32 $0xFFFFFF80  }
0xd9: {  	[bflag:$0x0] =	sbarrier.arrive $0xFFFF  }
0xda: {  	[tilespmem:s21], [sflag:$0x1] =	stream.linear.gather [spmem:s22], $0xA0, $0x38;
	[tilespmem:$0x900] =	vst v63  }
.LBB2_2:
0xdb: {  	_ =	swait.ge [sflag:s5], $0xA0  }
0xdc: {  	[sflag:s5] =	ssyncset.done $0x0  }
0xdd: {  	[sflag:s5] =	ssyncadd.s32 $0xFFFFFF60  }
0xde: {  	[hbm4b:s23+s1] =	stream.linear.scatter [tilespmem:s21], [sflag:$0x1], $0xA0, $0x38;
	[tilespmem:$0x900] =	vst v63  }
0xdf: {  	_ =	swait.ge [sflag:s5], $0xA0  }
0xe0: {  	[sflag:s5] =	ssyncset.done $0x0  }
0xe1: {  	[sflag:s5] =	ssyncadd.s32 $0xFFFFFF60  }
0xe2: {  	[tilespmem:s19], [sflag:$0x1] =	stream.linear.gather [spmem:s20], $0xA0, $0x38;
	[tilespmem:$0x900] =	vst v63  }
0xe3: {  	_ =	swait.ge [sflag:s5], $0xA0  }
0xe4: {  	[sflag:s5] =	ssyncset.done $0x0  }
0xe5: {  	[sflag:s5] =	ssyncadd.s32 $0xFFFFFF60  }
0xe6: {  	[hbm4b:s18+s1] =	stream.linear.scatter [tilespmem:s19], [sflag:$0x1], $0xA0, $0x38;
	[tilespmem:$0x900] =	vst v63  }
0xe7: {  	_ =	swait.ge [sflag:s5], $0xA0  }
0xe8: {  	[sflag:s5] =	ssyncset.done $0x0  }
0xe9: {  	[sflag:s5] =	ssyncadd.s32 $0xFFFFFF60  }
0xea: {  	_ =	sfence.sel $0x180000  }
0xeb: {  	[bflag:$0x0] =	sbarrier.arrive $0xFFFF  }
0xec: {  	p0 =	sne.s32 s4, $0x0;
	_ =	strace $0x90000047  }
0xed: {  	s0 =	sadd.s32 @!p0 $0x100000, s0;
	[bflag:$0x2] =	sbarrier.arrive $0xFFFF  }
0xee: {  	[sflag:s0] =	ssyncadd.tile.s32 @!p0 $0x1;
	_ =	shalt  }
.Lfunc_end2:
_tile_overlayer_lowered:
.L_overlay_start_2:
0xef: {  	(tag) =	ssettag $0x2  }
0xf0: {  	s0 =	rddreg [dreg:$0x0];
	s2 =	stileid.u32  }
0xf1: {  	s1 =	rddreg [dreg:$0x1];
	p0 =	sne.s32 s2, $0x0  }
0xf2: {  	s3 =	rddreg [dreg:$0x2];
	[bflag:$0x3] =	sbarrier.arrive $0xFFFF;
	s2 =	simm.s32 @!p0 $0x1C01  }
0xf3: {  	[timem:s3], [sflag:s2] =	dma.local @!p0 [hbm:s0], s1  }
0xf4: {  	s0 =	simm.s32 @!p0 $0x1  }
0xf5: {  	_ =	swait.ge @!p0 [sflag:s0], s1  }
0xf6: {  	s1 =	ssub.s32 @!p0 $0x0, s1;
	[sflag:s0] =	ssyncset.done @!p0 $0x0  }
0xf7: {  	[sflag:s0] =	ssyncadd.s32 @!p0 s1  }
0xf8: {  	[bflag:$0x3] =	sbarrier.arrive $0xFFFF  }
0xf9: {  	_ =	shalt  }

</sc_bundles>
